<compile_context>
chip_gen: v7x
topology: tpu7x:2x2x1
jax: 0.10.2.dev20260603
libtpu: 0.0.44.dev20260713+nightly
codegen_flags: <defaults>
</compile_context>

<pallas_src>
import functools

import jax
import jax.numpy as jnp
import numpy as np
from jax import lax
from jax.experimental import pallas as pl
from jax.experimental.pallas import tpu as pltpu
from jax.experimental.pallas import tpu_sc as plsc

_NUM_LEVELS = 16
_LEVEL_DIM = 2
_N = 262144
_NW = 32
_PPW = _N // _NW
_CHUNK = 256
_NCHUNK = _PPW // _CHUNK
_VPC = _CHUNK // 16

_P1 = int(np.int32(np.uint32(2654435761)))
_P2 = int(np.int32(np.uint32(805459861)))
_HASH_MASK = (1 << 19) - 1

_DENSE_OFFS = (0, 4913, 40850)
_HASH_OFF0 = 315475
_HASH_SIZE = 1 << 19
_BOUNCE_W = 8192
_DENSE_WORDS = 16 * 5 * _BOUNCE_W


def _pos_frac(coords_v, sl, scale):
    g = []
    f = []
    for d in range(3):
        v = coords_v[d][sl]
        x = (v + 1.0) * 0.5
        pos = x * scale + 0.5
        gi = pos.astype(jnp.int32)
        g.append(gi)
        f.append(pos - gi.astype(jnp.float32))
    return g, f


def _phase1(ci, scale, dense_strides, level_off, bufs, coords_v):
    cb = ci * _CHUNK
    idx2 = bufs["idx"]
    wbuf = bufs["w"]

    def vec_body(j, carry):
        sl = pl.ds(cb + 16 * j, 16)
        g, f = _pos_frac(coords_v, sl, scale)
        if dense_strides is None:
            tx = (g[0], g[0] + 1)
            ty0 = g[1] * _P1
            ty = (ty0, ty0 + _P1)
            tz0 = g[2] * _P2
            tz = (tz0, tz0 + _P2)
        else:
            stride, s2 = dense_strides
            tx = (g[0], g[0] + 1)
            ty0 = g[1] * stride
            ty = (ty0, ty0 + stride)
            tz0 = g[2] * s2
            tz = (tz0, tz0 + s2)
        wx = (1.0 - f[0], f[0])
        wy = (1.0 - f[1], f[1])
        wz = (1.0 - f[2], f[2])
        for c in range(8):
            b0, b1, b2 = c & 1, (c >> 1) & 1, (c >> 2) & 1
            if dense_strides is None:
                idx = ((tx[b0] ^ ty[b1] ^ tz[b2]) & _HASH_MASK) + level_off
            else:
                idx = tx[b0] + ty[b1] + tz[b2] + level_off
            widx = idx * 2
            w = wx[b0] * wy[b1] * wz[b2]
            idx2[pl.ds(c * _CHUNK + 16 * j, 16)] = widx
            idx2[pl.ds((8 + c) * _CHUNK + 16 * j, 16)] = widx + 1
            wbuf[pl.ds(c * _CHUNK + 16 * j, 16)] = w
        return carry

    lax.fori_loop(0, _VPC, vec_body, 0)


def _fire(bufs, shared, sem):
    pltpu.async_copy(shared.at[bufs["idx"]], bufs["rows"], sem)


def _drain_gather(bufs, dummy_hbm, sem):
    pltpu.make_async_copy(dummy_hbm.at[pl.ds(0, 16 * _CHUNK)],
                          bufs["rows"], sem).wait()


def _phase3_store(ci, out_base, bufs, out_hbm, osem):
    rows = bufs["rows"]
    wbuf = bufs["w"]

    def vec_body(j, carry):
        jsl = pl.ds(16 * j, 16)
        acc0 = jnp.zeros((16,), jnp.float32)
        acc1 = jnp.zeros((16,), jnp.float32)
        for c in range(8):
            csl = pl.ds(c * _CHUNK + 16 * j, 16)
            osl = pl.ds((8 + c) * _CHUNK + 16 * j, 16)
            w = wbuf[csl]
            acc0 = acc0 + w * rows[csl]
            acc1 = acc1 + w * rows[osl]
        bufs["st0"][jsl] = acc0
        bufs["st1"][jsl] = acc1
        return carry

    lax.fori_loop(0, _VPC, vec_body, 0)
    ob = out_base + ci * _CHUNK
    pltpu.async_copy(bufs["st0"], out_hbm.at[pl.ds(ob, _CHUNK)], osem)
    pltpu.async_copy(bufs["st1"], out_hbm.at[pl.ds(ob + _N, _CHUNK)], osem)


def _drain_out(bufs, out_hbm, osem):
    dummy = out_hbm.at[pl.ds(0, _CHUNK)]
    pltpu.make_async_copy(dummy, bufs["st0"], osem).wait()
    pltpu.make_async_copy(dummy, bufs["st1"], osem).wait()


@functools.partial(
    pl.kernel,
    out_type=jax.ShapeDtypeStruct((_NUM_LEVELS * _LEVEL_DIM * _N,),
                                  jnp.float32),
    mesh=plsc.VectorSubcoreMesh(core_axis_name="c", subcore_axis_name="s"),
    scratch_types=(
        [pltpu.VMEM((_PPW,), jnp.float32)] * 3
        + [pltpu.VMEM((16 * _CHUNK,), jnp.int32)] * 2
        + [pltpu.VMEM((8 * _CHUNK,), jnp.float32)] * 2
        + [pltpu.VMEM((16 * _CHUNK,), jnp.float32)] * 2
        + [pltpu.VMEM((_CHUNK,), jnp.float32)] * 4
        + [pltpu.SemaphoreType.DMA] * 4
        + [pltpu.VMEM_SHARED((_HASH_SIZE * 2,), jnp.float32)]
        + [pltpu.VMEM((_BOUNCE_W,), jnp.float32)]
    ),
)
def _hash_grid(xs_hbm, ys_hbm, zs_hbm, emb_dense_hbm, emb_hash_hbm, out_hbm,
               *scratch):
    coords_v = scratch[0:3]
    slots = []
    for s in range(2):
        slots.append({
            "idx": scratch[3 + s],
            "w": scratch[5 + s],
            "rows": scratch[7 + s],
            "st0": scratch[9 + 2 * s],
            "st1": scratch[10 + 2 * s],
            "gsem": scratch[13 + s],
            "osem": scratch[15 + s],
        })
    shared = scratch[17]
    bounce_v = scratch[18]

    wid = lax.axis_index("s") * 2 + lax.axis_index("c")
    base = wid * _PPW
    sid = lax.axis_index("s")
    for d, src in enumerate((xs_hbm, ys_hbm, zs_hbm)):
        pltpu.sync_copy(src.at[pl.ds(base, _PPW)], coords_v[d])

    def stage_table(src_hbm, word_off, nblk):
        soff = sid * (nblk * _BOUNCE_W)
        plsc.subcore_barrier()

        def blk_body(t, carry):
            o = soff + t * _BOUNCE_W
            pltpu.sync_copy(src_hbm.at[pl.ds(word_off + o, _BOUNCE_W)],
                            bounce_v)
            pltpu.sync_copy(bounce_v, shared.at[pl.ds(o, _BOUNCE_W)])
            return carry

        lax.fori_loop(0, nblk, blk_body, 0)
        plsc.subcore_barrier()

    def run_level(lvl, scale, dense_strides, off):
        out_base = lvl * (2 * _N) + base
        b0, b1 = slots[0], slots[1]
        _phase1(0, scale, dense_strides, off, b0, coords_v)
        _fire(b0, shared, b0["gsem"])

        def k_iter(k, carry):
            _phase1(2 * k + 1, scale, dense_strides, off, b1, coords_v)
            _fire(b1, shared, b1["gsem"])
            _drain_gather(b0, out_hbm, b0["gsem"])

            @pl.when(k >= 1)
            def _():
                _drain_out(b0, out_hbm, b0["osem"])
            _phase3_store(2 * k, out_base, b0, out_hbm, b0["osem"])

            @pl.when(k < _NCHUNK // 2 - 1)
            def _():
                _phase1(2 * k + 2, scale, dense_strides, off, b0, coords_v)
                _fire(b0, shared, b0["gsem"])
            _drain_gather(b1, out_hbm, b1["gsem"])

            @pl.when(k >= 1)
            def _():
                _drain_out(b1, out_hbm, b1["osem"])
            _phase3_store(2 * k + 1, out_base, b1, out_hbm, b1["osem"])
            return carry

        lax.fori_loop(0, _NCHUNK // 2, k_iter, 0)
        _drain_out(b0, out_hbm, b0["osem"])
        _drain_out(b1, out_hbm, b1["osem"])

    stage_table(emb_dense_hbm, 0, _DENSE_WORDS // (16 * _BOUNCE_W))

    def dense_level(lvl, carry):
        stride = lax.shift_left(16, lvl) + 1
        scale = (stride - 2).astype(jnp.float32)
        off = jnp.where(lvl == 0, 0,
                        jnp.where(lvl == 1, _DENSE_OFFS[1], _DENSE_OFFS[2]))
        run_level(lvl, scale, (stride, stride * stride), off)
        return carry

    lax.fori_loop(0, 3, dense_level, 0)

    def hash_level(lvl, carry):
        scale = (lax.shift_left(16, lvl) - 1).astype(jnp.float32)
        stage_table(emb_hash_hbm, (lvl - 3) * (2 * _HASH_SIZE),
                    2 * _HASH_SIZE // (16 * _BOUNCE_W))
        run_level(lvl, scale, None, 0)
        return carry

    lax.fori_loop(3, _NUM_LEVELS, hash_level, 0)


def kernel(inputs, embeddings):
    xs = inputs[:, 0]
    ys = inputs[:, 1]
    zs = inputs[:, 2]
    emb_flat = embeddings.reshape(-1)
    emb_dense = emb_flat[:_DENSE_WORDS]
    emb_hash = emb_flat[2 * _HASH_OFF0:]
    out = _hash_grid(xs, ys, zs, emb_dense, emb_hash)
    out = out.reshape(_NUM_LEVELS, _LEVEL_DIM, _N)
    return out.transpose(2, 0, 1).reshape(_N, _NUM_LEVELS * _LEVEL_DIM)

# --- scband reference (transcript-rebuilt; emitter-appended) ---
"""Pipeline reference for scband-hash-encode-fn-16587163697988 (READ-ONLY COPY).

The authoritative reference and input builder live on the scoring server;
editing this copy changes nothing except your own understanding.
"""

import jax, jax.numpy as jnp
import numpy as np

NUM_LEVELS = 16
LEVEL_DIM = 2
BASE_RESOLUTION = 16
PER_LEVEL_SCALE = 2.0
LOG2_HASHMAP_SIZE = 19
BOUND = 1.0
N_POINTS = 262144
_PRIMES = (np.uint32(1), np.uint32(2654435761), np.uint32(805459861))


def _compute_offsets():
    S = np.log2(PER_LEVEL_SCALE)
    max_params = 2 ** LOG2_HASHMAP_SIZE
    offsets = [0]
    resolutions = []
    scales = []
    for level in range(NUM_LEVELS):
        scale = np.exp2(level * S) * BASE_RESOLUTION - 1.0
        resolution = int(np.ceil(scale)) + 1
        n_dense = (resolution + 1) ** 3
        n_params = min(n_dense, max_params)
        offsets.append(offsets[-1] + n_params)
        resolutions.append(resolution)
        scales.append(float(scale))
    return offsets, resolutions, scales


def setup_inputs(seed: int = 0) -> dict:
    key = jax.random.key(seed)
    k1, k2 = jax.random.split(key)
    offsets, _, _ = _compute_offsets()
    inputs = jax.random.uniform(k1, (N_POINTS, 3), dtype=jnp.float32)  # in [0,1) subset of [-bound, bound]
    embeddings = jax.random.normal(k2, (offsets[-1], LEVEL_DIM), dtype=jnp.float32)
    return {"inputs": inputs, "embeddings": embeddings}


def reference(inputs, embeddings):
    offsets, resolutions, scales = _compute_offsets()
    # map [-bound, bound] -> [0, 1]
    x = (inputs + BOUND) / (2.0 * BOUND)
    n = inputs.shape[0]
    outs = []
    for level in range(NUM_LEVELS):
        scale = scales[level]
        resolution = resolutions[level]
        hashmap_size = offsets[level + 1] - offsets[level]
        pos = x * scale + 0.5
        pos_grid_f = jnp.floor(pos)
        frac = pos - pos_grid_f
        pos_grid = pos_grid_f.astype(jnp.uint32)
        dense = (resolution + 1) ** 3 <= hashmap_size
        level_out = jnp.zeros((n, LEVEL_DIM), dtype=jnp.float32)
        for corner in range(8):  # trilinear interpolation over 8 cube corners
            w = jnp.ones((n,), dtype=jnp.float32)
            cg = []
            for d in range(3):
                if (corner >> d) & 1:
                    w = w * frac[:, d]
                    cg.append(pos_grid[:, d] + jnp.uint32(1))
                else:
                    w = w * (1.0 - frac[:, d])
                    cg.append(pos_grid[:, d])
            if dense:
                stride = np.uint32(resolution + 1)
                idx = cg[0] + cg[1] * stride + cg[2] * stride * stride
            else:
                idx = (cg[0] * _PRIMES[0]) ^ (cg[1] * _PRIMES[1]) ^ (cg[2] * _PRIMES[2])
            idx = (idx % np.uint32(hashmap_size)).astype(jnp.int32) + np.int32(offsets[level])
            emb = jnp.take(embeddings, idx, axis=0)
            level_out = level_out + w[:, None] * emb
        outs.append(level_out)
    return jnp.concatenate(outs, axis=-1)

if __name__ == "__main__":
    import jax
    _d = setup_inputs()
    print(jax.jit(kernel)(*tuple(_d.values())))

</pallas_src>

<mosaic_0001>
#map = affine_map<(d0, d1) -> (0)>
module attributes {stable_mosaic.version = 14 : i64} {
  func.func @_hash_grid(%arg0: i32, %arg1: i32, %arg2: memref<262144xf32, #tpu.memory_space<hbm>>, %arg3: memref<262144xf32, #tpu.memory_space<hbm>>, %arg4: memref<262144xf32, #tpu.memory_space<hbm>>, %arg5: memref<655360xf32, #tpu.memory_space<hbm>>, %arg6: memref<13631488xf32, #tpu.memory_space<hbm>>, %arg7: memref<8388608xf32, #tpu.memory_space<hbm>>, %arg8: memref<8192xf32, #tpu.memory_space<vmem>>, %arg9: memref<8192xf32, #tpu.memory_space<vmem>>, %arg10: memref<8192xf32, #tpu.memory_space<vmem>>, %arg11: memref<4096xi32, #tpu.memory_space<vmem>>, %arg12: memref<4096xi32, #tpu.memory_space<vmem>>, %arg13: memref<2048xf32, #tpu.memory_space<vmem>>, %arg14: memref<2048xf32, #tpu.memory_space<vmem>>, %arg15: memref<4096xf32, #tpu.memory_space<vmem>>, %arg16: memref<4096xf32, #tpu.memory_space<vmem>>, %arg17: memref<256xf32, #tpu.memory_space<vmem>>, %arg18: memref<256xf32, #tpu.memory_space<vmem>>, %arg19: memref<256xf32, #tpu.memory_space<vmem>>, %arg20: memref<256xf32, #tpu.memory_space<vmem>>, %arg21: memref<!tpu.dma_semaphore, #tpu.memory_space<semaphore_mem>>, %arg22: memref<!tpu.dma_semaphore, #tpu.memory_space<semaphore_mem>>, %arg23: memref<!tpu.dma_semaphore, #tpu.memory_space<semaphore_mem>>, %arg24: memref<!tpu.dma_semaphore, #tpu.memory_space<semaphore_mem>>, %arg25: memref<1048576xf32, #tpu.memory_space<vmem_shared>>, %arg26: memref<8192xf32, #tpu.memory_space<vmem>>) attributes {dimension_semantics = [#tpu.dimension_semantics<core_parallel>, #tpu.dimension_semantics<subcore_parallel>], iteration_bounds = array<i64: 2, 16>, scalar_prefetch = 0 : i64, scratch_operands = 19 : i64, tpu.core_type = #tpu.core_type<sc_vector_subcore>, window_params = [{transform_indices = #map}, {transform_indices = #map}, {transform_indices = #map}, {transform_indices = #map}, {transform_indices = #map}, {transform_indices = #map}]} {
    %mul3A = arith.constant 2 : i32
    %mul3A_0 = arith.muli %arg1, %mul3A : i32
    %add3A = arith.addi %mul3A_0, %arg0 : i32
    %mul3A_1 = arith.constant 8192 : i32
    %mul3A_2 = arith.muli %add3A, %mul3A_1 : i32
    "tpu.region"() ({
      %run_scoped3A = tpu.sem_alloc : memref<!tpu.dma_semaphore, #tpu.memory_space<semaphore_mem>>
      %dma_start3A = tpu.memref_slice %arg2[%mul3A_2] : memref<262144xf32, #tpu.memory_space<hbm>> -> memref<8192xf32, #tpu.memory_space<hbm>>
      %dma_start3A_23 = tpu.memref_slice %arg2[%mul3A_2] : memref<262144xf32, #tpu.memory_space<hbm>> -> memref<8192xf32, #tpu.memory_space<hbm>>
      tpu.enqueue_dma source(%dma_start3A_23 : memref<8192xf32, #tpu.memory_space<hbm>>) target(%arg8 : memref<8192xf32, #tpu.memory_space<vmem>>) target_semaphore(%run_scoped3A : memref<!tpu.dma_semaphore, #tpu.memory_space<semaphore_mem>>)
      %dma_wait3A = tpu.memref_slice %arg2[%mul3A_2] : memref<262144xf32, #tpu.memory_space<hbm>> -> memref<8192xf32, #tpu.memory_space<hbm>>
      %dma_wait3A_24 = tpu.memref_slice %arg2[%mul3A_2] : memref<262144xf32, #tpu.memory_space<hbm>> -> memref<8192xf32, #tpu.memory_space<hbm>>
      tpu.wait_dma2 semaphore(%run_scoped3A : memref<!tpu.dma_semaphore, #tpu.memory_space<semaphore_mem>>) src(%dma_wait3A_24 : memref<8192xf32, #tpu.memory_space<hbm>>) dst(%arg8 : memref<8192xf32, #tpu.memory_space<vmem>>)
      tpu.yield
    }) : () -> ()
    "tpu.region"() ({
      %run_scoped3A = tpu.sem_alloc : memref<!tpu.dma_semaphore, #tpu.memory_space<semaphore_mem>>
      %dma_start3A = tpu.memref_slice %arg3[%mul3A_2] : memref<262144xf32, #tpu.memory_space<hbm>> -> memref<8192xf32, #tpu.memory_space<hbm>>
      %dma_start3A_23 = tpu.memref_slice %arg3[%mul3A_2] : memref<262144xf32, #tpu.memory_space<hbm>> -> memref<8192xf32, #tpu.memory_space<hbm>>
      tpu.enqueue_dma source(%dma_start3A_23 : memref<8192xf32, #tpu.memory_space<hbm>>) target(%arg9 : memref<8192xf32, #tpu.memory_space<vmem>>) target_semaphore(%run_scoped3A : memref<!tpu.dma_semaphore, #tpu.memory_space<semaphore_mem>>)
      %dma_wait3A = tpu.memref_slice %arg3[%mul3A_2] : memref<262144xf32, #tpu.memory_space<hbm>> -> memref<8192xf32, #tpu.memory_space<hbm>>
      %dma_wait3A_24 = tpu.memref_slice %arg3[%mul3A_2] : memref<262144xf32, #tpu.memory_space<hbm>> -> memref<8192xf32, #tpu.memory_space<hbm>>
      tpu.wait_dma2 semaphore(%run_scoped3A : memref<!tpu.dma_semaphore, #tpu.memory_space<semaphore_mem>>) src(%dma_wait3A_24 : memref<8192xf32, #tpu.memory_space<hbm>>) dst(%arg9 : memref<8192xf32, #tpu.memory_space<vmem>>)
      tpu.yield
    }) : () -> ()
    "tpu.region"() ({
      %run_scoped3A = tpu.sem_alloc : memref<!tpu.dma_semaphore, #tpu.memory_space<semaphore_mem>>
      %dma_start3A = tpu.memref_slice %arg4[%mul3A_2] : memref<262144xf32, #tpu.memory_space<hbm>> -> memref<8192xf32, #tpu.memory_space<hbm>>
      %dma_start3A_23 = tpu.memref_slice %arg4[%mul3A_2] : memref<262144xf32, #tpu.memory_space<hbm>> -> memref<8192xf32, #tpu.memory_space<hbm>>
      tpu.enqueue_dma source(%dma_start3A_23 : memref<8192xf32, #tpu.memory_space<hbm>>) target(%arg10 : memref<8192xf32, #tpu.memory_space<vmem>>) target_semaphore(%run_scoped3A : memref<!tpu.dma_semaphore, #tpu.memory_space<semaphore_mem>>)
      %dma_wait3A = tpu.memref_slice %arg4[%mul3A_2] : memref<262144xf32, #tpu.memory_space<hbm>> -> memref<8192xf32, #tpu.memory_space<hbm>>
      %dma_wait3A_24 = tpu.memref_slice %arg4[%mul3A_2] : memref<262144xf32, #tpu.memory_space<hbm>> -> memref<8192xf32, #tpu.memory_space<hbm>>
      tpu.wait_dma2 semaphore(%run_scoped3A : memref<!tpu.dma_semaphore, #tpu.memory_space<semaphore_mem>>) src(%dma_wait3A_24 : memref<8192xf32, #tpu.memory_space<hbm>>) dst(%arg10 : memref<8192xf32, #tpu.memory_space<vmem>>)
      tpu.yield
    }) : () -> ()
    %mul3A_3 = arith.constant 40960 : i32
    %mul3A_4 = arith.muli %arg1, %mul3A_3 : i32
    %barrier3A = arith.constant 0 : index
    tpu.barrier barrier_id(%barrier3A)
    %scan3A = arith.constant 0 : i32
    %scan3A_5 = arith.constant 0 : i32
    %scan3A_6 = arith.constant 5 : i32
    %scan3A_7 = arith.addi %scan3A_5, %scan3A_6 : i32
    %scan3A_8 = arith.constant 1 : i32
    scf.for %scan3A_23 = %scan3A_5 to %scan3A_7 step %scan3A_8  : i32 {
      %mul3A_24 = arith.constant 8192 : i32
      %mul3A_25 = arith.muli %scan3A_23, %mul3A_24 : i32
      %add3A_26 = arith.addi %mul3A_4, %mul3A_25 : i32
      %add3A_27 = arith.constant 0 : i32
      %add3A_28 = arith.addi %add3A_27, %add3A_26 : i32
      "tpu.region"() ({
        %run_scoped3A = tpu.sem_alloc : memref<!tpu.dma_semaphore, #tpu.memory_space<semaphore_mem>>
        %dma_start3A = tpu.memref_slice %arg5[%add3A_28] : memref<655360xf32, #tpu.memory_space<hbm>> -> memref<8192xf32, #tpu.memory_space<hbm>>
        %dma_start3A_29 = tpu.memref_slice %arg5[%add3A_28] : memref<655360xf32, #tpu.memory_space<hbm>> -> memref<8192xf32, #tpu.memory_space<hbm>>
        tpu.enqueue_dma source(%dma_start3A_29 : memref<8192xf32, #tpu.memory_space<hbm>>) target(%arg26 : memref<8192xf32, #tpu.memory_space<vmem>>) target_semaphore(%run_scoped3A : memref<!tpu.dma_semaphore, #tpu.memory_space<semaphore_mem>>)
        %dma_wait3A = tpu.memref_slice %arg5[%add3A_28] : memref<655360xf32, #tpu.memory_space<hbm>> -> memref<8192xf32, #tpu.memory_space<hbm>>
        %dma_wait3A_30 = tpu.memref_slice %arg5[%add3A_28] : memref<655360xf32, #tpu.memory_space<hbm>> -> memref<8192xf32, #tpu.memory_space<hbm>>
        tpu.wait_dma2 semaphore(%run_scoped3A : memref<!tpu.dma_semaphore, #tpu.memory_space<semaphore_mem>>) src(%dma_wait3A_30 : memref<8192xf32, #tpu.memory_space<hbm>>) dst(%arg26 : memref<8192xf32, #tpu.memory_space<vmem>>)
        tpu.yield
      }) : () -> ()
      "tpu.region"() ({
        %run_scoped3A = tpu.sem_alloc : memref<!tpu.dma_semaphore, #tpu.memory_space<semaphore_mem>>
        %dma_start3A = tpu.memref_slice %arg25[%add3A_26] : memref<1048576xf32, #tpu.memory_space<vmem_shared>> -> memref<8192xf32, #tpu.memory_space<vmem_shared>>
        %dma_start3A_29 = tpu.memref_slice %arg25[%add3A_26] : memref<1048576xf32, #tpu.memory_space<vmem_shared>> -> memref<8192xf32, #tpu.memory_space<vmem_shared>>
        tpu.enqueue_dma source(%arg26 : memref<8192xf32, #tpu.memory_space<vmem>>) target(%dma_start3A_29 : memref<8192xf32, #tpu.memory_space<vmem_shared>>) target_semaphore(%run_scoped3A : memref<!tpu.dma_semaphore, #tpu.memory_space<semaphore_mem>>)
        %dma_wait3A = tpu.memref_slice %arg25[%add3A_26] : memref<1048576xf32, #tpu.memory_space<vmem_shared>> -> memref<8192xf32, #tpu.memory_space<vmem_shared>>
        %dma_wait3A_30 = tpu.memref_slice %arg25[%add3A_26] : memref<1048576xf32, #tpu.memory_space<vmem_shared>> -> memref<8192xf32, #tpu.memory_space<vmem_shared>>
        tpu.wait_dma2 semaphore(%run_scoped3A : memref<!tpu.dma_semaphore, #tpu.memory_space<semaphore_mem>>) src(%arg26 : memref<8192xf32, #tpu.memory_space<vmem>>) dst(%dma_wait3A_30 : memref<8192xf32, #tpu.memory_space<vmem_shared>>)
        tpu.yield
      }) : () -> ()
    }
    %scan3A_9 = arith.constant 5 : i32
    %barrier3A_10 = arith.constant 0 : index
    tpu.barrier barrier_id(%barrier3A_10)
    %scan3A_11 = arith.constant 0 : i32
    %scan3A_12 = arith.constant 0 : i32
    %scan3A_13 = arith.constant 3 : i32
    %scan3A_14 = arith.addi %scan3A_12, %scan3A_13 : i32
    %scan3A_15 = arith.constant 1 : i32
    scf.for %scan3A_23 = %scan3A_12 to %scan3A_14 step %scan3A_15  : i32 {
      %shift_left3A = arith.constant 16 : i32
      %shift_left3A_24 = arith.shli %shift_left3A, %scan3A_23 : i32
      %add3A_25 = arith.constant 1 : i32
      %add3A_26 = arith.addi %shift_left3A_24, %add3A_25 : i32
      %sub3A = arith.constant 2 : i32
      %sub3A_27 = arith.subi %add3A_26, %sub3A : i32
      %convert_element_type3A = arith.sitofp %sub3A_27 : i32 to f32
      %eq3A = arith.constant 0 : i32
      %eq3A_28 = arith.cmpi eq, %scan3A_23, %eq3A : i32
      %eq3A_29 = arith.constant 1 : i32
      %eq3A_30 = arith.cmpi eq, %scan3A_23, %eq3A_29 : i32
      %jit3A = arith.constant 4913 : i32
      %jit3A_31 = arith.constant 40850 : i32
      %select_n3A = arith.select %eq3A_30, %jit3A, %jit3A_31 : i32
      %jit3A_32 = arith.constant 0 : i32
      %select_n3A_33 = arith.select %eq3A_28, %jit3A_32, %select_n3A : i32
      %mul3A_34 = arith.muli %add3A_26, %add3A_26 : i32
      %mul3A_35 = arith.constant 524288 : i32
      %mul3A_36 = arith.muli %scan3A_23, %mul3A_35 : i32
      %add3A_37 = arith.addi %mul3A_36, %mul3A_2 : i32
      %scan3A_38 = arith.constant 0 : i32
      %scan3A_39 = arith.constant 0 : i32
      %scan3A_40 = arith.constant 16 : i32
      %scan3A_41 = arith.addi %scan3A_39, %scan3A_40 : i32
      %scan3A_42 = arith.constant 1 : i32
      scf.for %scan3A_66 = %scan3A_39 to %scan3A_41 step %scan3A_42  : i32 {
        %mul3A_67 = arith.constant 16 : i32
        %mul3A_68 = arith.muli %mul3A_67, %scan3A_66 : i32
        %add3A_69 = arith.constant 0 : i32
        %add3A_70 = arith.addi %add3A_69, %mul3A_68 : i32
        %get3A = arith.index_cast %add3A_70 : i32 to index
        %get3A_71 = tpu.vector_load %arg8[%get3A] {strides = array<i32>} : memref<8192xf32, #tpu.memory_space<vmem>>, vector<16xf32>,
        %get3A_72 = vector.shape_cast %get3A_71 : vector<16xf32> to vector<16xf32>
        %add3A_73 = arith.constant 1.000000e+00 : f32
        %add3A_74 = vector.broadcast %add3A_73 : f32 to vector<16xf32>
        %add3A_75 = arith.addf %get3A_72, %add3A_74 : vector<16xf32>
        %mul3A_76 = arith.constant 5.000000e-01 : f32
        %mul3A_77 = vector.broadcast %mul3A_76 : f32 to vector<16xf32>
        %mul3A_78 = arith.mulf %add3A_75, %mul3A_77 : vector<16xf32>
        %mul3A_79 = vector.broadcast %convert_element_type3A : f32 to vector<16xf32>
        %mul3A_80 = arith.mulf %mul3A_78, %mul3A_79 : vector<16xf32>
        %add3A_81 = arith.constant 5.000000e-01 : f32
        %add3A_82 = vector.broadcast %add3A_81 : f32 to vector<16xf32>
        %add3A_83 = arith.addf %mul3A_80, %add3A_82 : vector<16xf32>
        %convert_element_type3A_84 = arith.fptosi %add3A_83 : vector<16xf32> to vector<16xi32>
        %convert_element_type3A_85 = arith.sitofp %convert_element_type3A_84 : vector<16xi32> to vector<16xf32>
        %sub3A_86 = arith.subf %add3A_83, %convert_element_type3A_85 : vector<16xf32>
        %get3A_87 = arith.index_cast %add3A_70 : i32 to index
        %get3A_88 = tpu.vector_load %arg9[%get3A_87] {strides = array<i32>} : memref<8192xf32, #tpu.memory_space<vmem>>, vector<16xf32>,
        %get3A_89 = vector.shape_cast %get3A_88 : vector<16xf32> to vector<16xf32>
        %add3A_90 = arith.constant 1.000000e+00 : f32
        %add3A_91 = vector.broadcast %add3A_90 : f32 to vector<16xf32>
        %add3A_92 = arith.addf %get3A_89, %add3A_91 : vector<16xf32>
        %mul3A_93 = arith.constant 5.000000e-01 : f32
        %mul3A_94 = vector.broadcast %mul3A_93 : f32 to vector<16xf32>
        %mul3A_95 = arith.mulf %add3A_92, %mul3A_94 : vector<16xf32>
        %mul3A_96 = vector.broadcast %convert_element_type3A : f32 to vector<16xf32>
        %mul3A_97 = arith.mulf %mul3A_95, %mul3A_96 : vector<16xf32>
        %add3A_98 = arith.constant 5.000000e-01 : f32
        %add3A_99 = vector.broadcast %add3A_98 : f32 to vector<16xf32>
        %add3A_100 = arith.addf %mul3A_97, %add3A_99 : vector<16xf32>
        %convert_element_type3A_101 = arith.fptosi %add3A_100 : vector<16xf32> to vector<16xi32>
        %convert_element_type3A_102 = arith.sitofp %convert_element_type3A_101 : vector<16xi32> to vector<16xf32>
        %sub3A_103 = arith.subf %add3A_100, %convert_element_type3A_102 : vector<16xf32>
        %get3A_104 = arith.index_cast %add3A_70 : i32 to index
        %get3A_105 = tpu.vector_load %arg10[%get3A_104] {strides = array<i32>} : memref<8192xf32, #tpu.memory_space<vmem>>, vector<16xf32>,
        %get3A_106 = vector.shape_cast %get3A_105 : vector<16xf32> to vector<16xf32>
        %add3A_107 = arith.constant 1.000000e+00 : f32
        %add3A_108 = vector.broadcast %add3A_107 : f32 to vector<16xf32>
        %add3A_109 = arith.addf %get3A_106, %add3A_108 : vector<16xf32>
        %mul3A_110 = arith.constant 5.000000e-01 : f32
        %mul3A_111 = vector.broadcast %mul3A_110 : f32 to vector<16xf32>
        %mul3A_112 = arith.mulf %add3A_109, %mul3A_111 : vector<16xf32>
        %mul3A_113 = vector.broadcast %convert_element_type3A : f32 to vector<16xf32>
        %mul3A_114 = arith.mulf %mul3A_112, %mul3A_113 : vector<16xf32>
        %add3A_115 = arith.constant 5.000000e-01 : f32
        %add3A_116 = vector.broadcast %add3A_115 : f32 to vector<16xf32>
        %add3A_117 = arith.addf %mul3A_114, %add3A_116 : vector<16xf32>
        %convert_element_type3A_118 = arith.fptosi %add3A_117 : vector<16xf32> to vector<16xi32>
        %convert_element_type3A_119 = arith.sitofp %convert_element_type3A_118 : vector<16xi32> to vector<16xf32>
        %sub3A_120 = arith.subf %add3A_117, %convert_element_type3A_119 : vector<16xf32>
        %add3A_121 = arith.constant 1 : i32
        %add3A_122 = vector.broadcast %add3A_121 : i32 to vector<16xi32>
        %add3A_123 = arith.addi %convert_element_type3A_84, %add3A_122 : vector<16xi32>
        %mul3A_124 = vector.broadcast %add3A_26 : i32 to vector<16xi32>
        %mul3A_125 = arith.muli %convert_element_type3A_101, %mul3A_124 : vector<16xi32>
        %add3A_126 = vector.broadcast %add3A_26 : i32 to vector<16xi32>
        %add3A_127 = arith.addi %mul3A_125, %add3A_126 : vector<16xi32>
        %mul3A_128 = vector.broadcast %mul3A_34 : i32 to vector<16xi32>
        %mul3A_129 = arith.muli %convert_element_type3A_118, %mul3A_128 : vector<16xi32>
        %add3A_130 = vector.broadcast %mul3A_34 : i32 to vector<16xi32>
        %add3A_131 = arith.addi %mul3A_129, %add3A_130 : vector<16xi32>
        %sub3A_132 = arith.constant 1.000000e+00 : f32
        %sub3A_133 = vector.broadcast %sub3A_132 : f32 to vector<16xf32>
        %sub3A_134 = arith.subf %sub3A_133, %sub3A_86 : vector<16xf32>
        %sub3A_135 = arith.constant 1.000000e+00 : f32
        %sub3A_136 = vector.broadcast %sub3A_135 : f32 to vector<16xf32>
        %sub3A_137 = arith.subf %sub3A_136, %sub3A_103 : vector<16xf32>
        %sub3A_138 = arith.constant 1.000000e+00 : f32
        %sub3A_139 = vector.broadcast %sub3A_138 : f32 to vector<16xf32>
        %sub3A_140 = arith.subf %sub3A_139, %sub3A_120 : vector<16xf32>
        %add3A_141 = arith.addi %convert_element_type3A_84, %mul3A_125 : vector<16xi32>
        %add3A_142 = arith.addi %add3A_141, %mul3A_129 : vector<16xi32>
        %add3A_143 = vector.broadcast %select_n3A_33 : i32 to vector<16xi32>
        %add3A_144 = arith.addi %add3A_142, %add3A_143 : vector<16xi32>
        %mul3A_145 = arith.constant 2 : i32
        %mul3A_146 = vector.broadcast %mul3A_145 : i32 to vector<16xi32>
        %mul3A_147 = arith.muli %add3A_144, %mul3A_146 : vector<16xi32>
        %mul3A_148 = arith.mulf %sub3A_134, %sub3A_137 : vector<16xf32>
        %mul3A_149 = arith.mulf %mul3A_148, %sub3A_140 : vector<16xf32>
        %mul3A_150 = arith.constant 16 : i32
        %mul3A_151 = arith.muli %mul3A_150, %scan3A_66 : i32
        %add3A_152 = arith.constant 0 : i32
        %add3A_153 = arith.addi %add3A_152, %mul3A_151 : i32
        %swap3A = arith.index_cast %add3A_153 : i32 to index
        %swap3A_154 = tpu.vector_load %arg11[%swap3A] {strides = array<i32>} : memref<4096xi32, #tpu.memory_space<vmem>>, vector<16xi32>,
        %swap3A_155 = vector.shape_cast %swap3A_154 : vector<16xi32> to vector<16xi32>
        %swap3A_156 = vector.shape_cast %mul3A_147 : vector<16xi32> to vector<16xi32>
        tpu.vector_store %arg11[%swap3A], %swap3A_156 {strides = array<i32>} : memref<4096xi32, #tpu.memory_space<vmem>>, vector<16xi32>,
        %add3A_157 = arith.constant 1 : i32
        %add3A_158 = vector.broadcast %add3A_157 : i32 to vector<16xi32>
        %add3A_159 = arith.addi %mul3A_147, %add3A_158 : vector<16xi32>
        %mul3A_160 = arith.constant 16 : i32
        %mul3A_161 = arith.muli %mul3A_160, %scan3A_66 : i32
        %add3A_162 = arith.constant 2048 : i32
        %add3A_163 = arith.addi %add3A_162, %mul3A_161 : i32
        %swap3A_164 = arith.index_cast %add3A_163 : i32 to index
        %swap3A_165 = tpu.vector_load %arg11[%swap3A_164] {strides = array<i32>} : memref<4096xi32, #tpu.memory_space<vmem>>, vector<16xi32>,
        %swap3A_166 = vector.shape_cast %swap3A_165 : vector<16xi32> to vector<16xi32>
        %swap3A_167 = vector.shape_cast %add3A_159 : vector<16xi32> to vector<16xi32>
        tpu.vector_store %arg11[%swap3A_164], %swap3A_167 {strides = array<i32>} : memref<4096xi32, #tpu.memory_space<vmem>>, vector<16xi32>,
        %mul3A_168 = arith.constant 16 : i32
        %mul3A_169 = arith.muli %mul3A_168, %scan3A_66 : i32
        %add3A_170 = arith.constant 0 : i32
        %add3A_171 = arith.addi %add3A_170, %mul3A_169 : i32
        %swap3A_172 = arith.index_cast %add3A_171 : i32 to index
        %swap3A_173 = tpu.vector_load %arg13[%swap3A_172] {strides = array<i32>} : memref<2048xf32, #tpu.memory_space<vmem>>, vector<16xf32>,
        %swap3A_174 = vector.shape_cast %swap3A_173 : vector<16xf32> to vector<16xf32>
        %swap3A_175 = vector.shape_cast %mul3A_149 : vector<16xf32> to vector<16xf32>
        tpu.vector_store %arg13[%swap3A_172], %swap3A_175 {strides = array<i32>} : memref<2048xf32, #tpu.memory_space<vmem>>, vector<16xf32>,
        %add3A_176 = arith.addi %add3A_123, %mul3A_125 : vector<16xi32>
        %add3A_177 = arith.addi %add3A_176, %mul3A_129 : vector<16xi32>
        %add3A_178 = vector.broadcast %select_n3A_33 : i32 to vector<16xi32>
        %add3A_179 = arith.addi %add3A_177, %add3A_178 : vector<16xi32>
        %mul3A_180 = arith.constant 2 : i32
        %mul3A_181 = vector.broadcast %mul3A_180 : i32 to vector<16xi32>
        %mul3A_182 = arith.muli %add3A_179, %mul3A_181 : vector<16xi32>
        %mul3A_183 = arith.mulf %sub3A_86, %sub3A_137 : vector<16xf32>
        %mul3A_184 = arith.mulf %mul3A_183, %sub3A_140 : vector<16xf32>
        %mul3A_185 = arith.constant 16 : i32
        %mul3A_186 = arith.muli %mul3A_185, %scan3A_66 : i32
        %add3A_187 = arith.constant 256 : i32
        %add3A_188 = arith.addi %add3A_187, %mul3A_186 : i32
        %swap3A_189 = arith.index_cast %add3A_188 : i32 to index
        %swap3A_190 = tpu.vector_load %arg11[%swap3A_189] {strides = array<i32>} : memref<4096xi32, #tpu.memory_space<vmem>>, vector<16xi32>,
        %swap3A_191 = vector.shape_cast %swap3A_190 : vector<16xi32> to vector<16xi32>
        %swap3A_192 = vector.shape_cast %mul3A_182 : vector<16xi32> to vector<16xi32>
        tpu.vector_store %arg11[%swap3A_189], %swap3A_192 {strides = array<i32>} : memref<4096xi32, #tpu.memory_space<vmem>>, vector<16xi32>,
        %add3A_193 = arith.constant 1 : i32
        %add3A_194 = vector.broadcast %add3A_193 : i32 to vector<16xi32>
        %add3A_195 = arith.addi %mul3A_182, %add3A_194 : vector<16xi32>
        %mul3A_196 = arith.constant 16 : i32
        %mul3A_197 = arith.muli %mul3A_196, %scan3A_66 : i32
        %add3A_198 = arith.constant 2304 : i32
        %add3A_199 = arith.addi %add3A_198, %mul3A_197 : i32
        %swap3A_200 = arith.index_cast %add3A_199 : i32 to index
        %swap3A_201 = tpu.vector_load %arg11[%swap3A_200] {strides = array<i32>} : memref<4096xi32, #tpu.memory_space<vmem>>, vector<16xi32>,
        %swap3A_202 = vector.shape_cast %swap3A_201 : vector<16xi32> to vector<16xi32>
        %swap3A_203 = vector.shape_cast %add3A_195 : vector<16xi32> to vector<16xi32>
        tpu.vector_store %arg11[%swap3A_200], %swap3A_203 {strides = array<i32>} : memref<4096xi32, #tpu.memory_space<vmem>>, vector<16xi32>,
        %mul3A_204 = arith.constant 16 : i32
        %mul3A_205 = arith.muli %mul3A_204, %scan3A_66 : i32
        %add3A_206 = arith.constant 256 : i32
        %add3A_207 = arith.addi %add3A_206, %mul3A_205 : i32
        %swap3A_208 = arith.index_cast %add3A_207 : i32 to index
        %swap3A_209 = tpu.vector_load %arg13[%swap3A_208] {strides = array<i32>} : memref<2048xf32, #tpu.memory_space<vmem>>, vector<16xf32>,
        %swap3A_210 = vector.shape_cast %swap3A_209 : vector<16xf32> to vector<16xf32>
        %swap3A_211 = vector.shape_cast %mul3A_184 : vector<16xf32> to vector<16xf32>
        tpu.vector_store %arg13[%swap3A_208], %swap3A_211 {strides = array<i32>} : memref<2048xf32, #tpu.memory_space<vmem>>, vector<16xf32>,
        %add3A_212 = arith.addi %convert_element_type3A_84, %add3A_127 : vector<16xi32>
        %add3A_213 = arith.addi %add3A_212, %mul3A_129 : vector<16xi32>
        %add3A_214 = vector.broadcast %select_n3A_33 : i32 to vector<16xi32>
        %add3A_215 = arith.addi %add3A_213, %add3A_214 : vector<16xi32>
        %mul3A_216 = arith.constant 2 : i32
        %mul3A_217 = vector.broadcast %mul3A_216 : i32 to vector<16xi32>
        %mul3A_218 = arith.muli %add3A_215, %mul3A_217 : vector<16xi32>
        %mul3A_219 = arith.mulf %sub3A_134, %sub3A_103 : vector<16xf32>
        %mul3A_220 = arith.mulf %mul3A_219, %sub3A_140 : vector<16xf32>
        %mul3A_221 = arith.constant 16 : i32
        %mul3A_222 = arith.muli %mul3A_221, %scan3A_66 : i32
        %add3A_223 = arith.constant 512 : i32
        %add3A_224 = arith.addi %add3A_223, %mul3A_222 : i32
        %swap3A_225 = arith.index_cast %add3A_224 : i32 to index
        %swap3A_226 = tpu.vector_load %arg11[%swap3A_225] {strides = array<i32>} : memref<4096xi32, #tpu.memory_space<vmem>>, vector<16xi32>,
        %swap3A_227 = vector.shape_cast %swap3A_226 : vector<16xi32> to vector<16xi32>
        %swap3A_228 = vector.shape_cast %mul3A_218 : vector<16xi32> to vector<16xi32>
        tpu.vector_store %arg11[%swap3A_225], %swap3A_228 {strides = array<i32>} : memref<4096xi32, #tpu.memory_space<vmem>>, vector<16xi32>,
        %add3A_229 = arith.constant 1 : i32
        %add3A_230 = vector.broadcast %add3A_229 : i32 to vector<16xi32>
        %add3A_231 = arith.addi %mul3A_218, %add3A_230 : vector<16xi32>
        %mul3A_232 = arith.constant 16 : i32
        %mul3A_233 = arith.muli %mul3A_232, %scan3A_66 : i32
        %add3A_234 = arith.constant 2560 : i32
        %add3A_235 = arith.addi %add3A_234, %mul3A_233 : i32
        %swap3A_236 = arith.index_cast %add3A_235 : i32 to index
        %swap3A_237 = tpu.vector_load %arg11[%swap3A_236] {strides = array<i32>} : memref<4096xi32, #tpu.memory_space<vmem>>, vector<16xi32>,
        %swap3A_238 = vector.shape_cast %swap3A_237 : vector<16xi32> to vector<16xi32>
        %swap3A_239 = vector.shape_cast %add3A_231 : vector<16xi32> to vector<16xi32>
        tpu.vector_store %arg11[%swap3A_236], %swap3A_239 {strides = array<i32>} : memref<4096xi32, #tpu.memory_space<vmem>>, vector<16xi32>,
        %mul3A_240 = arith.constant 16 : i32
        %mul3A_241 = arith.muli %mul3A_240, %scan3A_66 : i32
        %add3A_242 = arith.constant 512 : i32
        %add3A_243 = arith.addi %add3A_242, %mul3A_241 : i32
        %swap3A_244 = arith.index_cast %add3A_243 : i32 to index
        %swap3A_245 = tpu.vector_load %arg13[%swap3A_244] {strides = array<i32>} : memref<2048xf32, #tpu.memory_space<vmem>>, vector<16xf32>,
        %swap3A_246 = vector.shape_cast %swap3A_245 : vector<16xf32> to vector<16xf32>
        %swap3A_247 = vector.shape_cast %mul3A_220 : vector<16xf32> to vector<16xf32>
        tpu.vector_store %arg13[%swap3A_244], %swap3A_247 {strides = array<i32>} : memref<2048xf32, #tpu.memory_space<vmem>>, vector<16xf32>,
        %add3A_248 = arith.addi %add3A_123, %add3A_127 : vector<16xi32>
        %add3A_249 = arith.addi %add3A_248, %mul3A_129 : vector<16xi32>
        %add3A_250 = vector.broadcast %select_n3A_33 : i32 to vector<16xi32>
        %add3A_251 = arith.addi %add3A_249, %add3A_250 : vector<16xi32>
        %mul3A_252 = arith.constant 2 : i32
        %mul3A_253 = vector.broadcast %mul3A_252 : i32 to vector<16xi32>
        %mul3A_254 = arith.muli %add3A_251, %mul3A_253 : vector<16xi32>
        %mul3A_255 = arith.mulf %sub3A_86, %sub3A_103 : vector<16xf32>
        %mul3A_256 = arith.mulf %mul3A_255, %sub3A_140 : vector<16xf32>
        %mul3A_257 = arith.constant 16 : i32
        %mul3A_258 = arith.muli %mul3A_257, %scan3A_66 : i32
        %add3A_259 = arith.constant 768 : i32
        %add3A_260 = arith.addi %add3A_259, %mul3A_258 : i32
        %swap3A_261 = arith.index_cast %add3A_260 : i32 to index
        %swap3A_262 = tpu.vector_load %arg11[%swap3A_261] {strides = array<i32>} : memref<4096xi32, #tpu.memory_space<vmem>>, vector<16xi32>,
        %swap3A_263 = vector.shape_cast %swap3A_262 : vector<16xi32> to vector<16xi32>
        %swap3A_264 = vector.shape_cast %mul3A_254 : vector<16xi32> to vector<16xi32>
        tpu.vector_store %arg11[%swap3A_261], %swap3A_264 {strides = array<i32>} : memref<4096xi32, #tpu.memory_space<vmem>>, vector<16xi32>,
        %add3A_265 = arith.constant 1 : i32
        %add3A_266 = vector.broadcast %add3A_265 : i32 to vector<16xi32>
        %add3A_267 = arith.addi %mul3A_254, %add3A_266 : vector<16xi32>
        %mul3A_268 = arith.constant 16 : i32
        %mul3A_269 = arith.muli %mul3A_268, %scan3A_66 : i32
        %add3A_270 = arith.constant 2816 : i32
        %add3A_271 = arith.addi %add3A_270, %mul3A_269 : i32
        %swap3A_272 = arith.index_cast %add3A_271 : i32 to index
        %swap3A_273 = tpu.vector_load %arg11[%swap3A_272] {strides = array<i32>} : memref<4096xi32, #tpu.memory_space<vmem>>, vector<16xi32>,
        %swap3A_274 = vector.shape_cast %swap3A_273 : vector<16xi32> to vector<16xi32>
        %swap3A_275 = vector.shape_cast %add3A_267 : vector<16xi32> to vector<16xi32>
        tpu.vector_store %arg11[%swap3A_272], %swap3A_275 {strides = array<i32>} : memref<4096xi32, #tpu.memory_space<vmem>>, vector<16xi32>,
        %mul3A_276 = arith.constant 16 : i32
        %mul3A_277 = arith.muli %mul3A_276, %scan3A_66 : i32
        %add3A_278 = arith.constant 768 : i32
        %add3A_279 = arith.addi %add3A_278, %mul3A_277 : i32
        %swap3A_280 = arith.index_cast %add3A_279 : i32 to index
        %swap3A_281 = tpu.vector_load %arg13[%swap3A_280] {strides = array<i32>} : memref<2048xf32, #tpu.memory_space<vmem>>, vector<16xf32>,
        %swap3A_282 = vector.shape_cast %swap3A_281 : vector<16xf32> to vector<16xf32>
        %swap3A_283 = vector.shape_cast %mul3A_256 : vector<16xf32> to vector<16xf32>
        tpu.vector_store %arg13[%swap3A_280], %swap3A_283 {strides = array<i32>} : memref<2048xf32, #tpu.memory_space<vmem>>, vector<16xf32>,
        %add3A_284 = arith.addi %convert_element_type3A_84, %mul3A_125 : vector<16xi32>
        %add3A_285 = arith.addi %add3A_284, %add3A_131 : vector<16xi32>
        %add3A_286 = vector.broadcast %select_n3A_33 : i32 to vector<16xi32>
        %add3A_287 = arith.addi %add3A_285, %add3A_286 : vector<16xi32>
        %mul3A_288 = arith.constant 2 : i32
        %mul3A_289 = vector.broadcast %mul3A_288 : i32 to vector<16xi32>
        %mul3A_290 = arith.muli %add3A_287, %mul3A_289 : vector<16xi32>
        %mul3A_291 = arith.mulf %sub3A_134, %sub3A_137 : vector<16xf32>
        %mul3A_292 = arith.mulf %mul3A_291, %sub3A_120 : vector<16xf32>
        %mul3A_293 = arith.constant 16 : i32
        %mul3A_294 = arith.muli %mul3A_293, %scan3A_66 : i32
        %add3A_295 = arith.constant 1024 : i32
        %add3A_296 = arith.addi %add3A_295, %mul3A_294 : i32
        %swap3A_297 = arith.index_cast %add3A_296 : i32 to index
        %swap3A_298 = tpu.vector_load %arg11[%swap3A_297] {strides = array<i32>} : memref<4096xi32, #tpu.memory_space<vmem>>, vector<16xi32>,
        %swap3A_299 = vector.shape_cast %swap3A_298 : vector<16xi32> to vector<16xi32>
        %swap3A_300 = vector.shape_cast %mul3A_290 : vector<16xi32> to vector<16xi32>
        tpu.vector_store %arg11[%swap3A_297], %swap3A_300 {strides = array<i32>} : memref<4096xi32, #tpu.memory_space<vmem>>, vector<16xi32>,
        %add3A_301 = arith.constant 1 : i32
        %add3A_302 = vector.broadcast %add3A_301 : i32 to vector<16xi32>
        %add3A_303 = arith.addi %mul3A_290, %add3A_302 : vector<16xi32>
        %mul3A_304 = arith.constant 16 : i32
        %mul3A_305 = arith.muli %mul3A_304, %scan3A_66 : i32
        %add3A_306 = arith.constant 3072 : i32
        %add3A_307 = arith.addi %add3A_306, %mul3A_305 : i32
        %swap3A_308 = arith.index_cast %add3A_307 : i32 to index
        %swap3A_309 = tpu.vector_load %arg11[%swap3A_308] {strides = array<i32>} : memref<4096xi32, #tpu.memory_space<vmem>>, vector<16xi32>,
        %swap3A_310 = vector.shape_cast %swap3A_309 : vector<16xi32> to vector<16xi32>
        %swap3A_311 = vector.shape_cast %add3A_303 : vector<16xi32> to vector<16xi32>
        tpu.vector_store %arg11[%swap3A_308], %swap3A_311 {strides = array<i32>} : memref<4096xi32, #tpu.memory_space<vmem>>, vector<16xi32>,
        %mul3A_312 = arith.constant 16 : i32
        %mul3A_313 = arith.muli %mul3A_312, %scan3A_66 : i32
        %add3A_314 = arith.constant 1024 : i32
        %add3A_315 = arith.addi %add3A_314, %mul3A_313 : i32
        %swap3A_316 = arith.index_cast %add3A_315 : i32 to index
        %swap3A_317 = tpu.vector_load %arg13[%swap3A_316] {strides = array<i32>} : memref<2048xf32, #tpu.memory_space<vmem>>, vector<16xf32>,
        %swap3A_318 = vector.shape_cast %swap3A_317 : vector<16xf32> to vector<16xf32>
        %swap3A_319 = vector.shape_cast %mul3A_292 : vector<16xf32> to vector<16xf32>
        tpu.vector_store %arg13[%swap3A_316], %swap3A_319 {strides = array<i32>} : memref<2048xf32, #tpu.memory_space<vmem>>, vector<16xf32>,
        %add3A_320 = arith.addi %add3A_123, %mul3A_125 : vector<16xi32>
        %add3A_321 = arith.addi %add3A_320, %add3A_131 : vector<16xi32>
        %add3A_322 = vector.broadcast %select_n3A_33 : i32 to vector<16xi32>
        %add3A_323 = arith.addi %add3A_321, %add3A_322 : vector<16xi32>
        %mul3A_324 = arith.constant 2 : i32
        %mul3A_325 = vector.broadcast %mul3A_324 : i32 to vector<16xi32>
        %mul3A_326 = arith.muli %add3A_323, %mul3A_325 : vector<16xi32>
        %mul3A_327 = arith.mulf %sub3A_86, %sub3A_137 : vector<16xf32>
        %mul3A_328 = arith.mulf %mul3A_327, %sub3A_120 : vector<16xf32>
        %mul3A_329 = arith.constant 16 : i32
        %mul3A_330 = arith.muli %mul3A_329, %scan3A_66 : i32
        %add3A_331 = arith.constant 1280 : i32
        %add3A_332 = arith.addi %add3A_331, %mul3A_330 : i32
        %swap3A_333 = arith.index_cast %add3A_332 : i32 to index
        %swap3A_334 = tpu.vector_load %arg11[%swap3A_333] {strides = array<i32>} : memref<4096xi32, #tpu.memory_space<vmem>>, vector<16xi32>,
        %swap3A_335 = vector.shape_cast %swap3A_334 : vector<16xi32> to vector<16xi32>
        %swap3A_336 = vector.shape_cast %mul3A_326 : vector<16xi32> to vector<16xi32>
        tpu.vector_store %arg11[%swap3A_333], %swap3A_336 {strides = array<i32>} : memref<4096xi32, #tpu.memory_space<vmem>>, vector<16xi32>,
        %add3A_337 = arith.constant 1 : i32
        %add3A_338 = vector.broadcast %add3A_337 : i32 to vector<16xi32>
        %add3A_339 = arith.addi %mul3A_326, %add3A_338 : vector<16xi32>
        %mul3A_340 = arith.constant 16 : i32
        %mul3A_341 = arith.muli %mul3A_340, %scan3A_66 : i32
        %add3A_342 = arith.constant 3328 : i32
        %add3A_343 = arith.addi %add3A_342, %mul3A_341 : i32
        %swap3A_344 = arith.index_cast %add3A_343 : i32 to index
        %swap3A_345 = tpu.vector_load %arg11[%swap3A_344] {strides = array<i32>} : memref<4096xi32, #tpu.memory_space<vmem>>, vector<16xi32>,
        %swap3A_346 = vector.shape_cast %swap3A_345 : vector<16xi32> to vector<16xi32>
        %swap3A_347 = vector.shape_cast %add3A_339 : vector<16xi32> to vector<16xi32>
        tpu.vector_store %arg11[%swap3A_344], %swap3A_347 {strides = array<i32>} : memref<4096xi32, #tpu.memory_space<vmem>>, vector<16xi32>,
        %mul3A_348 = arith.constant 16 : i32
        %mul3A_349 = arith.muli %mul3A_348, %scan3A_66 : i32
        %add3A_350 = arith.constant 1280 : i32
        %add3A_351 = arith.addi %add3A_350, %mul3A_349 : i32
        %swap3A_352 = arith.index_cast %add3A_351 : i32 to index
        %swap3A_353 = tpu.vector_load %arg13[%swap3A_352] {strides = array<i32>} : memref<2048xf32, #tpu.memory_space<vmem>>, vector<16xf32>,
        %swap3A_354 = vector.shape_cast %swap3A_353 : vector<16xf32> to vector<16xf32>
        %swap3A_355 = vector.shape_cast %mul3A_328 : vector<16xf32> to vector<16xf32>
        tpu.vector_store %arg13[%swap3A_352], %swap3A_355 {strides = array<i32>} : memref<2048xf32, #tpu.memory_space<vmem>>, vector<16xf32>,
        %add3A_356 = arith.addi %convert_element_type3A_84, %add3A_127 : vector<16xi32>
        %add3A_357 = arith.addi %add3A_356, %add3A_131 : vector<16xi32>
        %add3A_358 = vector.broadcast %select_n3A_33 : i32 to vector<16xi32>
        %add3A_359 = arith.addi %add3A_357, %add3A_358 : vector<16xi32>
        %mul3A_360 = arith.constant 2 : i32
        %mul3A_361 = vector.broadcast %mul3A_360 : i32 to vector<16xi32>
        %mul3A_362 = arith.muli %add3A_359, %mul3A_361 : vector<16xi32>
        %mul3A_363 = arith.mulf %sub3A_134, %sub3A_103 : vector<16xf32>
        %mul3A_364 = arith.mulf %mul3A_363, %sub3A_120 : vector<16xf32>
        %mul3A_365 = arith.constant 16 : i32
        %mul3A_366 = arith.muli %mul3A_365, %scan3A_66 : i32
        %add3A_367 = arith.constant 1536 : i32
        %add3A_368 = arith.addi %add3A_367, %mul3A_366 : i32
        %swap3A_369 = arith.index_cast %add3A_368 : i32 to index
        %swap3A_370 = tpu.vector_load %arg11[%swap3A_369] {strides = array<i32>} : memref<4096xi32, #tpu.memory_space<vmem>>, vector<16xi32>,
        %swap3A_371 = vector.shape_cast %swap3A_370 : vector<16xi32> to vector<16xi32>
        %swap3A_372 = vector.shape_cast %mul3A_362 : vector<16xi32> to vector<16xi32>
        tpu.vector_store %arg11[%swap3A_369], %swap3A_372 {strides = array<i32>} : memref<4096xi32, #tpu.memory_space<vmem>>, vector<16xi32>,
        %add3A_373 = arith.constant 1 : i32
        %add3A_374 = vector.broadcast %add3A_373 : i32 to vector<16xi32>
        %add3A_375 = arith.addi %mul3A_362, %add3A_374 : vector<16xi32>
        %mul3A_376 = arith.constant 16 : i32
        %mul3A_377 = arith.muli %mul3A_376, %scan3A_66 : i32
        %add3A_378 = arith.constant 3584 : i32
        %add3A_379 = arith.addi %add3A_378, %mul3A_377 : i32
        %swap3A_380 = arith.index_cast %add3A_379 : i32 to index
        %swap3A_381 = tpu.vector_load %arg11[%swap3A_380] {strides = array<i32>} : memref<4096xi32, #tpu.memory_space<vmem>>, vector<16xi32>,
        %swap3A_382 = vector.shape_cast %swap3A_381 : vector<16xi32> to vector<16xi32>
        %swap3A_383 = vector.shape_cast %add3A_375 : vector<16xi32> to vector<16xi32>
        tpu.vector_store %arg11[%swap3A_380], %swap3A_383 {strides = array<i32>} : memref<4096xi32, #tpu.memory_space<vmem>>, vector<16xi32>,
        %mul3A_384 = arith.constant 16 : i32
        %mul3A_385 = arith.muli %mul3A_384, %scan3A_66 : i32
        %add3A_386 = arith.constant 1536 : i32
        %add3A_387 = arith.addi %add3A_386, %mul3A_385 : i32
        %swap3A_388 = arith.index_cast %add3A_387 : i32 to index
        %swap3A_389 = tpu.vector_load %arg13[%swap3A_388] {strides = array<i32>} : memref<2048xf32, #tpu.memory_space<vmem>>, vector<16xf32>,
        %swap3A_390 = vector.shape_cast %swap3A_389 : vector<16xf32> to vector<16xf32>
        %swap3A_391 = vector.shape_cast %mul3A_364 : vector<16xf32> to vector<16xf32>
        tpu.vector_store %arg13[%swap3A_388], %swap3A_391 {strides = array<i32>} : memref<2048xf32, #tpu.memory_space<vmem>>, vector<16xf32>,
        %add3A_392 = arith.addi %add3A_123, %add3A_127 : vector<16xi32>
        %add3A_393 = arith.addi %add3A_392, %add3A_131 : vector<16xi32>
        %add3A_394 = vector.broadcast %select_n3A_33 : i32 to vector<16xi32>
        %add3A_395 = arith.addi %add3A_393, %add3A_394 : vector<16xi32>
        %mul3A_396 = arith.constant 2 : i32
        %mul3A_397 = vector.broadcast %mul3A_396 : i32 to vector<16xi32>
        %mul3A_398 = arith.muli %add3A_395, %mul3A_397 : vector<16xi32>
        %mul3A_399 = arith.mulf %sub3A_86, %sub3A_103 : vector<16xf32>
        %mul3A_400 = arith.mulf %mul3A_399, %sub3A_120 : vector<16xf32>
        %mul3A_401 = arith.constant 16 : i32
        %mul3A_402 = arith.muli %mul3A_401, %scan3A_66 : i32
        %add3A_403 = arith.constant 1792 : i32
        %add3A_404 = arith.addi %add3A_403, %mul3A_402 : i32
        %swap3A_405 = arith.index_cast %add3A_404 : i32 to index
        %swap3A_406 = tpu.vector_load %arg11[%swap3A_405] {strides = array<i32>} : memref<4096xi32, #tpu.memory_space<vmem>>, vector<16xi32>,
        %swap3A_407 = vector.shape_cast %swap3A_406 : vector<16xi32> to vector<16xi32>
        %swap3A_408 = vector.shape_cast %mul3A_398 : vector<16xi32> to vector<16xi32>
        tpu.vector_store %arg11[%swap3A_405], %swap3A_408 {strides = array<i32>} : memref<4096xi32, #tpu.memory_space<vmem>>, vector<16xi32>,
        %add3A_409 = arith.constant 1 : i32
        %add3A_410 = vector.broadcast %add3A_409 : i32 to vector<16xi32>
        %add3A_411 = arith.addi %mul3A_398, %add3A_410 : vector<16xi32>
        %mul3A_412 = arith.constant 16 : i32
        %mul3A_413 = arith.muli %mul3A_412, %scan3A_66 : i32
        %add3A_414 = arith.constant 3840 : i32
        %add3A_415 = arith.addi %add3A_414, %mul3A_413 : i32
        %swap3A_416 = arith.index_cast %add3A_415 : i32 to index
        %swap3A_417 = tpu.vector_load %arg11[%swap3A_416] {strides = array<i32>} : memref<4096xi32, #tpu.memory_space<vmem>>, vector<16xi32>,
        %swap3A_418 = vector.shape_cast %swap3A_417 : vector<16xi32> to vector<16xi32>
        %swap3A_419 = vector.shape_cast %add3A_411 : vector<16xi32> to vector<16xi32>
        tpu.vector_store %arg11[%swap3A_416], %swap3A_419 {strides = array<i32>} : memref<4096xi32, #tpu.memory_space<vmem>>, vector<16xi32>,
        %mul3A_420 = arith.constant 16 : i32
        %mul3A_421 = arith.muli %mul3A_420, %scan3A_66 : i32
        %add3A_422 = arith.constant 1792 : i32
        %add3A_423 = arith.addi %add3A_422, %mul3A_421 : i32
        %swap3A_424 = arith.index_cast %add3A_423 : i32 to index
        %swap3A_425 = tpu.vector_load %arg13[%swap3A_424] {strides = array<i32>} : memref<2048xf32, #tpu.memory_space<vmem>>, vector<16xf32>,
        %swap3A_426 = vector.shape_cast %swap3A_425 : vector<16xf32> to vector<16xf32>
        %swap3A_427 = vector.shape_cast %mul3A_400 : vector<16xf32> to vector<16xf32>
        tpu.vector_store %arg13[%swap3A_424], %swap3A_427 {strides = array<i32>} : memref<2048xf32, #tpu.memory_space<vmem>>, vector<16xf32>,
      }
      %scan3A_43 = arith.constant 16 : i32
      %dma_start3A = arith.constant 0 : i32
      %dma_start3A_44 = tpu.memref_slice %arg25[%dma_start3A] : memref<1048576xf32, #tpu.memory_space<vmem_shared>> -> memref<1048576xf32, #tpu.memory_space<vmem_shared>>
      tpu.enqueue_indirect_dma source(%dma_start3A_44 : memref<1048576xf32, #tpu.memory_space<vmem_shared>>) target(%arg15 : memref<4096xf32, #tpu.memory_space<vmem>>) offsets(%arg11 : memref<4096xi32, #tpu.memory_space<vmem>>) semaphore(%arg21 : memref<!tpu.dma_semaphore, #tpu.memory_space<semaphore_mem>>)
      %scan3A_45 = arith.constant 0 : i32
      %scan3A_46 = arith.constant 0 : i32
      %scan3A_47 = arith.constant 16 : i32
      %scan3A_48 = arith.addi %scan3A_46, %scan3A_47 : i32
      %scan3A_49 = arith.constant 1 : i32
      scf.for %scan3A_66 = %scan3A_46 to %scan3A_48 step %scan3A_49  : i32 {
        %mul3A_67 = arith.constant 2 : i32
        %mul3A_68 = arith.muli %mul3A_67, %scan3A_66 : i32
        %add3A_69 = arith.constant 1 : i32
        %add3A_70 = arith.addi %mul3A_68, %add3A_69 : i32
        %mul3A_71 = arith.constant 256 : i32
        %mul3A_72 = arith.muli %add3A_70, %mul3A_71 : i32
        %scan3A_73 = arith.constant 0 : i32
        %scan3A_74 = arith.constant 0 : i32
        %scan3A_75 = arith.constant 16 : i32
        %scan3A_76 = arith.addi %scan3A_74, %scan3A_75 : i32
        %scan3A_77 = arith.constant 1 : i32
        scf.for %scan3A_137 = %scan3A_74 to %scan3A_76 step %scan3A_77  : i32 {
          %mul3A_138 = arith.constant 16 : i32
          %mul3A_139 = arith.muli %mul3A_138, %scan3A_137 : i32
          %add3A_140 = arith.addi %mul3A_72, %mul3A_139 : i32
          %get3A = arith.index_cast %add3A_140 : i32 to index
          %get3A_141 = tpu.vector_load %arg8[%get3A] {strides = array<i32>} : memref<8192xf32, #tpu.memory_space<vmem>>, vector<16xf32>,
          %get3A_142 = vector.shape_cast %get3A_141 : vector<16xf32> to vector<16xf32>
          %add3A_143 = arith.constant 1.000000e+00 : f32
          %add3A_144 = vector.broadcast %add3A_143 : f32 to vector<16xf32>
          %add3A_145 = arith.addf %get3A_142, %add3A_144 : vector<16xf32>
          %mul3A_146 = arith.constant 5.000000e-01 : f32
          %mul3A_147 = vector.broadcast %mul3A_146 : f32 to vector<16xf32>
          %mul3A_148 = arith.mulf %add3A_145, %mul3A_147 : vector<16xf32>
          %mul3A_149 = vector.broadcast %convert_element_type3A : f32 to vector<16xf32>
          %mul3A_150 = arith.mulf %mul3A_148, %mul3A_149 : vector<16xf32>
          %add3A_151 = arith.constant 5.000000e-01 : f32
          %add3A_152 = vector.broadcast %add3A_151 : f32 to vector<16xf32>
          %add3A_153 = arith.addf %mul3A_150, %add3A_152 : vector<16xf32>
          %convert_element_type3A_154 = arith.fptosi %add3A_153 : vector<16xf32> to vector<16xi32>
          %convert_element_type3A_155 = arith.sitofp %convert_element_type3A_154 : vector<16xi32> to vector<16xf32>
          %sub3A_156 = arith.subf %add3A_153, %convert_element_type3A_155 : vector<16xf32>
          %get3A_157 = arith.index_cast %add3A_140 : i32 to index
          %get3A_158 = tpu.vector_load %arg9[%get3A_157] {strides = array<i32>} : memref<8192xf32, #tpu.memory_space<vmem>>, vector<16xf32>,
          %get3A_159 = vector.shape_cast %get3A_158 : vector<16xf32> to vector<16xf32>
          %add3A_160 = arith.constant 1.000000e+00 : f32
          %add3A_161 = vector.broadcast %add3A_160 : f32 to vector<16xf32>
          %add3A_162 = arith.addf %get3A_159, %add3A_161 : vector<16xf32>
          %mul3A_163 = arith.constant 5.000000e-01 : f32
          %mul3A_164 = vector.broadcast %mul3A_163 : f32 to vector<16xf32>
          %mul3A_165 = arith.mulf %add3A_162, %mul3A_164 : vector<16xf32>
          %mul3A_166 = vector.broadcast %convert_element_type3A : f32 to vector<16xf32>
          %mul3A_167 = arith.mulf %mul3A_165, %mul3A_166 : vector<16xf32>
          %add3A_168 = arith.constant 5.000000e-01 : f32
          %add3A_169 = vector.broadcast %add3A_168 : f32 to vector<16xf32>
          %add3A_170 = arith.addf %mul3A_167, %add3A_169 : vector<16xf32>
          %convert_element_type3A_171 = arith.fptosi %add3A_170 : vector<16xf32> to vector<16xi32>
          %convert_element_type3A_172 = arith.sitofp %convert_element_type3A_171 : vector<16xi32> to vector<16xf32>
          %sub3A_173 = arith.subf %add3A_170, %convert_element_type3A_172 : vector<16xf32>
          %get3A_174 = arith.index_cast %add3A_140 : i32 to index
          %get3A_175 = tpu.vector_load %arg10[%get3A_174] {strides = array<i32>} : memref<8192xf32, #tpu.memory_space<vmem>>, vector<16xf32>,
          %get3A_176 = vector.shape_cast %get3A_175 : vector<16xf32> to vector<16xf32>
          %add3A_177 = arith.constant 1.000000e+00 : f32
          %add3A_178 = vector.broadcast %add3A_177 : f32 to vector<16xf32>
          %add3A_179 = arith.addf %get3A_176, %add3A_178 : vector<16xf32>
          %mul3A_180 = arith.constant 5.000000e-01 : f32
          %mul3A_181 = vector.broadcast %mul3A_180 : f32 to vector<16xf32>
          %mul3A_182 = arith.mulf %add3A_179, %mul3A_181 : vector<16xf32>
          %mul3A_183 = vector.broadcast %convert_element_type3A : f32 to vector<16xf32>
          %mul3A_184 = arith.mulf %mul3A_182, %mul3A_183 : vector<16xf32>
          %add3A_185 = arith.constant 5.000000e-01 : f32
          %add3A_186 = vector.broadcast %add3A_185 : f32 to vector<16xf32>
          %add3A_187 = arith.addf %mul3A_184, %add3A_186 : vector<16xf32>
          %convert_element_type3A_188 = arith.fptosi %add3A_187 : vector<16xf32> to vector<16xi32>
          %convert_element_type3A_189 = arith.sitofp %convert_element_type3A_188 : vector<16xi32> to vector<16xf32>
          %sub3A_190 = arith.subf %add3A_187, %convert_element_type3A_189 : vector<16xf32>
          %add3A_191 = arith.constant 1 : i32
          %add3A_192 = vector.broadcast %add3A_191 : i32 to vector<16xi32>
          %add3A_193 = arith.addi %convert_element_type3A_154, %add3A_192 : vector<16xi32>
          %mul3A_194 = vector.broadcast %add3A_26 : i32 to vector<16xi32>
          %mul3A_195 = arith.muli %convert_element_type3A_171, %mul3A_194 : vector<16xi32>
          %add3A_196 = vector.broadcast %add3A_26 : i32 to vector<16xi32>
          %add3A_197 = arith.addi %mul3A_195, %add3A_196 : vector<16xi32>
          %mul3A_198 = vector.broadcast %mul3A_34 : i32 to vector<16xi32>
          %mul3A_199 = arith.muli %convert_element_type3A_188, %mul3A_198 : vector<16xi32>
          %add3A_200 = vector.broadcast %mul3A_34 : i32 to vector<16xi32>
          %add3A_201 = arith.addi %mul3A_199, %add3A_200 : vector<16xi32>
          %sub3A_202 = arith.constant 1.000000e+00 : f32
          %sub3A_203 = vector.broadcast %sub3A_202 : f32 to vector<16xf32>
          %sub3A_204 = arith.subf %sub3A_203, %sub3A_156 : vector<16xf32>
          %sub3A_205 = arith.constant 1.000000e+00 : f32
          %sub3A_206 = vector.broadcast %sub3A_205 : f32 to vector<16xf32>
          %sub3A_207 = arith.subf %sub3A_206, %sub3A_173 : vector<16xf32>
          %sub3A_208 = arith.constant 1.000000e+00 : f32
          %sub3A_209 = vector.broadcast %sub3A_208 : f32 to vector<16xf32>
          %sub3A_210 = arith.subf %sub3A_209, %sub3A_190 : vector<16xf32>
          %add3A_211 = arith.addi %convert_element_type3A_154, %mul3A_195 : vector<16xi32>
          %add3A_212 = arith.addi %add3A_211, %mul3A_199 : vector<16xi32>
          %add3A_213 = vector.broadcast %select_n3A_33 : i32 to vector<16xi32>
          %add3A_214 = arith.addi %add3A_212, %add3A_213 : vector<16xi32>
          %mul3A_215 = arith.constant 2 : i32
          %mul3A_216 = vector.broadcast %mul3A_215 : i32 to vector<16xi32>
          %mul3A_217 = arith.muli %add3A_214, %mul3A_216 : vector<16xi32>
          %mul3A_218 = arith.mulf %sub3A_204, %sub3A_207 : vector<16xf32>
          %mul3A_219 = arith.mulf %mul3A_218, %sub3A_210 : vector<16xf32>
          %mul3A_220 = arith.constant 16 : i32
          %mul3A_221 = arith.muli %mul3A_220, %scan3A_137 : i32
          %add3A_222 = arith.constant 0 : i32
          %add3A_223 = arith.addi %add3A_222, %mul3A_221 : i32
          %swap3A = arith.index_cast %add3A_223 : i32 to index
          %swap3A_224 = tpu.vector_load %arg12[%swap3A] {strides = array<i32>} : memref<4096xi32, #tpu.memory_space<vmem>>, vector<16xi32>,
          %swap3A_225 = vector.shape_cast %swap3A_224 : vector<16xi32> to vector<16xi32>
          %swap3A_226 = vector.shape_cast %mul3A_217 : vector<16xi32> to vector<16xi32>
          tpu.vector_store %arg12[%swap3A], %swap3A_226 {strides = array<i32>} : memref<4096xi32, #tpu.memory_space<vmem>>, vector<16xi32>,
          %add3A_227 = arith.constant 1 : i32
          %add3A_228 = vector.broadcast %add3A_227 : i32 to vector<16xi32>
          %add3A_229 = arith.addi %mul3A_217, %add3A_228 : vector<16xi32>
          %mul3A_230 = arith.constant 16 : i32
          %mul3A_231 = arith.muli %mul3A_230, %scan3A_137 : i32
          %add3A_232 = arith.constant 2048 : i32
          %add3A_233 = arith.addi %add3A_232, %mul3A_231 : i32
          %swap3A_234 = arith.index_cast %add3A_233 : i32 to index
          %swap3A_235 = tpu.vector_load %arg12[%swap3A_234] {strides = array<i32>} : memref<4096xi32, #tpu.memory_space<vmem>>, vector<16xi32>,
          %swap3A_236 = vector.shape_cast %swap3A_235 : vector<16xi32> to vector<16xi32>
          %swap3A_237 = vector.shape_cast %add3A_229 : vector<16xi32> to vector<16xi32>
          tpu.vector_store %arg12[%swap3A_234], %swap3A_237 {strides = array<i32>} : memref<4096xi32, #tpu.memory_space<vmem>>, vector<16xi32>,
          %mul3A_238 = arith.constant 16 : i32
          %mul3A_239 = arith.muli %mul3A_238, %scan3A_137 : i32
          %add3A_240 = arith.constant 0 : i32
          %add3A_241 = arith.addi %add3A_240, %mul3A_239 : i32
          %swap3A_242 = arith.index_cast %add3A_241 : i32 to index
          %swap3A_243 = tpu.vector_load %arg14[%swap3A_242] {strides = array<i32>} : memref<2048xf32, #tpu.memory_space<vmem>>, vector<16xf32>,
          %swap3A_244 = vector.shape_cast %swap3A_243 : vector<16xf32> to vector<16xf32>
          %swap3A_245 = vector.shape_cast %mul3A_219 : vector<16xf32> to vector<16xf32>
          tpu.vector_store %arg14[%swap3A_242], %swap3A_245 {strides = array<i32>} : memref<2048xf32, #tpu.memory_space<vmem>>, vector<16xf32>,
          %add3A_246 = arith.addi %add3A_193, %mul3A_195 : vector<16xi32>
          %add3A_247 = arith.addi %add3A_246, %mul3A_199 : vector<16xi32>
          %add3A_248 = vector.broadcast %select_n3A_33 : i32 to vector<16xi32>
          %add3A_249 = arith.addi %add3A_247, %add3A_248 : vector<16xi32>
          %mul3A_250 = arith.constant 2 : i32
          %mul3A_251 = vector.broadcast %mul3A_250 : i32 to vector<16xi32>
          %mul3A_252 = arith.muli %add3A_249, %mul3A_251 : vector<16xi32>
          %mul3A_253 = arith.mulf %sub3A_156, %sub3A_207 : vector<16xf32>
          %mul3A_254 = arith.mulf %mul3A_253, %sub3A_210 : vector<16xf32>
          %mul3A_255 = arith.constant 16 : i32
          %mul3A_256 = arith.muli %mul3A_255, %scan3A_137 : i32
          %add3A_257 = arith.constant 256 : i32
          %add3A_258 = arith.addi %add3A_257, %mul3A_256 : i32
          %swap3A_259 = arith.index_cast %add3A_258 : i32 to index
          %swap3A_260 = tpu.vector_load %arg12[%swap3A_259] {strides = array<i32>} : memref<4096xi32, #tpu.memory_space<vmem>>, vector<16xi32>,
          %swap3A_261 = vector.shape_cast %swap3A_260 : vector<16xi32> to vector<16xi32>
          %swap3A_262 = vector.shape_cast %mul3A_252 : vector<16xi32> to vector<16xi32>
          tpu.vector_store %arg12[%swap3A_259], %swap3A_262 {strides = array<i32>} : memref<4096xi32, #tpu.memory_space<vmem>>, vector<16xi32>,
          %add3A_263 = arith.constant 1 : i32
          %add3A_264 = vector.broadcast %add3A_263 : i32 to vector<16xi32>
          %add3A_265 = arith.addi %mul3A_252, %add3A_264 : vector<16xi32>
          %mul3A_266 = arith.constant 16 : i32
          %mul3A_267 = arith.muli %mul3A_266, %scan3A_137 : i32
          %add3A_268 = arith.constant 2304 : i32
          %add3A_269 = arith.addi %add3A_268, %mul3A_267 : i32
          %swap3A_270 = arith.index_cast %add3A_269 : i32 to index
          %swap3A_271 = tpu.vector_load %arg12[%swap3A_270] {strides = array<i32>} : memref<4096xi32, #tpu.memory_space<vmem>>, vector<16xi32>,
          %swap3A_272 = vector.shape_cast %swap3A_271 : vector<16xi32> to vector<16xi32>
          %swap3A_273 = vector.shape_cast %add3A_265 : vector<16xi32> to vector<16xi32>
          tpu.vector_store %arg12[%swap3A_270], %swap3A_273 {strides = array<i32>} : memref<4096xi32, #tpu.memory_space<vmem>>, vector<16xi32>,
          %mul3A_274 = arith.constant 16 : i32
          %mul3A_275 = arith.muli %mul3A_274, %scan3A_137 : i32
          %add3A_276 = arith.constant 256 : i32
          %add3A_277 = arith.addi %add3A_276, %mul3A_275 : i32
          %swap3A_278 = arith.index_cast %add3A_277 : i32 to index
          %swap3A_279 = tpu.vector_load %arg14[%swap3A_278] {strides = array<i32>} : memref<2048xf32, #tpu.memory_space<vmem>>, vector<16xf32>,
          %swap3A_280 = vector.shape_cast %swap3A_279 : vector<16xf32> to vector<16xf32>
          %swap3A_281 = vector.shape_cast %mul3A_254 : vector<16xf32> to vector<16xf32>
          tpu.vector_store %arg14[%swap3A_278], %swap3A_281 {strides = array<i32>} : memref<2048xf32, #tpu.memory_space<vmem>>, vector<16xf32>,
          %add3A_282 = arith.addi %convert_element_type3A_154, %add3A_197 : vector<16xi32>
          %add3A_283 = arith.addi %add3A_282, %mul3A_199 : vector<16xi32>
          %add3A_284 = vector.broadcast %select_n3A_33 : i32 to vector<16xi32>
          %add3A_285 = arith.addi %add3A_283, %add3A_284 : vector<16xi32>
          %mul3A_286 = arith.constant 2 : i32
          %mul3A_287 = vector.broadcast %mul3A_286 : i32 to vector<16xi32>
          %mul3A_288 = arith.muli %add3A_285, %mul3A_287 : vector<16xi32>
          %mul3A_289 = arith.mulf %sub3A_204, %sub3A_173 : vector<16xf32>
          %mul3A_290 = arith.mulf %mul3A_289, %sub3A_210 : vector<16xf32>
          %mul3A_291 = arith.constant 16 : i32
          %mul3A_292 = arith.muli %mul3A_291, %scan3A_137 : i32
          %add3A_293 = arith.constant 512 : i32
          %add3A_294 = arith.addi %add3A_293, %mul3A_292 : i32
          %swap3A_295 = arith.index_cast %add3A_294 : i32 to index
          %swap3A_296 = tpu.vector_load %arg12[%swap3A_295] {strides = array<i32>} : memref<4096xi32, #tpu.memory_space<vmem>>, vector<16xi32>,
          %swap3A_297 = vector.shape_cast %swap3A_296 : vector<16xi32> to vector<16xi32>
          %swap3A_298 = vector.shape_cast %mul3A_288 : vector<16xi32> to vector<16xi32>
          tpu.vector_store %arg12[%swap3A_295], %swap3A_298 {strides = array<i32>} : memref<4096xi32, #tpu.memory_space<vmem>>, vector<16xi32>,
          %add3A_299 = arith.constant 1 : i32
          %add3A_300 = vector.broadcast %add3A_299 : i32 to vector<16xi32>
          %add3A_301 = arith.addi %mul3A_288, %add3A_300 : vector<16xi32>
          %mul3A_302 = arith.constant 16 : i32
          %mul3A_303 = arith.muli %mul3A_302, %scan3A_137 : i32
          %add3A_304 = arith.constant 2560 : i32
          %add3A_305 = arith.addi %add3A_304, %mul3A_303 : i32
          %swap3A_306 = arith.index_cast %add3A_305 : i32 to index
          %swap3A_307 = tpu.vector_load %arg12[%swap3A_306] {strides = array<i32>} : memref<4096xi32, #tpu.memory_space<vmem>>, vector<16xi32>,
          %swap3A_308 = vector.shape_cast %swap3A_307 : vector<16xi32> to vector<16xi32>
          %swap3A_309 = vector.shape_cast %add3A_301 : vector<16xi32> to vector<16xi32>
          tpu.vector_store %arg12[%swap3A_306], %swap3A_309 {strides = array<i32>} : memref<4096xi32, #tpu.memory_space<vmem>>, vector<16xi32>,
          %mul3A_310 = arith.constant 16 : i32
          %mul3A_311 = arith.muli %mul3A_310, %scan3A_137 : i32
          %add3A_312 = arith.constant 512 : i32
          %add3A_313 = arith.addi %add3A_312, %mul3A_311 : i32
          %swap3A_314 = arith.index_cast %add3A_313 : i32 to index
          %swap3A_315 = tpu.vector_load %arg14[%swap3A_314] {strides = array<i32>} : memref<2048xf32, #tpu.memory_space<vmem>>, vector<16xf32>,
          %swap3A_316 = vector.shape_cast %swap3A_315 : vector<16xf32> to vector<16xf32>
          %swap3A_317 = vector.shape_cast %mul3A_290 : vector<16xf32> to vector<16xf32>
          tpu.vector_store %arg14[%swap3A_314], %swap3A_317 {strides = array<i32>} : memref<2048xf32, #tpu.memory_space<vmem>>, vector<16xf32>,
          %add3A_318 = arith.addi %add3A_193, %add3A_197 : vector<16xi32>
          %add3A_319 = arith.addi %add3A_318, %mul3A_199 : vector<16xi32>
          %add3A_320 = vector.broadcast %select_n3A_33 : i32 to vector<16xi32>
          %add3A_321 = arith.addi %add3A_319, %add3A_320 : vector<16xi32>
          %mul3A_322 = arith.constant 2 : i32
          %mul3A_323 = vector.broadcast %mul3A_322 : i32 to vector<16xi32>
          %mul3A_324 = arith.muli %add3A_321, %mul3A_323 : vector<16xi32>
          %mul3A_325 = arith.mulf %sub3A_156, %sub3A_173 : vector<16xf32>
          %mul3A_326 = arith.mulf %mul3A_325, %sub3A_210 : vector<16xf32>
          %mul3A_327 = arith.constant 16 : i32
          %mul3A_328 = arith.muli %mul3A_327, %scan3A_137 : i32
          %add3A_329 = arith.constant 768 : i32
          %add3A_330 = arith.addi %add3A_329, %mul3A_328 : i32
          %swap3A_331 = arith.index_cast %add3A_330 : i32 to index
          %swap3A_332 = tpu.vector_load %arg12[%swap3A_331] {strides = array<i32>} : memref<4096xi32, #tpu.memory_space<vmem>>, vector<16xi32>,
          %swap3A_333 = vector.shape_cast %swap3A_332 : vector<16xi32> to vector<16xi32>
          %swap3A_334 = vector.shape_cast %mul3A_324 : vector<16xi32> to vector<16xi32>
          tpu.vector_store %arg12[%swap3A_331], %swap3A_334 {strides = array<i32>} : memref<4096xi32, #tpu.memory_space<vmem>>, vector<16xi32>,
          %add3A_335 = arith.constant 1 : i32
          %add3A_336 = vector.broadcast %add3A_335 : i32 to vector<16xi32>
          %add3A_337 = arith.addi %mul3A_324, %add3A_336 : vector<16xi32>
          %mul3A_338 = arith.constant 16 : i32
          %mul3A_339 = arith.muli %mul3A_338, %scan3A_137 : i32
          %add3A_340 = arith.constant 2816 : i32
          %add3A_341 = arith.addi %add3A_340, %mul3A_339 : i32
          %swap3A_342 = arith.index_cast %add3A_341 : i32 to index
          %swap3A_343 = tpu.vector_load %arg12[%swap3A_342] {strides = array<i32>} : memref<4096xi32, #tpu.memory_space<vmem>>, vector<16xi32>,
          %swap3A_344 = vector.shape_cast %swap3A_343 : vector<16xi32> to vector<16xi32>
          %swap3A_345 = vector.shape_cast %add3A_337 : vector<16xi32> to vector<16xi32>
          tpu.vector_store %arg12[%swap3A_342], %swap3A_345 {strides = array<i32>} : memref<4096xi32, #tpu.memory_space<vmem>>, vector<16xi32>,
          %mul3A_346 = arith.constant 16 : i32
          %mul3A_347 = arith.muli %mul3A_346, %scan3A_137 : i32
          %add3A_348 = arith.constant 768 : i32
          %add3A_349 = arith.addi %add3A_348, %mul3A_347 : i32
          %swap3A_350 = arith.index_cast %add3A_349 : i32 to index
          %swap3A_351 = tpu.vector_load %arg14[%swap3A_350] {strides = array<i32>} : memref<2048xf32, #tpu.memory_space<vmem>>, vector<16xf32>,
          %swap3A_352 = vector.shape_cast %swap3A_351 : vector<16xf32> to vector<16xf32>
          %swap3A_353 = vector.shape_cast %mul3A_326 : vector<16xf32> to vector<16xf32>
          tpu.vector_store %arg14[%swap3A_350], %swap3A_353 {strides = array<i32>} : memref<2048xf32, #tpu.memory_space<vmem>>, vector<16xf32>,
          %add3A_354 = arith.addi %convert_element_type3A_154, %mul3A_195 : vector<16xi32>
          %add3A_355 = arith.addi %add3A_354, %add3A_201 : vector<16xi32>
          %add3A_356 = vector.broadcast %select_n3A_33 : i32 to vector<16xi32>
          %add3A_357 = arith.addi %add3A_355, %add3A_356 : vector<16xi32>
          %mul3A_358 = arith.constant 2 : i32
          %mul3A_359 = vector.broadcast %mul3A_358 : i32 to vector<16xi32>
          %mul3A_360 = arith.muli %add3A_357, %mul3A_359 : vector<16xi32>
          %mul3A_361 = arith.mulf %sub3A_204, %sub3A_207 : vector<16xf32>
          %mul3A_362 = arith.mulf %mul3A_361, %sub3A_190 : vector<16xf32>
          %mul3A_363 = arith.constant 16 : i32
          %mul3A_364 = arith.muli %mul3A_363, %scan3A_137 : i32
          %add3A_365 = arith.constant 1024 : i32
          %add3A_366 = arith.addi %add3A_365, %mul3A_364 : i32
          %swap3A_367 = arith.index_cast %add3A_366 : i32 to index
          %swap3A_368 = tpu.vector_load %arg12[%swap3A_367] {strides = array<i32>} : memref<4096xi32, #tpu.memory_space<vmem>>, vector<16xi32>,
          %swap3A_369 = vector.shape_cast %swap3A_368 : vector<16xi32> to vector<16xi32>
          %swap3A_370 = vector.shape_cast %mul3A_360 : vector<16xi32> to vector<16xi32>
          tpu.vector_store %arg12[%swap3A_367], %swap3A_370 {strides = array<i32>} : memref<4096xi32, #tpu.memory_space<vmem>>, vector<16xi32>,
          %add3A_371 = arith.constant 1 : i32
          %add3A_372 = vector.broadcast %add3A_371 : i32 to vector<16xi32>
          %add3A_373 = arith.addi %mul3A_360, %add3A_372 : vector<16xi32>
          %mul3A_374 = arith.constant 16 : i32
          %mul3A_375 = arith.muli %mul3A_374, %scan3A_137 : i32
          %add3A_376 = arith.constant 3072 : i32
          %add3A_377 = arith.addi %add3A_376, %mul3A_375 : i32
          %swap3A_378 = arith.index_cast %add3A_377 : i32 to index
          %swap3A_379 = tpu.vector_load %arg12[%swap3A_378] {strides = array<i32>} : memref<4096xi32, #tpu.memory_space<vmem>>, vector<16xi32>,
          %swap3A_380 = vector.shape_cast %swap3A_379 : vector<16xi32> to vector<16xi32>
          %swap3A_381 = vector.shape_cast %add3A_373 : vector<16xi32> to vector<16xi32>
          tpu.vector_store %arg12[%swap3A_378], %swap3A_381 {strides = array<i32>} : memref<4096xi32, #tpu.memory_space<vmem>>, vector<16xi32>,
          %mul3A_382 = arith.constant 16 : i32
          %mul3A_383 = arith.muli %mul3A_382, %scan3A_137 : i32
          %add3A_384 = arith.constant 1024 : i32
          %add3A_385 = arith.addi %add3A_384, %mul3A_383 : i32
          %swap3A_386 = arith.index_cast %add3A_385 : i32 to index
          %swap3A_387 = tpu.vector_load %arg14[%swap3A_386] {strides = array<i32>} : memref<2048xf32, #tpu.memory_space<vmem>>, vector<16xf32>,
          %swap3A_388 = vector.shape_cast %swap3A_387 : vector<16xf32> to vector<16xf32>
          %swap3A_389 = vector.shape_cast %mul3A_362 : vector<16xf32> to vector<16xf32>
          tpu.vector_store %arg14[%swap3A_386], %swap3A_389 {strides = array<i32>} : memref<2048xf32, #tpu.memory_space<vmem>>, vector<16xf32>,
          %add3A_390 = arith.addi %add3A_193, %mul3A_195 : vector<16xi32>
          %add3A_391 = arith.addi %add3A_390, %add3A_201 : vector<16xi32>
          %add3A_392 = vector.broadcast %select_n3A_33 : i32 to vector<16xi32>
          %add3A_393 = arith.addi %add3A_391, %add3A_392 : vector<16xi32>
          %mul3A_394 = arith.constant 2 : i32
          %mul3A_395 = vector.broadcast %mul3A_394 : i32 to vector<16xi32>
          %mul3A_396 = arith.muli %add3A_393, %mul3A_395 : vector<16xi32>
          %mul3A_397 = arith.mulf %sub3A_156, %sub3A_207 : vector<16xf32>
          %mul3A_398 = arith.mulf %mul3A_397, %sub3A_190 : vector<16xf32>
          %mul3A_399 = arith.constant 16 : i32
          %mul3A_400 = arith.muli %mul3A_399, %scan3A_137 : i32
          %add3A_401 = arith.constant 1280 : i32
          %add3A_402 = arith.addi %add3A_401, %mul3A_400 : i32
          %swap3A_403 = arith.index_cast %add3A_402 : i32 to index
          %swap3A_404 = tpu.vector_load %arg12[%swap3A_403] {strides = array<i32>} : memref<4096xi32, #tpu.memory_space<vmem>>, vector<16xi32>,
          %swap3A_405 = vector.shape_cast %swap3A_404 : vector<16xi32> to vector<16xi32>
          %swap3A_406 = vector.shape_cast %mul3A_396 : vector<16xi32> to vector<16xi32>
          tpu.vector_store %arg12[%swap3A_403], %swap3A_406 {strides = array<i32>} : memref<4096xi32, #tpu.memory_space<vmem>>, vector<16xi32>,
          %add3A_407 = arith.constant 1 : i32
          %add3A_408 = vector.broadcast %add3A_407 : i32 to vector<16xi32>
          %add3A_409 = arith.addi %mul3A_396, %add3A_408 : vector<16xi32>
          %mul3A_410 = arith.constant 16 : i32
          %mul3A_411 = arith.muli %mul3A_410, %scan3A_137 : i32
          %add3A_412 = arith.constant 3328 : i32
          %add3A_413 = arith.addi %add3A_412, %mul3A_411 : i32
          %swap3A_414 = arith.index_cast %add3A_413 : i32 to index
          %swap3A_415 = tpu.vector_load %arg12[%swap3A_414] {strides = array<i32>} : memref<4096xi32, #tpu.memory_space<vmem>>, vector<16xi32>,
          %swap3A_416 = vector.shape_cast %swap3A_415 : vector<16xi32> to vector<16xi32>
          %swap3A_417 = vector.shape_cast %add3A_409 : vector<16xi32> to vector<16xi32>
          tpu.vector_store %arg12[%swap3A_414], %swap3A_417 {strides = array<i32>} : memref<4096xi32, #tpu.memory_space<vmem>>, vector<16xi32>,
          %mul3A_418 = arith.constant 16 : i32
          %mul3A_419 = arith.muli %mul3A_418, %scan3A_137 : i32
          %add3A_420 = arith.constant 1280 : i32
          %add3A_421 = arith.addi %add3A_420, %mul3A_419 : i32
          %swap3A_422 = arith.index_cast %add3A_421 : i32 to index
          %swap3A_423 = tpu.vector_load %arg14[%swap3A_422] {strides = array<i32>} : memref<2048xf32, #tpu.memory_space<vmem>>, vector<16xf32>,
          %swap3A_424 = vector.shape_cast %swap3A_423 : vector<16xf32> to vector<16xf32>
          %swap3A_425 = vector.shape_cast %mul3A_398 : vector<16xf32> to vector<16xf32>
          tpu.vector_store %arg14[%swap3A_422], %swap3A_425 {strides = array<i32>} : memref<2048xf32, #tpu.memory_space<vmem>>, vector<16xf32>,
          %add3A_426 = arith.addi %convert_element_type3A_154, %add3A_197 : vector<16xi32>
          %add3A_427 = arith.addi %add3A_426, %add3A_201 : vector<16xi32>
          %add3A_428 = vector.broadcast %select_n3A_33 : i32 to vector<16xi32>
          %add3A_429 = arith.addi %add3A_427, %add3A_428 : vector<16xi32>
          %mul3A_430 = arith.constant 2 : i32
          %mul3A_431 = vector.broadcast %mul3A_430 : i32 to vector<16xi32>
          %mul3A_432 = arith.muli %add3A_429, %mul3A_431 : vector<16xi32>
          %mul3A_433 = arith.mulf %sub3A_204, %sub3A_173 : vector<16xf32>
          %mul3A_434 = arith.mulf %mul3A_433, %sub3A_190 : vector<16xf32>
          %mul3A_435 = arith.constant 16 : i32
          %mul3A_436 = arith.muli %mul3A_435, %scan3A_137 : i32
          %add3A_437 = arith.constant 1536 : i32
          %add3A_438 = arith.addi %add3A_437, %mul3A_436 : i32
          %swap3A_439 = arith.index_cast %add3A_438 : i32 to index
          %swap3A_440 = tpu.vector_load %arg12[%swap3A_439] {strides = array<i32>} : memref<4096xi32, #tpu.memory_space<vmem>>, vector<16xi32>,
          %swap3A_441 = vector.shape_cast %swap3A_440 : vector<16xi32> to vector<16xi32>
          %swap3A_442 = vector.shape_cast %mul3A_432 : vector<16xi32> to vector<16xi32>
          tpu.vector_store %arg12[%swap3A_439], %swap3A_442 {strides = array<i32>} : memref<4096xi32, #tpu.memory_space<vmem>>, vector<16xi32>,
          %add3A_443 = arith.constant 1 : i32
          %add3A_444 = vector.broadcast %add3A_443 : i32 to vector<16xi32>
          %add3A_445 = arith.addi %mul3A_432, %add3A_444 : vector<16xi32>
          %mul3A_446 = arith.constant 16 : i32
          %mul3A_447 = arith.muli %mul3A_446, %scan3A_137 : i32
          %add3A_448 = arith.constant 3584 : i32
          %add3A_449 = arith.addi %add3A_448, %mul3A_447 : i32
          %swap3A_450 = arith.index_cast %add3A_449 : i32 to index
          %swap3A_451 = tpu.vector_load %arg12[%swap3A_450] {strides = array<i32>} : memref<4096xi32, #tpu.memory_space<vmem>>, vector<16xi32>,
          %swap3A_452 = vector.shape_cast %swap3A_451 : vector<16xi32> to vector<16xi32>
          %swap3A_453 = vector.shape_cast %add3A_445 : vector<16xi32> to vector<16xi32>
          tpu.vector_store %arg12[%swap3A_450], %swap3A_453 {strides = array<i32>} : memref<4096xi32, #tpu.memory_space<vmem>>, vector<16xi32>,
          %mul3A_454 = arith.constant 16 : i32
          %mul3A_455 = arith.muli %mul3A_454, %scan3A_137 : i32
          %add3A_456 = arith.constant 1536 : i32
          %add3A_457 = arith.addi %add3A_456, %mul3A_455 : i32
          %swap3A_458 = arith.index_cast %add3A_457 : i32 to index
          %swap3A_459 = tpu.vector_load %arg14[%swap3A_458] {strides = array<i32>} : memref<2048xf32, #tpu.memory_space<vmem>>, vector<16xf32>,
          %swap3A_460 = vector.shape_cast %swap3A_459 : vector<16xf32> to vector<16xf32>
          %swap3A_461 = vector.shape_cast %mul3A_434 : vector<16xf32> to vector<16xf32>
          tpu.vector_store %arg14[%swap3A_458], %swap3A_461 {strides = array<i32>} : memref<2048xf32, #tpu.memory_space<vmem>>, vector<16xf32>,
          %add3A_462 = arith.addi %add3A_193, %add3A_197 : vector<16xi32>
          %add3A_463 = arith.addi %add3A_462, %add3A_201 : vector<16xi32>
          %add3A_464 = vector.broadcast %select_n3A_33 : i32 to vector<16xi32>
          %add3A_465 = arith.addi %add3A_463, %add3A_464 : vector<16xi32>
          %mul3A_466 = arith.constant 2 : i32
          %mul3A_467 = vector.broadcast %mul3A_466 : i32 to vector<16xi32>
          %mul3A_468 = arith.muli %add3A_465, %mul3A_467 : vector<16xi32>
          %mul3A_469 = arith.mulf %sub3A_156, %sub3A_173 : vector<16xf32>
          %mul3A_470 = arith.mulf %mul3A_469, %sub3A_190 : vector<16xf32>
          %mul3A_471 = arith.constant 16 : i32
          %mul3A_472 = arith.muli %mul3A_471, %scan3A_137 : i32
          %add3A_473 = arith.constant 1792 : i32
          %add3A_474 = arith.addi %add3A_473, %mul3A_472 : i32
          %swap3A_475 = arith.index_cast %add3A_474 : i32 to index
          %swap3A_476 = tpu.vector_load %arg12[%swap3A_475] {strides = array<i32>} : memref<4096xi32, #tpu.memory_space<vmem>>, vector<16xi32>,
          %swap3A_477 = vector.shape_cast %swap3A_476 : vector<16xi32> to vector<16xi32>
          %swap3A_478 = vector.shape_cast %mul3A_468 : vector<16xi32> to vector<16xi32>
          tpu.vector_store %arg12[%swap3A_475], %swap3A_478 {strides = array<i32>} : memref<4096xi32, #tpu.memory_space<vmem>>, vector<16xi32>,
          %add3A_479 = arith.constant 1 : i32
          %add3A_480 = vector.broadcast %add3A_479 : i32 to vector<16xi32>
          %add3A_481 = arith.addi %mul3A_468, %add3A_480 : vector<16xi32>
          %mul3A_482 = arith.constant 16 : i32
          %mul3A_483 = arith.muli %mul3A_482, %scan3A_137 : i32
          %add3A_484 = arith.constant 3840 : i32
          %add3A_485 = arith.addi %add3A_484, %mul3A_483 : i32
          %swap3A_486 = arith.index_cast %add3A_485 : i32 to index
          %swap3A_487 = tpu.vector_load %arg12[%swap3A_486] {strides = array<i32>} : memref<4096xi32, #tpu.memory_space<vmem>>, vector<16xi32>,
          %swap3A_488 = vector.shape_cast %swap3A_487 : vector<16xi32> to vector<16xi32>
          %swap3A_489 = vector.shape_cast %add3A_481 : vector<16xi32> to vector<16xi32>
          tpu.vector_store %arg12[%swap3A_486], %swap3A_489 {strides = array<i32>} : memref<4096xi32, #tpu.memory_space<vmem>>, vector<16xi32>,
          %mul3A_490 = arith.constant 16 : i32
          %mul3A_491 = arith.muli %mul3A_490, %scan3A_137 : i32
          %add3A_492 = arith.constant 1792 : i32
          %add3A_493 = arith.addi %add3A_492, %mul3A_491 : i32
          %swap3A_494 = arith.index_cast %add3A_493 : i32 to index
          %swap3A_495 = tpu.vector_load %arg14[%swap3A_494] {strides = array<i32>} : memref<2048xf32, #tpu.memory_space<vmem>>, vector<16xf32>,
          %swap3A_496 = vector.shape_cast %swap3A_495 : vector<16xf32> to vector<16xf32>
          %swap3A_497 = vector.shape_cast %mul3A_470 : vector<16xf32> to vector<16xf32>
          tpu.vector_store %arg14[%swap3A_494], %swap3A_497 {strides = array<i32>} : memref<2048xf32, #tpu.memory_space<vmem>>, vector<16xf32>,
        }
        %scan3A_78 = arith.constant 16 : i32
        %dma_start3A_79 = arith.constant 0 : i32
        %dma_start3A_80 = tpu.memref_slice %arg25[%dma_start3A_79] : memref<1048576xf32, #tpu.memory_space<vmem_shared>> -> memref<1048576xf32, #tpu.memory_space<vmem_shared>>
        tpu.enqueue_indirect_dma source(%dma_start3A_80 : memref<1048576xf32, #tpu.memory_space<vmem_shared>>) target(%arg16 : memref<4096xf32, #tpu.memory_space<vmem>>) offsets(%arg12 : memref<4096xi32, #tpu.memory_space<vmem>>) semaphore(%arg22 : memref<!tpu.dma_semaphore, #tpu.memory_space<semaphore_mem>>)
        %dma_wait3A_81 = arith.constant 0 : i32
        %dma_wait3A_82 = tpu.memref_slice %arg7[%dma_wait3A_81] : memref<8388608xf32, #tpu.memory_space<hbm>> -> memref<4096xf32, #tpu.memory_space<hbm>>
        %dma_wait3A_83 = arith.constant 0 : i32
        %dma_wait3A_84 = tpu.memref_slice %arg7[%dma_wait3A_83] : memref<8388608xf32, #tpu.memory_space<hbm>> -> memref<4096xf32, #tpu.memory_space<hbm>>
        tpu.wait_dma2 semaphore(%arg21 : memref<!tpu.dma_semaphore, #tpu.memory_space<semaphore_mem>>) src(%dma_wait3A_84 : memref<4096xf32, #tpu.memory_space<hbm>>) dst(%arg15 : memref<4096xf32, #tpu.memory_space<vmem>>)
        %ge3A = arith.constant 1 : i32
        %ge3A_85 = arith.cmpi sge, %scan3A_66, %ge3A : i32
        %convert_element_type3A_86 = arith.extui %ge3A_85 : i1 to i32
        %cond3A = arith.constant 0 : i32
        %cond3A_87 = arith.cmpi ne, %convert_element_type3A_86, %cond3A : i32
        scf.if %cond3A_87 {
          %dma_wait3A_137 = arith.constant 0 : i32
          %dma_wait3A_138 = tpu.memref_slice %arg7[%dma_wait3A_137] : memref<8388608xf32, #tpu.memory_space<hbm>> -> memref<256xf32, #tpu.memory_space<hbm>>
          %dma_wait3A_139 = arith.constant 0 : i32
          %dma_wait3A_140 = tpu.memref_slice %arg7[%dma_wait3A_139] : memref<8388608xf32, #tpu.memory_space<hbm>> -> memref<256xf32, #tpu.memory_space<hbm>>
          tpu.wait_dma2 semaphore(%arg23 : memref<!tpu.dma_semaphore, #tpu.memory_space<semaphore_mem>>) src(%dma_wait3A_140 : memref<256xf32, #tpu.memory_space<hbm>>) dst(%arg17 : memref<256xf32, #tpu.memory_space<vmem>>)
          %dma_wait3A_141 = arith.constant 0 : i32
          %dma_wait3A_142 = tpu.memref_slice %arg7[%dma_wait3A_141] : memref<8388608xf32, #tpu.memory_space<hbm>> -> memref<256xf32, #tpu.memory_space<hbm>>
          %dma_wait3A_143 = arith.constant 0 : i32
          %dma_wait3A_144 = tpu.memref_slice %arg7[%dma_wait3A_143] : memref<8388608xf32, #tpu.memory_space<hbm>> -> memref<256xf32, #tpu.memory_space<hbm>>
          tpu.wait_dma2 semaphore(%arg23 : memref<!tpu.dma_semaphore, #tpu.memory_space<semaphore_mem>>) src(%dma_wait3A_144 : memref<256xf32, #tpu.memory_space<hbm>>) dst(%arg18 : memref<256xf32, #tpu.memory_space<vmem>>)
        } else {
        }
        %mul3A_88 = arith.constant 2 : i32
        %mul3A_89 = arith.muli %mul3A_88, %scan3A_66 : i32
        %scan3A_90 = arith.constant 0 : i32
        %scan3A_91 = arith.constant 0 : i32
        %scan3A_92 = arith.constant 16 : i32
        %scan3A_93 = arith.addi %scan3A_91, %scan3A_92 : i32
        %scan3A_94 = arith.constant 1 : i32
        scf.for %scan3A_137 = %scan3A_91 to %scan3A_93 step %scan3A_94  : i32 {
          %mul3A_138 = arith.constant 16 : i32
          %mul3A_139 = arith.muli %mul3A_138, %scan3A_137 : i32
          %broadcast_in_dim3A = arith.constant 0.000000e+00 : f32
          %broadcast_in_dim3A_140 = vector.broadcast %broadcast_in_dim3A : f32 to vector<16xf32>
          %broadcast_in_dim3A_141 = arith.constant 0.000000e+00 : f32
          %broadcast_in_dim3A_142 = vector.broadcast %broadcast_in_dim3A_141 : f32 to vector<16xf32>
          %mul3A_143 = arith.constant 16 : i32
          %mul3A_144 = arith.muli %mul3A_143, %scan3A_137 : i32
          %add3A_145 = arith.constant 0 : i32
          %add3A_146 = arith.addi %add3A_145, %mul3A_144 : i32
          %mul3A_147 = arith.constant 16 : i32
          %mul3A_148 = arith.muli %mul3A_147, %scan3A_137 : i32
          %add3A_149 = arith.constant 2048 : i32
          %add3A_150 = arith.addi %add3A_149, %mul3A_148 : i32
          %get3A = arith.index_cast %add3A_146 : i32 to index
          %get3A_151 = tpu.vector_load %arg13[%get3A] {strides = array<i32>} : memref<2048xf32, #tpu.memory_space<vmem>>, vector<16xf32>,
          %get3A_152 = vector.shape_cast %get3A_151 : vector<16xf32> to vector<16xf32>
          %get3A_153 = arith.index_cast %add3A_146 : i32 to index
          %get3A_154 = tpu.vector_load %arg15[%get3A_153] {strides = array<i32>} : memref<4096xf32, #tpu.memory_space<vmem>>, vector<16xf32>,
          %get3A_155 = vector.shape_cast %get3A_154 : vector<16xf32> to vector<16xf32>
          %mul3A_156 = arith.mulf %get3A_152, %get3A_155 : vector<16xf32>
          %add3A_157 = arith.addf %broadcast_in_dim3A_140, %mul3A_156 : vector<16xf32>
          %get3A_158 = arith.index_cast %add3A_150 : i32 to index
          %get3A_159 = tpu.vector_load %arg15[%get3A_158] {strides = array<i32>} : memref<4096xf32, #tpu.memory_space<vmem>>, vector<16xf32>,
          %get3A_160 = vector.shape_cast %get3A_159 : vector<16xf32> to vector<16xf32>
          %mul3A_161 = arith.mulf %get3A_152, %get3A_160 : vector<16xf32>
          %add3A_162 = arith.addf %broadcast_in_dim3A_142, %mul3A_161 : vector<16xf32>
          %mul3A_163 = arith.constant 16 : i32
          %mul3A_164 = arith.muli %mul3A_163, %scan3A_137 : i32
          %add3A_165 = arith.constant 256 : i32
          %add3A_166 = arith.addi %add3A_165, %mul3A_164 : i32
          %mul3A_167 = arith.constant 16 : i32
          %mul3A_168 = arith.muli %mul3A_167, %scan3A_137 : i32
          %add3A_169 = arith.constant 2304 : i32
          %add3A_170 = arith.addi %add3A_169, %mul3A_168 : i32
          %get3A_171 = arith.index_cast %add3A_166 : i32 to index
          %get3A_172 = tpu.vector_load %arg13[%get3A_171] {strides = array<i32>} : memref<2048xf32, #tpu.memory_space<vmem>>, vector<16xf32>,
          %get3A_173 = vector.shape_cast %get3A_172 : vector<16xf32> to vector<16xf32>
          %get3A_174 = arith.index_cast %add3A_166 : i32 to index
          %get3A_175 = tpu.vector_load %arg15[%get3A_174] {strides = array<i32>} : memref<4096xf32, #tpu.memory_space<vmem>>, vector<16xf32>,
          %get3A_176 = vector.shape_cast %get3A_175 : vector<16xf32> to vector<16xf32>
          %mul3A_177 = arith.mulf %get3A_173, %get3A_176 : vector<16xf32>
          %add3A_178 = arith.addf %add3A_157, %mul3A_177 : vector<16xf32>
          %get3A_179 = arith.index_cast %add3A_170 : i32 to index
          %get3A_180 = tpu.vector_load %arg15[%get3A_179] {strides = array<i32>} : memref<4096xf32, #tpu.memory_space<vmem>>, vector<16xf32>,
          %get3A_181 = vector.shape_cast %get3A_180 : vector<16xf32> to vector<16xf32>
          %mul3A_182 = arith.mulf %get3A_173, %get3A_181 : vector<16xf32>
          %add3A_183 = arith.addf %add3A_162, %mul3A_182 : vector<16xf32>
          %mul3A_184 = arith.constant 16 : i32
          %mul3A_185 = arith.muli %mul3A_184, %scan3A_137 : i32
          %add3A_186 = arith.constant 512 : i32
          %add3A_187 = arith.addi %add3A_186, %mul3A_185 : i32
          %mul3A_188 = arith.constant 16 : i32
          %mul3A_189 = arith.muli %mul3A_188, %scan3A_137 : i32
          %add3A_190 = arith.constant 2560 : i32
          %add3A_191 = arith.addi %add3A_190, %mul3A_189 : i32
          %get3A_192 = arith.index_cast %add3A_187 : i32 to index
          %get3A_193 = tpu.vector_load %arg13[%get3A_192] {strides = array<i32>} : memref<2048xf32, #tpu.memory_space<vmem>>, vector<16xf32>,
          %get3A_194 = vector.shape_cast %get3A_193 : vector<16xf32> to vector<16xf32>
          %get3A_195 = arith.index_cast %add3A_187 : i32 to index
          %get3A_196 = tpu.vector_load %arg15[%get3A_195] {strides = array<i32>} : memref<4096xf32, #tpu.memory_space<vmem>>, vector<16xf32>,
          %get3A_197 = vector.shape_cast %get3A_196 : vector<16xf32> to vector<16xf32>
          %mul3A_198 = arith.mulf %get3A_194, %get3A_197 : vector<16xf32>
          %add3A_199 = arith.addf %add3A_178, %mul3A_198 : vector<16xf32>
          %get3A_200 = arith.index_cast %add3A_191 : i32 to index
          %get3A_201 = tpu.vector_load %arg15[%get3A_200] {strides = array<i32>} : memref<4096xf32, #tpu.memory_space<vmem>>, vector<16xf32>,
          %get3A_202 = vector.shape_cast %get3A_201 : vector<16xf32> to vector<16xf32>
          %mul3A_203 = arith.mulf %get3A_194, %get3A_202 : vector<16xf32>
          %add3A_204 = arith.addf %add3A_183, %mul3A_203 : vector<16xf32>
          %mul3A_205 = arith.constant 16 : i32
          %mul3A_206 = arith.muli %mul3A_205, %scan3A_137 : i32
          %add3A_207 = arith.constant 768 : i32
          %add3A_208 = arith.addi %add3A_207, %mul3A_206 : i32
          %mul3A_209 = arith.constant 16 : i32
          %mul3A_210 = arith.muli %mul3A_209, %scan3A_137 : i32
          %add3A_211 = arith.constant 2816 : i32
          %add3A_212 = arith.addi %add3A_211, %mul3A_210 : i32
          %get3A_213 = arith.index_cast %add3A_208 : i32 to index
          %get3A_214 = tpu.vector_load %arg13[%get3A_213] {strides = array<i32>} : memref<2048xf32, #tpu.memory_space<vmem>>, vector<16xf32>,
          %get3A_215 = vector.shape_cast %get3A_214 : vector<16xf32> to vector<16xf32>
          %get3A_216 = arith.index_cast %add3A_208 : i32 to index
          %get3A_217 = tpu.vector_load %arg15[%get3A_216] {strides = array<i32>} : memref<4096xf32, #tpu.memory_space<vmem>>, vector<16xf32>,
          %get3A_218 = vector.shape_cast %get3A_217 : vector<16xf32> to vector<16xf32>
          %mul3A_219 = arith.mulf %get3A_215, %get3A_218 : vector<16xf32>
          %add3A_220 = arith.addf %add3A_199, %mul3A_219 : vector<16xf32>
          %get3A_221 = arith.index_cast %add3A_212 : i32 to index
          %get3A_222 = tpu.vector_load %arg15[%get3A_221] {strides = array<i32>} : memref<4096xf32, #tpu.memory_space<vmem>>, vector<16xf32>,
          %get3A_223 = vector.shape_cast %get3A_222 : vector<16xf32> to vector<16xf32>
          %mul3A_224 = arith.mulf %get3A_215, %get3A_223 : vector<16xf32>
          %add3A_225 = arith.addf %add3A_204, %mul3A_224 : vector<16xf32>
          %mul3A_226 = arith.constant 16 : i32
          %mul3A_227 = arith.muli %mul3A_226, %scan3A_137 : i32
          %add3A_228 = arith.constant 1024 : i32
          %add3A_229 = arith.addi %add3A_228, %mul3A_227 : i32
          %mul3A_230 = arith.constant 16 : i32
          %mul3A_231 = arith.muli %mul3A_230, %scan3A_137 : i32
          %add3A_232 = arith.constant 3072 : i32
          %add3A_233 = arith.addi %add3A_232, %mul3A_231 : i32
          %get3A_234 = arith.index_cast %add3A_229 : i32 to index
          %get3A_235 = tpu.vector_load %arg13[%get3A_234] {strides = array<i32>} : memref<2048xf32, #tpu.memory_space<vmem>>, vector<16xf32>,
          %get3A_236 = vector.shape_cast %get3A_235 : vector<16xf32> to vector<16xf32>
          %get3A_237 = arith.index_cast %add3A_229 : i32 to index
          %get3A_238 = tpu.vector_load %arg15[%get3A_237] {strides = array<i32>} : memref<4096xf32, #tpu.memory_space<vmem>>, vector<16xf32>,
          %get3A_239 = vector.shape_cast %get3A_238 : vector<16xf32> to vector<16xf32>
          %mul3A_240 = arith.mulf %get3A_236, %get3A_239 : vector<16xf32>
          %add3A_241 = arith.addf %add3A_220, %mul3A_240 : vector<16xf32>
          %get3A_242 = arith.index_cast %add3A_233 : i32 to index
          %get3A_243 = tpu.vector_load %arg15[%get3A_242] {strides = array<i32>} : memref<4096xf32, #tpu.memory_space<vmem>>, vector<16xf32>,
          %get3A_244 = vector.shape_cast %get3A_243 : vector<16xf32> to vector<16xf32>
          %mul3A_245 = arith.mulf %get3A_236, %get3A_244 : vector<16xf32>
          %add3A_246 = arith.addf %add3A_225, %mul3A_245 : vector<16xf32>
          %mul3A_247 = arith.constant 16 : i32
          %mul3A_248 = arith.muli %mul3A_247, %scan3A_137 : i32
          %add3A_249 = arith.constant 1280 : i32
          %add3A_250 = arith.addi %add3A_249, %mul3A_248 : i32
          %mul3A_251 = arith.constant 16 : i32
          %mul3A_252 = arith.muli %mul3A_251, %scan3A_137 : i32
          %add3A_253 = arith.constant 3328 : i32
          %add3A_254 = arith.addi %add3A_253, %mul3A_252 : i32
          %get3A_255 = arith.index_cast %add3A_250 : i32 to index
          %get3A_256 = tpu.vector_load %arg13[%get3A_255] {strides = array<i32>} : memref<2048xf32, #tpu.memory_space<vmem>>, vector<16xf32>,
          %get3A_257 = vector.shape_cast %get3A_256 : vector<16xf32> to vector<16xf32>
          %get3A_258 = arith.index_cast %add3A_250 : i32 to index
          %get3A_259 = tpu.vector_load %arg15[%get3A_258] {strides = array<i32>} : memref<4096xf32, #tpu.memory_space<vmem>>, vector<16xf32>,
          %get3A_260 = vector.shape_cast %get3A_259 : vector<16xf32> to vector<16xf32>
          %mul3A_261 = arith.mulf %get3A_257, %get3A_260 : vector<16xf32>
          %add3A_262 = arith.addf %add3A_241, %mul3A_261 : vector<16xf32>
          %get3A_263 = arith.index_cast %add3A_254 : i32 to index
          %get3A_264 = tpu.vector_load %arg15[%get3A_263] {strides = array<i32>} : memref<4096xf32, #tpu.memory_space<vmem>>, vector<16xf32>,
          %get3A_265 = vector.shape_cast %get3A_264 : vector<16xf32> to vector<16xf32>
          %mul3A_266 = arith.mulf %get3A_257, %get3A_265 : vector<16xf32>
          %add3A_267 = arith.addf %add3A_246, %mul3A_266 : vector<16xf32>
          %mul3A_268 = arith.constant 16 : i32
          %mul3A_269 = arith.muli %mul3A_268, %scan3A_137 : i32
          %add3A_270 = arith.constant 1536 : i32
          %add3A_271 = arith.addi %add3A_270, %mul3A_269 : i32
          %mul3A_272 = arith.constant 16 : i32
          %mul3A_273 = arith.muli %mul3A_272, %scan3A_137 : i32
          %add3A_274 = arith.constant 3584 : i32
          %add3A_275 = arith.addi %add3A_274, %mul3A_273 : i32
          %get3A_276 = arith.index_cast %add3A_271 : i32 to index
          %get3A_277 = tpu.vector_load %arg13[%get3A_276] {strides = array<i32>} : memref<2048xf32, #tpu.memory_space<vmem>>, vector<16xf32>,
          %get3A_278 = vector.shape_cast %get3A_277 : vector<16xf32> to vector<16xf32>
          %get3A_279 = arith.index_cast %add3A_271 : i32 to index
          %get3A_280 = tpu.vector_load %arg15[%get3A_279] {strides = array<i32>} : memref<4096xf32, #tpu.memory_space<vmem>>, vector<16xf32>,
          %get3A_281 = vector.shape_cast %get3A_280 : vector<16xf32> to vector<16xf32>
          %mul3A_282 = arith.mulf %get3A_278, %get3A_281 : vector<16xf32>
          %add3A_283 = arith.addf %add3A_262, %mul3A_282 : vector<16xf32>
          %get3A_284 = arith.index_cast %add3A_275 : i32 to index
          %get3A_285 = tpu.vector_load %arg15[%get3A_284] {strides = array<i32>} : memref<4096xf32, #tpu.memory_space<vmem>>, vector<16xf32>,
          %get3A_286 = vector.shape_cast %get3A_285 : vector<16xf32> to vector<16xf32>
          %mul3A_287 = arith.mulf %get3A_278, %get3A_286 : vector<16xf32>
          %add3A_288 = arith.addf %add3A_267, %mul3A_287 : vector<16xf32>
          %mul3A_289 = arith.constant 16 : i32
          %mul3A_290 = arith.muli %mul3A_289, %scan3A_137 : i32
          %add3A_291 = arith.constant 1792 : i32
          %add3A_292 = arith.addi %add3A_291, %mul3A_290 : i32
          %mul3A_293 = arith.constant 16 : i32
          %mul3A_294 = arith.muli %mul3A_293, %scan3A_137 : i32
          %add3A_295 = arith.constant 3840 : i32
          %add3A_296 = arith.addi %add3A_295, %mul3A_294 : i32
          %get3A_297 = arith.index_cast %add3A_292 : i32 to index
          %get3A_298 = tpu.vector_load %arg13[%get3A_297] {strides = array<i32>} : memref<2048xf32, #tpu.memory_space<vmem>>, vector<16xf32>,
          %get3A_299 = vector.shape_cast %get3A_298 : vector<16xf32> to vector<16xf32>
          %get3A_300 = arith.index_cast %add3A_292 : i32 to index
          %get3A_301 = tpu.vector_load %arg15[%get3A_300] {strides = array<i32>} : memref<4096xf32, #tpu.memory_space<vmem>>, vector<16xf32>,
          %get3A_302 = vector.shape_cast %get3A_301 : vector<16xf32> to vector<16xf32>
          %mul3A_303 = arith.mulf %get3A_299, %get3A_302 : vector<16xf32>
          %add3A_304 = arith.addf %add3A_283, %mul3A_303 : vector<16xf32>
          %get3A_305 = arith.index_cast %add3A_296 : i32 to index
          %get3A_306 = tpu.vector_load %arg15[%get3A_305] {strides = array<i32>} : memref<4096xf32, #tpu.memory_space<vmem>>, vector<16xf32>,
          %get3A_307 = vector.shape_cast %get3A_306 : vector<16xf32> to vector<16xf32>
          %mul3A_308 = arith.mulf %get3A_299, %get3A_307 : vector<16xf32>
          %add3A_309 = arith.addf %add3A_288, %mul3A_308 : vector<16xf32>
          %swap3A = arith.index_cast %mul3A_139 : i32 to index
          %swap3A_310 = tpu.vector_load %arg17[%swap3A] {strides = array<i32>} : memref<256xf32, #tpu.memory_space<vmem>>, vector<16xf32>,
          %swap3A_311 = vector.shape_cast %swap3A_310 : vector<16xf32> to vector<16xf32>
          %swap3A_312 = vector.shape_cast %add3A_304 : vector<16xf32> to vector<16xf32>
          tpu.vector_store %arg17[%swap3A], %swap3A_312 {strides = array<i32>} : memref<256xf32, #tpu.memory_space<vmem>>, vector<16xf32>,
          %swap3A_313 = arith.index_cast %mul3A_139 : i32 to index
          %swap3A_314 = tpu.vector_load %arg18[%swap3A_313] {strides = array<i32>} : memref<256xf32, #tpu.memory_space<vmem>>, vector<16xf32>,
          %swap3A_315 = vector.shape_cast %swap3A_314 : vector<16xf32> to vector<16xf32>
          %swap3A_316 = vector.shape_cast %add3A_309 : vector<16xf32> to vector<16xf32>
          tpu.vector_store %arg18[%swap3A_313], %swap3A_316 {strides = array<i32>} : memref<256xf32, #tpu.memory_space<vmem>>, vector<16xf32>,
        }
        %scan3A_95 = arith.constant 16 : i32
        %mul3A_96 = arith.constant 256 : i32
        %mul3A_97 = arith.muli %mul3A_89, %mul3A_96 : i32
        %add3A_98 = arith.addi %add3A_37, %mul3A_97 : i32
        %dma_start3A_99 = tpu.memref_slice %arg7[%add3A_98] : memref<8388608xf32, #tpu.memory_space<hbm>> -> memref<256xf32, #tpu.memory_space<hbm>>
        %dma_start3A_100 = tpu.memref_slice %arg7[%add3A_98] : memref<8388608xf32, #tpu.memory_space<hbm>> -> memref<256xf32, #tpu.memory_space<hbm>>
        tpu.enqueue_dma source(%arg17 : memref<256xf32, #tpu.memory_space<vmem>>) target(%dma_start3A_100 : memref<256xf32, #tpu.memory_space<hbm>>) target_semaphore(%arg23 : memref<!tpu.dma_semaphore, #tpu.memory_space<semaphore_mem>>)
        %add3A_101 = arith.constant 262144 : i32
        %add3A_102 = arith.addi %add3A_98, %add3A_101 : i32
        %dma_start3A_103 = tpu.memref_slice %arg7[%add3A_102] : memref<8388608xf32, #tpu.memory_space<hbm>> -> memref<256xf32, #tpu.memory_space<hbm>>
        %dma_start3A_104 = tpu.memref_slice %arg7[%add3A_102] : memref<8388608xf32, #tpu.memory_space<hbm>> -> memref<256xf32, #tpu.memory_space<hbm>>
        tpu.enqueue_dma source(%arg18 : memref<256xf32, #tpu.memory_space<vmem>>) target(%dma_start3A_104 : memref<256xf32, #tpu.memory_space<hbm>>) target_semaphore(%arg23 : memref<!tpu.dma_semaphore, #tpu.memory_space<semaphore_mem>>)
        %lt3A = arith.constant 15 : i32
        %lt3A_105 = arith.cmpi slt, %scan3A_66, %lt3A : i32
        %convert_element_type3A_106 = arith.extui %lt3A_105 : i1 to i32
        %cond3A_107 = arith.constant 0 : i32
        %cond3A_108 = arith.cmpi ne, %convert_element_type3A_106, %cond3A_107 : i32
        scf.if %cond3A_108 {
          %mul3A_137 = arith.constant 2 : i32
          %mul3A_138 = arith.muli %mul3A_137, %scan3A_66 : i32
          %add3A_139 = arith.constant 2 : i32
          %add3A_140 = arith.addi %mul3A_138, %add3A_139 : i32
          %mul3A_141 = arith.constant 256 : i32
          %mul3A_142 = arith.muli %add3A_140, %mul3A_141 : i32
          %scan3A_143 = arith.constant 0 : i32
          %scan3A_144 = arith.constant 0 : i32
          %scan3A_145 = arith.constant 16 : i32
          %scan3A_146 = arith.addi %scan3A_144, %scan3A_145 : i32
          %scan3A_147 = arith.constant 1 : i32
          scf.for %scan3A_151 = %scan3A_144 to %scan3A_146 step %scan3A_147  : i32 {
            %mul3A_152 = arith.constant 16 : i32
            %mul3A_153 = arith.muli %mul3A_152, %scan3A_151 : i32
            %add3A_154 = arith.addi %mul3A_142, %mul3A_153 : i32
            %get3A = arith.index_cast %add3A_154 : i32 to index
            %get3A_155 = tpu.vector_load %arg8[%get3A] {strides = array<i32>} : memref<8192xf32, #tpu.memory_space<vmem>>, vector<16xf32>,
            %get3A_156 = vector.shape_cast %get3A_155 : vector<16xf32> to vector<16xf32>
            %add3A_157 = arith.constant 1.000000e+00 : f32
            %add3A_158 = vector.broadcast %add3A_157 : f32 to vector<16xf32>
            %add3A_159 = arith.addf %get3A_156, %add3A_158 : vector<16xf32>
            %mul3A_160 = arith.constant 5.000000e-01 : f32
            %mul3A_161 = vector.broadcast %mul3A_160 : f32 to vector<16xf32>
            %mul3A_162 = arith.mulf %add3A_159, %mul3A_161 : vector<16xf32>
            %mul3A_163 = vector.broadcast %convert_element_type3A : f32 to vector<16xf32>
            %mul3A_164 = arith.mulf %mul3A_162, %mul3A_163 : vector<16xf32>
            %add3A_165 = arith.constant 5.000000e-01 : f32
            %add3A_166 = vector.broadcast %add3A_165 : f32 to vector<16xf32>
            %add3A_167 = arith.addf %mul3A_164, %add3A_166 : vector<16xf32>
            %convert_element_type3A_168 = arith.fptosi %add3A_167 : vector<16xf32> to vector<16xi32>
            %convert_element_type3A_169 = arith.sitofp %convert_element_type3A_168 : vector<16xi32> to vector<16xf32>
            %sub3A_170 = arith.subf %add3A_167, %convert_element_type3A_169 : vector<16xf32>
            %get3A_171 = arith.index_cast %add3A_154 : i32 to index
            %get3A_172 = tpu.vector_load %arg9[%get3A_171] {strides = array<i32>} : memref<8192xf32, #tpu.memory_space<vmem>>, vector<16xf32>,
            %get3A_173 = vector.shape_cast %get3A_172 : vector<16xf32> to vector<16xf32>
            %add3A_174 = arith.constant 1.000000e+00 : f32
            %add3A_175 = vector.broadcast %add3A_174 : f32 to vector<16xf32>
            %add3A_176 = arith.addf %get3A_173, %add3A_175 : vector<16xf32>
            %mul3A_177 = arith.constant 5.000000e-01 : f32
            %mul3A_178 = vector.broadcast %mul3A_177 : f32 to vector<16xf32>
            %mul3A_179 = arith.mulf %add3A_176, %mul3A_178 : vector<16xf32>
            %mul3A_180 = vector.broadcast %convert_element_type3A : f32 to vector<16xf32>
            %mul3A_181 = arith.mulf %mul3A_179, %mul3A_180 : vector<16xf32>
            %add3A_182 = arith.constant 5.000000e-01 : f32
            %add3A_183 = vector.broadcast %add3A_182 : f32 to vector<16xf32>
            %add3A_184 = arith.addf %mul3A_181, %add3A_183 : vector<16xf32>
            %convert_element_type3A_185 = arith.fptosi %add3A_184 : vector<16xf32> to vector<16xi32>
            %convert_element_type3A_186 = arith.sitofp %convert_element_type3A_185 : vector<16xi32> to vector<16xf32>
            %sub3A_187 = arith.subf %add3A_184, %convert_element_type3A_186 : vector<16xf32>
            %get3A_188 = arith.index_cast %add3A_154 : i32 to index
            %get3A_189 = tpu.vector_load %arg10[%get3A_188] {strides = array<i32>} : memref<8192xf32, #tpu.memory_space<vmem>>, vector<16xf32>,
            %get3A_190 = vector.shape_cast %get3A_189 : vector<16xf32> to vector<16xf32>
            %add3A_191 = arith.constant 1.000000e+00 : f32
            %add3A_192 = vector.broadcast %add3A_191 : f32 to vector<16xf32>
            %add3A_193 = arith.addf %get3A_190, %add3A_192 : vector<16xf32>
            %mul3A_194 = arith.constant 5.000000e-01 : f32
            %mul3A_195 = vector.broadcast %mul3A_194 : f32 to vector<16xf32>
            %mul3A_196 = arith.mulf %add3A_193, %mul3A_195 : vector<16xf32>
            %mul3A_197 = vector.broadcast %convert_element_type3A : f32 to vector<16xf32>
            %mul3A_198 = arith.mulf %mul3A_196, %mul3A_197 : vector<16xf32>
            %add3A_199 = arith.constant 5.000000e-01 : f32
            %add3A_200 = vector.broadcast %add3A_199 : f32 to vector<16xf32>
            %add3A_201 = arith.addf %mul3A_198, %add3A_200 : vector<16xf32>
            %convert_element_type3A_202 = arith.fptosi %add3A_201 : vector<16xf32> to vector<16xi32>
            %convert_element_type3A_203 = arith.sitofp %convert_element_type3A_202 : vector<16xi32> to vector<16xf32>
            %sub3A_204 = arith.subf %add3A_201, %convert_element_type3A_203 : vector<16xf32>
            %add3A_205 = arith.constant 1 : i32
            %add3A_206 = vector.broadcast %add3A_205 : i32 to vector<16xi32>
            %add3A_207 = arith.addi %convert_element_type3A_168, %add3A_206 : vector<16xi32>
            %mul3A_208 = vector.broadcast %add3A_26 : i32 to vector<16xi32>
            %mul3A_209 = arith.muli %convert_element_type3A_185, %mul3A_208 : vector<16xi32>
            %add3A_210 = vector.broadcast %add3A_26 : i32 to vector<16xi32>
            %add3A_211 = arith.addi %mul3A_209, %add3A_210 : vector<16xi32>
            %mul3A_212 = vector.broadcast %mul3A_34 : i32 to vector<16xi32>
            %mul3A_213 = arith.muli %convert_element_type3A_202, %mul3A_212 : vector<16xi32>
            %add3A_214 = vector.broadcast %mul3A_34 : i32 to vector<16xi32>
            %add3A_215 = arith.addi %mul3A_213, %add3A_214 : vector<16xi32>
            %sub3A_216 = arith.constant 1.000000e+00 : f32
            %sub3A_217 = vector.broadcast %sub3A_216 : f32 to vector<16xf32>
            %sub3A_218 = arith.subf %sub3A_217, %sub3A_170 : vector<16xf32>
            %sub3A_219 = arith.constant 1.000000e+00 : f32
            %sub3A_220 = vector.broadcast %sub3A_219 : f32 to vector<16xf32>
            %sub3A_221 = arith.subf %sub3A_220, %sub3A_187 : vector<16xf32>
            %sub3A_222 = arith.constant 1.000000e+00 : f32
            %sub3A_223 = vector.broadcast %sub3A_222 : f32 to vector<16xf32>
            %sub3A_224 = arith.subf %sub3A_223, %sub3A_204 : vector<16xf32>
            %add3A_225 = arith.addi %convert_element_type3A_168, %mul3A_209 : vector<16xi32>
            %add3A_226 = arith.addi %add3A_225, %mul3A_213 : vector<16xi32>
            %add3A_227 = vector.broadcast %select_n3A_33 : i32 to vector<16xi32>
            %add3A_228 = arith.addi %add3A_226, %add3A_227 : vector<16xi32>
            %mul3A_229 = arith.constant 2 : i32
            %mul3A_230 = vector.broadcast %mul3A_229 : i32 to vector<16xi32>
            %mul3A_231 = arith.muli %add3A_228, %mul3A_230 : vector<16xi32>
            %mul3A_232 = arith.mulf %sub3A_218, %sub3A_221 : vector<16xf32>
            %mul3A_233 = arith.mulf %mul3A_232, %sub3A_224 : vector<16xf32>
            %mul3A_234 = arith.constant 16 : i32
            %mul3A_235 = arith.muli %mul3A_234, %scan3A_151 : i32
            %add3A_236 = arith.constant 0 : i32
            %add3A_237 = arith.addi %add3A_236, %mul3A_235 : i32
            %swap3A = arith.index_cast %add3A_237 : i32 to index
            %swap3A_238 = tpu.vector_load %arg11[%swap3A] {strides = array<i32>} : memref<4096xi32, #tpu.memory_space<vmem>>, vector<16xi32>,
            %swap3A_239 = vector.shape_cast %swap3A_238 : vector<16xi32> to vector<16xi32>
            %swap3A_240 = vector.shape_cast %mul3A_231 : vector<16xi32> to vector<16xi32>
            tpu.vector_store %arg11[%swap3A], %swap3A_240 {strides = array<i32>} : memref<4096xi32, #tpu.memory_space<vmem>>, vector<16xi32>,
            %add3A_241 = arith.constant 1 : i32
            %add3A_242 = vector.broadcast %add3A_241 : i32 to vector<16xi32>
            %add3A_243 = arith.addi %mul3A_231, %add3A_242 : vector<16xi32>
            %mul3A_244 = arith.constant 16 : i32
            %mul3A_245 = arith.muli %mul3A_244, %scan3A_151 : i32
            %add3A_246 = arith.constant 2048 : i32
            %add3A_247 = arith.addi %add3A_246, %mul3A_245 : i32
            %swap3A_248 = arith.index_cast %add3A_247 : i32 to index
            %swap3A_249 = tpu.vector_load %arg11[%swap3A_248] {strides = array<i32>} : memref<4096xi32, #tpu.memory_space<vmem>>, vector<16xi32>,
            %swap3A_250 = vector.shape_cast %swap3A_249 : vector<16xi32> to vector<16xi32>
            %swap3A_251 = vector.shape_cast %add3A_243 : vector<16xi32> to vector<16xi32>
            tpu.vector_store %arg11[%swap3A_248], %swap3A_251 {strides = array<i32>} : memref<4096xi32, #tpu.memory_space<vmem>>, vector<16xi32>,
            %mul3A_252 = arith.constant 16 : i32
            %mul3A_253 = arith.muli %mul3A_252, %scan3A_151 : i32
            %add3A_254 = arith.constant 0 : i32
            %add3A_255 = arith.addi %add3A_254, %mul3A_253 : i32
            %swap3A_256 = arith.index_cast %add3A_255 : i32 to index
            %swap3A_257 = tpu.vector_load %arg13[%swap3A_256] {strides = array<i32>} : memref<2048xf32, #tpu.memory_space<vmem>>, vector<16xf32>,
            %swap3A_258 = vector.shape_cast %swap3A_257 : vector<16xf32> to vector<16xf32>
            %swap3A_259 = vector.shape_cast %mul3A_233 : vector<16xf32> to vector<16xf32>
            tpu.vector_store %arg13[%swap3A_256], %swap3A_259 {strides = array<i32>} : memref<2048xf32, #tpu.memory_space<vmem>>, vector<16xf32>,
            %add3A_260 = arith.addi %add3A_207, %mul3A_209 : vector<16xi32>
            %add3A_261 = arith.addi %add3A_260, %mul3A_213 : vector<16xi32>
            %add3A_262 = vector.broadcast %select_n3A_33 : i32 to vector<16xi32>
            %add3A_263 = arith.addi %add3A_261, %add3A_262 : vector<16xi32>
            %mul3A_264 = arith.constant 2 : i32
            %mul3A_265 = vector.broadcast %mul3A_264 : i32 to vector<16xi32>
            %mul3A_266 = arith.muli %add3A_263, %mul3A_265 : vector<16xi32>
            %mul3A_267 = arith.mulf %sub3A_170, %sub3A_221 : vector<16xf32>
            %mul3A_268 = arith.mulf %mul3A_267, %sub3A_224 : vector<16xf32>
            %mul3A_269 = arith.constant 16 : i32
            %mul3A_270 = arith.muli %mul3A_269, %scan3A_151 : i32
            %add3A_271 = arith.constant 256 : i32
            %add3A_272 = arith.addi %add3A_271, %mul3A_270 : i32
            %swap3A_273 = arith.index_cast %add3A_272 : i32 to index
            %swap3A_274 = tpu.vector_load %arg11[%swap3A_273] {strides = array<i32>} : memref<4096xi32, #tpu.memory_space<vmem>>, vector<16xi32>,
            %swap3A_275 = vector.shape_cast %swap3A_274 : vector<16xi32> to vector<16xi32>
            %swap3A_276 = vector.shape_cast %mul3A_266 : vector<16xi32> to vector<16xi32>
            tpu.vector_store %arg11[%swap3A_273], %swap3A_276 {strides = array<i32>} : memref<4096xi32, #tpu.memory_space<vmem>>, vector<16xi32>,
            %add3A_277 = arith.constant 1 : i32
            %add3A_278 = vector.broadcast %add3A_277 : i32 to vector<16xi32>
            %add3A_279 = arith.addi %mul3A_266, %add3A_278 : vector<16xi32>
            %mul3A_280 = arith.constant 16 : i32
            %mul3A_281 = arith.muli %mul3A_280, %scan3A_151 : i32
            %add3A_282 = arith.constant 2304 : i32
            %add3A_283 = arith.addi %add3A_282, %mul3A_281 : i32
            %swap3A_284 = arith.index_cast %add3A_283 : i32 to index
            %swap3A_285 = tpu.vector_load %arg11[%swap3A_284] {strides = array<i32>} : memref<4096xi32, #tpu.memory_space<vmem>>, vector<16xi32>,
            %swap3A_286 = vector.shape_cast %swap3A_285 : vector<16xi32> to vector<16xi32>
            %swap3A_287 = vector.shape_cast %add3A_279 : vector<16xi32> to vector<16xi32>
            tpu.vector_store %arg11[%swap3A_284], %swap3A_287 {strides = array<i32>} : memref<4096xi32, #tpu.memory_space<vmem>>, vector<16xi32>,
            %mul3A_288 = arith.constant 16 : i32
            %mul3A_289 = arith.muli %mul3A_288, %scan3A_151 : i32
            %add3A_290 = arith.constant 256 : i32
            %add3A_291 = arith.addi %add3A_290, %mul3A_289 : i32
            %swap3A_292 = arith.index_cast %add3A_291 : i32 to index
            %swap3A_293 = tpu.vector_load %arg13[%swap3A_292] {strides = array<i32>} : memref<2048xf32, #tpu.memory_space<vmem>>, vector<16xf32>,
            %swap3A_294 = vector.shape_cast %swap3A_293 : vector<16xf32> to vector<16xf32>
            %swap3A_295 = vector.shape_cast %mul3A_268 : vector<16xf32> to vector<16xf32>
            tpu.vector_store %arg13[%swap3A_292], %swap3A_295 {strides = array<i32>} : memref<2048xf32, #tpu.memory_space<vmem>>, vector<16xf32>,
            %add3A_296 = arith.addi %convert_element_type3A_168, %add3A_211 : vector<16xi32>
            %add3A_297 = arith.addi %add3A_296, %mul3A_213 : vector<16xi32>
            %add3A_298 = vector.broadcast %select_n3A_33 : i32 to vector<16xi32>
            %add3A_299 = arith.addi %add3A_297, %add3A_298 : vector<16xi32>
            %mul3A_300 = arith.constant 2 : i32
            %mul3A_301 = vector.broadcast %mul3A_300 : i32 to vector<16xi32>
            %mul3A_302 = arith.muli %add3A_299, %mul3A_301 : vector<16xi32>
            %mul3A_303 = arith.mulf %sub3A_218, %sub3A_187 : vector<16xf32>
            %mul3A_304 = arith.mulf %mul3A_303, %sub3A_224 : vector<16xf32>
            %mul3A_305 = arith.constant 16 : i32
            %mul3A_306 = arith.muli %mul3A_305, %scan3A_151 : i32
            %add3A_307 = arith.constant 512 : i32
            %add3A_308 = arith.addi %add3A_307, %mul3A_306 : i32
            %swap3A_309 = arith.index_cast %add3A_308 : i32 to index
            %swap3A_310 = tpu.vector_load %arg11[%swap3A_309] {strides = array<i32>} : memref<4096xi32, #tpu.memory_space<vmem>>, vector<16xi32>,
            %swap3A_311 = vector.shape_cast %swap3A_310 : vector<16xi32> to vector<16xi32>
            %swap3A_312 = vector.shape_cast %mul3A_302 : vector<16xi32> to vector<16xi32>
            tpu.vector_store %arg11[%swap3A_309], %swap3A_312 {strides = array<i32>} : memref<4096xi32, #tpu.memory_space<vmem>>, vector<16xi32>,
            %add3A_313 = arith.constant 1 : i32
            %add3A_314 = vector.broadcast %add3A_313 : i32 to vector<16xi32>
            %add3A_315 = arith.addi %mul3A_302, %add3A_314 : vector<16xi32>
            %mul3A_316 = arith.constant 16 : i32
            %mul3A_317 = arith.muli %mul3A_316, %scan3A_151 : i32
            %add3A_318 = arith.constant 2560 : i32
            %add3A_319 = arith.addi %add3A_318, %mul3A_317 : i32
            %swap3A_320 = arith.index_cast %add3A_319 : i32 to index
            %swap3A_321 = tpu.vector_load %arg11[%swap3A_320] {strides = array<i32>} : memref<4096xi32, #tpu.memory_space<vmem>>, vector<16xi32>,
            %swap3A_322 = vector.shape_cast %swap3A_321 : vector<16xi32> to vector<16xi32>
            %swap3A_323 = vector.shape_cast %add3A_315 : vector<16xi32> to vector<16xi32>
            tpu.vector_store %arg11[%swap3A_320], %swap3A_323 {strides = array<i32>} : memref<4096xi32, #tpu.memory_space<vmem>>, vector<16xi32>,
            %mul3A_324 = arith.constant 16 : i32
            %mul3A_325 = arith.muli %mul3A_324, %scan3A_151 : i32
            %add3A_326 = arith.constant 512 : i32
            %add3A_327 = arith.addi %add3A_326, %mul3A_325 : i32
            %swap3A_328 = arith.index_cast %add3A_327 : i32 to index
            %swap3A_329 = tpu.vector_load %arg13[%swap3A_328] {strides = array<i32>} : memref<2048xf32, #tpu.memory_space<vmem>>, vector<16xf32>,
            %swap3A_330 = vector.shape_cast %swap3A_329 : vector<16xf32> to vector<16xf32>
            %swap3A_331 = vector.shape_cast %mul3A_304 : vector<16xf32> to vector<16xf32>
            tpu.vector_store %arg13[%swap3A_328], %swap3A_331 {strides = array<i32>} : memref<2048xf32, #tpu.memory_space<vmem>>, vector<16xf32>,
            %add3A_332 = arith.addi %add3A_207, %add3A_211 : vector<16xi32>
            %add3A_333 = arith.addi %add3A_332, %mul3A_213 : vector<16xi32>
            %add3A_334 = vector.broadcast %select_n3A_33 : i32 to vector<16xi32>
            %add3A_335 = arith.addi %add3A_333, %add3A_334 : vector<16xi32>
            %mul3A_336 = arith.constant 2 : i32
            %mul3A_337 = vector.broadcast %mul3A_336 : i32 to vector<16xi32>
            %mul3A_338 = arith.muli %add3A_335, %mul3A_337 : vector<16xi32>
            %mul3A_339 = arith.mulf %sub3A_170, %sub3A_187 : vector<16xf32>
            %mul3A_340 = arith.mulf %mul3A_339, %sub3A_224 : vector<16xf32>
            %mul3A_341 = arith.constant 16 : i32
            %mul3A_342 = arith.muli %mul3A_341, %scan3A_151 : i32
            %add3A_343 = arith.constant 768 : i32
            %add3A_344 = arith.addi %add3A_343, %mul3A_342 : i32
            %swap3A_345 = arith.index_cast %add3A_344 : i32 to index
            %swap3A_346 = tpu.vector_load %arg11[%swap3A_345] {strides = array<i32>} : memref<4096xi32, #tpu.memory_space<vmem>>, vector<16xi32>,
            %swap3A_347 = vector.shape_cast %swap3A_346 : vector<16xi32> to vector<16xi32>
            %swap3A_348 = vector.shape_cast %mul3A_338 : vector<16xi32> to vector<16xi32>
            tpu.vector_store %arg11[%swap3A_345], %swap3A_348 {strides = array<i32>} : memref<4096xi32, #tpu.memory_space<vmem>>, vector<16xi32>,
            %add3A_349 = arith.constant 1 : i32
            %add3A_350 = vector.broadcast %add3A_349 : i32 to vector<16xi32>
            %add3A_351 = arith.addi %mul3A_338, %add3A_350 : vector<16xi32>
            %mul3A_352 = arith.constant 16 : i32
            %mul3A_353 = arith.muli %mul3A_352, %scan3A_151 : i32
            %add3A_354 = arith.constant 2816 : i32
            %add3A_355 = arith.addi %add3A_354, %mul3A_353 : i32
            %swap3A_356 = arith.index_cast %add3A_355 : i32 to index
            %swap3A_357 = tpu.vector_load %arg11[%swap3A_356] {strides = array<i32>} : memref<4096xi32, #tpu.memory_space<vmem>>, vector<16xi32>,
            %swap3A_358 = vector.shape_cast %swap3A_357 : vector<16xi32> to vector<16xi32>
            %swap3A_359 = vector.shape_cast %add3A_351 : vector<16xi32> to vector<16xi32>
            tpu.vector_store %arg11[%swap3A_356], %swap3A_359 {strides = array<i32>} : memref<4096xi32, #tpu.memory_space<vmem>>, vector<16xi32>,
            %mul3A_360 = arith.constant 16 : i32
            %mul3A_361 = arith.muli %mul3A_360, %scan3A_151 : i32
            %add3A_362 = arith.constant 768 : i32
            %add3A_363 = arith.addi %add3A_362, %mul3A_361 : i32
            %swap3A_364 = arith.index_cast %add3A_363 : i32 to index
            %swap3A_365 = tpu.vector_load %arg13[%swap3A_364] {strides = array<i32>} : memref<2048xf32, #tpu.memory_space<vmem>>, vector<16xf32>,
            %swap3A_366 = vector.shape_cast %swap3A_365 : vector<16xf32> to vector<16xf32>
            %swap3A_367 = vector.shape_cast %mul3A_340 : vector<16xf32> to vector<16xf32>
            tpu.vector_store %arg13[%swap3A_364], %swap3A_367 {strides = array<i32>} : memref<2048xf32, #tpu.memory_space<vmem>>, vector<16xf32>,
            %add3A_368 = arith.addi %convert_element_type3A_168, %mul3A_209 : vector<16xi32>
            %add3A_369 = arith.addi %add3A_368, %add3A_215 : vector<16xi32>
            %add3A_370 = vector.broadcast %select_n3A_33 : i32 to vector<16xi32>
            %add3A_371 = arith.addi %add3A_369, %add3A_370 : vector<16xi32>
            %mul3A_372 = arith.constant 2 : i32
            %mul3A_373 = vector.broadcast %mul3A_372 : i32 to vector<16xi32>
            %mul3A_374 = arith.muli %add3A_371, %mul3A_373 : vector<16xi32>
            %mul3A_375 = arith.mulf %sub3A_218, %sub3A_221 : vector<16xf32>
            %mul3A_376 = arith.mulf %mul3A_375, %sub3A_204 : vector<16xf32>
            %mul3A_377 = arith.constant 16 : i32
            %mul3A_378 = arith.muli %mul3A_377, %scan3A_151 : i32
            %add3A_379 = arith.constant 1024 : i32
            %add3A_380 = arith.addi %add3A_379, %mul3A_378 : i32
            %swap3A_381 = arith.index_cast %add3A_380 : i32 to index
            %swap3A_382 = tpu.vector_load %arg11[%swap3A_381] {strides = array<i32>} : memref<4096xi32, #tpu.memory_space<vmem>>, vector<16xi32>,
            %swap3A_383 = vector.shape_cast %swap3A_382 : vector<16xi32> to vector<16xi32>
            %swap3A_384 = vector.shape_cast %mul3A_374 : vector<16xi32> to vector<16xi32>
            tpu.vector_store %arg11[%swap3A_381], %swap3A_384 {strides = array<i32>} : memref<4096xi32, #tpu.memory_space<vmem>>, vector<16xi32>,
            %add3A_385 = arith.constant 1 : i32
            %add3A_386 = vector.broadcast %add3A_385 : i32 to vector<16xi32>
            %add3A_387 = arith.addi %mul3A_374, %add3A_386 : vector<16xi32>
            %mul3A_388 = arith.constant 16 : i32
            %mul3A_389 = arith.muli %mul3A_388, %scan3A_151 : i32
            %add3A_390 = arith.constant 3072 : i32
            %add3A_391 = arith.addi %add3A_390, %mul3A_389 : i32
            %swap3A_392 = arith.index_cast %add3A_391 : i32 to index
            %swap3A_393 = tpu.vector_load %arg11[%swap3A_392] {strides = array<i32>} : memref<4096xi32, #tpu.memory_space<vmem>>, vector<16xi32>,
            %swap3A_394 = vector.shape_cast %swap3A_393 : vector<16xi32> to vector<16xi32>
            %swap3A_395 = vector.shape_cast %add3A_387 : vector<16xi32> to vector<16xi32>
            tpu.vector_store %arg11[%swap3A_392], %swap3A_395 {strides = array<i32>} : memref<4096xi32, #tpu.memory_space<vmem>>, vector<16xi32>,
            %mul3A_396 = arith.constant 16 : i32
            %mul3A_397 = arith.muli %mul3A_396, %scan3A_151 : i32
            %add3A_398 = arith.constant 1024 : i32
            %add3A_399 = arith.addi %add3A_398, %mul3A_397 : i32
            %swap3A_400 = arith.index_cast %add3A_399 : i32 to index
            %swap3A_401 = tpu.vector_load %arg13[%swap3A_400] {strides = array<i32>} : memref<2048xf32, #tpu.memory_space<vmem>>, vector<16xf32>,
            %swap3A_402 = vector.shape_cast %swap3A_401 : vector<16xf32> to vector<16xf32>
            %swap3A_403 = vector.shape_cast %mul3A_376 : vector<16xf32> to vector<16xf32>
            tpu.vector_store %arg13[%swap3A_400], %swap3A_403 {strides = array<i32>} : memref<2048xf32, #tpu.memory_space<vmem>>, vector<16xf32>,
            %add3A_404 = arith.addi %add3A_207, %mul3A_209 : vector<16xi32>
            %add3A_405 = arith.addi %add3A_404, %add3A_215 : vector<16xi32>
            %add3A_406 = vector.broadcast %select_n3A_33 : i32 to vector<16xi32>
            %add3A_407 = arith.addi %add3A_405, %add3A_406 : vector<16xi32>
            %mul3A_408 = arith.constant 2 : i32
            %mul3A_409 = vector.broadcast %mul3A_408 : i32 to vector<16xi32>
            %mul3A_410 = arith.muli %add3A_407, %mul3A_409 : vector<16xi32>
            %mul3A_411 = arith.mulf %sub3A_170, %sub3A_221 : vector<16xf32>
            %mul3A_412 = arith.mulf %mul3A_411, %sub3A_204 : vector<16xf32>
            %mul3A_413 = arith.constant 16 : i32
            %mul3A_414 = arith.muli %mul3A_413, %scan3A_151 : i32
            %add3A_415 = arith.constant 1280 : i32
            %add3A_416 = arith.addi %add3A_415, %mul3A_414 : i32
            %swap3A_417 = arith.index_cast %add3A_416 : i32 to index
            %swap3A_418 = tpu.vector_load %arg11[%swap3A_417] {strides = array<i32>} : memref<4096xi32, #tpu.memory_space<vmem>>, vector<16xi32>,
            %swap3A_419 = vector.shape_cast %swap3A_418 : vector<16xi32> to vector<16xi32>
            %swap3A_420 = vector.shape_cast %mul3A_410 : vector<16xi32> to vector<16xi32>
            tpu.vector_store %arg11[%swap3A_417], %swap3A_420 {strides = array<i32>} : memref<4096xi32, #tpu.memory_space<vmem>>, vector<16xi32>,
            %add3A_421 = arith.constant 1 : i32
            %add3A_422 = vector.broadcast %add3A_421 : i32 to vector<16xi32>
            %add3A_423 = arith.addi %mul3A_410, %add3A_422 : vector<16xi32>
            %mul3A_424 = arith.constant 16 : i32
            %mul3A_425 = arith.muli %mul3A_424, %scan3A_151 : i32
            %add3A_426 = arith.constant 3328 : i32
            %add3A_427 = arith.addi %add3A_426, %mul3A_425 : i32
            %swap3A_428 = arith.index_cast %add3A_427 : i32 to index
            %swap3A_429 = tpu.vector_load %arg11[%swap3A_428] {strides = array<i32>} : memref<4096xi32, #tpu.memory_space<vmem>>, vector<16xi32>,
            %swap3A_430 = vector.shape_cast %swap3A_429 : vector<16xi32> to vector<16xi32>
            %swap3A_431 = vector.shape_cast %add3A_423 : vector<16xi32> to vector<16xi32>
            tpu.vector_store %arg11[%swap3A_428], %swap3A_431 {strides = array<i32>} : memref<4096xi32, #tpu.memory_space<vmem>>, vector<16xi32>,
            %mul3A_432 = arith.constant 16 : i32
            %mul3A_433 = arith.muli %mul3A_432, %scan3A_151 : i32
            %add3A_434 = arith.constant 1280 : i32
            %add3A_435 = arith.addi %add3A_434, %mul3A_433 : i32
            %swap3A_436 = arith.index_cast %add3A_435 : i32 to index
            %swap3A_437 = tpu.vector_load %arg13[%swap3A_436] {strides = array<i32>} : memref<2048xf32, #tpu.memory_space<vmem>>, vector<16xf32>,
            %swap3A_438 = vector.shape_cast %swap3A_437 : vector<16xf32> to vector<16xf32>
            %swap3A_439 = vector.shape_cast %mul3A_412 : vector<16xf32> to vector<16xf32>
            tpu.vector_store %arg13[%swap3A_436], %swap3A_439 {strides = array<i32>} : memref<2048xf32, #tpu.memory_space<vmem>>, vector<16xf32>,
            %add3A_440 = arith.addi %convert_element_type3A_168, %add3A_211 : vector<16xi32>
            %add3A_441 = arith.addi %add3A_440, %add3A_215 : vector<16xi32>
            %add3A_442 = vector.broadcast %select_n3A_33 : i32 to vector<16xi32>
            %add3A_443 = arith.addi %add3A_441, %add3A_442 : vector<16xi32>
            %mul3A_444 = arith.constant 2 : i32
            %mul3A_445 = vector.broadcast %mul3A_444 : i32 to vector<16xi32>
            %mul3A_446 = arith.muli %add3A_443, %mul3A_445 : vector<16xi32>
            %mul3A_447 = arith.mulf %sub3A_218, %sub3A_187 : vector<16xf32>
            %mul3A_448 = arith.mulf %mul3A_447, %sub3A_204 : vector<16xf32>
            %mul3A_449 = arith.constant 16 : i32
            %mul3A_450 = arith.muli %mul3A_449, %scan3A_151 : i32
            %add3A_451 = arith.constant 1536 : i32
            %add3A_452 = arith.addi %add3A_451, %mul3A_450 : i32
            %swap3A_453 = arith.index_cast %add3A_452 : i32 to index
            %swap3A_454 = tpu.vector_load %arg11[%swap3A_453] {strides = array<i32>} : memref<4096xi32, #tpu.memory_space<vmem>>, vector<16xi32>,
            %swap3A_455 = vector.shape_cast %swap3A_454 : vector<16xi32> to vector<16xi32>
            %swap3A_456 = vector.shape_cast %mul3A_446 : vector<16xi32> to vector<16xi32>
            tpu.vector_store %arg11[%swap3A_453], %swap3A_456 {strides = array<i32>} : memref<4096xi32, #tpu.memory_space<vmem>>, vector<16xi32>,
            %add3A_457 = arith.constant 1 : i32
            %add3A_458 = vector.broadcast %add3A_457 : i32 to vector<16xi32>
            %add3A_459 = arith.addi %mul3A_446, %add3A_458 : vector<16xi32>
            %mul3A_460 = arith.constant 16 : i32
            %mul3A_461 = arith.muli %mul3A_460, %scan3A_151 : i32
            %add3A_462 = arith.constant 3584 : i32
            %add3A_463 = arith.addi %add3A_462, %mul3A_461 : i32
            %swap3A_464 = arith.index_cast %add3A_463 : i32 to index
            %swap3A_465 = tpu.vector_load %arg11[%swap3A_464] {strides = array<i32>} : memref<4096xi32, #tpu.memory_space<vmem>>, vector<16xi32>,
            %swap3A_466 = vector.shape_cast %swap3A_465 : vector<16xi32> to vector<16xi32>
            %swap3A_467 = vector.shape_cast %add3A_459 : vector<16xi32> to vector<16xi32>
            tpu.vector_store %arg11[%swap3A_464], %swap3A_467 {strides = array<i32>} : memref<4096xi32, #tpu.memory_space<vmem>>, vector<16xi32>,
            %mul3A_468 = arith.constant 16 : i32
            %mul3A_469 = arith.muli %mul3A_468, %scan3A_151 : i32
            %add3A_470 = arith.constant 1536 : i32
            %add3A_471 = arith.addi %add3A_470, %mul3A_469 : i32
            %swap3A_472 = arith.index_cast %add3A_471 : i32 to index
            %swap3A_473 = tpu.vector_load %arg13[%swap3A_472] {strides = array<i32>} : memref<2048xf32, #tpu.memory_space<vmem>>, vector<16xf32>,
            %swap3A_474 = vector.shape_cast %swap3A_473 : vector<16xf32> to vector<16xf32>
            %swap3A_475 = vector.shape_cast %mul3A_448 : vector<16xf32> to vector<16xf32>
            tpu.vector_store %arg13[%swap3A_472], %swap3A_475 {strides = array<i32>} : memref<2048xf32, #tpu.memory_space<vmem>>, vector<16xf32>,
            %add3A_476 = arith.addi %add3A_207, %add3A_211 : vector<16xi32>
            %add3A_477 = arith.addi %add3A_476, %add3A_215 : vector<16xi32>
            %add3A_478 = vector.broadcast %select_n3A_33 : i32 to vector<16xi32>
            %add3A_479 = arith.addi %add3A_477, %add3A_478 : vector<16xi32>
            %mul3A_480 = arith.constant 2 : i32
            %mul3A_481 = vector.broadcast %mul3A_480 : i32 to vector<16xi32>
            %mul3A_482 = arith.muli %add3A_479, %mul3A_481 : vector<16xi32>
            %mul3A_483 = arith.mulf %sub3A_170, %sub3A_187 : vector<16xf32>
            %mul3A_484 = arith.mulf %mul3A_483, %sub3A_204 : vector<16xf32>
            %mul3A_485 = arith.constant 16 : i32
            %mul3A_486 = arith.muli %mul3A_485, %scan3A_151 : i32
            %add3A_487 = arith.constant 1792 : i32
            %add3A_488 = arith.addi %add3A_487, %mul3A_486 : i32
            %swap3A_489 = arith.index_cast %add3A_488 : i32 to index
            %swap3A_490 = tpu.vector_load %arg11[%swap3A_489] {strides = array<i32>} : memref<4096xi32, #tpu.memory_space<vmem>>, vector<16xi32>,
            %swap3A_491 = vector.shape_cast %swap3A_490 : vector<16xi32> to vector<16xi32>
            %swap3A_492 = vector.shape_cast %mul3A_482 : vector<16xi32> to vector<16xi32>
            tpu.vector_store %arg11[%swap3A_489], %swap3A_492 {strides = array<i32>} : memref<4096xi32, #tpu.memory_space<vmem>>, vector<16xi32>,
            %add3A_493 = arith.constant 1 : i32
            %add3A_494 = vector.broadcast %add3A_493 : i32 to vector<16xi32>
            %add3A_495 = arith.addi %mul3A_482, %add3A_494 : vector<16xi32>
            %mul3A_496 = arith.constant 16 : i32
            %mul3A_497 = arith.muli %mul3A_496, %scan3A_151 : i32
            %add3A_498 = arith.constant 3840 : i32
            %add3A_499 = arith.addi %add3A_498, %mul3A_497 : i32
            %swap3A_500 = arith.index_cast %add3A_499 : i32 to index
            %swap3A_501 = tpu.vector_load %arg11[%swap3A_500] {strides = array<i32>} : memref<4096xi32, #tpu.memory_space<vmem>>, vector<16xi32>,
            %swap3A_502 = vector.shape_cast %swap3A_501 : vector<16xi32> to vector<16xi32>
            %swap3A_503 = vector.shape_cast %add3A_495 : vector<16xi32> to vector<16xi32>
            tpu.vector_store %arg11[%swap3A_500], %swap3A_503 {strides = array<i32>} : memref<4096xi32, #tpu.memory_space<vmem>>, vector<16xi32>,
            %mul3A_504 = arith.constant 16 : i32
            %mul3A_505 = arith.muli %mul3A_504, %scan3A_151 : i32
            %add3A_506 = arith.constant 1792 : i32
            %add3A_507 = arith.addi %add3A_506, %mul3A_505 : i32
            %swap3A_508 = arith.index_cast %add3A_507 : i32 to index
            %swap3A_509 = tpu.vector_load %arg13[%swap3A_508] {strides = array<i32>} : memref<2048xf32, #tpu.memory_space<vmem>>, vector<16xf32>,
            %swap3A_510 = vector.shape_cast %swap3A_509 : vector<16xf32> to vector<16xf32>
            %swap3A_511 = vector.shape_cast %mul3A_484 : vector<16xf32> to vector<16xf32>
            tpu.vector_store %arg13[%swap3A_508], %swap3A_511 {strides = array<i32>} : memref<2048xf32, #tpu.memory_space<vmem>>, vector<16xf32>,
          }
          %scan3A_148 = arith.constant 16 : i32
          %dma_start3A_149 = arith.constant 0 : i32
          %dma_start3A_150 = tpu.memref_slice %arg25[%dma_start3A_149] : memref<1048576xf32, #tpu.memory_space<vmem_shared>> -> memref<1048576xf32, #tpu.memory_space<vmem_shared>>
          tpu.enqueue_indirect_dma source(%dma_start3A_150 : memref<1048576xf32, #tpu.memory_space<vmem_shared>>) target(%arg15 : memref<4096xf32, #tpu.memory_space<vmem>>) offsets(%arg11 : memref<4096xi32, #tpu.memory_space<vmem>>) semaphore(%arg21 : memref<!tpu.dma_semaphore, #tpu.memory_space<semaphore_mem>>)
        } else {
        }
        %dma_wait3A_109 = arith.constant 0 : i32
        %dma_wait3A_110 = tpu.memref_slice %arg7[%dma_wait3A_109] : memref<8388608xf32, #tpu.memory_space<hbm>> -> memref<4096xf32, #tpu.memory_space<hbm>>
        %dma_wait3A_111 = arith.constant 0 : i32
        %dma_wait3A_112 = tpu.memref_slice %arg7[%dma_wait3A_111] : memref<8388608xf32, #tpu.memory_space<hbm>> -> memref<4096xf32, #tpu.memory_space<hbm>>
        tpu.wait_dma2 semaphore(%arg22 : memref<!tpu.dma_semaphore, #tpu.memory_space<semaphore_mem>>) src(%dma_wait3A_112 : memref<4096xf32, #tpu.memory_space<hbm>>) dst(%arg16 : memref<4096xf32, #tpu.memory_space<vmem>>)
        %ge3A_113 = arith.constant 1 : i32
        %ge3A_114 = arith.cmpi sge, %scan3A_66, %ge3A_113 : i32
        %convert_element_type3A_115 = arith.extui %ge3A_114 : i1 to i32
        %cond3A_116 = arith.constant 0 : i32
        %cond3A_117 = arith.cmpi ne, %convert_element_type3A_115, %cond3A_116 : i32
        scf.if %cond3A_117 {
          %dma_wait3A_137 = arith.constant 0 : i32
          %dma_wait3A_138 = tpu.memref_slice %arg7[%dma_wait3A_137] : memref<8388608xf32, #tpu.memory_space<hbm>> -> memref<256xf32, #tpu.memory_space<hbm>>
          %dma_wait3A_139 = arith.constant 0 : i32
          %dma_wait3A_140 = tpu.memref_slice %arg7[%dma_wait3A_139] : memref<8388608xf32, #tpu.memory_space<hbm>> -> memref<256xf32, #tpu.memory_space<hbm>>
          tpu.wait_dma2 semaphore(%arg24 : memref<!tpu.dma_semaphore, #tpu.memory_space<semaphore_mem>>) src(%dma_wait3A_140 : memref<256xf32, #tpu.memory_space<hbm>>) dst(%arg19 : memref<256xf32, #tpu.memory_space<vmem>>)
          %dma_wait3A_141 = arith.constant 0 : i32
          %dma_wait3A_142 = tpu.memref_slice %arg7[%dma_wait3A_141] : memref<8388608xf32, #tpu.memory_space<hbm>> -> memref<256xf32, #tpu.memory_space<hbm>>
          %dma_wait3A_143 = arith.constant 0 : i32
          %dma_wait3A_144 = tpu.memref_slice %arg7[%dma_wait3A_143] : memref<8388608xf32, #tpu.memory_space<hbm>> -> memref<256xf32, #tpu.memory_space<hbm>>
          tpu.wait_dma2 semaphore(%arg24 : memref<!tpu.dma_semaphore, #tpu.memory_space<semaphore_mem>>) src(%dma_wait3A_144 : memref<256xf32, #tpu.memory_space<hbm>>) dst(%arg20 : memref<256xf32, #tpu.memory_space<vmem>>)
        } else {
        }
        %mul3A_118 = arith.constant 2 : i32
        %mul3A_119 = arith.muli %mul3A_118, %scan3A_66 : i32
        %add3A_120 = arith.constant 1 : i32
        %add3A_121 = arith.addi %mul3A_119, %add3A_120 : i32
        %scan3A_122 = arith.constant 0 : i32
        %scan3A_123 = arith.constant 0 : i32
        %scan3A_124 = arith.constant 16 : i32
        %scan3A_125 = arith.addi %scan3A_123, %scan3A_124 : i32
        %scan3A_126 = arith.constant 1 : i32
        scf.for %scan3A_137 = %scan3A_123 to %scan3A_125 step %scan3A_126  : i32 {
          %mul3A_138 = arith.constant 16 : i32
          %mul3A_139 = arith.muli %mul3A_138, %scan3A_137 : i32
          %broadcast_in_dim3A = arith.constant 0.000000e+00 : f32
          %broadcast_in_dim3A_140 = vector.broadcast %broadcast_in_dim3A : f32 to vector<16xf32>
          %broadcast_in_dim3A_141 = arith.constant 0.000000e+00 : f32
          %broadcast_in_dim3A_142 = vector.broadcast %broadcast_in_dim3A_141 : f32 to vector<16xf32>
          %mul3A_143 = arith.constant 16 : i32
          %mul3A_144 = arith.muli %mul3A_143, %scan3A_137 : i32
          %add3A_145 = arith.constant 0 : i32
          %add3A_146 = arith.addi %add3A_145, %mul3A_144 : i32
          %mul3A_147 = arith.constant 16 : i32
          %mul3A_148 = arith.muli %mul3A_147, %scan3A_137 : i32
          %add3A_149 = arith.constant 2048 : i32
          %add3A_150 = arith.addi %add3A_149, %mul3A_148 : i32
          %get3A = arith.index_cast %add3A_146 : i32 to index
          %get3A_151 = tpu.vector_load %arg14[%get3A] {strides = array<i32>} : memref<2048xf32, #tpu.memory_space<vmem>>, vector<16xf32>,
          %get3A_152 = vector.shape_cast %get3A_151 : vector<16xf32> to vector<16xf32>
          %get3A_153 = arith.index_cast %add3A_146 : i32 to index
          %get3A_154 = tpu.vector_load %arg16[%get3A_153] {strides = array<i32>} : memref<4096xf32, #tpu.memory_space<vmem>>, vector<16xf32>,
          %get3A_155 = vector.shape_cast %get3A_154 : vector<16xf32> to vector<16xf32>
          %mul3A_156 = arith.mulf %get3A_152, %get3A_155 : vector<16xf32>
          %add3A_157 = arith.addf %broadcast_in_dim3A_140, %mul3A_156 : vector<16xf32>
          %get3A_158 = arith.index_cast %add3A_150 : i32 to index
          %get3A_159 = tpu.vector_load %arg16[%get3A_158] {strides = array<i32>} : memref<4096xf32, #tpu.memory_space<vmem>>, vector<16xf32>,
          %get3A_160 = vector.shape_cast %get3A_159 : vector<16xf32> to vector<16xf32>
          %mul3A_161 = arith.mulf %get3A_152, %get3A_160 : vector<16xf32>
          %add3A_162 = arith.addf %broadcast_in_dim3A_142, %mul3A_161 : vector<16xf32>
          %mul3A_163 = arith.constant 16 : i32
          %mul3A_164 = arith.muli %mul3A_163, %scan3A_137 : i32
          %add3A_165 = arith.constant 256 : i32
          %add3A_166 = arith.addi %add3A_165, %mul3A_164 : i32
          %mul3A_167 = arith.constant 16 : i32
          %mul3A_168 = arith.muli %mul3A_167, %scan3A_137 : i32
          %add3A_169 = arith.constant 2304 : i32
          %add3A_170 = arith.addi %add3A_169, %mul3A_168 : i32
          %get3A_171 = arith.index_cast %add3A_166 : i32 to index
          %get3A_172 = tpu.vector_load %arg14[%get3A_171] {strides = array<i32>} : memref<2048xf32, #tpu.memory_space<vmem>>, vector<16xf32>,
          %get3A_173 = vector.shape_cast %get3A_172 : vector<16xf32> to vector<16xf32>
          %get3A_174 = arith.index_cast %add3A_166 : i32 to index
          %get3A_175 = tpu.vector_load %arg16[%get3A_174] {strides = array<i32>} : memref<4096xf32, #tpu.memory_space<vmem>>, vector<16xf32>,
          %get3A_176 = vector.shape_cast %get3A_175 : vector<16xf32> to vector<16xf32>
          %mul3A_177 = arith.mulf %get3A_173, %get3A_176 : vector<16xf32>
          %add3A_178 = arith.addf %add3A_157, %mul3A_177 : vector<16xf32>
          %get3A_179 = arith.index_cast %add3A_170 : i32 to index
          %get3A_180 = tpu.vector_load %arg16[%get3A_179] {strides = array<i32>} : memref<4096xf32, #tpu.memory_space<vmem>>, vector<16xf32>,
          %get3A_181 = vector.shape_cast %get3A_180 : vector<16xf32> to vector<16xf32>
          %mul3A_182 = arith.mulf %get3A_173, %get3A_181 : vector<16xf32>
          %add3A_183 = arith.addf %add3A_162, %mul3A_182 : vector<16xf32>
          %mul3A_184 = arith.constant 16 : i32
          %mul3A_185 = arith.muli %mul3A_184, %scan3A_137 : i32
          %add3A_186 = arith.constant 512 : i32
          %add3A_187 = arith.addi %add3A_186, %mul3A_185 : i32
          %mul3A_188 = arith.constant 16 : i32
          %mul3A_189 = arith.muli %mul3A_188, %scan3A_137 : i32
          %add3A_190 = arith.constant 2560 : i32
          %add3A_191 = arith.addi %add3A_190, %mul3A_189 : i32
          %get3A_192 = arith.index_cast %add3A_187 : i32 to index
          %get3A_193 = tpu.vector_load %arg14[%get3A_192] {strides = array<i32>} : memref<2048xf32, #tpu.memory_space<vmem>>, vector<16xf32>,
          %get3A_194 = vector.shape_cast %get3A_193 : vector<16xf32> to vector<16xf32>
          %get3A_195 = arith.index_cast %add3A_187 : i32 to index
          %get3A_196 = tpu.vector_load %arg16[%get3A_195] {strides = array<i32>} : memref<4096xf32, #tpu.memory_space<vmem>>, vector<16xf32>,
          %get3A_197 = vector.shape_cast %get3A_196 : vector<16xf32> to vector<16xf32>
          %mul3A_198 = arith.mulf %get3A_194, %get3A_197 : vector<16xf32>
          %add3A_199 = arith.addf %add3A_178, %mul3A_198 : vector<16xf32>
          %get3A_200 = arith.index_cast %add3A_191 : i32 to index
          %get3A_201 = tpu.vector_load %arg16[%get3A_200] {strides = array<i32>} : memref<4096xf32, #tpu.memory_space<vmem>>, vector<16xf32>,
          %get3A_202 = vector.shape_cast %get3A_201 : vector<16xf32> to vector<16xf32>
          %mul3A_203 = arith.mulf %get3A_194, %get3A_202 : vector<16xf32>
          %add3A_204 = arith.addf %add3A_183, %mul3A_203 : vector<16xf32>
          %mul3A_205 = arith.constant 16 : i32
          %mul3A_206 = arith.muli %mul3A_205, %scan3A_137 : i32
          %add3A_207 = arith.constant 768 : i32
          %add3A_208 = arith.addi %add3A_207, %mul3A_206 : i32
          %mul3A_209 = arith.constant 16 : i32
          %mul3A_210 = arith.muli %mul3A_209, %scan3A_137 : i32
          %add3A_211 = arith.constant 2816 : i32
          %add3A_212 = arith.addi %add3A_211, %mul3A_210 : i32
          %get3A_213 = arith.index_cast %add3A_208 : i32 to index
          %get3A_214 = tpu.vector_load %arg14[%get3A_213] {strides = array<i32>} : memref<2048xf32, #tpu.memory_space<vmem>>, vector<16xf32>,
          %get3A_215 = vector.shape_cast %get3A_214 : vector<16xf32> to vector<16xf32>
          %get3A_216 = arith.index_cast %add3A_208 : i32 to index
          %get3A_217 = tpu.vector_load %arg16[%get3A_216] {strides = array<i32>} : memref<4096xf32, #tpu.memory_space<vmem>>, vector<16xf32>,
          %get3A_218 = vector.shape_cast %get3A_217 : vector<16xf32> to vector<16xf32>
          %mul3A_219 = arith.mulf %get3A_215, %get3A_218 : vector<16xf32>
          %add3A_220 = arith.addf %add3A_199, %mul3A_219 : vector<16xf32>
          %get3A_221 = arith.index_cast %add3A_212 : i32 to index
          %get3A_222 = tpu.vector_load %arg16[%get3A_221] {strides = array<i32>} : memref<4096xf32, #tpu.memory_space<vmem>>, vector<16xf32>,
          %get3A_223 = vector.shape_cast %get3A_222 : vector<16xf32> to vector<16xf32>
          %mul3A_224 = arith.mulf %get3A_215, %get3A_223 : vector<16xf32>
          %add3A_225 = arith.addf %add3A_204, %mul3A_224 : vector<16xf32>
          %mul3A_226 = arith.constant 16 : i32
          %mul3A_227 = arith.muli %mul3A_226, %scan3A_137 : i32
          %add3A_228 = arith.constant 1024 : i32
          %add3A_229 = arith.addi %add3A_228, %mul3A_227 : i32
          %mul3A_230 = arith.constant 16 : i32
          %mul3A_231 = arith.muli %mul3A_230, %scan3A_137 : i32
          %add3A_232 = arith.constant 3072 : i32
          %add3A_233 = arith.addi %add3A_232, %mul3A_231 : i32
          %get3A_234 = arith.index_cast %add3A_229 : i32 to index
          %get3A_235 = tpu.vector_load %arg14[%get3A_234] {strides = array<i32>} : memref<2048xf32, #tpu.memory_space<vmem>>, vector<16xf32>,
          %get3A_236 = vector.shape_cast %get3A_235 : vector<16xf32> to vector<16xf32>
          %get3A_237 = arith.index_cast %add3A_229 : i32 to index
          %get3A_238 = tpu.vector_load %arg16[%get3A_237] {strides = array<i32>} : memref<4096xf32, #tpu.memory_space<vmem>>, vector<16xf32>,
          %get3A_239 = vector.shape_cast %get3A_238 : vector<16xf32> to vector<16xf32>
          %mul3A_240 = arith.mulf %get3A_236, %get3A_239 : vector<16xf32>
          %add3A_241 = arith.addf %add3A_220, %mul3A_240 : vector<16xf32>
          %get3A_242 = arith.index_cast %add3A_233 : i32 to index
          %get3A_243 = tpu.vector_load %arg16[%get3A_242] {strides = array<i32>} : memref<4096xf32, #tpu.memory_space<vmem>>, vector<16xf32>,
          %get3A_244 = vector.shape_cast %get3A_243 : vector<16xf32> to vector<16xf32>
          %mul3A_245 = arith.mulf %get3A_236, %get3A_244 : vector<16xf32>
          %add3A_246 = arith.addf %add3A_225, %mul3A_245 : vector<16xf32>
          %mul3A_247 = arith.constant 16 : i32
          %mul3A_248 = arith.muli %mul3A_247, %scan3A_137 : i32
          %add3A_249 = arith.constant 1280 : i32
          %add3A_250 = arith.addi %add3A_249, %mul3A_248 : i32
          %mul3A_251 = arith.constant 16 : i32
          %mul3A_252 = arith.muli %mul3A_251, %scan3A_137 : i32
          %add3A_253 = arith.constant 3328 : i32
          %add3A_254 = arith.addi %add3A_253, %mul3A_252 : i32
          %get3A_255 = arith.index_cast %add3A_250 : i32 to index
          %get3A_256 = tpu.vector_load %arg14[%get3A_255] {strides = array<i32>} : memref<2048xf32, #tpu.memory_space<vmem>>, vector<16xf32>,
          %get3A_257 = vector.shape_cast %get3A_256 : vector<16xf32> to vector<16xf32>
          %get3A_258 = arith.index_cast %add3A_250 : i32 to index
          %get3A_259 = tpu.vector_load %arg16[%get3A_258] {strides = array<i32>} : memref<4096xf32, #tpu.memory_space<vmem>>, vector<16xf32>,
          %get3A_260 = vector.shape_cast %get3A_259 : vector<16xf32> to vector<16xf32>
          %mul3A_261 = arith.mulf %get3A_257, %get3A_260 : vector<16xf32>
          %add3A_262 = arith.addf %add3A_241, %mul3A_261 : vector<16xf32>
          %get3A_263 = arith.index_cast %add3A_254 : i32 to index
          %get3A_264 = tpu.vector_load %arg16[%get3A_263] {strides = array<i32>} : memref<4096xf32, #tpu.memory_space<vmem>>, vector<16xf32>,
          %get3A_265 = vector.shape_cast %get3A_264 : vector<16xf32> to vector<16xf32>
          %mul3A_266 = arith.mulf %get3A_257, %get3A_265 : vector<16xf32>
          %add3A_267 = arith.addf %add3A_246, %mul3A_266 : vector<16xf32>
          %mul3A_268 = arith.constant 16 : i32
          %mul3A_269 = arith.muli %mul3A_268, %scan3A_137 : i32
          %add3A_270 = arith.constant 1536 : i32
          %add3A_271 = arith.addi %add3A_270, %mul3A_269 : i32
          %mul3A_272 = arith.constant 16 : i32
          %mul3A_273 = arith.muli %mul3A_272, %scan3A_137 : i32
          %add3A_274 = arith.constant 3584 : i32
          %add3A_275 = arith.addi %add3A_274, %mul3A_273 : i32
          %get3A_276 = arith.index_cast %add3A_271 : i32 to index
          %get3A_277 = tpu.vector_load %arg14[%get3A_276] {strides = array<i32>} : memref<2048xf32, #tpu.memory_space<vmem>>, vector<16xf32>,
          %get3A_278 = vector.shape_cast %get3A_277 : vector<16xf32> to vector<16xf32>
          %get3A_279 = arith.index_cast %add3A_271 : i32 to index
          %get3A_280 = tpu.vector_load %arg16[%get3A_279] {strides = array<i32>} : memref<4096xf32, #tpu.memory_space<vmem>>, vector<16xf32>,
          %get3A_281 = vector.shape_cast %get3A_280 : vector<16xf32> to vector<16xf32>
          %mul3A_282 = arith.mulf %get3A_278, %get3A_281 : vector<16xf32>
          %add3A_283 = arith.addf %add3A_262, %mul3A_282 : vector<16xf32>
          %get3A_284 = arith.index_cast %add3A_275 : i32 to index
          %get3A_285 = tpu.vector_load %arg16[%get3A_284] {strides = array<i32>} : memref<4096xf32, #tpu.memory_space<vmem>>, vector<16xf32>,
          %get3A_286 = vector.shape_cast %get3A_285 : vector<16xf32> to vector<16xf32>
          %mul3A_287 = arith.mulf %get3A_278, %get3A_286 : vector<16xf32>
          %add3A_288 = arith.addf %add3A_267, %mul3A_287 : vector<16xf32>
          %mul3A_289 = arith.constant 16 : i32
          %mul3A_290 = arith.muli %mul3A_289, %scan3A_137 : i32
          %add3A_291 = arith.constant 1792 : i32
          %add3A_292 = arith.addi %add3A_291, %mul3A_290 : i32
          %mul3A_293 = arith.constant 16 : i32
          %mul3A_294 = arith.muli %mul3A_293, %scan3A_137 : i32
          %add3A_295 = arith.constant 3840 : i32
          %add3A_296 = arith.addi %add3A_295, %mul3A_294 : i32
          %get3A_297 = arith.index_cast %add3A_292 : i32 to index
          %get3A_298 = tpu.vector_load %arg14[%get3A_297] {strides = array<i32>} : memref<2048xf32, #tpu.memory_space<vmem>>, vector<16xf32>,
          %get3A_299 = vector.shape_cast %get3A_298 : vector<16xf32> to vector<16xf32>
          %get3A_300 = arith.index_cast %add3A_292 : i32 to index
          %get3A_301 = tpu.vector_load %arg16[%get3A_300] {strides = array<i32>} : memref<4096xf32, #tpu.memory_space<vmem>>, vector<16xf32>,
          %get3A_302 = vector.shape_cast %get3A_301 : vector<16xf32> to vector<16xf32>
          %mul3A_303 = arith.mulf %get3A_299, %get3A_302 : vector<16xf32>
          %add3A_304 = arith.addf %add3A_283, %mul3A_303 : vector<16xf32>
          %get3A_305 = arith.index_cast %add3A_296 : i32 to index
          %get3A_306 = tpu.vector_load %arg16[%get3A_305] {strides = array<i32>} : memref<4096xf32, #tpu.memory_space<vmem>>, vector<16xf32>,
          %get3A_307 = vector.shape_cast %get3A_306 : vector<16xf32> to vector<16xf32>
          %mul3A_308 = arith.mulf %get3A_299, %get3A_307 : vector<16xf32>
          %add3A_309 = arith.addf %add3A_288, %mul3A_308 : vector<16xf32>
          %swap3A = arith.index_cast %mul3A_139 : i32 to index
          %swap3A_310 = tpu.vector_load %arg19[%swap3A] {strides = array<i32>} : memref<256xf32, #tpu.memory_space<vmem>>, vector<16xf32>,
          %swap3A_311 = vector.shape_cast %swap3A_310 : vector<16xf32> to vector<16xf32>
          %swap3A_312 = vector.shape_cast %add3A_304 : vector<16xf32> to vector<16xf32>
          tpu.vector_store %arg19[%swap3A], %swap3A_312 {strides = array<i32>} : memref<256xf32, #tpu.memory_space<vmem>>, vector<16xf32>,
          %swap3A_313 = arith.index_cast %mul3A_139 : i32 to index
          %swap3A_314 = tpu.vector_load %arg20[%swap3A_313] {strides = array<i32>} : memref<256xf32, #tpu.memory_space<vmem>>, vector<16xf32>,
          %swap3A_315 = vector.shape_cast %swap3A_314 : vector<16xf32> to vector<16xf32>
          %swap3A_316 = vector.shape_cast %add3A_309 : vector<16xf32> to vector<16xf32>
          tpu.vector_store %arg20[%swap3A_313], %swap3A_316 {strides = array<i32>} : memref<256xf32, #tpu.memory_space<vmem>>, vector<16xf32>,
        }
        %scan3A_127 = arith.constant 16 : i32
        %mul3A_128 = arith.constant 256 : i32
        %mul3A_129 = arith.muli %add3A_121, %mul3A_128 : i32
        %add3A_130 = arith.addi %add3A_37, %mul3A_129 : i32
        %dma_start3A_131 = tpu.memref_slice %arg7[%add3A_130] : memref<8388608xf32, #tpu.memory_space<hbm>> -> memref<256xf32, #tpu.memory_space<hbm>>
        %dma_start3A_132 = tpu.memref_slice %arg7[%add3A_130] : memref<8388608xf32, #tpu.memory_space<hbm>> -> memref<256xf32, #tpu.memory_space<hbm>>
        tpu.enqueue_dma source(%arg19 : memref<256xf32, #tpu.memory_space<vmem>>) target(%dma_start3A_132 : memref<256xf32, #tpu.memory_space<hbm>>) target_semaphore(%arg24 : memref<!tpu.dma_semaphore, #tpu.memory_space<semaphore_mem>>)
        %add3A_133 = arith.constant 262144 : i32
        %add3A_134 = arith.addi %add3A_130, %add3A_133 : i32
        %dma_start3A_135 = tpu.memref_slice %arg7[%add3A_134] : memref<8388608xf32, #tpu.memory_space<hbm>> -> memref<256xf32, #tpu.memory_space<hbm>>
        %dma_start3A_136 = tpu.memref_slice %arg7[%add3A_134] : memref<8388608xf32, #tpu.memory_space<hbm>> -> memref<256xf32, #tpu.memory_space<hbm>>
        tpu.enqueue_dma source(%arg20 : memref<256xf32, #tpu.memory_space<vmem>>) target(%dma_start3A_136 : memref<256xf32, #tpu.memory_space<hbm>>) target_semaphore(%arg24 : memref<!tpu.dma_semaphore, #tpu.memory_space<semaphore_mem>>)
      }
      %scan3A_50 = arith.constant 16 : i32
      %dma_wait3A = arith.constant 0 : i32
      %dma_wait3A_51 = tpu.memref_slice %arg7[%dma_wait3A] : memref<8388608xf32, #tpu.memory_space<hbm>> -> memref<256xf32, #tpu.memory_space<hbm>>
      %dma_wait3A_52 = arith.constant 0 : i32
      %dma_wait3A_53 = tpu.memref_slice %arg7[%dma_wait3A_52] : memref<8388608xf32, #tpu.memory_space<hbm>> -> memref<256xf32, #tpu.memory_space<hbm>>
      tpu.wait_dma2 semaphore(%arg23 : memref<!tpu.dma_semaphore, #tpu.memory_space<semaphore_mem>>) src(%dma_wait3A_53 : memref<256xf32, #tpu.memory_space<hbm>>) dst(%arg17 : memref<256xf32, #tpu.memory_space<vmem>>)
      %dma_wait3A_54 = arith.constant 0 : i32
      %dma_wait3A_55 = tpu.memref_slice %arg7[%dma_wait3A_54] : memref<8388608xf32, #tpu.memory_space<hbm>> -> memref<256xf32, #tpu.memory_space<hbm>>
      %dma_wait3A_56 = arith.constant 0 : i32
      %dma_wait3A_57 = tpu.memref_slice %arg7[%dma_wait3A_56] : memref<8388608xf32, #tpu.memory_space<hbm>> -> memref<256xf32, #tpu.memory_space<hbm>>
      tpu.wait_dma2 semaphore(%arg23 : memref<!tpu.dma_semaphore, #tpu.memory_space<semaphore_mem>>) src(%dma_wait3A_57 : memref<256xf32, #tpu.memory_space<hbm>>) dst(%arg18 : memref<256xf32, #tpu.memory_space<vmem>>)
      %dma_wait3A_58 = arith.constant 0 : i32
      %dma_wait3A_59 = tpu.memref_slice %arg7[%dma_wait3A_58] : memref<8388608xf32, #tpu.memory_space<hbm>> -> memref<256xf32, #tpu.memory_space<hbm>>
      %dma_wait3A_60 = arith.constant 0 : i32
      %dma_wait3A_61 = tpu.memref_slice %arg7[%dma_wait3A_60] : memref<8388608xf32, #tpu.memory_space<hbm>> -> memref<256xf32, #tpu.memory_space<hbm>>
      tpu.wait_dma2 semaphore(%arg24 : memref<!tpu.dma_semaphore, #tpu.memory_space<semaphore_mem>>) src(%dma_wait3A_61 : memref<256xf32, #tpu.memory_space<hbm>>) dst(%arg19 : memref<256xf32, #tpu.memory_space<vmem>>)
      %dma_wait3A_62 = arith.constant 0 : i32
      %dma_wait3A_63 = tpu.memref_slice %arg7[%dma_wait3A_62] : memref<8388608xf32, #tpu.memory_space<hbm>> -> memref<256xf32, #tpu.memory_space<hbm>>
      %dma_wait3A_64 = arith.constant 0 : i32
      %dma_wait3A_65 = tpu.memref_slice %arg7[%dma_wait3A_64] : memref<8388608xf32, #tpu.memory_space<hbm>> -> memref<256xf32, #tpu.memory_space<hbm>>
      tpu.wait_dma2 semaphore(%arg24 : memref<!tpu.dma_semaphore, #tpu.memory_space<semaphore_mem>>) src(%dma_wait3A_65 : memref<256xf32, #tpu.memory_space<hbm>>) dst(%arg20 : memref<256xf32, #tpu.memory_space<vmem>>)
    }
    %scan3A_16 = arith.constant 3 : i32
    %scan3A_17 = arith.constant 0 : i32
    %scan3A_18 = arith.constant 3 : i32
    %scan3A_19 = arith.constant 13 : i32
    %scan3A_20 = arith.addi %scan3A_18, %scan3A_19 : i32
    %scan3A_21 = arith.constant 1 : i32
    scf.for %scan3A_23 = %scan3A_18 to %scan3A_20 step %scan3A_21  : i32 {
      %shift_left3A = arith.constant 16 : i32
      %shift_left3A_24 = arith.shli %shift_left3A, %scan3A_23 : i32
      %sub3A = arith.constant 1 : i32
      %sub3A_25 = arith.subi %shift_left3A_24, %sub3A : i32
      %convert_element_type3A = arith.sitofp %sub3A_25 : i32 to f32
      %sub3A_26 = arith.constant 3 : i32
      %sub3A_27 = arith.subi %scan3A_23, %sub3A_26 : i32
      %mul3A_28 = arith.constant 1048576 : i32
      %mul3A_29 = arith.muli %sub3A_27, %mul3A_28 : i32
      %mul3A_30 = arith.constant 65536 : i32
      %mul3A_31 = arith.muli %arg1, %mul3A_30 : i32
      %barrier3A_32 = arith.constant 0 : index
      tpu.barrier barrier_id(%barrier3A_32)
      %scan3A_33 = arith.constant 0 : i32
      %scan3A_34 = arith.constant 0 : i32
      %scan3A_35 = arith.constant 8 : i32
      %scan3A_36 = arith.addi %scan3A_34, %scan3A_35 : i32
      %scan3A_37 = arith.constant 1 : i32
      scf.for %scan3A_71 = %scan3A_34 to %scan3A_36 step %scan3A_37  : i32 {
        %mul3A_72 = arith.constant 8192 : i32
        %mul3A_73 = arith.muli %scan3A_71, %mul3A_72 : i32
        %add3A_74 = arith.addi %mul3A_31, %mul3A_73 : i32
        %add3A_75 = arith.addi %mul3A_29, %add3A_74 : i32
        "tpu.region"() ({
          %run_scoped3A = tpu.sem_alloc : memref<!tpu.dma_semaphore, #tpu.memory_space<semaphore_mem>>
          %dma_start3A_76 = tpu.memref_slice %arg6[%add3A_75] : memref<13631488xf32, #tpu.memory_space<hbm>> -> memref<8192xf32, #tpu.memory_space<hbm>>
          %dma_start3A_77 = tpu.memref_slice %arg6[%add3A_75] : memref<13631488xf32, #tpu.memory_space<hbm>> -> memref<8192xf32, #tpu.memory_space<hbm>>
          tpu.enqueue_dma source(%dma_start3A_77 : memref<8192xf32, #tpu.memory_space<hbm>>) target(%arg26 : memref<8192xf32, #tpu.memory_space<vmem>>) target_semaphore(%run_scoped3A : memref<!tpu.dma_semaphore, #tpu.memory_space<semaphore_mem>>)
          %dma_wait3A_78 = tpu.memref_slice %arg6[%add3A_75] : memref<13631488xf32, #tpu.memory_space<hbm>> -> memref<8192xf32, #tpu.memory_space<hbm>>
          %dma_wait3A_79 = tpu.memref_slice %arg6[%add3A_75] : memref<13631488xf32, #tpu.memory_space<hbm>> -> memref<8192xf32, #tpu.memory_space<hbm>>
          tpu.wait_dma2 semaphore(%run_scoped3A : memref<!tpu.dma_semaphore, #tpu.memory_space<semaphore_mem>>) src(%dma_wait3A_79 : memref<8192xf32, #tpu.memory_space<hbm>>) dst(%arg26 : memref<8192xf32, #tpu.memory_space<vmem>>)
          tpu.yield
        }) : () -> ()
        "tpu.region"() ({
          %run_scoped3A = tpu.sem_alloc : memref<!tpu.dma_semaphore, #tpu.memory_space<semaphore_mem>>
          %dma_start3A_76 = tpu.memref_slice %arg25[%add3A_74] : memref<1048576xf32, #tpu.memory_space<vmem_shared>> -> memref<8192xf32, #tpu.memory_space<vmem_shared>>
          %dma_start3A_77 = tpu.memref_slice %arg25[%add3A_74] : memref<1048576xf32, #tpu.memory_space<vmem_shared>> -> memref<8192xf32, #tpu.memory_space<vmem_shared>>
          tpu.enqueue_dma source(%arg26 : memref<8192xf32, #tpu.memory_space<vmem>>) target(%dma_start3A_77 : memref<8192xf32, #tpu.memory_space<vmem_shared>>) target_semaphore(%run_scoped3A : memref<!tpu.dma_semaphore, #tpu.memory_space<semaphore_mem>>)
          %dma_wait3A_78 = tpu.memref_slice %arg25[%add3A_74] : memref<1048576xf32, #tpu.memory_space<vmem_shared>> -> memref<8192xf32, #tpu.memory_space<vmem_shared>>
          %dma_wait3A_79 = tpu.memref_slice %arg25[%add3A_74] : memref<1048576xf32, #tpu.memory_space<vmem_shared>> -> memref<8192xf32, #tpu.memory_space<vmem_shared>>
          tpu.wait_dma2 semaphore(%run_scoped3A : memref<!tpu.dma_semaphore, #tpu.memory_space<semaphore_mem>>) src(%arg26 : memref<8192xf32, #tpu.memory_space<vmem>>) dst(%dma_wait3A_79 : memref<8192xf32, #tpu.memory_space<vmem_shared>>)
          tpu.yield
        }) : () -> ()
      }
      %scan3A_38 = arith.constant 8 : i32
      %barrier3A_39 = arith.constant 0 : index
      tpu.barrier barrier_id(%barrier3A_39)
      %mul3A_40 = arith.constant 524288 : i32
      %mul3A_41 = arith.muli %scan3A_23, %mul3A_40 : i32
      %add3A_42 = arith.addi %mul3A_41, %mul3A_2 : i32
      %scan3A_43 = arith.constant 0 : i32
      %scan3A_44 = arith.constant 0 : i32
      %scan3A_45 = arith.constant 16 : i32
      %scan3A_46 = arith.addi %scan3A_44, %scan3A_45 : i32
      %scan3A_47 = arith.constant 1 : i32
      scf.for %scan3A_71 = %scan3A_44 to %scan3A_46 step %scan3A_47  : i32 {
        %mul3A_72 = arith.constant 16 : i32
        %mul3A_73 = arith.muli %mul3A_72, %scan3A_71 : i32
        %add3A_74 = arith.constant 0 : i32
        %add3A_75 = arith.addi %add3A_74, %mul3A_73 : i32
        %get3A = arith.index_cast %add3A_75 : i32 to index
        %get3A_76 = tpu.vector_load %arg8[%get3A] {strides = array<i32>} : memref<8192xf32, #tpu.memory_space<vmem>>, vector<16xf32>,
        %get3A_77 = vector.shape_cast %get3A_76 : vector<16xf32> to vector<16xf32>
        %add3A_78 = arith.constant 1.000000e+00 : f32
        %add3A_79 = vector.broadcast %add3A_78 : f32 to vector<16xf32>
        %add3A_80 = arith.addf %get3A_77, %add3A_79 : vector<16xf32>
        %mul3A_81 = arith.constant 5.000000e-01 : f32
        %mul3A_82 = vector.broadcast %mul3A_81 : f32 to vector<16xf32>
        %mul3A_83 = arith.mulf %add3A_80, %mul3A_82 : vector<16xf32>
        %mul3A_84 = vector.broadcast %convert_element_type3A : f32 to vector<16xf32>
        %mul3A_85 = arith.mulf %mul3A_83, %mul3A_84 : vector<16xf32>
        %add3A_86 = arith.constant 5.000000e-01 : f32
        %add3A_87 = vector.broadcast %add3A_86 : f32 to vector<16xf32>
        %add3A_88 = arith.addf %mul3A_85, %add3A_87 : vector<16xf32>
        %convert_element_type3A_89 = arith.fptosi %add3A_88 : vector<16xf32> to vector<16xi32>
        %convert_element_type3A_90 = arith.sitofp %convert_element_type3A_89 : vector<16xi32> to vector<16xf32>
        %sub3A_91 = arith.subf %add3A_88, %convert_element_type3A_90 : vector<16xf32>
        %get3A_92 = arith.index_cast %add3A_75 : i32 to index
        %get3A_93 = tpu.vector_load %arg9[%get3A_92] {strides = array<i32>} : memref<8192xf32, #tpu.memory_space<vmem>>, vector<16xf32>,
        %get3A_94 = vector.shape_cast %get3A_93 : vector<16xf32> to vector<16xf32>
        %add3A_95 = arith.constant 1.000000e+00 : f32
        %add3A_96 = vector.broadcast %add3A_95 : f32 to vector<16xf32>
        %add3A_97 = arith.addf %get3A_94, %add3A_96 : vector<16xf32>
        %mul3A_98 = arith.constant 5.000000e-01 : f32
        %mul3A_99 = vector.broadcast %mul3A_98 : f32 to vector<16xf32>
        %mul3A_100 = arith.mulf %add3A_97, %mul3A_99 : vector<16xf32>
        %mul3A_101 = vector.broadcast %convert_element_type3A : f32 to vector<16xf32>
        %mul3A_102 = arith.mulf %mul3A_100, %mul3A_101 : vector<16xf32>
        %add3A_103 = arith.constant 5.000000e-01 : f32
        %add3A_104 = vector.broadcast %add3A_103 : f32 to vector<16xf32>
        %add3A_105 = arith.addf %mul3A_102, %add3A_104 : vector<16xf32>
        %convert_element_type3A_106 = arith.fptosi %add3A_105 : vector<16xf32> to vector<16xi32>
        %convert_element_type3A_107 = arith.sitofp %convert_element_type3A_106 : vector<16xi32> to vector<16xf32>
        %sub3A_108 = arith.subf %add3A_105, %convert_element_type3A_107 : vector<16xf32>
        %get3A_109 = arith.index_cast %add3A_75 : i32 to index
        %get3A_110 = tpu.vector_load %arg10[%get3A_109] {strides = array<i32>} : memref<8192xf32, #tpu.memory_space<vmem>>, vector<16xf32>,
        %get3A_111 = vector.shape_cast %get3A_110 : vector<16xf32> to vector<16xf32>
        %add3A_112 = arith.constant 1.000000e+00 : f32
        %add3A_113 = vector.broadcast %add3A_112 : f32 to vector<16xf32>
        %add3A_114 = arith.addf %get3A_111, %add3A_113 : vector<16xf32>
        %mul3A_115 = arith.constant 5.000000e-01 : f32
        %mul3A_116 = vector.broadcast %mul3A_115 : f32 to vector<16xf32>
        %mul3A_117 = arith.mulf %add3A_114, %mul3A_116 : vector<16xf32>
        %mul3A_118 = vector.broadcast %convert_element_type3A : f32 to vector<16xf32>
        %mul3A_119 = arith.mulf %mul3A_117, %mul3A_118 : vector<16xf32>
        %add3A_120 = arith.constant 5.000000e-01 : f32
        %add3A_121 = vector.broadcast %add3A_120 : f32 to vector<16xf32>
        %add3A_122 = arith.addf %mul3A_119, %add3A_121 : vector<16xf32>
        %convert_element_type3A_123 = arith.fptosi %add3A_122 : vector<16xf32> to vector<16xi32>
        %convert_element_type3A_124 = arith.sitofp %convert_element_type3A_123 : vector<16xi32> to vector<16xf32>
        %sub3A_125 = arith.subf %add3A_122, %convert_element_type3A_124 : vector<16xf32>
        %add3A_126 = arith.constant 1 : i32
        %add3A_127 = vector.broadcast %add3A_126 : i32 to vector<16xi32>
        %add3A_128 = arith.addi %convert_element_type3A_89, %add3A_127 : vector<16xi32>
        %mul3A_129 = arith.constant -1640531535 : i32
        %mul3A_130 = vector.broadcast %mul3A_129 : i32 to vector<16xi32>
        %mul3A_131 = arith.muli %convert_element_type3A_106, %mul3A_130 : vector<16xi32>
        %add3A_132 = arith.constant -1640531535 : i32
        %add3A_133 = vector.broadcast %add3A_132 : i32 to vector<16xi32>
        %add3A_134 = arith.addi %mul3A_131, %add3A_133 : vector<16xi32>
        %mul3A_135 = arith.constant 805459861 : i32
        %mul3A_136 = vector.broadcast %mul3A_135 : i32 to vector<16xi32>
        %mul3A_137 = arith.muli %convert_element_type3A_123, %mul3A_136 : vector<16xi32>
        %add3A_138 = arith.constant 805459861 : i32
        %add3A_139 = vector.broadcast %add3A_138 : i32 to vector<16xi32>
        %add3A_140 = arith.addi %mul3A_137, %add3A_139 : vector<16xi32>
        %sub3A_141 = arith.constant 1.000000e+00 : f32
        %sub3A_142 = vector.broadcast %sub3A_141 : f32 to vector<16xf32>
        %sub3A_143 = arith.subf %sub3A_142, %sub3A_91 : vector<16xf32>
        %sub3A_144 = arith.constant 1.000000e+00 : f32
        %sub3A_145 = vector.broadcast %sub3A_144 : f32 to vector<16xf32>
        %sub3A_146 = arith.subf %sub3A_145, %sub3A_108 : vector<16xf32>
        %sub3A_147 = arith.constant 1.000000e+00 : f32
        %sub3A_148 = vector.broadcast %sub3A_147 : f32 to vector<16xf32>
        %sub3A_149 = arith.subf %sub3A_148, %sub3A_125 : vector<16xf32>
        %xor3A = arith.xori %convert_element_type3A_89, %mul3A_131 : vector<16xi32>
        %xor3A_150 = arith.xori %xor3A, %mul3A_137 : vector<16xi32>
        %and3A = arith.constant 524287 : i32
        %and3A_151 = vector.broadcast %and3A : i32 to vector<16xi32>
        %and3A_152 = arith.andi %xor3A_150, %and3A_151 : vector<16xi32>
        %add3A_153 = arith.constant 0 : i32
        %add3A_154 = vector.broadcast %add3A_153 : i32 to vector<16xi32>
        %add3A_155 = arith.addi %and3A_152, %add3A_154 : vector<16xi32>
        %mul3A_156 = arith.constant 2 : i32
        %mul3A_157 = vector.broadcast %mul3A_156 : i32 to vector<16xi32>
        %mul3A_158 = arith.muli %add3A_155, %mul3A_157 : vector<16xi32>
        %mul3A_159 = arith.mulf %sub3A_143, %sub3A_146 : vector<16xf32>
        %mul3A_160 = arith.mulf %mul3A_159, %sub3A_149 : vector<16xf32>
        %mul3A_161 = arith.constant 16 : i32
        %mul3A_162 = arith.muli %mul3A_161, %scan3A_71 : i32
        %add3A_163 = arith.constant 0 : i32
        %add3A_164 = arith.addi %add3A_163, %mul3A_162 : i32
        %swap3A = arith.index_cast %add3A_164 : i32 to index
        %swap3A_165 = tpu.vector_load %arg11[%swap3A] {strides = array<i32>} : memref<4096xi32, #tpu.memory_space<vmem>>, vector<16xi32>,
        %swap3A_166 = vector.shape_cast %swap3A_165 : vector<16xi32> to vector<16xi32>
        %swap3A_167 = vector.shape_cast %mul3A_158 : vector<16xi32> to vector<16xi32>
        tpu.vector_store %arg11[%swap3A], %swap3A_167 {strides = array<i32>} : memref<4096xi32, #tpu.memory_space<vmem>>, vector<16xi32>,
        %add3A_168 = arith.constant 1 : i32
        %add3A_169 = vector.broadcast %add3A_168 : i32 to vector<16xi32>
        %add3A_170 = arith.addi %mul3A_158, %add3A_169 : vector<16xi32>
        %mul3A_171 = arith.constant 16 : i32
        %mul3A_172 = arith.muli %mul3A_171, %scan3A_71 : i32
        %add3A_173 = arith.constant 2048 : i32
        %add3A_174 = arith.addi %add3A_173, %mul3A_172 : i32
        %swap3A_175 = arith.index_cast %add3A_174 : i32 to index
        %swap3A_176 = tpu.vector_load %arg11[%swap3A_175] {strides = array<i32>} : memref<4096xi32, #tpu.memory_space<vmem>>, vector<16xi32>,
        %swap3A_177 = vector.shape_cast %swap3A_176 : vector<16xi32> to vector<16xi32>
        %swap3A_178 = vector.shape_cast %add3A_170 : vector<16xi32> to vector<16xi32>
        tpu.vector_store %arg11[%swap3A_175], %swap3A_178 {strides = array<i32>} : memref<4096xi32, #tpu.memory_space<vmem>>, vector<16xi32>,
        %mul3A_179 = arith.constant 16 : i32
        %mul3A_180 = arith.muli %mul3A_179, %scan3A_71 : i32
        %add3A_181 = arith.constant 0 : i32
        %add3A_182 = arith.addi %add3A_181, %mul3A_180 : i32
        %swap3A_183 = arith.index_cast %add3A_182 : i32 to index
        %swap3A_184 = tpu.vector_load %arg13[%swap3A_183] {strides = array<i32>} : memref<2048xf32, #tpu.memory_space<vmem>>, vector<16xf32>,
        %swap3A_185 = vector.shape_cast %swap3A_184 : vector<16xf32> to vector<16xf32>
        %swap3A_186 = vector.shape_cast %mul3A_160 : vector<16xf32> to vector<16xf32>
        tpu.vector_store %arg13[%swap3A_183], %swap3A_186 {strides = array<i32>} : memref<2048xf32, #tpu.memory_space<vmem>>, vector<16xf32>,
        %xor3A_187 = arith.xori %add3A_128, %mul3A_131 : vector<16xi32>
        %xor3A_188 = arith.xori %xor3A_187, %mul3A_137 : vector<16xi32>
        %and3A_189 = arith.constant 524287 : i32
        %and3A_190 = vector.broadcast %and3A_189 : i32 to vector<16xi32>
        %and3A_191 = arith.andi %xor3A_188, %and3A_190 : vector<16xi32>
        %add3A_192 = arith.constant 0 : i32
        %add3A_193 = vector.broadcast %add3A_192 : i32 to vector<16xi32>
        %add3A_194 = arith.addi %and3A_191, %add3A_193 : vector<16xi32>
        %mul3A_195 = arith.constant 2 : i32
        %mul3A_196 = vector.broadcast %mul3A_195 : i32 to vector<16xi32>
        %mul3A_197 = arith.muli %add3A_194, %mul3A_196 : vector<16xi32>
        %mul3A_198 = arith.mulf %sub3A_91, %sub3A_146 : vector<16xf32>
        %mul3A_199 = arith.mulf %mul3A_198, %sub3A_149 : vector<16xf32>
        %mul3A_200 = arith.constant 16 : i32
        %mul3A_201 = arith.muli %mul3A_200, %scan3A_71 : i32
        %add3A_202 = arith.constant 256 : i32
        %add3A_203 = arith.addi %add3A_202, %mul3A_201 : i32
        %swap3A_204 = arith.index_cast %add3A_203 : i32 to index
        %swap3A_205 = tpu.vector_load %arg11[%swap3A_204] {strides = array<i32>} : memref<4096xi32, #tpu.memory_space<vmem>>, vector<16xi32>,
        %swap3A_206 = vector.shape_cast %swap3A_205 : vector<16xi32> to vector<16xi32>
        %swap3A_207 = vector.shape_cast %mul3A_197 : vector<16xi32> to vector<16xi32>
        tpu.vector_store %arg11[%swap3A_204], %swap3A_207 {strides = array<i32>} : memref<4096xi32, #tpu.memory_space<vmem>>, vector<16xi32>,
        %add3A_208 = arith.constant 1 : i32
        %add3A_209 = vector.broadcast %add3A_208 : i32 to vector<16xi32>
        %add3A_210 = arith.addi %mul3A_197, %add3A_209 : vector<16xi32>
        %mul3A_211 = arith.constant 16 : i32
        %mul3A_212 = arith.muli %mul3A_211, %scan3A_71 : i32
        %add3A_213 = arith.constant 2304 : i32
        %add3A_214 = arith.addi %add3A_213, %mul3A_212 : i32
        %swap3A_215 = arith.index_cast %add3A_214 : i32 to index
        %swap3A_216 = tpu.vector_load %arg11[%swap3A_215] {strides = array<i32>} : memref<4096xi32, #tpu.memory_space<vmem>>, vector<16xi32>,
        %swap3A_217 = vector.shape_cast %swap3A_216 : vector<16xi32> to vector<16xi32>
        %swap3A_218 = vector.shape_cast %add3A_210 : vector<16xi32> to vector<16xi32>
        tpu.vector_store %arg11[%swap3A_215], %swap3A_218 {strides = array<i32>} : memref<4096xi32, #tpu.memory_space<vmem>>, vector<16xi32>,
        %mul3A_219 = arith.constant 16 : i32
        %mul3A_220 = arith.muli %mul3A_219, %scan3A_71 : i32
        %add3A_221 = arith.constant 256 : i32
        %add3A_222 = arith.addi %add3A_221, %mul3A_220 : i32
        %swap3A_223 = arith.index_cast %add3A_222 : i32 to index
        %swap3A_224 = tpu.vector_load %arg13[%swap3A_223] {strides = array<i32>} : memref<2048xf32, #tpu.memory_space<vmem>>, vector<16xf32>,
        %swap3A_225 = vector.shape_cast %swap3A_224 : vector<16xf32> to vector<16xf32>
        %swap3A_226 = vector.shape_cast %mul3A_199 : vector<16xf32> to vector<16xf32>
        tpu.vector_store %arg13[%swap3A_223], %swap3A_226 {strides = array<i32>} : memref<2048xf32, #tpu.memory_space<vmem>>, vector<16xf32>,
        %xor3A_227 = arith.xori %convert_element_type3A_89, %add3A_134 : vector<16xi32>
        %xor3A_228 = arith.xori %xor3A_227, %mul3A_137 : vector<16xi32>
        %and3A_229 = arith.constant 524287 : i32
        %and3A_230 = vector.broadcast %and3A_229 : i32 to vector<16xi32>
        %and3A_231 = arith.andi %xor3A_228, %and3A_230 : vector<16xi32>
        %add3A_232 = arith.constant 0 : i32
        %add3A_233 = vector.broadcast %add3A_232 : i32 to vector<16xi32>
        %add3A_234 = arith.addi %and3A_231, %add3A_233 : vector<16xi32>
        %mul3A_235 = arith.constant 2 : i32
        %mul3A_236 = vector.broadcast %mul3A_235 : i32 to vector<16xi32>
        %mul3A_237 = arith.muli %add3A_234, %mul3A_236 : vector<16xi32>
        %mul3A_238 = arith.mulf %sub3A_143, %sub3A_108 : vector<16xf32>
        %mul3A_239 = arith.mulf %mul3A_238, %sub3A_149 : vector<16xf32>
        %mul3A_240 = arith.constant 16 : i32
        %mul3A_241 = arith.muli %mul3A_240, %scan3A_71 : i32
        %add3A_242 = arith.constant 512 : i32
        %add3A_243 = arith.addi %add3A_242, %mul3A_241 : i32
        %swap3A_244 = arith.index_cast %add3A_243 : i32 to index
        %swap3A_245 = tpu.vector_load %arg11[%swap3A_244] {strides = array<i32>} : memref<4096xi32, #tpu.memory_space<vmem>>, vector<16xi32>,
        %swap3A_246 = vector.shape_cast %swap3A_245 : vector<16xi32> to vector<16xi32>
        %swap3A_247 = vector.shape_cast %mul3A_237 : vector<16xi32> to vector<16xi32>
        tpu.vector_store %arg11[%swap3A_244], %swap3A_247 {strides = array<i32>} : memref<4096xi32, #tpu.memory_space<vmem>>, vector<16xi32>,
        %add3A_248 = arith.constant 1 : i32
        %add3A_249 = vector.broadcast %add3A_248 : i32 to vector<16xi32>
        %add3A_250 = arith.addi %mul3A_237, %add3A_249 : vector<16xi32>
        %mul3A_251 = arith.constant 16 : i32
        %mul3A_252 = arith.muli %mul3A_251, %scan3A_71 : i32
        %add3A_253 = arith.constant 2560 : i32
        %add3A_254 = arith.addi %add3A_253, %mul3A_252 : i32
        %swap3A_255 = arith.index_cast %add3A_254 : i32 to index
        %swap3A_256 = tpu.vector_load %arg11[%swap3A_255] {strides = array<i32>} : memref<4096xi32, #tpu.memory_space<vmem>>, vector<16xi32>,
        %swap3A_257 = vector.shape_cast %swap3A_256 : vector<16xi32> to vector<16xi32>
        %swap3A_258 = vector.shape_cast %add3A_250 : vector<16xi32> to vector<16xi32>
        tpu.vector_store %arg11[%swap3A_255], %swap3A_258 {strides = array<i32>} : memref<4096xi32, #tpu.memory_space<vmem>>, vector<16xi32>,
        %mul3A_259 = arith.constant 16 : i32
        %mul3A_260 = arith.muli %mul3A_259, %scan3A_71 : i32
        %add3A_261 = arith.constant 512 : i32
        %add3A_262 = arith.addi %add3A_261, %mul3A_260 : i32
        %swap3A_263 = arith.index_cast %add3A_262 : i32 to index
        %swap3A_264 = tpu.vector_load %arg13[%swap3A_263] {strides = array<i32>} : memref<2048xf32, #tpu.memory_space<vmem>>, vector<16xf32>,
        %swap3A_265 = vector.shape_cast %swap3A_264 : vector<16xf32> to vector<16xf32>
        %swap3A_266 = vector.shape_cast %mul3A_239 : vector<16xf32> to vector<16xf32>
        tpu.vector_store %arg13[%swap3A_263], %swap3A_266 {strides = array<i32>} : memref<2048xf32, #tpu.memory_space<vmem>>, vector<16xf32>,
        %xor3A_267 = arith.xori %add3A_128, %add3A_134 : vector<16xi32>
        %xor3A_268 = arith.xori %xor3A_267, %mul3A_137 : vector<16xi32>
        %and3A_269 = arith.constant 524287 : i32
        %and3A_270 = vector.broadcast %and3A_269 : i32 to vector<16xi32>
        %and3A_271 = arith.andi %xor3A_268, %and3A_270 : vector<16xi32>
        %add3A_272 = arith.constant 0 : i32
        %add3A_273 = vector.broadcast %add3A_272 : i32 to vector<16xi32>
        %add3A_274 = arith.addi %and3A_271, %add3A_273 : vector<16xi32>
        %mul3A_275 = arith.constant 2 : i32
        %mul3A_276 = vector.broadcast %mul3A_275 : i32 to vector<16xi32>
        %mul3A_277 = arith.muli %add3A_274, %mul3A_276 : vector<16xi32>
        %mul3A_278 = arith.mulf %sub3A_91, %sub3A_108 : vector<16xf32>
        %mul3A_279 = arith.mulf %mul3A_278, %sub3A_149 : vector<16xf32>
        %mul3A_280 = arith.constant 16 : i32
        %mul3A_281 = arith.muli %mul3A_280, %scan3A_71 : i32
        %add3A_282 = arith.constant 768 : i32
        %add3A_283 = arith.addi %add3A_282, %mul3A_281 : i32
        %swap3A_284 = arith.index_cast %add3A_283 : i32 to index
        %swap3A_285 = tpu.vector_load %arg11[%swap3A_284] {strides = array<i32>} : memref<4096xi32, #tpu.memory_space<vmem>>, vector<16xi32>,
        %swap3A_286 = vector.shape_cast %swap3A_285 : vector<16xi32> to vector<16xi32>
        %swap3A_287 = vector.shape_cast %mul3A_277 : vector<16xi32> to vector<16xi32>
        tpu.vector_store %arg11[%swap3A_284], %swap3A_287 {strides = array<i32>} : memref<4096xi32, #tpu.memory_space<vmem>>, vector<16xi32>,
        %add3A_288 = arith.constant 1 : i32
        %add3A_289 = vector.broadcast %add3A_288 : i32 to vector<16xi32>
        %add3A_290 = arith.addi %mul3A_277, %add3A_289 : vector<16xi32>
        %mul3A_291 = arith.constant 16 : i32
        %mul3A_292 = arith.muli %mul3A_291, %scan3A_71 : i32
        %add3A_293 = arith.constant 2816 : i32
        %add3A_294 = arith.addi %add3A_293, %mul3A_292 : i32
        %swap3A_295 = arith.index_cast %add3A_294 : i32 to index
        %swap3A_296 = tpu.vector_load %arg11[%swap3A_295] {strides = array<i32>} : memref<4096xi32, #tpu.memory_space<vmem>>, vector<16xi32>,
        %swap3A_297 = vector.shape_cast %swap3A_296 : vector<16xi32> to vector<16xi32>
        %swap3A_298 = vector.shape_cast %add3A_290 : vector<16xi32> to vector<16xi32>
        tpu.vector_store %arg11[%swap3A_295], %swap3A_298 {strides = array<i32>} : memref<4096xi32, #tpu.memory_space<vmem>>, vector<16xi32>,
        %mul3A_299 = arith.constant 16 : i32
        %mul3A_300 = arith.muli %mul3A_299, %scan3A_71 : i32
        %add3A_301 = arith.constant 768 : i32
        %add3A_302 = arith.addi %add3A_301, %mul3A_300 : i32
        %swap3A_303 = arith.index_cast %add3A_302 : i32 to index
        %swap3A_304 = tpu.vector_load %arg13[%swap3A_303] {strides = array<i32>} : memref<2048xf32, #tpu.memory_space<vmem>>, vector<16xf32>,
        %swap3A_305 = vector.shape_cast %swap3A_304 : vector<16xf32> to vector<16xf32>
        %swap3A_306 = vector.shape_cast %mul3A_279 : vector<16xf32> to vector<16xf32>
        tpu.vector_store %arg13[%swap3A_303], %swap3A_306 {strides = array<i32>} : memref<2048xf32, #tpu.memory_space<vmem>>, vector<16xf32>,
        %xor3A_307 = arith.xori %convert_element_type3A_89, %mul3A_131 : vector<16xi32>
        %xor3A_308 = arith.xori %xor3A_307, %add3A_140 : vector<16xi32>
        %and3A_309 = arith.constant 524287 : i32
        %and3A_310 = vector.broadcast %and3A_309 : i32 to vector<16xi32>
        %and3A_311 = arith.andi %xor3A_308, %and3A_310 : vector<16xi32>
        %add3A_312 = arith.constant 0 : i32
        %add3A_313 = vector.broadcast %add3A_312 : i32 to vector<16xi32>
        %add3A_314 = arith.addi %and3A_311, %add3A_313 : vector<16xi32>
        %mul3A_315 = arith.constant 2 : i32
        %mul3A_316 = vector.broadcast %mul3A_315 : i32 to vector<16xi32>
        %mul3A_317 = arith.muli %add3A_314, %mul3A_316 : vector<16xi32>
        %mul3A_318 = arith.mulf %sub3A_143, %sub3A_146 : vector<16xf32>
        %mul3A_319 = arith.mulf %mul3A_318, %sub3A_125 : vector<16xf32>
        %mul3A_320 = arith.constant 16 : i32
        %mul3A_321 = arith.muli %mul3A_320, %scan3A_71 : i32
        %add3A_322 = arith.constant 1024 : i32
        %add3A_323 = arith.addi %add3A_322, %mul3A_321 : i32
        %swap3A_324 = arith.index_cast %add3A_323 : i32 to index
        %swap3A_325 = tpu.vector_load %arg11[%swap3A_324] {strides = array<i32>} : memref<4096xi32, #tpu.memory_space<vmem>>, vector<16xi32>,
        %swap3A_326 = vector.shape_cast %swap3A_325 : vector<16xi32> to vector<16xi32>
        %swap3A_327 = vector.shape_cast %mul3A_317 : vector<16xi32> to vector<16xi32>
        tpu.vector_store %arg11[%swap3A_324], %swap3A_327 {strides = array<i32>} : memref<4096xi32, #tpu.memory_space<vmem>>, vector<16xi32>,
        %add3A_328 = arith.constant 1 : i32
        %add3A_329 = vector.broadcast %add3A_328 : i32 to vector<16xi32>
        %add3A_330 = arith.addi %mul3A_317, %add3A_329 : vector<16xi32>
        %mul3A_331 = arith.constant 16 : i32
        %mul3A_332 = arith.muli %mul3A_331, %scan3A_71 : i32
        %add3A_333 = arith.constant 3072 : i32
        %add3A_334 = arith.addi %add3A_333, %mul3A_332 : i32
        %swap3A_335 = arith.index_cast %add3A_334 : i32 to index
        %swap3A_336 = tpu.vector_load %arg11[%swap3A_335] {strides = array<i32>} : memref<4096xi32, #tpu.memory_space<vmem>>, vector<16xi32>,
        %swap3A_337 = vector.shape_cast %swap3A_336 : vector<16xi32> to vector<16xi32>
        %swap3A_338 = vector.shape_cast %add3A_330 : vector<16xi32> to vector<16xi32>
        tpu.vector_store %arg11[%swap3A_335], %swap3A_338 {strides = array<i32>} : memref<4096xi32, #tpu.memory_space<vmem>>, vector<16xi32>,
        %mul3A_339 = arith.constant 16 : i32
        %mul3A_340 = arith.muli %mul3A_339, %scan3A_71 : i32
        %add3A_341 = arith.constant 1024 : i32
        %add3A_342 = arith.addi %add3A_341, %mul3A_340 : i32
        %swap3A_343 = arith.index_cast %add3A_342 : i32 to index
        %swap3A_344 = tpu.vector_load %arg13[%swap3A_343] {strides = array<i32>} : memref<2048xf32, #tpu.memory_space<vmem>>, vector<16xf32>,
        %swap3A_345 = vector.shape_cast %swap3A_344 : vector<16xf32> to vector<16xf32>
        %swap3A_346 = vector.shape_cast %mul3A_319 : vector<16xf32> to vector<16xf32>
        tpu.vector_store %arg13[%swap3A_343], %swap3A_346 {strides = array<i32>} : memref<2048xf32, #tpu.memory_space<vmem>>, vector<16xf32>,
        %xor3A_347 = arith.xori %add3A_128, %mul3A_131 : vector<16xi32>
        %xor3A_348 = arith.xori %xor3A_347, %add3A_140 : vector<16xi32>
        %and3A_349 = arith.constant 524287 : i32
        %and3A_350 = vector.broadcast %and3A_349 : i32 to vector<16xi32>
        %and3A_351 = arith.andi %xor3A_348, %and3A_350 : vector<16xi32>
        %add3A_352 = arith.constant 0 : i32
        %add3A_353 = vector.broadcast %add3A_352 : i32 to vector<16xi32>
        %add3A_354 = arith.addi %and3A_351, %add3A_353 : vector<16xi32>
        %mul3A_355 = arith.constant 2 : i32
        %mul3A_356 = vector.broadcast %mul3A_355 : i32 to vector<16xi32>
        %mul3A_357 = arith.muli %add3A_354, %mul3A_356 : vector<16xi32>
        %mul3A_358 = arith.mulf %sub3A_91, %sub3A_146 : vector<16xf32>
        %mul3A_359 = arith.mulf %mul3A_358, %sub3A_125 : vector<16xf32>
        %mul3A_360 = arith.constant 16 : i32
        %mul3A_361 = arith.muli %mul3A_360, %scan3A_71 : i32
        %add3A_362 = arith.constant 1280 : i32
        %add3A_363 = arith.addi %add3A_362, %mul3A_361 : i32
        %swap3A_364 = arith.index_cast %add3A_363 : i32 to index
        %swap3A_365 = tpu.vector_load %arg11[%swap3A_364] {strides = array<i32>} : memref<4096xi32, #tpu.memory_space<vmem>>, vector<16xi32>,
        %swap3A_366 = vector.shape_cast %swap3A_365 : vector<16xi32> to vector<16xi32>
        %swap3A_367 = vector.shape_cast %mul3A_357 : vector<16xi32> to vector<16xi32>
        tpu.vector_store %arg11[%swap3A_364], %swap3A_367 {strides = array<i32>} : memref<4096xi32, #tpu.memory_space<vmem>>, vector<16xi32>,
        %add3A_368 = arith.constant 1 : i32
        %add3A_369 = vector.broadcast %add3A_368 : i32 to vector<16xi32>
        %add3A_370 = arith.addi %mul3A_357, %add3A_369 : vector<16xi32>
        %mul3A_371 = arith.constant 16 : i32
        %mul3A_372 = arith.muli %mul3A_371, %scan3A_71 : i32
        %add3A_373 = arith.constant 3328 : i32
        %add3A_374 = arith.addi %add3A_373, %mul3A_372 : i32
        %swap3A_375 = arith.index_cast %add3A_374 : i32 to index
        %swap3A_376 = tpu.vector_load %arg11[%swap3A_375] {strides = array<i32>} : memref<4096xi32, #tpu.memory_space<vmem>>, vector<16xi32>,
        %swap3A_377 = vector.shape_cast %swap3A_376 : vector<16xi32> to vector<16xi32>
        %swap3A_378 = vector.shape_cast %add3A_370 : vector<16xi32> to vector<16xi32>
        tpu.vector_store %arg11[%swap3A_375], %swap3A_378 {strides = array<i32>} : memref<4096xi32, #tpu.memory_space<vmem>>, vector<16xi32>,
        %mul3A_379 = arith.constant 16 : i32
        %mul3A_380 = arith.muli %mul3A_379, %scan3A_71 : i32
        %add3A_381 = arith.constant 1280 : i32
        %add3A_382 = arith.addi %add3A_381, %mul3A_380 : i32
        %swap3A_383 = arith.index_cast %add3A_382 : i32 to index
        %swap3A_384 = tpu.vector_load %arg13[%swap3A_383] {strides = array<i32>} : memref<2048xf32, #tpu.memory_space<vmem>>, vector<16xf32>,
        %swap3A_385 = vector.shape_cast %swap3A_384 : vector<16xf32> to vector<16xf32>
        %swap3A_386 = vector.shape_cast %mul3A_359 : vector<16xf32> to vector<16xf32>
        tpu.vector_store %arg13[%swap3A_383], %swap3A_386 {strides = array<i32>} : memref<2048xf32, #tpu.memory_space<vmem>>, vector<16xf32>,
        %xor3A_387 = arith.xori %convert_element_type3A_89, %add3A_134 : vector<16xi32>
        %xor3A_388 = arith.xori %xor3A_387, %add3A_140 : vector<16xi32>
        %and3A_389 = arith.constant 524287 : i32
        %and3A_390 = vector.broadcast %and3A_389 : i32 to vector<16xi32>
        %and3A_391 = arith.andi %xor3A_388, %and3A_390 : vector<16xi32>
        %add3A_392 = arith.constant 0 : i32
        %add3A_393 = vector.broadcast %add3A_392 : i32 to vector<16xi32>
        %add3A_394 = arith.addi %and3A_391, %add3A_393 : vector<16xi32>
        %mul3A_395 = arith.constant 2 : i32
        %mul3A_396 = vector.broadcast %mul3A_395 : i32 to vector<16xi32>
        %mul3A_397 = arith.muli %add3A_394, %mul3A_396 : vector<16xi32>
        %mul3A_398 = arith.mulf %sub3A_143, %sub3A_108 : vector<16xf32>
        %mul3A_399 = arith.mulf %mul3A_398, %sub3A_125 : vector<16xf32>
        %mul3A_400 = arith.constant 16 : i32
        %mul3A_401 = arith.muli %mul3A_400, %scan3A_71 : i32
        %add3A_402 = arith.constant 1536 : i32
        %add3A_403 = arith.addi %add3A_402, %mul3A_401 : i32
        %swap3A_404 = arith.index_cast %add3A_403 : i32 to index
        %swap3A_405 = tpu.vector_load %arg11[%swap3A_404] {strides = array<i32>} : memref<4096xi32, #tpu.memory_space<vmem>>, vector<16xi32>,
        %swap3A_406 = vector.shape_cast %swap3A_405 : vector<16xi32> to vector<16xi32>
        %swap3A_407 = vector.shape_cast %mul3A_397 : vector<16xi32> to vector<16xi32>
        tpu.vector_store %arg11[%swap3A_404], %swap3A_407 {strides = array<i32>} : memref<4096xi32, #tpu.memory_space<vmem>>, vector<16xi32>,
        %add3A_408 = arith.constant 1 : i32
        %add3A_409 = vector.broadcast %add3A_408 : i32 to vector<16xi32>
        %add3A_410 = arith.addi %mul3A_397, %add3A_409 : vector<16xi32>
        %mul3A_411 = arith.constant 16 : i32
        %mul3A_412 = arith.muli %mul3A_411, %scan3A_71 : i32
        %add3A_413 = arith.constant 3584 : i32
        %add3A_414 = arith.addi %add3A_413, %mul3A_412 : i32
        %swap3A_415 = arith.index_cast %add3A_414 : i32 to index
        %swap3A_416 = tpu.vector_load %arg11[%swap3A_415] {strides = array<i32>} : memref<4096xi32, #tpu.memory_space<vmem>>, vector<16xi32>,
        %swap3A_417 = vector.shape_cast %swap3A_416 : vector<16xi32> to vector<16xi32>
        %swap3A_418 = vector.shape_cast %add3A_410 : vector<16xi32> to vector<16xi32>
        tpu.vector_store %arg11[%swap3A_415], %swap3A_418 {strides = array<i32>} : memref<4096xi32, #tpu.memory_space<vmem>>, vector<16xi32>,
        %mul3A_419 = arith.constant 16 : i32
        %mul3A_420 = arith.muli %mul3A_419, %scan3A_71 : i32
        %add3A_421 = arith.constant 1536 : i32
        %add3A_422 = arith.addi %add3A_421, %mul3A_420 : i32
        %swap3A_423 = arith.index_cast %add3A_422 : i32 to index
        %swap3A_424 = tpu.vector_load %arg13[%swap3A_423] {strides = array<i32>} : memref<2048xf32, #tpu.memory_space<vmem>>, vector<16xf32>,
        %swap3A_425 = vector.shape_cast %swap3A_424 : vector<16xf32> to vector<16xf32>
        %swap3A_426 = vector.shape_cast %mul3A_399 : vector<16xf32> to vector<16xf32>
        tpu.vector_store %arg13[%swap3A_423], %swap3A_426 {strides = array<i32>} : memref<2048xf32, #tpu.memory_space<vmem>>, vector<16xf32>,
        %xor3A_427 = arith.xori %add3A_128, %add3A_134 : vector<16xi32>
        %xor3A_428 = arith.xori %xor3A_427, %add3A_140 : vector<16xi32>
        %and3A_429 = arith.constant 524287 : i32
        %and3A_430 = vector.broadcast %and3A_429 : i32 to vector<16xi32>
        %and3A_431 = arith.andi %xor3A_428, %and3A_430 : vector<16xi32>
        %add3A_432 = arith.constant 0 : i32
        %add3A_433 = vector.broadcast %add3A_432 : i32 to vector<16xi32>
        %add3A_434 = arith.addi %and3A_431, %add3A_433 : vector<16xi32>
        %mul3A_435 = arith.constant 2 : i32
        %mul3A_436 = vector.broadcast %mul3A_435 : i32 to vector<16xi32>
        %mul3A_437 = arith.muli %add3A_434, %mul3A_436 : vector<16xi32>
        %mul3A_438 = arith.mulf %sub3A_91, %sub3A_108 : vector<16xf32>
        %mul3A_439 = arith.mulf %mul3A_438, %sub3A_125 : vector<16xf32>
        %mul3A_440 = arith.constant 16 : i32
        %mul3A_441 = arith.muli %mul3A_440, %scan3A_71 : i32
        %add3A_442 = arith.constant 1792 : i32
        %add3A_443 = arith.addi %add3A_442, %mul3A_441 : i32
        %swap3A_444 = arith.index_cast %add3A_443 : i32 to index
        %swap3A_445 = tpu.vector_load %arg11[%swap3A_444] {strides = array<i32>} : memref<4096xi32, #tpu.memory_space<vmem>>, vector<16xi32>,
        %swap3A_446 = vector.shape_cast %swap3A_445 : vector<16xi32> to vector<16xi32>
        %swap3A_447 = vector.shape_cast %mul3A_437 : vector<16xi32> to vector<16xi32>
        tpu.vector_store %arg11[%swap3A_444], %swap3A_447 {strides = array<i32>} : memref<4096xi32, #tpu.memory_space<vmem>>, vector<16xi32>,
        %add3A_448 = arith.constant 1 : i32
        %add3A_449 = vector.broadcast %add3A_448 : i32 to vector<16xi32>
        %add3A_450 = arith.addi %mul3A_437, %add3A_449 : vector<16xi32>
        %mul3A_451 = arith.constant 16 : i32
        %mul3A_452 = arith.muli %mul3A_451, %scan3A_71 : i32
        %add3A_453 = arith.constant 3840 : i32
        %add3A_454 = arith.addi %add3A_453, %mul3A_452 : i32
        %swap3A_455 = arith.index_cast %add3A_454 : i32 to index
        %swap3A_456 = tpu.vector_load %arg11[%swap3A_455] {strides = array<i32>} : memref<4096xi32, #tpu.memory_space<vmem>>, vector<16xi32>,
        %swap3A_457 = vector.shape_cast %swap3A_456 : vector<16xi32> to vector<16xi32>
        %swap3A_458 = vector.shape_cast %add3A_450 : vector<16xi32> to vector<16xi32>
        tpu.vector_store %arg11[%swap3A_455], %swap3A_458 {strides = array<i32>} : memref<4096xi32, #tpu.memory_space<vmem>>, vector<16xi32>,
        %mul3A_459 = arith.constant 16 : i32
        %mul3A_460 = arith.muli %mul3A_459, %scan3A_71 : i32
        %add3A_461 = arith.constant 1792 : i32
        %add3A_462 = arith.addi %add3A_461, %mul3A_460 : i32
        %swap3A_463 = arith.index_cast %add3A_462 : i32 to index
        %swap3A_464 = tpu.vector_load %arg13[%swap3A_463] {strides = array<i32>} : memref<2048xf32, #tpu.memory_space<vmem>>, vector<16xf32>,
        %swap3A_465 = vector.shape_cast %swap3A_464 : vector<16xf32> to vector<16xf32>
        %swap3A_466 = vector.shape_cast %mul3A_439 : vector<16xf32> to vector<16xf32>
        tpu.vector_store %arg13[%swap3A_463], %swap3A_466 {strides = array<i32>} : memref<2048xf32, #tpu.memory_space<vmem>>, vector<16xf32>,
      }
      %scan3A_48 = arith.constant 16 : i32
      %dma_start3A = arith.constant 0 : i32
      %dma_start3A_49 = tpu.memref_slice %arg25[%dma_start3A] : memref<1048576xf32, #tpu.memory_space<vmem_shared>> -> memref<1048576xf32, #tpu.memory_space<vmem_shared>>
      tpu.enqueue_indirect_dma source(%dma_start3A_49 : memref<1048576xf32, #tpu.memory_space<vmem_shared>>) target(%arg15 : memref<4096xf32, #tpu.memory_space<vmem>>) offsets(%arg11 : memref<4096xi32, #tpu.memory_space<vmem>>) semaphore(%arg21 : memref<!tpu.dma_semaphore, #tpu.memory_space<semaphore_mem>>)
      %scan3A_50 = arith.constant 0 : i32
      %scan3A_51 = arith.constant 0 : i32
      %scan3A_52 = arith.constant 16 : i32
      %scan3A_53 = arith.addi %scan3A_51, %scan3A_52 : i32
      %scan3A_54 = arith.constant 1 : i32
      scf.for %scan3A_71 = %scan3A_51 to %scan3A_53 step %scan3A_54  : i32 {
        %mul3A_72 = arith.constant 2 : i32
        %mul3A_73 = arith.muli %mul3A_72, %scan3A_71 : i32
        %add3A_74 = arith.constant 1 : i32
        %add3A_75 = arith.addi %mul3A_73, %add3A_74 : i32
        %mul3A_76 = arith.constant 256 : i32
        %mul3A_77 = arith.muli %add3A_75, %mul3A_76 : i32
        %scan3A_78 = arith.constant 0 : i32
        %scan3A_79 = arith.constant 0 : i32
        %scan3A_80 = arith.constant 16 : i32
        %scan3A_81 = arith.addi %scan3A_79, %scan3A_80 : i32
        %scan3A_82 = arith.constant 1 : i32
        scf.for %scan3A_142 = %scan3A_79 to %scan3A_81 step %scan3A_82  : i32 {
          %mul3A_143 = arith.constant 16 : i32
          %mul3A_144 = arith.muli %mul3A_143, %scan3A_142 : i32
          %add3A_145 = arith.addi %mul3A_77, %mul3A_144 : i32
          %get3A = arith.index_cast %add3A_145 : i32 to index
          %get3A_146 = tpu.vector_load %arg8[%get3A] {strides = array<i32>} : memref<8192xf32, #tpu.memory_space<vmem>>, vector<16xf32>,
          %get3A_147 = vector.shape_cast %get3A_146 : vector<16xf32> to vector<16xf32>
          %add3A_148 = arith.constant 1.000000e+00 : f32
          %add3A_149 = vector.broadcast %add3A_148 : f32 to vector<16xf32>
          %add3A_150 = arith.addf %get3A_147, %add3A_149 : vector<16xf32>
          %mul3A_151 = arith.constant 5.000000e-01 : f32
          %mul3A_152 = vector.broadcast %mul3A_151 : f32 to vector<16xf32>
          %mul3A_153 = arith.mulf %add3A_150, %mul3A_152 : vector<16xf32>
          %mul3A_154 = vector.broadcast %convert_element_type3A : f32 to vector<16xf32>
          %mul3A_155 = arith.mulf %mul3A_153, %mul3A_154 : vector<16xf32>
          %add3A_156 = arith.constant 5.000000e-01 : f32
          %add3A_157 = vector.broadcast %add3A_156 : f32 to vector<16xf32>
          %add3A_158 = arith.addf %mul3A_155, %add3A_157 : vector<16xf32>
          %convert_element_type3A_159 = arith.fptosi %add3A_158 : vector<16xf32> to vector<16xi32>
          %convert_element_type3A_160 = arith.sitofp %convert_element_type3A_159 : vector<16xi32> to vector<16xf32>
          %sub3A_161 = arith.subf %add3A_158, %convert_element_type3A_160 : vector<16xf32>
          %get3A_162 = arith.index_cast %add3A_145 : i32 to index
          %get3A_163 = tpu.vector_load %arg9[%get3A_162] {strides = array<i32>} : memref<8192xf32, #tpu.memory_space<vmem>>, vector<16xf32>,
          %get3A_164 = vector.shape_cast %get3A_163 : vector<16xf32> to vector<16xf32>
          %add3A_165 = arith.constant 1.000000e+00 : f32
          %add3A_166 = vector.broadcast %add3A_165 : f32 to vector<16xf32>
          %add3A_167 = arith.addf %get3A_164, %add3A_166 : vector<16xf32>
          %mul3A_168 = arith.constant 5.000000e-01 : f32
          %mul3A_169 = vector.broadcast %mul3A_168 : f32 to vector<16xf32>
          %mul3A_170 = arith.mulf %add3A_167, %mul3A_169 : vector<16xf32>
          %mul3A_171 = vector.broadcast %convert_element_type3A : f32 to vector<16xf32>
          %mul3A_172 = arith.mulf %mul3A_170, %mul3A_171 : vector<16xf32>
          %add3A_173 = arith.constant 5.000000e-01 : f32
          %add3A_174 = vector.broadcast %add3A_173 : f32 to vector<16xf32>
          %add3A_175 = arith.addf %mul3A_172, %add3A_174 : vector<16xf32>
          %convert_element_type3A_176 = arith.fptosi %add3A_175 : vector<16xf32> to vector<16xi32>
          %convert_element_type3A_177 = arith.sitofp %convert_element_type3A_176 : vector<16xi32> to vector<16xf32>
          %sub3A_178 = arith.subf %add3A_175, %convert_element_type3A_177 : vector<16xf32>
          %get3A_179 = arith.index_cast %add3A_145 : i32 to index
          %get3A_180 = tpu.vector_load %arg10[%get3A_179] {strides = array<i32>} : memref<8192xf32, #tpu.memory_space<vmem>>, vector<16xf32>,
          %get3A_181 = vector.shape_cast %get3A_180 : vector<16xf32> to vector<16xf32>
          %add3A_182 = arith.constant 1.000000e+00 : f32
          %add3A_183 = vector.broadcast %add3A_182 : f32 to vector<16xf32>
          %add3A_184 = arith.addf %get3A_181, %add3A_183 : vector<16xf32>
          %mul3A_185 = arith.constant 5.000000e-01 : f32
          %mul3A_186 = vector.broadcast %mul3A_185 : f32 to vector<16xf32>
          %mul3A_187 = arith.mulf %add3A_184, %mul3A_186 : vector<16xf32>
          %mul3A_188 = vector.broadcast %convert_element_type3A : f32 to vector<16xf32>
          %mul3A_189 = arith.mulf %mul3A_187, %mul3A_188 : vector<16xf32>
          %add3A_190 = arith.constant 5.000000e-01 : f32
          %add3A_191 = vector.broadcast %add3A_190 : f32 to vector<16xf32>
          %add3A_192 = arith.addf %mul3A_189, %add3A_191 : vector<16xf32>
          %convert_element_type3A_193 = arith.fptosi %add3A_192 : vector<16xf32> to vector<16xi32>
          %convert_element_type3A_194 = arith.sitofp %convert_element_type3A_193 : vector<16xi32> to vector<16xf32>
          %sub3A_195 = arith.subf %add3A_192, %convert_element_type3A_194 : vector<16xf32>
          %add3A_196 = arith.constant 1 : i32
          %add3A_197 = vector.broadcast %add3A_196 : i32 to vector<16xi32>
          %add3A_198 = arith.addi %convert_element_type3A_159, %add3A_197 : vector<16xi32>
          %mul3A_199 = arith.constant -1640531535 : i32
          %mul3A_200 = vector.broadcast %mul3A_199 : i32 to vector<16xi32>
          %mul3A_201 = arith.muli %convert_element_type3A_176, %mul3A_200 : vector<16xi32>
          %add3A_202 = arith.constant -1640531535 : i32
          %add3A_203 = vector.broadcast %add3A_202 : i32 to vector<16xi32>
          %add3A_204 = arith.addi %mul3A_201, %add3A_203 : vector<16xi32>
          %mul3A_205 = arith.constant 805459861 : i32
          %mul3A_206 = vector.broadcast %mul3A_205 : i32 to vector<16xi32>
          %mul3A_207 = arith.muli %convert_element_type3A_193, %mul3A_206 : vector<16xi32>
          %add3A_208 = arith.constant 805459861 : i32
          %add3A_209 = vector.broadcast %add3A_208 : i32 to vector<16xi32>
          %add3A_210 = arith.addi %mul3A_207, %add3A_209 : vector<16xi32>
          %sub3A_211 = arith.constant 1.000000e+00 : f32
          %sub3A_212 = vector.broadcast %sub3A_211 : f32 to vector<16xf32>
          %sub3A_213 = arith.subf %sub3A_212, %sub3A_161 : vector<16xf32>
          %sub3A_214 = arith.constant 1.000000e+00 : f32
          %sub3A_215 = vector.broadcast %sub3A_214 : f32 to vector<16xf32>
          %sub3A_216 = arith.subf %sub3A_215, %sub3A_178 : vector<16xf32>
          %sub3A_217 = arith.constant 1.000000e+00 : f32
          %sub3A_218 = vector.broadcast %sub3A_217 : f32 to vector<16xf32>
          %sub3A_219 = arith.subf %sub3A_218, %sub3A_195 : vector<16xf32>
          %xor3A = arith.xori %convert_element_type3A_159, %mul3A_201 : vector<16xi32>
          %xor3A_220 = arith.xori %xor3A, %mul3A_207 : vector<16xi32>
          %and3A = arith.constant 524287 : i32
          %and3A_221 = vector.broadcast %and3A : i32 to vector<16xi32>
          %and3A_222 = arith.andi %xor3A_220, %and3A_221 : vector<16xi32>
          %add3A_223 = arith.constant 0 : i32
          %add3A_224 = vector.broadcast %add3A_223 : i32 to vector<16xi32>
          %add3A_225 = arith.addi %and3A_222, %add3A_224 : vector<16xi32>
          %mul3A_226 = arith.constant 2 : i32
          %mul3A_227 = vector.broadcast %mul3A_226 : i32 to vector<16xi32>
          %mul3A_228 = arith.muli %add3A_225, %mul3A_227 : vector<16xi32>
          %mul3A_229 = arith.mulf %sub3A_213, %sub3A_216 : vector<16xf32>
          %mul3A_230 = arith.mulf %mul3A_229, %sub3A_219 : vector<16xf32>
          %mul3A_231 = arith.constant 16 : i32
          %mul3A_232 = arith.muli %mul3A_231, %scan3A_142 : i32
          %add3A_233 = arith.constant 0 : i32
          %add3A_234 = arith.addi %add3A_233, %mul3A_232 : i32
          %swap3A = arith.index_cast %add3A_234 : i32 to index
          %swap3A_235 = tpu.vector_load %arg12[%swap3A] {strides = array<i32>} : memref<4096xi32, #tpu.memory_space<vmem>>, vector<16xi32>,
          %swap3A_236 = vector.shape_cast %swap3A_235 : vector<16xi32> to vector<16xi32>
          %swap3A_237 = vector.shape_cast %mul3A_228 : vector<16xi32> to vector<16xi32>
          tpu.vector_store %arg12[%swap3A], %swap3A_237 {strides = array<i32>} : memref<4096xi32, #tpu.memory_space<vmem>>, vector<16xi32>,
          %add3A_238 = arith.constant 1 : i32
          %add3A_239 = vector.broadcast %add3A_238 : i32 to vector<16xi32>
          %add3A_240 = arith.addi %mul3A_228, %add3A_239 : vector<16xi32>
          %mul3A_241 = arith.constant 16 : i32
          %mul3A_242 = arith.muli %mul3A_241, %scan3A_142 : i32
          %add3A_243 = arith.constant 2048 : i32
          %add3A_244 = arith.addi %add3A_243, %mul3A_242 : i32
          %swap3A_245 = arith.index_cast %add3A_244 : i32 to index
          %swap3A_246 = tpu.vector_load %arg12[%swap3A_245] {strides = array<i32>} : memref<4096xi32, #tpu.memory_space<vmem>>, vector<16xi32>,
          %swap3A_247 = vector.shape_cast %swap3A_246 : vector<16xi32> to vector<16xi32>
          %swap3A_248 = vector.shape_cast %add3A_240 : vector<16xi32> to vector<16xi32>
          tpu.vector_store %arg12[%swap3A_245], %swap3A_248 {strides = array<i32>} : memref<4096xi32, #tpu.memory_space<vmem>>, vector<16xi32>,
          %mul3A_249 = arith.constant 16 : i32
          %mul3A_250 = arith.muli %mul3A_249, %scan3A_142 : i32
          %add3A_251 = arith.constant 0 : i32
          %add3A_252 = arith.addi %add3A_251, %mul3A_250 : i32
          %swap3A_253 = arith.index_cast %add3A_252 : i32 to index
          %swap3A_254 = tpu.vector_load %arg14[%swap3A_253] {strides = array<i32>} : memref<2048xf32, #tpu.memory_space<vmem>>, vector<16xf32>,
          %swap3A_255 = vector.shape_cast %swap3A_254 : vector<16xf32> to vector<16xf32>
          %swap3A_256 = vector.shape_cast %mul3A_230 : vector<16xf32> to vector<16xf32>
          tpu.vector_store %arg14[%swap3A_253], %swap3A_256 {strides = array<i32>} : memref<2048xf32, #tpu.memory_space<vmem>>, vector<16xf32>,
          %xor3A_257 = arith.xori %add3A_198, %mul3A_201 : vector<16xi32>
          %xor3A_258 = arith.xori %xor3A_257, %mul3A_207 : vector<16xi32>
          %and3A_259 = arith.constant 524287 : i32
          %and3A_260 = vector.broadcast %and3A_259 : i32 to vector<16xi32>
          %and3A_261 = arith.andi %xor3A_258, %and3A_260 : vector<16xi32>
          %add3A_262 = arith.constant 0 : i32
          %add3A_263 = vector.broadcast %add3A_262 : i32 to vector<16xi32>
          %add3A_264 = arith.addi %and3A_261, %add3A_263 : vector<16xi32>
          %mul3A_265 = arith.constant 2 : i32
          %mul3A_266 = vector.broadcast %mul3A_265 : i32 to vector<16xi32>
          %mul3A_267 = arith.muli %add3A_264, %mul3A_266 : vector<16xi32>
          %mul3A_268 = arith.mulf %sub3A_161, %sub3A_216 : vector<16xf32>
          %mul3A_269 = arith.mulf %mul3A_268, %sub3A_219 : vector<16xf32>
          %mul3A_270 = arith.constant 16 : i32
          %mul3A_271 = arith.muli %mul3A_270, %scan3A_142 : i32
          %add3A_272 = arith.constant 256 : i32
          %add3A_273 = arith.addi %add3A_272, %mul3A_271 : i32
          %swap3A_274 = arith.index_cast %add3A_273 : i32 to index
          %swap3A_275 = tpu.vector_load %arg12[%swap3A_274] {strides = array<i32>} : memref<4096xi32, #tpu.memory_space<vmem>>, vector<16xi32>,
          %swap3A_276 = vector.shape_cast %swap3A_275 : vector<16xi32> to vector<16xi32>
          %swap3A_277 = vector.shape_cast %mul3A_267 : vector<16xi32> to vector<16xi32>
          tpu.vector_store %arg12[%swap3A_274], %swap3A_277 {strides = array<i32>} : memref<4096xi32, #tpu.memory_space<vmem>>, vector<16xi32>,
          %add3A_278 = arith.constant 1 : i32
          %add3A_279 = vector.broadcast %add3A_278 : i32 to vector<16xi32>
          %add3A_280 = arith.addi %mul3A_267, %add3A_279 : vector<16xi32>
          %mul3A_281 = arith.constant 16 : i32
          %mul3A_282 = arith.muli %mul3A_281, %scan3A_142 : i32
          %add3A_283 = arith.constant 2304 : i32
          %add3A_284 = arith.addi %add3A_283, %mul3A_282 : i32
          %swap3A_285 = arith.index_cast %add3A_284 : i32 to index
          %swap3A_286 = tpu.vector_load %arg12[%swap3A_285] {strides = array<i32>} : memref<4096xi32, #tpu.memory_space<vmem>>, vector<16xi32>,
          %swap3A_287 = vector.shape_cast %swap3A_286 : vector<16xi32> to vector<16xi32>
          %swap3A_288 = vector.shape_cast %add3A_280 : vector<16xi32> to vector<16xi32>
          tpu.vector_store %arg12[%swap3A_285], %swap3A_288 {strides = array<i32>} : memref<4096xi32, #tpu.memory_space<vmem>>, vector<16xi32>,
          %mul3A_289 = arith.constant 16 : i32
          %mul3A_290 = arith.muli %mul3A_289, %scan3A_142 : i32
          %add3A_291 = arith.constant 256 : i32
          %add3A_292 = arith.addi %add3A_291, %mul3A_290 : i32
          %swap3A_293 = arith.index_cast %add3A_292 : i32 to index
          %swap3A_294 = tpu.vector_load %arg14[%swap3A_293] {strides = array<i32>} : memref<2048xf32, #tpu.memory_space<vmem>>, vector<16xf32>,
          %swap3A_295 = vector.shape_cast %swap3A_294 : vector<16xf32> to vector<16xf32>
          %swap3A_296 = vector.shape_cast %mul3A_269 : vector<16xf32> to vector<16xf32>
          tpu.vector_store %arg14[%swap3A_293], %swap3A_296 {strides = array<i32>} : memref<2048xf32, #tpu.memory_space<vmem>>, vector<16xf32>,
          %xor3A_297 = arith.xori %convert_element_type3A_159, %add3A_204 : vector<16xi32>
          %xor3A_298 = arith.xori %xor3A_297, %mul3A_207 : vector<16xi32>
          %and3A_299 = arith.constant 524287 : i32
          %and3A_300 = vector.broadcast %and3A_299 : i32 to vector<16xi32>
          %and3A_301 = arith.andi %xor3A_298, %and3A_300 : vector<16xi32>
          %add3A_302 = arith.constant 0 : i32
          %add3A_303 = vector.broadcast %add3A_302 : i32 to vector<16xi32>
          %add3A_304 = arith.addi %and3A_301, %add3A_303 : vector<16xi32>
          %mul3A_305 = arith.constant 2 : i32
          %mul3A_306 = vector.broadcast %mul3A_305 : i32 to vector<16xi32>
          %mul3A_307 = arith.muli %add3A_304, %mul3A_306 : vector<16xi32>
          %mul3A_308 = arith.mulf %sub3A_213, %sub3A_178 : vector<16xf32>
          %mul3A_309 = arith.mulf %mul3A_308, %sub3A_219 : vector<16xf32>
          %mul3A_310 = arith.constant 16 : i32
          %mul3A_311 = arith.muli %mul3A_310, %scan3A_142 : i32
          %add3A_312 = arith.constant 512 : i32
          %add3A_313 = arith.addi %add3A_312, %mul3A_311 : i32
          %swap3A_314 = arith.index_cast %add3A_313 : i32 to index
          %swap3A_315 = tpu.vector_load %arg12[%swap3A_314] {strides = array<i32>} : memref<4096xi32, #tpu.memory_space<vmem>>, vector<16xi32>,
          %swap3A_316 = vector.shape_cast %swap3A_315 : vector<16xi32> to vector<16xi32>
          %swap3A_317 = vector.shape_cast %mul3A_307 : vector<16xi32> to vector<16xi32>
          tpu.vector_store %arg12[%swap3A_314], %swap3A_317 {strides = array<i32>} : memref<4096xi32, #tpu.memory_space<vmem>>, vector<16xi32>,
          %add3A_318 = arith.constant 1 : i32
          %add3A_319 = vector.broadcast %add3A_318 : i32 to vector<16xi32>
          %add3A_320 = arith.addi %mul3A_307, %add3A_319 : vector<16xi32>
          %mul3A_321 = arith.constant 16 : i32
          %mul3A_322 = arith.muli %mul3A_321, %scan3A_142 : i32
          %add3A_323 = arith.constant 2560 : i32
          %add3A_324 = arith.addi %add3A_323, %mul3A_322 : i32
          %swap3A_325 = arith.index_cast %add3A_324 : i32 to index
          %swap3A_326 = tpu.vector_load %arg12[%swap3A_325] {strides = array<i32>} : memref<4096xi32, #tpu.memory_space<vmem>>, vector<16xi32>,
          %swap3A_327 = vector.shape_cast %swap3A_326 : vector<16xi32> to vector<16xi32>
          %swap3A_328 = vector.shape_cast %add3A_320 : vector<16xi32> to vector<16xi32>
          tpu.vector_store %arg12[%swap3A_325], %swap3A_328 {strides = array<i32>} : memref<4096xi32, #tpu.memory_space<vmem>>, vector<16xi32>,
          %mul3A_329 = arith.constant 16 : i32
          %mul3A_330 = arith.muli %mul3A_329, %scan3A_142 : i32
          %add3A_331 = arith.constant 512 : i32
          %add3A_332 = arith.addi %add3A_331, %mul3A_330 : i32
          %swap3A_333 = arith.index_cast %add3A_332 : i32 to index
          %swap3A_334 = tpu.vector_load %arg14[%swap3A_333] {strides = array<i32>} : memref<2048xf32, #tpu.memory_space<vmem>>, vector<16xf32>,
          %swap3A_335 = vector.shape_cast %swap3A_334 : vector<16xf32> to vector<16xf32>
          %swap3A_336 = vector.shape_cast %mul3A_309 : vector<16xf32> to vector<16xf32>
          tpu.vector_store %arg14[%swap3A_333], %swap3A_336 {strides = array<i32>} : memref<2048xf32, #tpu.memory_space<vmem>>, vector<16xf32>,
          %xor3A_337 = arith.xori %add3A_198, %add3A_204 : vector<16xi32>
          %xor3A_338 = arith.xori %xor3A_337, %mul3A_207 : vector<16xi32>
          %and3A_339 = arith.constant 524287 : i32
          %and3A_340 = vector.broadcast %and3A_339 : i32 to vector<16xi32>
          %and3A_341 = arith.andi %xor3A_338, %and3A_340 : vector<16xi32>
          %add3A_342 = arith.constant 0 : i32
          %add3A_343 = vector.broadcast %add3A_342 : i32 to vector<16xi32>
          %add3A_344 = arith.addi %and3A_341, %add3A_343 : vector<16xi32>
          %mul3A_345 = arith.constant 2 : i32
          %mul3A_346 = vector.broadcast %mul3A_345 : i32 to vector<16xi32>
          %mul3A_347 = arith.muli %add3A_344, %mul3A_346 : vector<16xi32>
          %mul3A_348 = arith.mulf %sub3A_161, %sub3A_178 : vector<16xf32>
          %mul3A_349 = arith.mulf %mul3A_348, %sub3A_219 : vector<16xf32>
          %mul3A_350 = arith.constant 16 : i32
          %mul3A_351 = arith.muli %mul3A_350, %scan3A_142 : i32
          %add3A_352 = arith.constant 768 : i32
          %add3A_353 = arith.addi %add3A_352, %mul3A_351 : i32
          %swap3A_354 = arith.index_cast %add3A_353 : i32 to index
          %swap3A_355 = tpu.vector_load %arg12[%swap3A_354] {strides = array<i32>} : memref<4096xi32, #tpu.memory_space<vmem>>, vector<16xi32>,
          %swap3A_356 = vector.shape_cast %swap3A_355 : vector<16xi32> to vector<16xi32>
          %swap3A_357 = vector.shape_cast %mul3A_347 : vector<16xi32> to vector<16xi32>
          tpu.vector_store %arg12[%swap3A_354], %swap3A_357 {strides = array<i32>} : memref<4096xi32, #tpu.memory_space<vmem>>, vector<16xi32>,
          %add3A_358 = arith.constant 1 : i32
          %add3A_359 = vector.broadcast %add3A_358 : i32 to vector<16xi32>
          %add3A_360 = arith.addi %mul3A_347, %add3A_359 : vector<16xi32>
          %mul3A_361 = arith.constant 16 : i32
          %mul3A_362 = arith.muli %mul3A_361, %scan3A_142 : i32
          %add3A_363 = arith.constant 2816 : i32
          %add3A_364 = arith.addi %add3A_363, %mul3A_362 : i32
          %swap3A_365 = arith.index_cast %add3A_364 : i32 to index
          %swap3A_366 = tpu.vector_load %arg12[%swap3A_365] {strides = array<i32>} : memref<4096xi32, #tpu.memory_space<vmem>>, vector<16xi32>,
          %swap3A_367 = vector.shape_cast %swap3A_366 : vector<16xi32> to vector<16xi32>
          %swap3A_368 = vector.shape_cast %add3A_360 : vector<16xi32> to vector<16xi32>
          tpu.vector_store %arg12[%swap3A_365], %swap3A_368 {strides = array<i32>} : memref<4096xi32, #tpu.memory_space<vmem>>, vector<16xi32>,
          %mul3A_369 = arith.constant 16 : i32
          %mul3A_370 = arith.muli %mul3A_369, %scan3A_142 : i32
          %add3A_371 = arith.constant 768 : i32
          %add3A_372 = arith.addi %add3A_371, %mul3A_370 : i32
          %swap3A_373 = arith.index_cast %add3A_372 : i32 to index
          %swap3A_374 = tpu.vector_load %arg14[%swap3A_373] {strides = array<i32>} : memref<2048xf32, #tpu.memory_space<vmem>>, vector<16xf32>,
          %swap3A_375 = vector.shape_cast %swap3A_374 : vector<16xf32> to vector<16xf32>
          %swap3A_376 = vector.shape_cast %mul3A_349 : vector<16xf32> to vector<16xf32>
          tpu.vector_store %arg14[%swap3A_373], %swap3A_376 {strides = array<i32>} : memref<2048xf32, #tpu.memory_space<vmem>>, vector<16xf32>,
          %xor3A_377 = arith.xori %convert_element_type3A_159, %mul3A_201 : vector<16xi32>
          %xor3A_378 = arith.xori %xor3A_377, %add3A_210 : vector<16xi32>
          %and3A_379 = arith.constant 524287 : i32
          %and3A_380 = vector.broadcast %and3A_379 : i32 to vector<16xi32>
          %and3A_381 = arith.andi %xor3A_378, %and3A_380 : vector<16xi32>
          %add3A_382 = arith.constant 0 : i32
          %add3A_383 = vector.broadcast %add3A_382 : i32 to vector<16xi32>
          %add3A_384 = arith.addi %and3A_381, %add3A_383 : vector<16xi32>
          %mul3A_385 = arith.constant 2 : i32
          %mul3A_386 = vector.broadcast %mul3A_385 : i32 to vector<16xi32>
          %mul3A_387 = arith.muli %add3A_384, %mul3A_386 : vector<16xi32>
          %mul3A_388 = arith.mulf %sub3A_213, %sub3A_216 : vector<16xf32>
          %mul3A_389 = arith.mulf %mul3A_388, %sub3A_195 : vector<16xf32>
          %mul3A_390 = arith.constant 16 : i32
          %mul3A_391 = arith.muli %mul3A_390, %scan3A_142 : i32
          %add3A_392 = arith.constant 1024 : i32
          %add3A_393 = arith.addi %add3A_392, %mul3A_391 : i32
          %swap3A_394 = arith.index_cast %add3A_393 : i32 to index
          %swap3A_395 = tpu.vector_load %arg12[%swap3A_394] {strides = array<i32>} : memref<4096xi32, #tpu.memory_space<vmem>>, vector<16xi32>,
          %swap3A_396 = vector.shape_cast %swap3A_395 : vector<16xi32> to vector<16xi32>
          %swap3A_397 = vector.shape_cast %mul3A_387 : vector<16xi32> to vector<16xi32>
          tpu.vector_store %arg12[%swap3A_394], %swap3A_397 {strides = array<i32>} : memref<4096xi32, #tpu.memory_space<vmem>>, vector<16xi32>,
          %add3A_398 = arith.constant 1 : i32
          %add3A_399 = vector.broadcast %add3A_398 : i32 to vector<16xi32>
          %add3A_400 = arith.addi %mul3A_387, %add3A_399 : vector<16xi32>
          %mul3A_401 = arith.constant 16 : i32
          %mul3A_402 = arith.muli %mul3A_401, %scan3A_142 : i32
          %add3A_403 = arith.constant 3072 : i32
          %add3A_404 = arith.addi %add3A_403, %mul3A_402 : i32
          %swap3A_405 = arith.index_cast %add3A_404 : i32 to index
          %swap3A_406 = tpu.vector_load %arg12[%swap3A_405] {strides = array<i32>} : memref<4096xi32, #tpu.memory_space<vmem>>, vector<16xi32>,
          %swap3A_407 = vector.shape_cast %swap3A_406 : vector<16xi32> to vector<16xi32>
          %swap3A_408 = vector.shape_cast %add3A_400 : vector<16xi32> to vector<16xi32>
          tpu.vector_store %arg12[%swap3A_405], %swap3A_408 {strides = array<i32>} : memref<4096xi32, #tpu.memory_space<vmem>>, vector<16xi32>,
          %mul3A_409 = arith.constant 16 : i32
          %mul3A_410 = arith.muli %mul3A_409, %scan3A_142 : i32
          %add3A_411 = arith.constant 1024 : i32
          %add3A_412 = arith.addi %add3A_411, %mul3A_410 : i32
          %swap3A_413 = arith.index_cast %add3A_412 : i32 to index
          %swap3A_414 = tpu.vector_load %arg14[%swap3A_413] {strides = array<i32>} : memref<2048xf32, #tpu.memory_space<vmem>>, vector<16xf32>,
          %swap3A_415 = vector.shape_cast %swap3A_414 : vector<16xf32> to vector<16xf32>
          %swap3A_416 = vector.shape_cast %mul3A_389 : vector<16xf32> to vector<16xf32>
          tpu.vector_store %arg14[%swap3A_413], %swap3A_416 {strides = array<i32>} : memref<2048xf32, #tpu.memory_space<vmem>>, vector<16xf32>,
          %xor3A_417 = arith.xori %add3A_198, %mul3A_201 : vector<16xi32>
          %xor3A_418 = arith.xori %xor3A_417, %add3A_210 : vector<16xi32>
          %and3A_419 = arith.constant 524287 : i32
          %and3A_420 = vector.broadcast %and3A_419 : i32 to vector<16xi32>
          %and3A_421 = arith.andi %xor3A_418, %and3A_420 : vector<16xi32>
          %add3A_422 = arith.constant 0 : i32
          %add3A_423 = vector.broadcast %add3A_422 : i32 to vector<16xi32>
          %add3A_424 = arith.addi %and3A_421, %add3A_423 : vector<16xi32>
          %mul3A_425 = arith.constant 2 : i32
          %mul3A_426 = vector.broadcast %mul3A_425 : i32 to vector<16xi32>
          %mul3A_427 = arith.muli %add3A_424, %mul3A_426 : vector<16xi32>
          %mul3A_428 = arith.mulf %sub3A_161, %sub3A_216 : vector<16xf32>
          %mul3A_429 = arith.mulf %mul3A_428, %sub3A_195 : vector<16xf32>
          %mul3A_430 = arith.constant 16 : i32
          %mul3A_431 = arith.muli %mul3A_430, %scan3A_142 : i32
          %add3A_432 = arith.constant 1280 : i32
          %add3A_433 = arith.addi %add3A_432, %mul3A_431 : i32
          %swap3A_434 = arith.index_cast %add3A_433 : i32 to index
          %swap3A_435 = tpu.vector_load %arg12[%swap3A_434] {strides = array<i32>} : memref<4096xi32, #tpu.memory_space<vmem>>, vector<16xi32>,
          %swap3A_436 = vector.shape_cast %swap3A_435 : vector<16xi32> to vector<16xi32>
          %swap3A_437 = vector.shape_cast %mul3A_427 : vector<16xi32> to vector<16xi32>
          tpu.vector_store %arg12[%swap3A_434], %swap3A_437 {strides = array<i32>} : memref<4096xi32, #tpu.memory_space<vmem>>, vector<16xi32>,
          %add3A_438 = arith.constant 1 : i32
          %add3A_439 = vector.broadcast %add3A_438 : i32 to vector<16xi32>
          %add3A_440 = arith.addi %mul3A_427, %add3A_439 : vector<16xi32>
          %mul3A_441 = arith.constant 16 : i32
          %mul3A_442 = arith.muli %mul3A_441, %scan3A_142 : i32
          %add3A_443 = arith.constant 3328 : i32
          %add3A_444 = arith.addi %add3A_443, %mul3A_442 : i32
          %swap3A_445 = arith.index_cast %add3A_444 : i32 to index
          %swap3A_446 = tpu.vector_load %arg12[%swap3A_445] {strides = array<i32>} : memref<4096xi32, #tpu.memory_space<vmem>>, vector<16xi32>,
          %swap3A_447 = vector.shape_cast %swap3A_446 : vector<16xi32> to vector<16xi32>
          %swap3A_448 = vector.shape_cast %add3A_440 : vector<16xi32> to vector<16xi32>
          tpu.vector_store %arg12[%swap3A_445], %swap3A_448 {strides = array<i32>} : memref<4096xi32, #tpu.memory_space<vmem>>, vector<16xi32>,
          %mul3A_449 = arith.constant 16 : i32
          %mul3A_450 = arith.muli %mul3A_449, %scan3A_142 : i32
          %add3A_451 = arith.constant 1280 : i32
          %add3A_452 = arith.addi %add3A_451, %mul3A_450 : i32
          %swap3A_453 = arith.index_cast %add3A_452 : i32 to index
          %swap3A_454 = tpu.vector_load %arg14[%swap3A_453] {strides = array<i32>} : memref<2048xf32, #tpu.memory_space<vmem>>, vector<16xf32>,
          %swap3A_455 = vector.shape_cast %swap3A_454 : vector<16xf32> to vector<16xf32>
          %swap3A_456 = vector.shape_cast %mul3A_429 : vector<16xf32> to vector<16xf32>
          tpu.vector_store %arg14[%swap3A_453], %swap3A_456 {strides = array<i32>} : memref<2048xf32, #tpu.memory_space<vmem>>, vector<16xf32>,
          %xor3A_457 = arith.xori %convert_element_type3A_159, %add3A_204 : vector<16xi32>
          %xor3A_458 = arith.xori %xor3A_457, %add3A_210 : vector<16xi32>
          %and3A_459 = arith.constant 524287 : i32
          %and3A_460 = vector.broadcast %and3A_459 : i32 to vector<16xi32>
          %and3A_461 = arith.andi %xor3A_458, %and3A_460 : vector<16xi32>
          %add3A_462 = arith.constant 0 : i32
          %add3A_463 = vector.broadcast %add3A_462 : i32 to vector<16xi32>
          %add3A_464 = arith.addi %and3A_461, %add3A_463 : vector<16xi32>
          %mul3A_465 = arith.constant 2 : i32
          %mul3A_466 = vector.broadcast %mul3A_465 : i32 to vector<16xi32>
          %mul3A_467 = arith.muli %add3A_464, %mul3A_466 : vector<16xi32>
          %mul3A_468 = arith.mulf %sub3A_213, %sub3A_178 : vector<16xf32>
          %mul3A_469 = arith.mulf %mul3A_468, %sub3A_195 : vector<16xf32>
          %mul3A_470 = arith.constant 16 : i32
          %mul3A_471 = arith.muli %mul3A_470, %scan3A_142 : i32
          %add3A_472 = arith.constant 1536 : i32
          %add3A_473 = arith.addi %add3A_472, %mul3A_471 : i32
          %swap3A_474 = arith.index_cast %add3A_473 : i32 to index
          %swap3A_475 = tpu.vector_load %arg12[%swap3A_474] {strides = array<i32>} : memref<4096xi32, #tpu.memory_space<vmem>>, vector<16xi32>,
          %swap3A_476 = vector.shape_cast %swap3A_475 : vector<16xi32> to vector<16xi32>
          %swap3A_477 = vector.shape_cast %mul3A_467 : vector<16xi32> to vector<16xi32>
          tpu.vector_store %arg12[%swap3A_474], %swap3A_477 {strides = array<i32>} : memref<4096xi32, #tpu.memory_space<vmem>>, vector<16xi32>,
          %add3A_478 = arith.constant 1 : i32
          %add3A_479 = vector.broadcast %add3A_478 : i32 to vector<16xi32>
          %add3A_480 = arith.addi %mul3A_467, %add3A_479 : vector<16xi32>
          %mul3A_481 = arith.constant 16 : i32
          %mul3A_482 = arith.muli %mul3A_481, %scan3A_142 : i32
          %add3A_483 = arith.constant 3584 : i32
          %add3A_484 = arith.addi %add3A_483, %mul3A_482 : i32
          %swap3A_485 = arith.index_cast %add3A_484 : i32 to index
          %swap3A_486 = tpu.vector_load %arg12[%swap3A_485] {strides = array<i32>} : memref<4096xi32, #tpu.memory_space<vmem>>, vector<16xi32>,
          %swap3A_487 = vector.shape_cast %swap3A_486 : vector<16xi32> to vector<16xi32>
          %swap3A_488 = vector.shape_cast %add3A_480 : vector<16xi32> to vector<16xi32>
          tpu.vector_store %arg12[%swap3A_485], %swap3A_488 {strides = array<i32>} : memref<4096xi32, #tpu.memory_space<vmem>>, vector<16xi32>,
          %mul3A_489 = arith.constant 16 : i32
          %mul3A_490 = arith.muli %mul3A_489, %scan3A_142 : i32
          %add3A_491 = arith.constant 1536 : i32
          %add3A_492 = arith.addi %add3A_491, %mul3A_490 : i32
          %swap3A_493 = arith.index_cast %add3A_492 : i32 to index
          %swap3A_494 = tpu.vector_load %arg14[%swap3A_493] {strides = array<i32>} : memref<2048xf32, #tpu.memory_space<vmem>>, vector<16xf32>,
          %swap3A_495 = vector.shape_cast %swap3A_494 : vector<16xf32> to vector<16xf32>
          %swap3A_496 = vector.shape_cast %mul3A_469 : vector<16xf32> to vector<16xf32>
          tpu.vector_store %arg14[%swap3A_493], %swap3A_496 {strides = array<i32>} : memref<2048xf32, #tpu.memory_space<vmem>>, vector<16xf32>,
          %xor3A_497 = arith.xori %add3A_198, %add3A_204 : vector<16xi32>
          %xor3A_498 = arith.xori %xor3A_497, %add3A_210 : vector<16xi32>
          %and3A_499 = arith.constant 524287 : i32
          %and3A_500 = vector.broadcast %and3A_499 : i32 to vector<16xi32>
          %and3A_501 = arith.andi %xor3A_498, %and3A_500 : vector<16xi32>
          %add3A_502 = arith.constant 0 : i32
          %add3A_503 = vector.broadcast %add3A_502 : i32 to vector<16xi32>
          %add3A_504 = arith.addi %and3A_501, %add3A_503 : vector<16xi32>
          %mul3A_505 = arith.constant 2 : i32
          %mul3A_506 = vector.broadcast %mul3A_505 : i32 to vector<16xi32>
          %mul3A_507 = arith.muli %add3A_504, %mul3A_506 : vector<16xi32>
          %mul3A_508 = arith.mulf %sub3A_161, %sub3A_178 : vector<16xf32>
          %mul3A_509 = arith.mulf %mul3A_508, %sub3A_195 : vector<16xf32>
          %mul3A_510 = arith.constant 16 : i32
          %mul3A_511 = arith.muli %mul3A_510, %scan3A_142 : i32
          %add3A_512 = arith.constant 1792 : i32
          %add3A_513 = arith.addi %add3A_512, %mul3A_511 : i32
          %swap3A_514 = arith.index_cast %add3A_513 : i32 to index
          %swap3A_515 = tpu.vector_load %arg12[%swap3A_514] {strides = array<i32>} : memref<4096xi32, #tpu.memory_space<vmem>>, vector<16xi32>,
          %swap3A_516 = vector.shape_cast %swap3A_515 : vector<16xi32> to vector<16xi32>
          %swap3A_517 = vector.shape_cast %mul3A_507 : vector<16xi32> to vector<16xi32>
          tpu.vector_store %arg12[%swap3A_514], %swap3A_517 {strides = array<i32>} : memref<4096xi32, #tpu.memory_space<vmem>>, vector<16xi32>,
          %add3A_518 = arith.constant 1 : i32
          %add3A_519 = vector.broadcast %add3A_518 : i32 to vector<16xi32>
          %add3A_520 = arith.addi %mul3A_507, %add3A_519 : vector<16xi32>
          %mul3A_521 = arith.constant 16 : i32
          %mul3A_522 = arith.muli %mul3A_521, %scan3A_142 : i32
          %add3A_523 = arith.constant 3840 : i32
          %add3A_524 = arith.addi %add3A_523, %mul3A_522 : i32
          %swap3A_525 = arith.index_cast %add3A_524 : i32 to index
          %swap3A_526 = tpu.vector_load %arg12[%swap3A_525] {strides = array<i32>} : memref<4096xi32, #tpu.memory_space<vmem>>, vector<16xi32>,
          %swap3A_527 = vector.shape_cast %swap3A_526 : vector<16xi32> to vector<16xi32>
          %swap3A_528 = vector.shape_cast %add3A_520 : vector<16xi32> to vector<16xi32>
          tpu.vector_store %arg12[%swap3A_525], %swap3A_528 {strides = array<i32>} : memref<4096xi32, #tpu.memory_space<vmem>>, vector<16xi32>,
          %mul3A_529 = arith.constant 16 : i32
          %mul3A_530 = arith.muli %mul3A_529, %scan3A_142 : i32
          %add3A_531 = arith.constant 1792 : i32
          %add3A_532 = arith.addi %add3A_531, %mul3A_530 : i32
          %swap3A_533 = arith.index_cast %add3A_532 : i32 to index
          %swap3A_534 = tpu.vector_load %arg14[%swap3A_533] {strides = array<i32>} : memref<2048xf32, #tpu.memory_space<vmem>>, vector<16xf32>,
          %swap3A_535 = vector.shape_cast %swap3A_534 : vector<16xf32> to vector<16xf32>
          %swap3A_536 = vector.shape_cast %mul3A_509 : vector<16xf32> to vector<16xf32>
          tpu.vector_store %arg14[%swap3A_533], %swap3A_536 {strides = array<i32>} : memref<2048xf32, #tpu.memory_space<vmem>>, vector<16xf32>,
        }
        %scan3A_83 = arith.constant 16 : i32
        %dma_start3A_84 = arith.constant 0 : i32
        %dma_start3A_85 = tpu.memref_slice %arg25[%dma_start3A_84] : memref<1048576xf32, #tpu.memory_space<vmem_shared>> -> memref<1048576xf32, #tpu.memory_space<vmem_shared>>
        tpu.enqueue_indirect_dma source(%dma_start3A_85 : memref<1048576xf32, #tpu.memory_space<vmem_shared>>) target(%arg16 : memref<4096xf32, #tpu.memory_space<vmem>>) offsets(%arg12 : memref<4096xi32, #tpu.memory_space<vmem>>) semaphore(%arg22 : memref<!tpu.dma_semaphore, #tpu.memory_space<semaphore_mem>>)
        %dma_wait3A_86 = arith.constant 0 : i32
        %dma_wait3A_87 = tpu.memref_slice %arg7[%dma_wait3A_86] : memref<8388608xf32, #tpu.memory_space<hbm>> -> memref<4096xf32, #tpu.memory_space<hbm>>
        %dma_wait3A_88 = arith.constant 0 : i32
        %dma_wait3A_89 = tpu.memref_slice %arg7[%dma_wait3A_88] : memref<8388608xf32, #tpu.memory_space<hbm>> -> memref<4096xf32, #tpu.memory_space<hbm>>
        tpu.wait_dma2 semaphore(%arg21 : memref<!tpu.dma_semaphore, #tpu.memory_space<semaphore_mem>>) src(%dma_wait3A_89 : memref<4096xf32, #tpu.memory_space<hbm>>) dst(%arg15 : memref<4096xf32, #tpu.memory_space<vmem>>)
        %ge3A = arith.constant 1 : i32
        %ge3A_90 = arith.cmpi sge, %scan3A_71, %ge3A : i32
        %convert_element_type3A_91 = arith.extui %ge3A_90 : i1 to i32
        %cond3A = arith.constant 0 : i32
        %cond3A_92 = arith.cmpi ne, %convert_element_type3A_91, %cond3A : i32
        scf.if %cond3A_92 {
          %dma_wait3A_142 = arith.constant 0 : i32
          %dma_wait3A_143 = tpu.memref_slice %arg7[%dma_wait3A_142] : memref<8388608xf32, #tpu.memory_space<hbm>> -> memref<256xf32, #tpu.memory_space<hbm>>
          %dma_wait3A_144 = arith.constant 0 : i32
          %dma_wait3A_145 = tpu.memref_slice %arg7[%dma_wait3A_144] : memref<8388608xf32, #tpu.memory_space<hbm>> -> memref<256xf32, #tpu.memory_space<hbm>>
          tpu.wait_dma2 semaphore(%arg23 : memref<!tpu.dma_semaphore, #tpu.memory_space<semaphore_mem>>) src(%dma_wait3A_145 : memref<256xf32, #tpu.memory_space<hbm>>) dst(%arg17 : memref<256xf32, #tpu.memory_space<vmem>>)
          %dma_wait3A_146 = arith.constant 0 : i32
          %dma_wait3A_147 = tpu.memref_slice %arg7[%dma_wait3A_146] : memref<8388608xf32, #tpu.memory_space<hbm>> -> memref<256xf32, #tpu.memory_space<hbm>>
          %dma_wait3A_148 = arith.constant 0 : i32
          %dma_wait3A_149 = tpu.memref_slice %arg7[%dma_wait3A_148] : memref<8388608xf32, #tpu.memory_space<hbm>> -> memref<256xf32, #tpu.memory_space<hbm>>
          tpu.wait_dma2 semaphore(%arg23 : memref<!tpu.dma_semaphore, #tpu.memory_space<semaphore_mem>>) src(%dma_wait3A_149 : memref<256xf32, #tpu.memory_space<hbm>>) dst(%arg18 : memref<256xf32, #tpu.memory_space<vmem>>)
        } else {
        }
        %mul3A_93 = arith.constant 2 : i32
        %mul3A_94 = arith.muli %mul3A_93, %scan3A_71 : i32
        %scan3A_95 = arith.constant 0 : i32
        %scan3A_96 = arith.constant 0 : i32
        %scan3A_97 = arith.constant 16 : i32
        %scan3A_98 = arith.addi %scan3A_96, %scan3A_97 : i32
        %scan3A_99 = arith.constant 1 : i32
        scf.for %scan3A_142 = %scan3A_96 to %scan3A_98 step %scan3A_99  : i32 {
          %mul3A_143 = arith.constant 16 : i32
          %mul3A_144 = arith.muli %mul3A_143, %scan3A_142 : i32
          %broadcast_in_dim3A = arith.constant 0.000000e+00 : f32
          %broadcast_in_dim3A_145 = vector.broadcast %broadcast_in_dim3A : f32 to vector<16xf32>
          %broadcast_in_dim3A_146 = arith.constant 0.000000e+00 : f32
          %broadcast_in_dim3A_147 = vector.broadcast %broadcast_in_dim3A_146 : f32 to vector<16xf32>
          %mul3A_148 = arith.constant 16 : i32
          %mul3A_149 = arith.muli %mul3A_148, %scan3A_142 : i32
          %add3A_150 = arith.constant 0 : i32
          %add3A_151 = arith.addi %add3A_150, %mul3A_149 : i32
          %mul3A_152 = arith.constant 16 : i32
          %mul3A_153 = arith.muli %mul3A_152, %scan3A_142 : i32
          %add3A_154 = arith.constant 2048 : i32
          %add3A_155 = arith.addi %add3A_154, %mul3A_153 : i32
          %get3A = arith.index_cast %add3A_151 : i32 to index
          %get3A_156 = tpu.vector_load %arg13[%get3A] {strides = array<i32>} : memref<2048xf32, #tpu.memory_space<vmem>>, vector<16xf32>,
          %get3A_157 = vector.shape_cast %get3A_156 : vector<16xf32> to vector<16xf32>
          %get3A_158 = arith.index_cast %add3A_151 : i32 to index
          %get3A_159 = tpu.vector_load %arg15[%get3A_158] {strides = array<i32>} : memref<4096xf32, #tpu.memory_space<vmem>>, vector<16xf32>,
          %get3A_160 = vector.shape_cast %get3A_159 : vector<16xf32> to vector<16xf32>
          %mul3A_161 = arith.mulf %get3A_157, %get3A_160 : vector<16xf32>
          %add3A_162 = arith.addf %broadcast_in_dim3A_145, %mul3A_161 : vector<16xf32>
          %get3A_163 = arith.index_cast %add3A_155 : i32 to index
          %get3A_164 = tpu.vector_load %arg15[%get3A_163] {strides = array<i32>} : memref<4096xf32, #tpu.memory_space<vmem>>, vector<16xf32>,
          %get3A_165 = vector.shape_cast %get3A_164 : vector<16xf32> to vector<16xf32>
          %mul3A_166 = arith.mulf %get3A_157, %get3A_165 : vector<16xf32>
          %add3A_167 = arith.addf %broadcast_in_dim3A_147, %mul3A_166 : vector<16xf32>
          %mul3A_168 = arith.constant 16 : i32
          %mul3A_169 = arith.muli %mul3A_168, %scan3A_142 : i32
          %add3A_170 = arith.constant 256 : i32
          %add3A_171 = arith.addi %add3A_170, %mul3A_169 : i32
          %mul3A_172 = arith.constant 16 : i32
          %mul3A_173 = arith.muli %mul3A_172, %scan3A_142 : i32
          %add3A_174 = arith.constant 2304 : i32
          %add3A_175 = arith.addi %add3A_174, %mul3A_173 : i32
          %get3A_176 = arith.index_cast %add3A_171 : i32 to index
          %get3A_177 = tpu.vector_load %arg13[%get3A_176] {strides = array<i32>} : memref<2048xf32, #tpu.memory_space<vmem>>, vector<16xf32>,
          %get3A_178 = vector.shape_cast %get3A_177 : vector<16xf32> to vector<16xf32>
          %get3A_179 = arith.index_cast %add3A_171 : i32 to index
          %get3A_180 = tpu.vector_load %arg15[%get3A_179] {strides = array<i32>} : memref<4096xf32, #tpu.memory_space<vmem>>, vector<16xf32>,
          %get3A_181 = vector.shape_cast %get3A_180 : vector<16xf32> to vector<16xf32>
          %mul3A_182 = arith.mulf %get3A_178, %get3A_181 : vector<16xf32>
          %add3A_183 = arith.addf %add3A_162, %mul3A_182 : vector<16xf32>
          %get3A_184 = arith.index_cast %add3A_175 : i32 to index
          %get3A_185 = tpu.vector_load %arg15[%get3A_184] {strides = array<i32>} : memref<4096xf32, #tpu.memory_space<vmem>>, vector<16xf32>,
          %get3A_186 = vector.shape_cast %get3A_185 : vector<16xf32> to vector<16xf32>
          %mul3A_187 = arith.mulf %get3A_178, %get3A_186 : vector<16xf32>
          %add3A_188 = arith.addf %add3A_167, %mul3A_187 : vector<16xf32>
          %mul3A_189 = arith.constant 16 : i32
          %mul3A_190 = arith.muli %mul3A_189, %scan3A_142 : i32
          %add3A_191 = arith.constant 512 : i32
          %add3A_192 = arith.addi %add3A_191, %mul3A_190 : i32
          %mul3A_193 = arith.constant 16 : i32
          %mul3A_194 = arith.muli %mul3A_193, %scan3A_142 : i32
          %add3A_195 = arith.constant 2560 : i32
          %add3A_196 = arith.addi %add3A_195, %mul3A_194 : i32
          %get3A_197 = arith.index_cast %add3A_192 : i32 to index
          %get3A_198 = tpu.vector_load %arg13[%get3A_197] {strides = array<i32>} : memref<2048xf32, #tpu.memory_space<vmem>>, vector<16xf32>,
          %get3A_199 = vector.shape_cast %get3A_198 : vector<16xf32> to vector<16xf32>
          %get3A_200 = arith.index_cast %add3A_192 : i32 to index
          %get3A_201 = tpu.vector_load %arg15[%get3A_200] {strides = array<i32>} : memref<4096xf32, #tpu.memory_space<vmem>>, vector<16xf32>,
          %get3A_202 = vector.shape_cast %get3A_201 : vector<16xf32> to vector<16xf32>
          %mul3A_203 = arith.mulf %get3A_199, %get3A_202 : vector<16xf32>
          %add3A_204 = arith.addf %add3A_183, %mul3A_203 : vector<16xf32>
          %get3A_205 = arith.index_cast %add3A_196 : i32 to index
          %get3A_206 = tpu.vector_load %arg15[%get3A_205] {strides = array<i32>} : memref<4096xf32, #tpu.memory_space<vmem>>, vector<16xf32>,
          %get3A_207 = vector.shape_cast %get3A_206 : vector<16xf32> to vector<16xf32>
          %mul3A_208 = arith.mulf %get3A_199, %get3A_207 : vector<16xf32>
          %add3A_209 = arith.addf %add3A_188, %mul3A_208 : vector<16xf32>
          %mul3A_210 = arith.constant 16 : i32
          %mul3A_211 = arith.muli %mul3A_210, %scan3A_142 : i32
          %add3A_212 = arith.constant 768 : i32
          %add3A_213 = arith.addi %add3A_212, %mul3A_211 : i32
          %mul3A_214 = arith.constant 16 : i32
          %mul3A_215 = arith.muli %mul3A_214, %scan3A_142 : i32
          %add3A_216 = arith.constant 2816 : i32
          %add3A_217 = arith.addi %add3A_216, %mul3A_215 : i32
          %get3A_218 = arith.index_cast %add3A_213 : i32 to index
          %get3A_219 = tpu.vector_load %arg13[%get3A_218] {strides = array<i32>} : memref<2048xf32, #tpu.memory_space<vmem>>, vector<16xf32>,
          %get3A_220 = vector.shape_cast %get3A_219 : vector<16xf32> to vector<16xf32>
          %get3A_221 = arith.index_cast %add3A_213 : i32 to index
          %get3A_222 = tpu.vector_load %arg15[%get3A_221] {strides = array<i32>} : memref<4096xf32, #tpu.memory_space<vmem>>, vector<16xf32>,
          %get3A_223 = vector.shape_cast %get3A_222 : vector<16xf32> to vector<16xf32>
          %mul3A_224 = arith.mulf %get3A_220, %get3A_223 : vector<16xf32>
          %add3A_225 = arith.addf %add3A_204, %mul3A_224 : vector<16xf32>
          %get3A_226 = arith.index_cast %add3A_217 : i32 to index
          %get3A_227 = tpu.vector_load %arg15[%get3A_226] {strides = array<i32>} : memref<4096xf32, #tpu.memory_space<vmem>>, vector<16xf32>,
          %get3A_228 = vector.shape_cast %get3A_227 : vector<16xf32> to vector<16xf32>
          %mul3A_229 = arith.mulf %get3A_220, %get3A_228 : vector<16xf32>
          %add3A_230 = arith.addf %add3A_209, %mul3A_229 : vector<16xf32>
          %mul3A_231 = arith.constant 16 : i32
          %mul3A_232 = arith.muli %mul3A_231, %scan3A_142 : i32
          %add3A_233 = arith.constant 1024 : i32
          %add3A_234 = arith.addi %add3A_233, %mul3A_232 : i32
          %mul3A_235 = arith.constant 16 : i32
          %mul3A_236 = arith.muli %mul3A_235, %scan3A_142 : i32
          %add3A_237 = arith.constant 3072 : i32
          %add3A_238 = arith.addi %add3A_237, %mul3A_236 : i32
          %get3A_239 = arith.index_cast %add3A_234 : i32 to index
          %get3A_240 = tpu.vector_load %arg13[%get3A_239] {strides = array<i32>} : memref<2048xf32, #tpu.memory_space<vmem>>, vector<16xf32>,
          %get3A_241 = vector.shape_cast %get3A_240 : vector<16xf32> to vector<16xf32>
          %get3A_242 = arith.index_cast %add3A_234 : i32 to index
          %get3A_243 = tpu.vector_load %arg15[%get3A_242] {strides = array<i32>} : memref<4096xf32, #tpu.memory_space<vmem>>, vector<16xf32>,
          %get3A_244 = vector.shape_cast %get3A_243 : vector<16xf32> to vector<16xf32>
          %mul3A_245 = arith.mulf %get3A_241, %get3A_244 : vector<16xf32>
          %add3A_246 = arith.addf %add3A_225, %mul3A_245 : vector<16xf32>
          %get3A_247 = arith.index_cast %add3A_238 : i32 to index
          %get3A_248 = tpu.vector_load %arg15[%get3A_247] {strides = array<i32>} : memref<4096xf32, #tpu.memory_space<vmem>>, vector<16xf32>,
          %get3A_249 = vector.shape_cast %get3A_248 : vector<16xf32> to vector<16xf32>
          %mul3A_250 = arith.mulf %get3A_241, %get3A_249 : vector<16xf32>
          %add3A_251 = arith.addf %add3A_230, %mul3A_250 : vector<16xf32>
          %mul3A_252 = arith.constant 16 : i32
          %mul3A_253 = arith.muli %mul3A_252, %scan3A_142 : i32
          %add3A_254 = arith.constant 1280 : i32
          %add3A_255 = arith.addi %add3A_254, %mul3A_253 : i32
          %mul3A_256 = arith.constant 16 : i32
          %mul3A_257 = arith.muli %mul3A_256, %scan3A_142 : i32
          %add3A_258 = arith.constant 3328 : i32
          %add3A_259 = arith.addi %add3A_258, %mul3A_257 : i32
          %get3A_260 = arith.index_cast %add3A_255 : i32 to index
          %get3A_261 = tpu.vector_load %arg13[%get3A_260] {strides = array<i32>} : memref<2048xf32, #tpu.memory_space<vmem>>, vector<16xf32>,
          %get3A_262 = vector.shape_cast %get3A_261 : vector<16xf32> to vector<16xf32>
          %get3A_263 = arith.index_cast %add3A_255 : i32 to index
          %get3A_264 = tpu.vector_load %arg15[%get3A_263] {strides = array<i32>} : memref<4096xf32, #tpu.memory_space<vmem>>, vector<16xf32>,
          %get3A_265 = vector.shape_cast %get3A_264 : vector<16xf32> to vector<16xf32>
          %mul3A_266 = arith.mulf %get3A_262, %get3A_265 : vector<16xf32>
          %add3A_267 = arith.addf %add3A_246, %mul3A_266 : vector<16xf32>
          %get3A_268 = arith.index_cast %add3A_259 : i32 to index
          %get3A_269 = tpu.vector_load %arg15[%get3A_268] {strides = array<i32>} : memref<4096xf32, #tpu.memory_space<vmem>>, vector<16xf32>,
          %get3A_270 = vector.shape_cast %get3A_269 : vector<16xf32> to vector<16xf32>
          %mul3A_271 = arith.mulf %get3A_262, %get3A_270 : vector<16xf32>
          %add3A_272 = arith.addf %add3A_251, %mul3A_271 : vector<16xf32>
          %mul3A_273 = arith.constant 16 : i32
          %mul3A_274 = arith.muli %mul3A_273, %scan3A_142 : i32
          %add3A_275 = arith.constant 1536 : i32
          %add3A_276 = arith.addi %add3A_275, %mul3A_274 : i32
          %mul3A_277 = arith.constant 16 : i32
          %mul3A_278 = arith.muli %mul3A_277, %scan3A_142 : i32
          %add3A_279 = arith.constant 3584 : i32
          %add3A_280 = arith.addi %add3A_279, %mul3A_278 : i32
          %get3A_281 = arith.index_cast %add3A_276 : i32 to index
          %get3A_282 = tpu.vector_load %arg13[%get3A_281] {strides = array<i32>} : memref<2048xf32, #tpu.memory_space<vmem>>, vector<16xf32>,
          %get3A_283 = vector.shape_cast %get3A_282 : vector<16xf32> to vector<16xf32>
          %get3A_284 = arith.index_cast %add3A_276 : i32 to index
          %get3A_285 = tpu.vector_load %arg15[%get3A_284] {strides = array<i32>} : memref<4096xf32, #tpu.memory_space<vmem>>, vector<16xf32>,
          %get3A_286 = vector.shape_cast %get3A_285 : vector<16xf32> to vector<16xf32>
          %mul3A_287 = arith.mulf %get3A_283, %get3A_286 : vector<16xf32>
          %add3A_288 = arith.addf %add3A_267, %mul3A_287 : vector<16xf32>
          %get3A_289 = arith.index_cast %add3A_280 : i32 to index
          %get3A_290 = tpu.vector_load %arg15[%get3A_289] {strides = array<i32>} : memref<4096xf32, #tpu.memory_space<vmem>>, vector<16xf32>,
          %get3A_291 = vector.shape_cast %get3A_290 : vector<16xf32> to vector<16xf32>
          %mul3A_292 = arith.mulf %get3A_283, %get3A_291 : vector<16xf32>
          %add3A_293 = arith.addf %add3A_272, %mul3A_292 : vector<16xf32>
          %mul3A_294 = arith.constant 16 : i32
          %mul3A_295 = arith.muli %mul3A_294, %scan3A_142 : i32
          %add3A_296 = arith.constant 1792 : i32
          %add3A_297 = arith.addi %add3A_296, %mul3A_295 : i32
          %mul3A_298 = arith.constant 16 : i32
          %mul3A_299 = arith.muli %mul3A_298, %scan3A_142 : i32
          %add3A_300 = arith.constant 3840 : i32
          %add3A_301 = arith.addi %add3A_300, %mul3A_299 : i32
          %get3A_302 = arith.index_cast %add3A_297 : i32 to index
          %get3A_303 = tpu.vector_load %arg13[%get3A_302] {strides = array<i32>} : memref<2048xf32, #tpu.memory_space<vmem>>, vector<16xf32>,
          %get3A_304 = vector.shape_cast %get3A_303 : vector<16xf32> to vector<16xf32>
          %get3A_305 = arith.index_cast %add3A_297 : i32 to index
          %get3A_306 = tpu.vector_load %arg15[%get3A_305] {strides = array<i32>} : memref<4096xf32, #tpu.memory_space<vmem>>, vector<16xf32>,
          %get3A_307 = vector.shape_cast %get3A_306 : vector<16xf32> to vector<16xf32>
          %mul3A_308 = arith.mulf %get3A_304, %get3A_307 : vector<16xf32>
          %add3A_309 = arith.addf %add3A_288, %mul3A_308 : vector<16xf32>
          %get3A_310 = arith.index_cast %add3A_301 : i32 to index
          %get3A_311 = tpu.vector_load %arg15[%get3A_310] {strides = array<i32>} : memref<4096xf32, #tpu.memory_space<vmem>>, vector<16xf32>,
          %get3A_312 = vector.shape_cast %get3A_311 : vector<16xf32> to vector<16xf32>
          %mul3A_313 = arith.mulf %get3A_304, %get3A_312 : vector<16xf32>
          %add3A_314 = arith.addf %add3A_293, %mul3A_313 : vector<16xf32>
          %swap3A = arith.index_cast %mul3A_144 : i32 to index
          %swap3A_315 = tpu.vector_load %arg17[%swap3A] {strides = array<i32>} : memref<256xf32, #tpu.memory_space<vmem>>, vector<16xf32>,
          %swap3A_316 = vector.shape_cast %swap3A_315 : vector<16xf32> to vector<16xf32>
          %swap3A_317 = vector.shape_cast %add3A_309 : vector<16xf32> to vector<16xf32>
          tpu.vector_store %arg17[%swap3A], %swap3A_317 {strides = array<i32>} : memref<256xf32, #tpu.memory_space<vmem>>, vector<16xf32>,
          %swap3A_318 = arith.index_cast %mul3A_144 : i32 to index
          %swap3A_319 = tpu.vector_load %arg18[%swap3A_318] {strides = array<i32>} : memref<256xf32, #tpu.memory_space<vmem>>, vector<16xf32>,
          %swap3A_320 = vector.shape_cast %swap3A_319 : vector<16xf32> to vector<16xf32>
          %swap3A_321 = vector.shape_cast %add3A_314 : vector<16xf32> to vector<16xf32>
          tpu.vector_store %arg18[%swap3A_318], %swap3A_321 {strides = array<i32>} : memref<256xf32, #tpu.memory_space<vmem>>, vector<16xf32>,
        }
        %scan3A_100 = arith.constant 16 : i32
        %mul3A_101 = arith.constant 256 : i32
        %mul3A_102 = arith.muli %mul3A_94, %mul3A_101 : i32
        %add3A_103 = arith.addi %add3A_42, %mul3A_102 : i32
        %dma_start3A_104 = tpu.memref_slice %arg7[%add3A_103] : memref<8388608xf32, #tpu.memory_space<hbm>> -> memref<256xf32, #tpu.memory_space<hbm>>
        %dma_start3A_105 = tpu.memref_slice %arg7[%add3A_103] : memref<8388608xf32, #tpu.memory_space<hbm>> -> memref<256xf32, #tpu.memory_space<hbm>>
        tpu.enqueue_dma source(%arg17 : memref<256xf32, #tpu.memory_space<vmem>>) target(%dma_start3A_105 : memref<256xf32, #tpu.memory_space<hbm>>) target_semaphore(%arg23 : memref<!tpu.dma_semaphore, #tpu.memory_space<semaphore_mem>>)
        %add3A_106 = arith.constant 262144 : i32
        %add3A_107 = arith.addi %add3A_103, %add3A_106 : i32
        %dma_start3A_108 = tpu.memref_slice %arg7[%add3A_107] : memref<8388608xf32, #tpu.memory_space<hbm>> -> memref<256xf32, #tpu.memory_space<hbm>>
        %dma_start3A_109 = tpu.memref_slice %arg7[%add3A_107] : memref<8388608xf32, #tpu.memory_space<hbm>> -> memref<256xf32, #tpu.memory_space<hbm>>
        tpu.enqueue_dma source(%arg18 : memref<256xf32, #tpu.memory_space<vmem>>) target(%dma_start3A_109 : memref<256xf32, #tpu.memory_space<hbm>>) target_semaphore(%arg23 : memref<!tpu.dma_semaphore, #tpu.memory_space<semaphore_mem>>)
        %lt3A = arith.constant 15 : i32
        %lt3A_110 = arith.cmpi slt, %scan3A_71, %lt3A : i32
        %convert_element_type3A_111 = arith.extui %lt3A_110 : i1 to i32
        %cond3A_112 = arith.constant 0 : i32
        %cond3A_113 = arith.cmpi ne, %convert_element_type3A_111, %cond3A_112 : i32
        scf.if %cond3A_113 {
          %mul3A_142 = arith.constant 2 : i32
          %mul3A_143 = arith.muli %mul3A_142, %scan3A_71 : i32
          %add3A_144 = arith.constant 2 : i32
          %add3A_145 = arith.addi %mul3A_143, %add3A_144 : i32
          %mul3A_146 = arith.constant 256 : i32
          %mul3A_147 = arith.muli %add3A_145, %mul3A_146 : i32
          %scan3A_148 = arith.constant 0 : i32
          %scan3A_149 = arith.constant 0 : i32
          %scan3A_150 = arith.constant 16 : i32
          %scan3A_151 = arith.addi %scan3A_149, %scan3A_150 : i32
          %scan3A_152 = arith.constant 1 : i32
          scf.for %scan3A_156 = %scan3A_149 to %scan3A_151 step %scan3A_152  : i32 {
            %mul3A_157 = arith.constant 16 : i32
            %mul3A_158 = arith.muli %mul3A_157, %scan3A_156 : i32
            %add3A_159 = arith.addi %mul3A_147, %mul3A_158 : i32
            %get3A = arith.index_cast %add3A_159 : i32 to index
            %get3A_160 = tpu.vector_load %arg8[%get3A] {strides = array<i32>} : memref<8192xf32, #tpu.memory_space<vmem>>, vector<16xf32>,
            %get3A_161 = vector.shape_cast %get3A_160 : vector<16xf32> to vector<16xf32>
            %add3A_162 = arith.constant 1.000000e+00 : f32
            %add3A_163 = vector.broadcast %add3A_162 : f32 to vector<16xf32>
            %add3A_164 = arith.addf %get3A_161, %add3A_163 : vector<16xf32>
            %mul3A_165 = arith.constant 5.000000e-01 : f32
            %mul3A_166 = vector.broadcast %mul3A_165 : f32 to vector<16xf32>
            %mul3A_167 = arith.mulf %add3A_164, %mul3A_166 : vector<16xf32>
            %mul3A_168 = vector.broadcast %convert_element_type3A : f32 to vector<16xf32>
            %mul3A_169 = arith.mulf %mul3A_167, %mul3A_168 : vector<16xf32>
            %add3A_170 = arith.constant 5.000000e-01 : f32
            %add3A_171 = vector.broadcast %add3A_170 : f32 to vector<16xf32>
            %add3A_172 = arith.addf %mul3A_169, %add3A_171 : vector<16xf32>
            %convert_element_type3A_173 = arith.fptosi %add3A_172 : vector<16xf32> to vector<16xi32>
            %convert_element_type3A_174 = arith.sitofp %convert_element_type3A_173 : vector<16xi32> to vector<16xf32>
            %sub3A_175 = arith.subf %add3A_172, %convert_element_type3A_174 : vector<16xf32>
            %get3A_176 = arith.index_cast %add3A_159 : i32 to index
            %get3A_177 = tpu.vector_load %arg9[%get3A_176] {strides = array<i32>} : memref<8192xf32, #tpu.memory_space<vmem>>, vector<16xf32>,
            %get3A_178 = vector.shape_cast %get3A_177 : vector<16xf32> to vector<16xf32>
            %add3A_179 = arith.constant 1.000000e+00 : f32
            %add3A_180 = vector.broadcast %add3A_179 : f32 to vector<16xf32>
            %add3A_181 = arith.addf %get3A_178, %add3A_180 : vector<16xf32>
            %mul3A_182 = arith.constant 5.000000e-01 : f32
            %mul3A_183 = vector.broadcast %mul3A_182 : f32 to vector<16xf32>
            %mul3A_184 = arith.mulf %add3A_181, %mul3A_183 : vector<16xf32>
            %mul3A_185 = vector.broadcast %convert_element_type3A : f32 to vector<16xf32>
            %mul3A_186 = arith.mulf %mul3A_184, %mul3A_185 : vector<16xf32>
            %add3A_187 = arith.constant 5.000000e-01 : f32
            %add3A_188 = vector.broadcast %add3A_187 : f32 to vector<16xf32>
            %add3A_189 = arith.addf %mul3A_186, %add3A_188 : vector<16xf32>
            %convert_element_type3A_190 = arith.fptosi %add3A_189 : vector<16xf32> to vector<16xi32>
            %convert_element_type3A_191 = arith.sitofp %convert_element_type3A_190 : vector<16xi32> to vector<16xf32>
            %sub3A_192 = arith.subf %add3A_189, %convert_element_type3A_191 : vector<16xf32>
            %get3A_193 = arith.index_cast %add3A_159 : i32 to index
            %get3A_194 = tpu.vector_load %arg10[%get3A_193] {strides = array<i32>} : memref<8192xf32, #tpu.memory_space<vmem>>, vector<16xf32>,
            %get3A_195 = vector.shape_cast %get3A_194 : vector<16xf32> to vector<16xf32>
            %add3A_196 = arith.constant 1.000000e+00 : f32
            %add3A_197 = vector.broadcast %add3A_196 : f32 to vector<16xf32>
            %add3A_198 = arith.addf %get3A_195, %add3A_197 : vector<16xf32>
            %mul3A_199 = arith.constant 5.000000e-01 : f32
            %mul3A_200 = vector.broadcast %mul3A_199 : f32 to vector<16xf32>
            %mul3A_201 = arith.mulf %add3A_198, %mul3A_200 : vector<16xf32>
            %mul3A_202 = vector.broadcast %convert_element_type3A : f32 to vector<16xf32>
            %mul3A_203 = arith.mulf %mul3A_201, %mul3A_202 : vector<16xf32>
            %add3A_204 = arith.constant 5.000000e-01 : f32
            %add3A_205 = vector.broadcast %add3A_204 : f32 to vector<16xf32>
            %add3A_206 = arith.addf %mul3A_203, %add3A_205 : vector<16xf32>
            %convert_element_type3A_207 = arith.fptosi %add3A_206 : vector<16xf32> to vector<16xi32>
            %convert_element_type3A_208 = arith.sitofp %convert_element_type3A_207 : vector<16xi32> to vector<16xf32>
            %sub3A_209 = arith.subf %add3A_206, %convert_element_type3A_208 : vector<16xf32>
            %add3A_210 = arith.constant 1 : i32
            %add3A_211 = vector.broadcast %add3A_210 : i32 to vector<16xi32>
            %add3A_212 = arith.addi %convert_element_type3A_173, %add3A_211 : vector<16xi32>
            %mul3A_213 = arith.constant -1640531535 : i32
            %mul3A_214 = vector.broadcast %mul3A_213 : i32 to vector<16xi32>
            %mul3A_215 = arith.muli %convert_element_type3A_190, %mul3A_214 : vector<16xi32>
            %add3A_216 = arith.constant -1640531535 : i32
            %add3A_217 = vector.broadcast %add3A_216 : i32 to vector<16xi32>
            %add3A_218 = arith.addi %mul3A_215, %add3A_217 : vector<16xi32>
            %mul3A_219 = arith.constant 805459861 : i32
            %mul3A_220 = vector.broadcast %mul3A_219 : i32 to vector<16xi32>
            %mul3A_221 = arith.muli %convert_element_type3A_207, %mul3A_220 : vector<16xi32>
            %add3A_222 = arith.constant 805459861 : i32
            %add3A_223 = vector.broadcast %add3A_222 : i32 to vector<16xi32>
            %add3A_224 = arith.addi %mul3A_221, %add3A_223 : vector<16xi32>
            %sub3A_225 = arith.constant 1.000000e+00 : f32
            %sub3A_226 = vector.broadcast %sub3A_225 : f32 to vector<16xf32>
            %sub3A_227 = arith.subf %sub3A_226, %sub3A_175 : vector<16xf32>
            %sub3A_228 = arith.constant 1.000000e+00 : f32
            %sub3A_229 = vector.broadcast %sub3A_228 : f32 to vector<16xf32>
            %sub3A_230 = arith.subf %sub3A_229, %sub3A_192 : vector<16xf32>
            %sub3A_231 = arith.constant 1.000000e+00 : f32
            %sub3A_232 = vector.broadcast %sub3A_231 : f32 to vector<16xf32>
            %sub3A_233 = arith.subf %sub3A_232, %sub3A_209 : vector<16xf32>
            %xor3A = arith.xori %convert_element_type3A_173, %mul3A_215 : vector<16xi32>
            %xor3A_234 = arith.xori %xor3A, %mul3A_221 : vector<16xi32>
            %and3A = arith.constant 524287 : i32
            %and3A_235 = vector.broadcast %and3A : i32 to vector<16xi32>
            %and3A_236 = arith.andi %xor3A_234, %and3A_235 : vector<16xi32>
            %add3A_237 = arith.constant 0 : i32
            %add3A_238 = vector.broadcast %add3A_237 : i32 to vector<16xi32>
            %add3A_239 = arith.addi %and3A_236, %add3A_238 : vector<16xi32>
            %mul3A_240 = arith.constant 2 : i32
            %mul3A_241 = vector.broadcast %mul3A_240 : i32 to vector<16xi32>
            %mul3A_242 = arith.muli %add3A_239, %mul3A_241 : vector<16xi32>
            %mul3A_243 = arith.mulf %sub3A_227, %sub3A_230 : vector<16xf32>
            %mul3A_244 = arith.mulf %mul3A_243, %sub3A_233 : vector<16xf32>
            %mul3A_245 = arith.constant 16 : i32
            %mul3A_246 = arith.muli %mul3A_245, %scan3A_156 : i32
            %add3A_247 = arith.constant 0 : i32
            %add3A_248 = arith.addi %add3A_247, %mul3A_246 : i32
            %swap3A = arith.index_cast %add3A_248 : i32 to index
            %swap3A_249 = tpu.vector_load %arg11[%swap3A] {strides = array<i32>} : memref<4096xi32, #tpu.memory_space<vmem>>, vector<16xi32>,
            %swap3A_250 = vector.shape_cast %swap3A_249 : vector<16xi32> to vector<16xi32>
            %swap3A_251 = vector.shape_cast %mul3A_242 : vector<16xi32> to vector<16xi32>
            tpu.vector_store %arg11[%swap3A], %swap3A_251 {strides = array<i32>} : memref<4096xi32, #tpu.memory_space<vmem>>, vector<16xi32>,
            %add3A_252 = arith.constant 1 : i32
            %add3A_253 = vector.broadcast %add3A_252 : i32 to vector<16xi32>
            %add3A_254 = arith.addi %mul3A_242, %add3A_253 : vector<16xi32>
            %mul3A_255 = arith.constant 16 : i32
            %mul3A_256 = arith.muli %mul3A_255, %scan3A_156 : i32
            %add3A_257 = arith.constant 2048 : i32
            %add3A_258 = arith.addi %add3A_257, %mul3A_256 : i32
            %swap3A_259 = arith.index_cast %add3A_258 : i32 to index
            %swap3A_260 = tpu.vector_load %arg11[%swap3A_259] {strides = array<i32>} : memref<4096xi32, #tpu.memory_space<vmem>>, vector<16xi32>,
            %swap3A_261 = vector.shape_cast %swap3A_260 : vector<16xi32> to vector<16xi32>
            %swap3A_262 = vector.shape_cast %add3A_254 : vector<16xi32> to vector<16xi32>
            tpu.vector_store %arg11[%swap3A_259], %swap3A_262 {strides = array<i32>} : memref<4096xi32, #tpu.memory_space<vmem>>, vector<16xi32>,
            %mul3A_263 = arith.constant 16 : i32
            %mul3A_264 = arith.muli %mul3A_263, %scan3A_156 : i32
            %add3A_265 = arith.constant 0 : i32
            %add3A_266 = arith.addi %add3A_265, %mul3A_264 : i32
            %swap3A_267 = arith.index_cast %add3A_266 : i32 to index
            %swap3A_268 = tpu.vector_load %arg13[%swap3A_267] {strides = array<i32>} : memref<2048xf32, #tpu.memory_space<vmem>>, vector<16xf32>,
            %swap3A_269 = vector.shape_cast %swap3A_268 : vector<16xf32> to vector<16xf32>
            %swap3A_270 = vector.shape_cast %mul3A_244 : vector<16xf32> to vector<16xf32>
            tpu.vector_store %arg13[%swap3A_267], %swap3A_270 {strides = array<i32>} : memref<2048xf32, #tpu.memory_space<vmem>>, vector<16xf32>,
            %xor3A_271 = arith.xori %add3A_212, %mul3A_215 : vector<16xi32>
            %xor3A_272 = arith.xori %xor3A_271, %mul3A_221 : vector<16xi32>
            %and3A_273 = arith.constant 524287 : i32
            %and3A_274 = vector.broadcast %and3A_273 : i32 to vector<16xi32>
            %and3A_275 = arith.andi %xor3A_272, %and3A_274 : vector<16xi32>
            %add3A_276 = arith.constant 0 : i32
            %add3A_277 = vector.broadcast %add3A_276 : i32 to vector<16xi32>
            %add3A_278 = arith.addi %and3A_275, %add3A_277 : vector<16xi32>
            %mul3A_279 = arith.constant 2 : i32
            %mul3A_280 = vector.broadcast %mul3A_279 : i32 to vector<16xi32>
            %mul3A_281 = arith.muli %add3A_278, %mul3A_280 : vector<16xi32>
            %mul3A_282 = arith.mulf %sub3A_175, %sub3A_230 : vector<16xf32>
            %mul3A_283 = arith.mulf %mul3A_282, %sub3A_233 : vector<16xf32>
            %mul3A_284 = arith.constant 16 : i32
            %mul3A_285 = arith.muli %mul3A_284, %scan3A_156 : i32
            %add3A_286 = arith.constant 256 : i32
            %add3A_287 = arith.addi %add3A_286, %mul3A_285 : i32
            %swap3A_288 = arith.index_cast %add3A_287 : i32 to index
            %swap3A_289 = tpu.vector_load %arg11[%swap3A_288] {strides = array<i32>} : memref<4096xi32, #tpu.memory_space<vmem>>, vector<16xi32>,
            %swap3A_290 = vector.shape_cast %swap3A_289 : vector<16xi32> to vector<16xi32>
            %swap3A_291 = vector.shape_cast %mul3A_281 : vector<16xi32> to vector<16xi32>
            tpu.vector_store %arg11[%swap3A_288], %swap3A_291 {strides = array<i32>} : memref<4096xi32, #tpu.memory_space<vmem>>, vector<16xi32>,
            %add3A_292 = arith.constant 1 : i32
            %add3A_293 = vector.broadcast %add3A_292 : i32 to vector<16xi32>
            %add3A_294 = arith.addi %mul3A_281, %add3A_293 : vector<16xi32>
            %mul3A_295 = arith.constant 16 : i32
            %mul3A_296 = arith.muli %mul3A_295, %scan3A_156 : i32
            %add3A_297 = arith.constant 2304 : i32
            %add3A_298 = arith.addi %add3A_297, %mul3A_296 : i32
            %swap3A_299 = arith.index_cast %add3A_298 : i32 to index
            %swap3A_300 = tpu.vector_load %arg11[%swap3A_299] {strides = array<i32>} : memref<4096xi32, #tpu.memory_space<vmem>>, vector<16xi32>,
            %swap3A_301 = vector.shape_cast %swap3A_300 : vector<16xi32> to vector<16xi32>
            %swap3A_302 = vector.shape_cast %add3A_294 : vector<16xi32> to vector<16xi32>
            tpu.vector_store %arg11[%swap3A_299], %swap3A_302 {strides = array<i32>} : memref<4096xi32, #tpu.memory_space<vmem>>, vector<16xi32>,
            %mul3A_303 = arith.constant 16 : i32
            %mul3A_304 = arith.muli %mul3A_303, %scan3A_156 : i32
            %add3A_305 = arith.constant 256 : i32
            %add3A_306 = arith.addi %add3A_305, %mul3A_304 : i32
            %swap3A_307 = arith.index_cast %add3A_306 : i32 to index
            %swap3A_308 = tpu.vector_load %arg13[%swap3A_307] {strides = array<i32>} : memref<2048xf32, #tpu.memory_space<vmem>>, vector<16xf32>,
            %swap3A_309 = vector.shape_cast %swap3A_308 : vector<16xf32> to vector<16xf32>
            %swap3A_310 = vector.shape_cast %mul3A_283 : vector<16xf32> to vector<16xf32>
            tpu.vector_store %arg13[%swap3A_307], %swap3A_310 {strides = array<i32>} : memref<2048xf32, #tpu.memory_space<vmem>>, vector<16xf32>,
            %xor3A_311 = arith.xori %convert_element_type3A_173, %add3A_218 : vector<16xi32>
            %xor3A_312 = arith.xori %xor3A_311, %mul3A_221 : vector<16xi32>
            %and3A_313 = arith.constant 524287 : i32
            %and3A_314 = vector.broadcast %and3A_313 : i32 to vector<16xi32>
            %and3A_315 = arith.andi %xor3A_312, %and3A_314 : vector<16xi32>
            %add3A_316 = arith.constant 0 : i32
            %add3A_317 = vector.broadcast %add3A_316 : i32 to vector<16xi32>
            %add3A_318 = arith.addi %and3A_315, %add3A_317 : vector<16xi32>
            %mul3A_319 = arith.constant 2 : i32
            %mul3A_320 = vector.broadcast %mul3A_319 : i32 to vector<16xi32>
            %mul3A_321 = arith.muli %add3A_318, %mul3A_320 : vector<16xi32>
            %mul3A_322 = arith.mulf %sub3A_227, %sub3A_192 : vector<16xf32>
            %mul3A_323 = arith.mulf %mul3A_322, %sub3A_233 : vector<16xf32>
            %mul3A_324 = arith.constant 16 : i32
            %mul3A_325 = arith.muli %mul3A_324, %scan3A_156 : i32
            %add3A_326 = arith.constant 512 : i32
            %add3A_327 = arith.addi %add3A_326, %mul3A_325 : i32
            %swap3A_328 = arith.index_cast %add3A_327 : i32 to index
            %swap3A_329 = tpu.vector_load %arg11[%swap3A_328] {strides = array<i32>} : memref<4096xi32, #tpu.memory_space<vmem>>, vector<16xi32>,
            %swap3A_330 = vector.shape_cast %swap3A_329 : vector<16xi32> to vector<16xi32>
            %swap3A_331 = vector.shape_cast %mul3A_321 : vector<16xi32> to vector<16xi32>
            tpu.vector_store %arg11[%swap3A_328], %swap3A_331 {strides = array<i32>} : memref<4096xi32, #tpu.memory_space<vmem>>, vector<16xi32>,
            %add3A_332 = arith.constant 1 : i32
            %add3A_333 = vector.broadcast %add3A_332 : i32 to vector<16xi32>
            %add3A_334 = arith.addi %mul3A_321, %add3A_333 : vector<16xi32>
            %mul3A_335 = arith.constant 16 : i32
            %mul3A_336 = arith.muli %mul3A_335, %scan3A_156 : i32
            %add3A_337 = arith.constant 2560 : i32
            %add3A_338 = arith.addi %add3A_337, %mul3A_336 : i32
            %swap3A_339 = arith.index_cast %add3A_338 : i32 to index
            %swap3A_340 = tpu.vector_load %arg11[%swap3A_339] {strides = array<i32>} : memref<4096xi32, #tpu.memory_space<vmem>>, vector<16xi32>,
            %swap3A_341 = vector.shape_cast %swap3A_340 : vector<16xi32> to vector<16xi32>
            %swap3A_342 = vector.shape_cast %add3A_334 : vector<16xi32> to vector<16xi32>
            tpu.vector_store %arg11[%swap3A_339], %swap3A_342 {strides = array<i32>} : memref<4096xi32, #tpu.memory_space<vmem>>, vector<16xi32>,
            %mul3A_343 = arith.constant 16 : i32
            %mul3A_344 = arith.muli %mul3A_343, %scan3A_156 : i32
            %add3A_345 = arith.constant 512 : i32
            %add3A_346 = arith.addi %add3A_345, %mul3A_344 : i32
            %swap3A_347 = arith.index_cast %add3A_346 : i32 to index
            %swap3A_348 = tpu.vector_load %arg13[%swap3A_347] {strides = array<i32>} : memref<2048xf32, #tpu.memory_space<vmem>>, vector<16xf32>,
            %swap3A_349 = vector.shape_cast %swap3A_348 : vector<16xf32> to vector<16xf32>
            %swap3A_350 = vector.shape_cast %mul3A_323 : vector<16xf32> to vector<16xf32>
            tpu.vector_store %arg13[%swap3A_347], %swap3A_350 {strides = array<i32>} : memref<2048xf32, #tpu.memory_space<vmem>>, vector<16xf32>,
            %xor3A_351 = arith.xori %add3A_212, %add3A_218 : vector<16xi32>
            %xor3A_352 = arith.xori %xor3A_351, %mul3A_221 : vector<16xi32>
            %and3A_353 = arith.constant 524287 : i32
            %and3A_354 = vector.broadcast %and3A_353 : i32 to vector<16xi32>
            %and3A_355 = arith.andi %xor3A_352, %and3A_354 : vector<16xi32>
            %add3A_356 = arith.constant 0 : i32
            %add3A_357 = vector.broadcast %add3A_356 : i32 to vector<16xi32>
            %add3A_358 = arith.addi %and3A_355, %add3A_357 : vector<16xi32>
            %mul3A_359 = arith.constant 2 : i32
            %mul3A_360 = vector.broadcast %mul3A_359 : i32 to vector<16xi32>
            %mul3A_361 = arith.muli %add3A_358, %mul3A_360 : vector<16xi32>
            %mul3A_362 = arith.mulf %sub3A_175, %sub3A_192 : vector<16xf32>
            %mul3A_363 = arith.mulf %mul3A_362, %sub3A_233 : vector<16xf32>
            %mul3A_364 = arith.constant 16 : i32
            %mul3A_365 = arith.muli %mul3A_364, %scan3A_156 : i32
            %add3A_366 = arith.constant 768 : i32
            %add3A_367 = arith.addi %add3A_366, %mul3A_365 : i32
            %swap3A_368 = arith.index_cast %add3A_367 : i32 to index
            %swap3A_369 = tpu.vector_load %arg11[%swap3A_368] {strides = array<i32>} : memref<4096xi32, #tpu.memory_space<vmem>>, vector<16xi32>,
            %swap3A_370 = vector.shape_cast %swap3A_369 : vector<16xi32> to vector<16xi32>
            %swap3A_371 = vector.shape_cast %mul3A_361 : vector<16xi32> to vector<16xi32>
            tpu.vector_store %arg11[%swap3A_368], %swap3A_371 {strides = array<i32>} : memref<4096xi32, #tpu.memory_space<vmem>>, vector<16xi32>,
            %add3A_372 = arith.constant 1 : i32
            %add3A_373 = vector.broadcast %add3A_372 : i32 to vector<16xi32>
            %add3A_374 = arith.addi %mul3A_361, %add3A_373 : vector<16xi32>
            %mul3A_375 = arith.constant 16 : i32
            %mul3A_376 = arith.muli %mul3A_375, %scan3A_156 : i32
            %add3A_377 = arith.constant 2816 : i32
            %add3A_378 = arith.addi %add3A_377, %mul3A_376 : i32
            %swap3A_379 = arith.index_cast %add3A_378 : i32 to index
            %swap3A_380 = tpu.vector_load %arg11[%swap3A_379] {strides = array<i32>} : memref<4096xi32, #tpu.memory_space<vmem>>, vector<16xi32>,
            %swap3A_381 = vector.shape_cast %swap3A_380 : vector<16xi32> to vector<16xi32>
            %swap3A_382 = vector.shape_cast %add3A_374 : vector<16xi32> to vector<16xi32>
            tpu.vector_store %arg11[%swap3A_379], %swap3A_382 {strides = array<i32>} : memref<4096xi32, #tpu.memory_space<vmem>>, vector<16xi32>,
            %mul3A_383 = arith.constant 16 : i32
            %mul3A_384 = arith.muli %mul3A_383, %scan3A_156 : i32
            %add3A_385 = arith.constant 768 : i32
            %add3A_386 = arith.addi %add3A_385, %mul3A_384 : i32
            %swap3A_387 = arith.index_cast %add3A_386 : i32 to index
            %swap3A_388 = tpu.vector_load %arg13[%swap3A_387] {strides = array<i32>} : memref<2048xf32, #tpu.memory_space<vmem>>, vector<16xf32>,
            %swap3A_389 = vector.shape_cast %swap3A_388 : vector<16xf32> to vector<16xf32>
            %swap3A_390 = vector.shape_cast %mul3A_363 : vector<16xf32> to vector<16xf32>
            tpu.vector_store %arg13[%swap3A_387], %swap3A_390 {strides = array<i32>} : memref<2048xf32, #tpu.memory_space<vmem>>, vector<16xf32>,
            %xor3A_391 = arith.xori %convert_element_type3A_173, %mul3A_215 : vector<16xi32>
            %xor3A_392 = arith.xori %xor3A_391, %add3A_224 : vector<16xi32>
            %and3A_393 = arith.constant 524287 : i32
            %and3A_394 = vector.broadcast %and3A_393 : i32 to vector<16xi32>
            %and3A_395 = arith.andi %xor3A_392, %and3A_394 : vector<16xi32>
            %add3A_396 = arith.constant 0 : i32
            %add3A_397 = vector.broadcast %add3A_396 : i32 to vector<16xi32>
            %add3A_398 = arith.addi %and3A_395, %add3A_397 : vector<16xi32>
            %mul3A_399 = arith.constant 2 : i32
            %mul3A_400 = vector.broadcast %mul3A_399 : i32 to vector<16xi32>
            %mul3A_401 = arith.muli %add3A_398, %mul3A_400 : vector<16xi32>
            %mul3A_402 = arith.mulf %sub3A_227, %sub3A_230 : vector<16xf32>
            %mul3A_403 = arith.mulf %mul3A_402, %sub3A_209 : vector<16xf32>
            %mul3A_404 = arith.constant 16 : i32
            %mul3A_405 = arith.muli %mul3A_404, %scan3A_156 : i32
            %add3A_406 = arith.constant 1024 : i32
            %add3A_407 = arith.addi %add3A_406, %mul3A_405 : i32
            %swap3A_408 = arith.index_cast %add3A_407 : i32 to index
            %swap3A_409 = tpu.vector_load %arg11[%swap3A_408] {strides = array<i32>} : memref<4096xi32, #tpu.memory_space<vmem>>, vector<16xi32>,
            %swap3A_410 = vector.shape_cast %swap3A_409 : vector<16xi32> to vector<16xi32>
            %swap3A_411 = vector.shape_cast %mul3A_401 : vector<16xi32> to vector<16xi32>
            tpu.vector_store %arg11[%swap3A_408], %swap3A_411 {strides = array<i32>} : memref<4096xi32, #tpu.memory_space<vmem>>, vector<16xi32>,
            %add3A_412 = arith.constant 1 : i32
            %add3A_413 = vector.broadcast %add3A_412 : i32 to vector<16xi32>
            %add3A_414 = arith.addi %mul3A_401, %add3A_413 : vector<16xi32>
            %mul3A_415 = arith.constant 16 : i32
            %mul3A_416 = arith.muli %mul3A_415, %scan3A_156 : i32
            %add3A_417 = arith.constant 3072 : i32
            %add3A_418 = arith.addi %add3A_417, %mul3A_416 : i32
            %swap3A_419 = arith.index_cast %add3A_418 : i32 to index
            %swap3A_420 = tpu.vector_load %arg11[%swap3A_419] {strides = array<i32>} : memref<4096xi32, #tpu.memory_space<vmem>>, vector<16xi32>,
            %swap3A_421 = vector.shape_cast %swap3A_420 : vector<16xi32> to vector<16xi32>
            %swap3A_422 = vector.shape_cast %add3A_414 : vector<16xi32> to vector<16xi32>
            tpu.vector_store %arg11[%swap3A_419], %swap3A_422 {strides = array<i32>} : memref<4096xi32, #tpu.memory_space<vmem>>, vector<16xi32>,
            %mul3A_423 = arith.constant 16 : i32
            %mul3A_424 = arith.muli %mul3A_423, %scan3A_156 : i32
            %add3A_425 = arith.constant 1024 : i32
            %add3A_426 = arith.addi %add3A_425, %mul3A_424 : i32
            %swap3A_427 = arith.index_cast %add3A_426 : i32 to index
            %swap3A_428 = tpu.vector_load %arg13[%swap3A_427] {strides = array<i32>} : memref<2048xf32, #tpu.memory_space<vmem>>, vector<16xf32>,
            %swap3A_429 = vector.shape_cast %swap3A_428 : vector<16xf32> to vector<16xf32>
            %swap3A_430 = vector.shape_cast %mul3A_403 : vector<16xf32> to vector<16xf32>
            tpu.vector_store %arg13[%swap3A_427], %swap3A_430 {strides = array<i32>} : memref<2048xf32, #tpu.memory_space<vmem>>, vector<16xf32>,
            %xor3A_431 = arith.xori %add3A_212, %mul3A_215 : vector<16xi32>
            %xor3A_432 = arith.xori %xor3A_431, %add3A_224 : vector<16xi32>
            %and3A_433 = arith.constant 524287 : i32
            %and3A_434 = vector.broadcast %and3A_433 : i32 to vector<16xi32>
            %and3A_435 = arith.andi %xor3A_432, %and3A_434 : vector<16xi32>
            %add3A_436 = arith.constant 0 : i32
            %add3A_437 = vector.broadcast %add3A_436 : i32 to vector<16xi32>
            %add3A_438 = arith.addi %and3A_435, %add3A_437 : vector<16xi32>
            %mul3A_439 = arith.constant 2 : i32
            %mul3A_440 = vector.broadcast %mul3A_439 : i32 to vector<16xi32>
            %mul3A_441 = arith.muli %add3A_438, %mul3A_440 : vector<16xi32>
            %mul3A_442 = arith.mulf %sub3A_175, %sub3A_230 : vector<16xf32>
            %mul3A_443 = arith.mulf %mul3A_442, %sub3A_209 : vector<16xf32>
            %mul3A_444 = arith.constant 16 : i32
            %mul3A_445 = arith.muli %mul3A_444, %scan3A_156 : i32
            %add3A_446 = arith.constant 1280 : i32
            %add3A_447 = arith.addi %add3A_446, %mul3A_445 : i32
            %swap3A_448 = arith.index_cast %add3A_447 : i32 to index
            %swap3A_449 = tpu.vector_load %arg11[%swap3A_448] {strides = array<i32>} : memref<4096xi32, #tpu.memory_space<vmem>>, vector<16xi32>,
            %swap3A_450 = vector.shape_cast %swap3A_449 : vector<16xi32> to vector<16xi32>
            %swap3A_451 = vector.shape_cast %mul3A_441 : vector<16xi32> to vector<16xi32>
            tpu.vector_store %arg11[%swap3A_448], %swap3A_451 {strides = array<i32>} : memref<4096xi32, #tpu.memory_space<vmem>>, vector<16xi32>,
            %add3A_452 = arith.constant 1 : i32
            %add3A_453 = vector.broadcast %add3A_452 : i32 to vector<16xi32>
            %add3A_454 = arith.addi %mul3A_441, %add3A_453 : vector<16xi32>
            %mul3A_455 = arith.constant 16 : i32
            %mul3A_456 = arith.muli %mul3A_455, %scan3A_156 : i32
            %add3A_457 = arith.constant 3328 : i32
            %add3A_458 = arith.addi %add3A_457, %mul3A_456 : i32
            %swap3A_459 = arith.index_cast %add3A_458 : i32 to index
            %swap3A_460 = tpu.vector_load %arg11[%swap3A_459] {strides = array<i32>} : memref<4096xi32, #tpu.memory_space<vmem>>, vector<16xi32>,
            %swap3A_461 = vector.shape_cast %swap3A_460 : vector<16xi32> to vector<16xi32>
            %swap3A_462 = vector.shape_cast %add3A_454 : vector<16xi32> to vector<16xi32>
            tpu.vector_store %arg11[%swap3A_459], %swap3A_462 {strides = array<i32>} : memref<4096xi32, #tpu.memory_space<vmem>>, vector<16xi32>,
            %mul3A_463 = arith.constant 16 : i32
            %mul3A_464 = arith.muli %mul3A_463, %scan3A_156 : i32
            %add3A_465 = arith.constant 1280 : i32
            %add3A_466 = arith.addi %add3A_465, %mul3A_464 : i32
            %swap3A_467 = arith.index_cast %add3A_466 : i32 to index
            %swap3A_468 = tpu.vector_load %arg13[%swap3A_467] {strides = array<i32>} : memref<2048xf32, #tpu.memory_space<vmem>>, vector<16xf32>,
            %swap3A_469 = vector.shape_cast %swap3A_468 : vector<16xf32> to vector<16xf32>
            %swap3A_470 = vector.shape_cast %mul3A_443 : vector<16xf32> to vector<16xf32>
            tpu.vector_store %arg13[%swap3A_467], %swap3A_470 {strides = array<i32>} : memref<2048xf32, #tpu.memory_space<vmem>>, vector<16xf32>,
            %xor3A_471 = arith.xori %convert_element_type3A_173, %add3A_218 : vector<16xi32>
            %xor3A_472 = arith.xori %xor3A_471, %add3A_224 : vector<16xi32>
            %and3A_473 = arith.constant 524287 : i32
            %and3A_474 = vector.broadcast %and3A_473 : i32 to vector<16xi32>
            %and3A_475 = arith.andi %xor3A_472, %and3A_474 : vector<16xi32>
            %add3A_476 = arith.constant 0 : i32
            %add3A_477 = vector.broadcast %add3A_476 : i32 to vector<16xi32>
            %add3A_478 = arith.addi %and3A_475, %add3A_477 : vector<16xi32>
            %mul3A_479 = arith.constant 2 : i32
            %mul3A_480 = vector.broadcast %mul3A_479 : i32 to vector<16xi32>
            %mul3A_481 = arith.muli %add3A_478, %mul3A_480 : vector<16xi32>
            %mul3A_482 = arith.mulf %sub3A_227, %sub3A_192 : vector<16xf32>
            %mul3A_483 = arith.mulf %mul3A_482, %sub3A_209 : vector<16xf32>
            %mul3A_484 = arith.constant 16 : i32
            %mul3A_485 = arith.muli %mul3A_484, %scan3A_156 : i32
            %add3A_486 = arith.constant 1536 : i32
            %add3A_487 = arith.addi %add3A_486, %mul3A_485 : i32
            %swap3A_488 = arith.index_cast %add3A_487 : i32 to index
            %swap3A_489 = tpu.vector_load %arg11[%swap3A_488] {strides = array<i32>} : memref<4096xi32, #tpu.memory_space<vmem>>, vector<16xi32>,
            %swap3A_490 = vector.shape_cast %swap3A_489 : vector<16xi32> to vector<16xi32>
            %swap3A_491 = vector.shape_cast %mul3A_481 : vector<16xi32> to vector<16xi32>
            tpu.vector_store %arg11[%swap3A_488], %swap3A_491 {strides = array<i32>} : memref<4096xi32, #tpu.memory_space<vmem>>, vector<16xi32>,
            %add3A_492 = arith.constant 1 : i32
            %add3A_493 = vector.broadcast %add3A_492 : i32 to vector<16xi32>
            %add3A_494 = arith.addi %mul3A_481, %add3A_493 : vector<16xi32>
            %mul3A_495 = arith.constant 16 : i32
            %mul3A_496 = arith.muli %mul3A_495, %scan3A_156 : i32
            %add3A_497 = arith.constant 3584 : i32
            %add3A_498 = arith.addi %add3A_497, %mul3A_496 : i32
            %swap3A_499 = arith.index_cast %add3A_498 : i32 to index
            %swap3A_500 = tpu.vector_load %arg11[%swap3A_499] {strides = array<i32>} : memref<4096xi32, #tpu.memory_space<vmem>>, vector<16xi32>,
            %swap3A_501 = vector.shape_cast %swap3A_500 : vector<16xi32> to vector<16xi32>
            %swap3A_502 = vector.shape_cast %add3A_494 : vector<16xi32> to vector<16xi32>
            tpu.vector_store %arg11[%swap3A_499], %swap3A_502 {strides = array<i32>} : memref<4096xi32, #tpu.memory_space<vmem>>, vector<16xi32>,
            %mul3A_503 = arith.constant 16 : i32
            %mul3A_504 = arith.muli %mul3A_503, %scan3A_156 : i32
            %add3A_505 = arith.constant 1536 : i32
            %add3A_506 = arith.addi %add3A_505, %mul3A_504 : i32
            %swap3A_507 = arith.index_cast %add3A_506 : i32 to index
            %swap3A_508 = tpu.vector_load %arg13[%swap3A_507] {strides = array<i32>} : memref<2048xf32, #tpu.memory_space<vmem>>, vector<16xf32>,
            %swap3A_509 = vector.shape_cast %swap3A_508 : vector<16xf32> to vector<16xf32>
            %swap3A_510 = vector.shape_cast %mul3A_483 : vector<16xf32> to vector<16xf32>
            tpu.vector_store %arg13[%swap3A_507], %swap3A_510 {strides = array<i32>} : memref<2048xf32, #tpu.memory_space<vmem>>, vector<16xf32>,
            %xor3A_511 = arith.xori %add3A_212, %add3A_218 : vector<16xi32>
            %xor3A_512 = arith.xori %xor3A_511, %add3A_224 : vector<16xi32>
            %and3A_513 = arith.constant 524287 : i32
            %and3A_514 = vector.broadcast %and3A_513 : i32 to vector<16xi32>
            %and3A_515 = arith.andi %xor3A_512, %and3A_514 : vector<16xi32>
            %add3A_516 = arith.constant 0 : i32
            %add3A_517 = vector.broadcast %add3A_516 : i32 to vector<16xi32>
            %add3A_518 = arith.addi %and3A_515, %add3A_517 : vector<16xi32>
            %mul3A_519 = arith.constant 2 : i32
            %mul3A_520 = vector.broadcast %mul3A_519 : i32 to vector<16xi32>
            %mul3A_521 = arith.muli %add3A_518, %mul3A_520 : vector<16xi32>
            %mul3A_522 = arith.mulf %sub3A_175, %sub3A_192 : vector<16xf32>
            %mul3A_523 = arith.mulf %mul3A_522, %sub3A_209 : vector<16xf32>
            %mul3A_524 = arith.constant 16 : i32
            %mul3A_525 = arith.muli %mul3A_524, %scan3A_156 : i32
            %add3A_526 = arith.constant 1792 : i32
            %add3A_527 = arith.addi %add3A_526, %mul3A_525 : i32
            %swap3A_528 = arith.index_cast %add3A_527 : i32 to index
            %swap3A_529 = tpu.vector_load %arg11[%swap3A_528] {strides = array<i32>} : memref<4096xi32, #tpu.memory_space<vmem>>, vector<16xi32>,
            %swap3A_530 = vector.shape_cast %swap3A_529 : vector<16xi32> to vector<16xi32>
            %swap3A_531 = vector.shape_cast %mul3A_521 : vector<16xi32> to vector<16xi32>
            tpu.vector_store %arg11[%swap3A_528], %swap3A_531 {strides = array<i32>} : memref<4096xi32, #tpu.memory_space<vmem>>, vector<16xi32>,
            %add3A_532 = arith.constant 1 : i32
            %add3A_533 = vector.broadcast %add3A_532 : i32 to vector<16xi32>
            %add3A_534 = arith.addi %mul3A_521, %add3A_533 : vector<16xi32>
            %mul3A_535 = arith.constant 16 : i32
            %mul3A_536 = arith.muli %mul3A_535, %scan3A_156 : i32
            %add3A_537 = arith.constant 3840 : i32
            %add3A_538 = arith.addi %add3A_537, %mul3A_536 : i32
            %swap3A_539 = arith.index_cast %add3A_538 : i32 to index
            %swap3A_540 = tpu.vector_load %arg11[%swap3A_539] {strides = array<i32>} : memref<4096xi32, #tpu.memory_space<vmem>>, vector<16xi32>,
            %swap3A_541 = vector.shape_cast %swap3A_540 : vector<16xi32> to vector<16xi32>
            %swap3A_542 = vector.shape_cast %add3A_534 : vector<16xi32> to vector<16xi32>
            tpu.vector_store %arg11[%swap3A_539], %swap3A_542 {strides = array<i32>} : memref<4096xi32, #tpu.memory_space<vmem>>, vector<16xi32>,
            %mul3A_543 = arith.constant 16 : i32
            %mul3A_544 = arith.muli %mul3A_543, %scan3A_156 : i32
            %add3A_545 = arith.constant 1792 : i32
            %add3A_546 = arith.addi %add3A_545, %mul3A_544 : i32
            %swap3A_547 = arith.index_cast %add3A_546 : i32 to index
            %swap3A_548 = tpu.vector_load %arg13[%swap3A_547] {strides = array<i32>} : memref<2048xf32, #tpu.memory_space<vmem>>, vector<16xf32>,
            %swap3A_549 = vector.shape_cast %swap3A_548 : vector<16xf32> to vector<16xf32>
            %swap3A_550 = vector.shape_cast %mul3A_523 : vector<16xf32> to vector<16xf32>
            tpu.vector_store %arg13[%swap3A_547], %swap3A_550 {strides = array<i32>} : memref<2048xf32, #tpu.memory_space<vmem>>, vector<16xf32>,
          }
          %scan3A_153 = arith.constant 16 : i32
          %dma_start3A_154 = arith.constant 0 : i32
          %dma_start3A_155 = tpu.memref_slice %arg25[%dma_start3A_154] : memref<1048576xf32, #tpu.memory_space<vmem_shared>> -> memref<1048576xf32, #tpu.memory_space<vmem_shared>>
          tpu.enqueue_indirect_dma source(%dma_start3A_155 : memref<1048576xf32, #tpu.memory_space<vmem_shared>>) target(%arg15 : memref<4096xf32, #tpu.memory_space<vmem>>) offsets(%arg11 : memref<4096xi32, #tpu.memory_space<vmem>>) semaphore(%arg21 : memref<!tpu.dma_semaphore, #tpu.memory_space<semaphore_mem>>)
        } else {
        }
        %dma_wait3A_114 = arith.constant 0 : i32
        %dma_wait3A_115 = tpu.memref_slice %arg7[%dma_wait3A_114] : memref<8388608xf32, #tpu.memory_space<hbm>> -> memref<4096xf32, #tpu.memory_space<hbm>>
        %dma_wait3A_116 = arith.constant 0 : i32
        %dma_wait3A_117 = tpu.memref_slice %arg7[%dma_wait3A_116] : memref<8388608xf32, #tpu.memory_space<hbm>> -> memref<4096xf32, #tpu.memory_space<hbm>>
        tpu.wait_dma2 semaphore(%arg22 : memref<!tpu.dma_semaphore, #tpu.memory_space<semaphore_mem>>) src(%dma_wait3A_117 : memref<4096xf32, #tpu.memory_space<hbm>>) dst(%arg16 : memref<4096xf32, #tpu.memory_space<vmem>>)
        %ge3A_118 = arith.constant 1 : i32
        %ge3A_119 = arith.cmpi sge, %scan3A_71, %ge3A_118 : i32
        %convert_element_type3A_120 = arith.extui %ge3A_119 : i1 to i32
        %cond3A_121 = arith.constant 0 : i32
        %cond3A_122 = arith.cmpi ne, %convert_element_type3A_120, %cond3A_121 : i32
        scf.if %cond3A_122 {
          %dma_wait3A_142 = arith.constant 0 : i32
          %dma_wait3A_143 = tpu.memref_slice %arg7[%dma_wait3A_142] : memref<8388608xf32, #tpu.memory_space<hbm>> -> memref<256xf32, #tpu.memory_space<hbm>>
          %dma_wait3A_144 = arith.constant 0 : i32
          %dma_wait3A_145 = tpu.memref_slice %arg7[%dma_wait3A_144] : memref<8388608xf32, #tpu.memory_space<hbm>> -> memref<256xf32, #tpu.memory_space<hbm>>
          tpu.wait_dma2 semaphore(%arg24 : memref<!tpu.dma_semaphore, #tpu.memory_space<semaphore_mem>>) src(%dma_wait3A_145 : memref<256xf32, #tpu.memory_space<hbm>>) dst(%arg19 : memref<256xf32, #tpu.memory_space<vmem>>)
          %dma_wait3A_146 = arith.constant 0 : i32
          %dma_wait3A_147 = tpu.memref_slice %arg7[%dma_wait3A_146] : memref<8388608xf32, #tpu.memory_space<hbm>> -> memref<256xf32, #tpu.memory_space<hbm>>
          %dma_wait3A_148 = arith.constant 0 : i32
          %dma_wait3A_149 = tpu.memref_slice %arg7[%dma_wait3A_148] : memref<8388608xf32, #tpu.memory_space<hbm>> -> memref<256xf32, #tpu.memory_space<hbm>>
          tpu.wait_dma2 semaphore(%arg24 : memref<!tpu.dma_semaphore, #tpu.memory_space<semaphore_mem>>) src(%dma_wait3A_149 : memref<256xf32, #tpu.memory_space<hbm>>) dst(%arg20 : memref<256xf32, #tpu.memory_space<vmem>>)
        } else {
        }
        %mul3A_123 = arith.constant 2 : i32
        %mul3A_124 = arith.muli %mul3A_123, %scan3A_71 : i32
        %add3A_125 = arith.constant 1 : i32
        %add3A_126 = arith.addi %mul3A_124, %add3A_125 : i32
        %scan3A_127 = arith.constant 0 : i32
        %scan3A_128 = arith.constant 0 : i32
        %scan3A_129 = arith.constant 16 : i32
        %scan3A_130 = arith.addi %scan3A_128, %scan3A_129 : i32
        %scan3A_131 = arith.constant 1 : i32
        scf.for %scan3A_142 = %scan3A_128 to %scan3A_130 step %scan3A_131  : i32 {
          %mul3A_143 = arith.constant 16 : i32
          %mul3A_144 = arith.muli %mul3A_143, %scan3A_142 : i32
          %broadcast_in_dim3A = arith.constant 0.000000e+00 : f32
          %broadcast_in_dim3A_145 = vector.broadcast %broadcast_in_dim3A : f32 to vector<16xf32>
          %broadcast_in_dim3A_146 = arith.constant 0.000000e+00 : f32
          %broadcast_in_dim3A_147 = vector.broadcast %broadcast_in_dim3A_146 : f32 to vector<16xf32>
          %mul3A_148 = arith.constant 16 : i32
          %mul3A_149 = arith.muli %mul3A_148, %scan3A_142 : i32
          %add3A_150 = arith.constant 0 : i32
          %add3A_151 = arith.addi %add3A_150, %mul3A_149 : i32
          %mul3A_152 = arith.constant 16 : i32
          %mul3A_153 = arith.muli %mul3A_152, %scan3A_142 : i32
          %add3A_154 = arith.constant 2048 : i32
          %add3A_155 = arith.addi %add3A_154, %mul3A_153 : i32
          %get3A = arith.index_cast %add3A_151 : i32 to index
          %get3A_156 = tpu.vector_load %arg14[%get3A] {strides = array<i32>} : memref<2048xf32, #tpu.memory_space<vmem>>, vector<16xf32>,
          %get3A_157 = vector.shape_cast %get3A_156 : vector<16xf32> to vector<16xf32>
          %get3A_158 = arith.index_cast %add3A_151 : i32 to index
          %get3A_159 = tpu.vector_load %arg16[%get3A_158] {strides = array<i32>} : memref<4096xf32, #tpu.memory_space<vmem>>, vector<16xf32>,
          %get3A_160 = vector.shape_cast %get3A_159 : vector<16xf32> to vector<16xf32>
          %mul3A_161 = arith.mulf %get3A_157, %get3A_160 : vector<16xf32>
          %add3A_162 = arith.addf %broadcast_in_dim3A_145, %mul3A_161 : vector<16xf32>
          %get3A_163 = arith.index_cast %add3A_155 : i32 to index
          %get3A_164 = tpu.vector_load %arg16[%get3A_163] {strides = array<i32>} : memref<4096xf32, #tpu.memory_space<vmem>>, vector<16xf32>,
          %get3A_165 = vector.shape_cast %get3A_164 : vector<16xf32> to vector<16xf32>
          %mul3A_166 = arith.mulf %get3A_157, %get3A_165 : vector<16xf32>
          %add3A_167 = arith.addf %broadcast_in_dim3A_147, %mul3A_166 : vector<16xf32>
          %mul3A_168 = arith.constant 16 : i32
          %mul3A_169 = arith.muli %mul3A_168, %scan3A_142 : i32
          %add3A_170 = arith.constant 256 : i32
          %add3A_171 = arith.addi %add3A_170, %mul3A_169 : i32
          %mul3A_172 = arith.constant 16 : i32
          %mul3A_173 = arith.muli %mul3A_172, %scan3A_142 : i32
          %add3A_174 = arith.constant 2304 : i32
          %add3A_175 = arith.addi %add3A_174, %mul3A_173 : i32
          %get3A_176 = arith.index_cast %add3A_171 : i32 to index
          %get3A_177 = tpu.vector_load %arg14[%get3A_176] {strides = array<i32>} : memref<2048xf32, #tpu.memory_space<vmem>>, vector<16xf32>,
          %get3A_178 = vector.shape_cast %get3A_177 : vector<16xf32> to vector<16xf32>
          %get3A_179 = arith.index_cast %add3A_171 : i32 to index
          %get3A_180 = tpu.vector_load %arg16[%get3A_179] {strides = array<i32>} : memref<4096xf32, #tpu.memory_space<vmem>>, vector<16xf32>,
          %get3A_181 = vector.shape_cast %get3A_180 : vector<16xf32> to vector<16xf32>
          %mul3A_182 = arith.mulf %get3A_178, %get3A_181 : vector<16xf32>
          %add3A_183 = arith.addf %add3A_162, %mul3A_182 : vector<16xf32>
          %get3A_184 = arith.index_cast %add3A_175 : i32 to index
          %get3A_185 = tpu.vector_load %arg16[%get3A_184] {strides = array<i32>} : memref<4096xf32, #tpu.memory_space<vmem>>, vector<16xf32>,
          %get3A_186 = vector.shape_cast %get3A_185 : vector<16xf32> to vector<16xf32>
          %mul3A_187 = arith.mulf %get3A_178, %get3A_186 : vector<16xf32>
          %add3A_188 = arith.addf %add3A_167, %mul3A_187 : vector<16xf32>
          %mul3A_189 = arith.constant 16 : i32
          %mul3A_190 = arith.muli %mul3A_189, %scan3A_142 : i32
          %add3A_191 = arith.constant 512 : i32
          %add3A_192 = arith.addi %add3A_191, %mul3A_190 : i32
          %mul3A_193 = arith.constant 16 : i32
          %mul3A_194 = arith.muli %mul3A_193, %scan3A_142 : i32
          %add3A_195 = arith.constant 2560 : i32
          %add3A_196 = arith.addi %add3A_195, %mul3A_194 : i32
          %get3A_197 = arith.index_cast %add3A_192 : i32 to index
          %get3A_198 = tpu.vector_load %arg14[%get3A_197] {strides = array<i32>} : memref<2048xf32, #tpu.memory_space<vmem>>, vector<16xf32>,
          %get3A_199 = vector.shape_cast %get3A_198 : vector<16xf32> to vector<16xf32>
          %get3A_200 = arith.index_cast %add3A_192 : i32 to index
          %get3A_201 = tpu.vector_load %arg16[%get3A_200] {strides = array<i32>} : memref<4096xf32, #tpu.memory_space<vmem>>, vector<16xf32>,
          %get3A_202 = vector.shape_cast %get3A_201 : vector<16xf32> to vector<16xf32>
          %mul3A_203 = arith.mulf %get3A_199, %get3A_202 : vector<16xf32>
          %add3A_204 = arith.addf %add3A_183, %mul3A_203 : vector<16xf32>
          %get3A_205 = arith.index_cast %add3A_196 : i32 to index
          %get3A_206 = tpu.vector_load %arg16[%get3A_205] {strides = array<i32>} : memref<4096xf32, #tpu.memory_space<vmem>>, vector<16xf32>,
          %get3A_207 = vector.shape_cast %get3A_206 : vector<16xf32> to vector<16xf32>
          %mul3A_208 = arith.mulf %get3A_199, %get3A_207 : vector<16xf32>
          %add3A_209 = arith.addf %add3A_188, %mul3A_208 : vector<16xf32>
          %mul3A_210 = arith.constant 16 : i32
          %mul3A_211 = arith.muli %mul3A_210, %scan3A_142 : i32
          %add3A_212 = arith.constant 768 : i32
          %add3A_213 = arith.addi %add3A_212, %mul3A_211 : i32
          %mul3A_214 = arith.constant 16 : i32
          %mul3A_215 = arith.muli %mul3A_214, %scan3A_142 : i32
          %add3A_216 = arith.constant 2816 : i32
          %add3A_217 = arith.addi %add3A_216, %mul3A_215 : i32
          %get3A_218 = arith.index_cast %add3A_213 : i32 to index
          %get3A_219 = tpu.vector_load %arg14[%get3A_218] {strides = array<i32>} : memref<2048xf32, #tpu.memory_space<vmem>>, vector<16xf32>,
          %get3A_220 = vector.shape_cast %get3A_219 : vector<16xf32> to vector<16xf32>
          %get3A_221 = arith.index_cast %add3A_213 : i32 to index
          %get3A_222 = tpu.vector_load %arg16[%get3A_221] {strides = array<i32>} : memref<4096xf32, #tpu.memory_space<vmem>>, vector<16xf32>,
          %get3A_223 = vector.shape_cast %get3A_222 : vector<16xf32> to vector<16xf32>
          %mul3A_224 = arith.mulf %get3A_220, %get3A_223 : vector<16xf32>
          %add3A_225 = arith.addf %add3A_204, %mul3A_224 : vector<16xf32>
          %get3A_226 = arith.index_cast %add3A_217 : i32 to index
          %get3A_227 = tpu.vector_load %arg16[%get3A_226] {strides = array<i32>} : memref<4096xf32, #tpu.memory_space<vmem>>, vector<16xf32>,
          %get3A_228 = vector.shape_cast %get3A_227 : vector<16xf32> to vector<16xf32>
          %mul3A_229 = arith.mulf %get3A_220, %get3A_228 : vector<16xf32>
          %add3A_230 = arith.addf %add3A_209, %mul3A_229 : vector<16xf32>
          %mul3A_231 = arith.constant 16 : i32
          %mul3A_232 = arith.muli %mul3A_231, %scan3A_142 : i32
          %add3A_233 = arith.constant 1024 : i32
          %add3A_234 = arith.addi %add3A_233, %mul3A_232 : i32
          %mul3A_235 = arith.constant 16 : i32
          %mul3A_236 = arith.muli %mul3A_235, %scan3A_142 : i32
          %add3A_237 = arith.constant 3072 : i32
          %add3A_238 = arith.addi %add3A_237, %mul3A_236 : i32
          %get3A_239 = arith.index_cast %add3A_234 : i32 to index
          %get3A_240 = tpu.vector_load %arg14[%get3A_239] {strides = array<i32>} : memref<2048xf32, #tpu.memory_space<vmem>>, vector<16xf32>,
          %get3A_241 = vector.shape_cast %get3A_240 : vector<16xf32> to vector<16xf32>
          %get3A_242 = arith.index_cast %add3A_234 : i32 to index
          %get3A_243 = tpu.vector_load %arg16[%get3A_242] {strides = array<i32>} : memref<4096xf32, #tpu.memory_space<vmem>>, vector<16xf32>,
          %get3A_244 = vector.shape_cast %get3A_243 : vector<16xf32> to vector<16xf32>
          %mul3A_245 = arith.mulf %get3A_241, %get3A_244 : vector<16xf32>
          %add3A_246 = arith.addf %add3A_225, %mul3A_245 : vector<16xf32>
          %get3A_247 = arith.index_cast %add3A_238 : i32 to index
          %get3A_248 = tpu.vector_load %arg16[%get3A_247] {strides = array<i32>} : memref<4096xf32, #tpu.memory_space<vmem>>, vector<16xf32>,
          %get3A_249 = vector.shape_cast %get3A_248 : vector<16xf32> to vector<16xf32>
          %mul3A_250 = arith.mulf %get3A_241, %get3A_249 : vector<16xf32>
          %add3A_251 = arith.addf %add3A_230, %mul3A_250 : vector<16xf32>
          %mul3A_252 = arith.constant 16 : i32
          %mul3A_253 = arith.muli %mul3A_252, %scan3A_142 : i32
          %add3A_254 = arith.constant 1280 : i32
          %add3A_255 = arith.addi %add3A_254, %mul3A_253 : i32
          %mul3A_256 = arith.constant 16 : i32
          %mul3A_257 = arith.muli %mul3A_256, %scan3A_142 : i32
          %add3A_258 = arith.constant 3328 : i32
          %add3A_259 = arith.addi %add3A_258, %mul3A_257 : i32
          %get3A_260 = arith.index_cast %add3A_255 : i32 to index
          %get3A_261 = tpu.vector_load %arg14[%get3A_260] {strides = array<i32>} : memref<2048xf32, #tpu.memory_space<vmem>>, vector<16xf32>,
          %get3A_262 = vector.shape_cast %get3A_261 : vector<16xf32> to vector<16xf32>
          %get3A_263 = arith.index_cast %add3A_255 : i32 to index
          %get3A_264 = tpu.vector_load %arg16[%get3A_263] {strides = array<i32>} : memref<4096xf32, #tpu.memory_space<vmem>>, vector<16xf32>,
          %get3A_265 = vector.shape_cast %get3A_264 : vector<16xf32> to vector<16xf32>
          %mul3A_266 = arith.mulf %get3A_262, %get3A_265 : vector<16xf32>
          %add3A_267 = arith.addf %add3A_246, %mul3A_266 : vector<16xf32>
          %get3A_268 = arith.index_cast %add3A_259 : i32 to index
          %get3A_269 = tpu.vector_load %arg16[%get3A_268] {strides = array<i32>} : memref<4096xf32, #tpu.memory_space<vmem>>, vector<16xf32>,
          %get3A_270 = vector.shape_cast %get3A_269 : vector<16xf32> to vector<16xf32>
          %mul3A_271 = arith.mulf %get3A_262, %get3A_270 : vector<16xf32>
          %add3A_272 = arith.addf %add3A_251, %mul3A_271 : vector<16xf32>
          %mul3A_273 = arith.constant 16 : i32
          %mul3A_274 = arith.muli %mul3A_273, %scan3A_142 : i32
          %add3A_275 = arith.constant 1536 : i32
          %add3A_276 = arith.addi %add3A_275, %mul3A_274 : i32
          %mul3A_277 = arith.constant 16 : i32
          %mul3A_278 = arith.muli %mul3A_277, %scan3A_142 : i32
          %add3A_279 = arith.constant 3584 : i32
          %add3A_280 = arith.addi %add3A_279, %mul3A_278 : i32
          %get3A_281 = arith.index_cast %add3A_276 : i32 to index
          %get3A_282 = tpu.vector_load %arg14[%get3A_281] {strides = array<i32>} : memref<2048xf32, #tpu.memory_space<vmem>>, vector<16xf32>,
          %get3A_283 = vector.shape_cast %get3A_282 : vector<16xf32> to vector<16xf32>
          %get3A_284 = arith.index_cast %add3A_276 : i32 to index
          %get3A_285 = tpu.vector_load %arg16[%get3A_284] {strides = array<i32>} : memref<4096xf32, #tpu.memory_space<vmem>>, vector<16xf32>,
          %get3A_286 = vector.shape_cast %get3A_285 : vector<16xf32> to vector<16xf32>
          %mul3A_287 = arith.mulf %get3A_283, %get3A_286 : vector<16xf32>
          %add3A_288 = arith.addf %add3A_267, %mul3A_287 : vector<16xf32>
          %get3A_289 = arith.index_cast %add3A_280 : i32 to index
          %get3A_290 = tpu.vector_load %arg16[%get3A_289] {strides = array<i32>} : memref<4096xf32, #tpu.memory_space<vmem>>, vector<16xf32>,
          %get3A_291 = vector.shape_cast %get3A_290 : vector<16xf32> to vector<16xf32>
          %mul3A_292 = arith.mulf %get3A_283, %get3A_291 : vector<16xf32>
          %add3A_293 = arith.addf %add3A_272, %mul3A_292 : vector<16xf32>
          %mul3A_294 = arith.constant 16 : i32
          %mul3A_295 = arith.muli %mul3A_294, %scan3A_142 : i32
          %add3A_296 = arith.constant 1792 : i32
          %add3A_297 = arith.addi %add3A_296, %mul3A_295 : i32
          %mul3A_298 = arith.constant 16 : i32
          %mul3A_299 = arith.muli %mul3A_298, %scan3A_142 : i32
          %add3A_300 = arith.constant 3840 : i32
          %add3A_301 = arith.addi %add3A_300, %mul3A_299 : i32
          %get3A_302 = arith.index_cast %add3A_297 : i32 to index
          %get3A_303 = tpu.vector_load %arg14[%get3A_302] {strides = array<i32>} : memref<2048xf32, #tpu.memory_space<vmem>>, vector<16xf32>,
          %get3A_304 = vector.shape_cast %get3A_303 : vector<16xf32> to vector<16xf32>
          %get3A_305 = arith.index_cast %add3A_297 : i32 to index
          %get3A_306 = tpu.vector_load %arg16[%get3A_305] {strides = array<i32>} : memref<4096xf32, #tpu.memory_space<vmem>>, vector<16xf32>,
          %get3A_307 = vector.shape_cast %get3A_306 : vector<16xf32> to vector<16xf32>
          %mul3A_308 = arith.mulf %get3A_304, %get3A_307 : vector<16xf32>
          %add3A_309 = arith.addf %add3A_288, %mul3A_308 : vector<16xf32>
          %get3A_310 = arith.index_cast %add3A_301 : i32 to index
          %get3A_311 = tpu.vector_load %arg16[%get3A_310] {strides = array<i32>} : memref<4096xf32, #tpu.memory_space<vmem>>, vector<16xf32>,
          %get3A_312 = vector.shape_cast %get3A_311 : vector<16xf32> to vector<16xf32>
          %mul3A_313 = arith.mulf %get3A_304, %get3A_312 : vector<16xf32>
          %add3A_314 = arith.addf %add3A_293, %mul3A_313 : vector<16xf32>
          %swap3A = arith.index_cast %mul3A_144 : i32 to index
          %swap3A_315 = tpu.vector_load %arg19[%swap3A] {strides = array<i32>} : memref<256xf32, #tpu.memory_space<vmem>>, vector<16xf32>,
          %swap3A_316 = vector.shape_cast %swap3A_315 : vector<16xf32> to vector<16xf32>
          %swap3A_317 = vector.shape_cast %add3A_309 : vector<16xf32> to vector<16xf32>
          tpu.vector_store %arg19[%swap3A], %swap3A_317 {strides = array<i32>} : memref<256xf32, #tpu.memory_space<vmem>>, vector<16xf32>,
          %swap3A_318 = arith.index_cast %mul3A_144 : i32 to index
          %swap3A_319 = tpu.vector_load %arg20[%swap3A_318] {strides = array<i32>} : memref<256xf32, #tpu.memory_space<vmem>>, vector<16xf32>,
          %swap3A_320 = vector.shape_cast %swap3A_319 : vector<16xf32> to vector<16xf32>
          %swap3A_321 = vector.shape_cast %add3A_314 : vector<16xf32> to vector<16xf32>
          tpu.vector_store %arg20[%swap3A_318], %swap3A_321 {strides = array<i32>} : memref<256xf32, #tpu.memory_space<vmem>>, vector<16xf32>,
        }
        %scan3A_132 = arith.constant 16 : i32
        %mul3A_133 = arith.constant 256 : i32
        %mul3A_134 = arith.muli %add3A_126, %mul3A_133 : i32
        %add3A_135 = arith.addi %add3A_42, %mul3A_134 : i32
        %dma_start3A_136 = tpu.memref_slice %arg7[%add3A_135] : memref<8388608xf32, #tpu.memory_space<hbm>> -> memref<256xf32, #tpu.memory_space<hbm>>
        %dma_start3A_137 = tpu.memref_slice %arg7[%add3A_135] : memref<8388608xf32, #tpu.memory_space<hbm>> -> memref<256xf32, #tpu.memory_space<hbm>>
        tpu.enqueue_dma source(%arg19 : memref<256xf32, #tpu.memory_space<vmem>>) target(%dma_start3A_137 : memref<256xf32, #tpu.memory_space<hbm>>) target_semaphore(%arg24 : memref<!tpu.dma_semaphore, #tpu.memory_space<semaphore_mem>>)
        %add3A_138 = arith.constant 262144 : i32
        %add3A_139 = arith.addi %add3A_135, %add3A_138 : i32
        %dma_start3A_140 = tpu.memref_slice %arg7[%add3A_139] : memref<8388608xf32, #tpu.memory_space<hbm>> -> memref<256xf32, #tpu.memory_space<hbm>>
        %dma_start3A_141 = tpu.memref_slice %arg7[%add3A_139] : memref<8388608xf32, #tpu.memory_space<hbm>> -> memref<256xf32, #tpu.memory_space<hbm>>
        tpu.enqueue_dma source(%arg20 : memref<256xf32, #tpu.memory_space<vmem>>) target(%dma_start3A_141 : memref<256xf32, #tpu.memory_space<hbm>>) target_semaphore(%arg24 : memref<!tpu.dma_semaphore, #tpu.memory_space<semaphore_mem>>)
      }
      %scan3A_55 = arith.constant 16 : i32
      %dma_wait3A = arith.constant 0 : i32
      %dma_wait3A_56 = tpu.memref_slice %arg7[%dma_wait3A] : memref<8388608xf32, #tpu.memory_space<hbm>> -> memref<256xf32, #tpu.memory_space<hbm>>
      %dma_wait3A_57 = arith.constant 0 : i32
      %dma_wait3A_58 = tpu.memref_slice %arg7[%dma_wait3A_57] : memref<8388608xf32, #tpu.memory_space<hbm>> -> memref<256xf32, #tpu.memory_space<hbm>>
      tpu.wait_dma2 semaphore(%arg23 : memref<!tpu.dma_semaphore, #tpu.memory_space<semaphore_mem>>) src(%dma_wait3A_58 : memref<256xf32, #tpu.memory_space<hbm>>) dst(%arg17 : memref<256xf32, #tpu.memory_space<vmem>>)
      %dma_wait3A_59 = arith.constant 0 : i32
      %dma_wait3A_60 = tpu.memref_slice %arg7[%dma_wait3A_59] : memref<8388608xf32, #tpu.memory_space<hbm>> -> memref<256xf32, #tpu.memory_space<hbm>>
      %dma_wait3A_61 = arith.constant 0 : i32
      %dma_wait3A_62 = tpu.memref_slice %arg7[%dma_wait3A_61] : memref<8388608xf32, #tpu.memory_space<hbm>> -> memref<256xf32, #tpu.memory_space<hbm>>
      tpu.wait_dma2 semaphore(%arg23 : memref<!tpu.dma_semaphore, #tpu.memory_space<semaphore_mem>>) src(%dma_wait3A_62 : memref<256xf32, #tpu.memory_space<hbm>>) dst(%arg18 : memref<256xf32, #tpu.memory_space<vmem>>)
      %dma_wait3A_63 = arith.constant 0 : i32
      %dma_wait3A_64 = tpu.memref_slice %arg7[%dma_wait3A_63] : memref<8388608xf32, #tpu.memory_space<hbm>> -> memref<256xf32, #tpu.memory_space<hbm>>
      %dma_wait3A_65 = arith.constant 0 : i32
      %dma_wait3A_66 = tpu.memref_slice %arg7[%dma_wait3A_65] : memref<8388608xf32, #tpu.memory_space<hbm>> -> memref<256xf32, #tpu.memory_space<hbm>>
      tpu.wait_dma2 semaphore(%arg24 : memref<!tpu.dma_semaphore, #tpu.memory_space<semaphore_mem>>) src(%dma_wait3A_66 : memref<256xf32, #tpu.memory_space<hbm>>) dst(%arg19 : memref<256xf32, #tpu.memory_space<vmem>>)
      %dma_wait3A_67 = arith.constant 0 : i32
      %dma_wait3A_68 = tpu.memref_slice %arg7[%dma_wait3A_67] : memref<8388608xf32, #tpu.memory_space<hbm>> -> memref<256xf32, #tpu.memory_space<hbm>>
      %dma_wait3A_69 = arith.constant 0 : i32
      %dma_wait3A_70 = tpu.memref_slice %arg7[%dma_wait3A_69] : memref<8388608xf32, #tpu.memory_space<hbm>> -> memref<256xf32, #tpu.memory_space<hbm>>
      tpu.wait_dma2 semaphore(%arg24 : memref<!tpu.dma_semaphore, #tpu.memory_space<semaphore_mem>>) src(%dma_wait3A_70 : memref<256xf32, #tpu.memory_space<hbm>>) dst(%arg20 : memref<256xf32, #tpu.memory_space<vmem>>)
    }
    %scan3A_22 = arith.constant 13 : i32
    return
  }
}

</mosaic_0001>

<sc_bundles>
// kernel: kernel.3.cloned.1.call-start
scs
__scs_entry_jumppad:
0x0: {  	(pc) =	sbr.rel $0x88, $3  }
0x1: {  	(tag) =	ssettag $0x0;
	lr =	simm.s32 $0x1  }
0x2: {  	[smem:$0x3F9F] =	sst lr;
	_ =	strace $0xD0000000  }
0x3: {  	_ = 	snop  }
0x4: {  	_ = 	snop  }
0x5: {  	_ = 	snop  }
0x6: {  	_ = 	snop  }
0x7: {  	_ = 	snop  }
__scs_overlays_trampoline_lowered:
0x8: {  	[smem:$0x3FAE] =	sst s0  }
0x9: {  	[smem:$0x3FAF] =	sst s1  }
0xa: {  	[smem:$0x3FB0] =	sst s2  }
0xb: {  	[smem:$0x3FB1] =	sst s3  }
0xc: {  	[smem:$0x3FB2] =	sst s4  }
0xd: {  	[smem:$0x3FB3] =	sst s5  }
0xe: {  	[smem:$0x3FB4] =	sst s6  }
0xf: {  	[smem:$0x3FB5] =	sst s7  }
0x10: {  	[smem:$0x3FB6] =	sst s8  }
0x11: {  	[smem:$0x3FB7] =	sst s9;
	s0 =	simm.s32 @!p0 $0x0  }
0x12: {  	s1 =	sld [smem:$0x3F9D];
	s0 =	simm.s32 @p0 $0x1  }
0x13: {  	[smem:$0x3FB8] =	sst s0;
	s0 =	simm.s32 @!p1 $0x0  }
0x14: {  	s2 =	sld [smem:$0x3F9C];
	s0 =	simm.s32 @p1 $0x1  }
0x15: {  	[smem:$0x3FB9] =	sst s0;
	s0 =	simm.s32 @!p2 $0x0  }
0x16: {  	s3 =	sld [smem:$0x3FDB];
	s0 =	simm.s32 @p2 $0x1  }
0x17: {  	s4 =	simm.s32 $0x1BF5;
	[smem:$0x3FBB] =	sst s0  }
0x18: {  	s0 =	sld [smem:$0x3F9E];
	_ =	swait.ge [sflag:s4], $0x0  }
0x19: {  	s7 =	sld [smem:$0x3F9F]  }
0x1a: {  	s8 =	sadd.s32 $0xFFFFE003, lr  }
0x1b: {  	s9 =	sadd.s32 $0xFFFFFEF7, lr;
	s5 =	simm.s32 $0xFFFFFFFF;
	p2 =	slt.u32 s8, $0xFFFFF086  }
0x1c: {  	p1 =	slt.u32 s9, $0xF7A;
	s5 =	simm.s32 @!p2 $0x0  }
0x1d: {  	s5 =	simm.s32 @p1 $0x1;
	p0 =	seq.s32 s7, s2  }
0x1e: {  	s7 =	smul.u32 @!p0 $0xF7A, s2;
	p2 =	seq.s32 @!p0 s5, $0x0  }
0x1f: {  	s9 =	smul.u32 $0xF7A, s1;
	s8 =	simm.s32 @!p0 $0x1BF5;
	p2 =	por !p2, p0  }
0x20: {  	[sflag:s8] =	ssyncset.s32 @!p0 $0xFFFFF086;
	s6 =	sadd.s32 @!p0 s3, s7;
	s7 =	simm.s32 @!p0 $0x108  }
0x21: {  	s3 =	sadd.s32 s3, s9;
	s6 =	sadd.s32 @!p0 $0x88, s6;
	s7 =	simm.s32 @p2 $0x1082  }
0x22: {  	[simem:s7], [sflag:s8] =	dma.local @!p0 [hbm:s6], $0xF7A  }
0x23: {  	s9 =	sor.u32 $0xD0000000, s2;
	s6 =	simm.s32 $0x108;
	_ =	swait.ge @!p0 [sflag:s8], $0x0  }
0x24: {  	s3 =	sadd.s32 $0x88, s3;
	s6 =	simm.s32 @!p1 $0x1082;
	[sflag:s4] =	ssyncset.s32 $0xFFFFF086  }
0x25: {  	[simem:s6], [sflag:s4] =	dma.local [hbm:s3], $0xF7A  }
0x26: {  	[smem:$0x3F9F] =	sst s1;
	(tag) =	ssettag s2;
	_ =	strace s9  }
0x27: {  	s1 =	sld [smem:$0x3FAF]  }
0x28: {  	s2 =	sld [smem:$0x3FB0]  }
0x29: {  	s4 =	sld [smem:$0x3FB2]  }
0x2a: {  	p0 =	seq.s32 s5, $0x0;
	s5 =	sld [smem:$0x3FB3]  }
0x2b: {  	s6 =	sld [smem:$0x3FB4]  }
0x2c: {  	s7 =	sld [smem:$0x3FB5]  }
0x2d: {  	s3 =	simm.s32 $0x108;
	s8 =	sld [smem:$0x3FB6]  }
0x2e: {  	s3 =	simm.s32 @!p0 $0x1082;
	s9 =	sld [smem:$0x3FB7]  }
0x2f: {  	lr =	sadd.s32 s0, s3;
	s0 =	sld [smem:$0x3FAE]  }
0x30: {  	s3 =	sld [smem:$0x3FB1]  }
0x31: {  	[smem:$0x3FBA] =	sst s10  }
0x32: {  	s10 =	sld [smem:$0x3FB8];
	_ =	sdelay $0x3  }
0x33: {  	p0 =	seq.s32 s10, $0x1;
	s10 =	sld [smem:$0x3FBA];
	_ =	sdelay $0x3  }
0x34: {  	[smem:$0x3FBA] =	sst s10  }
0x35: {  	s10 =	sld [smem:$0x3FB9];
	_ =	sdelay $0x3  }
0x36: {  	p1 =	seq.s32 s10, $0x1;
	s10 =	sld [smem:$0x3FBA];
	_ =	sdelay $0x3  }
0x37: {  	[smem:$0x3FBA] =	sst s10  }
0x38: {  	s10 =	sld [smem:$0x3FBB]  }
0x39: {  	_ = 	snop;
	(pc) =	sbr.ind lr, $3  }
0x3a: {  	_ = 	snop  }
0x3b: {  	_ = 	snop  }
0x3c: {  	p2 =	seq.s32 s10, $0x1;
	s10 =	sld [smem:$0x3FBA]  }
0x3d: {  	_ =	shalt  }
0x3e: {  	_ =	shalt  }
0x3f: {  	_ =	shalt  }
0x40: {  	_ =	shalt  }
0x41: {  	_ =	shalt  }
0x42: {  	_ =	shalt  }
0x43: {  	_ =	shalt  }
0x44: {  	_ =	shalt  }
0x45: {  	_ =	shalt  }
0x46: {  	_ =	shalt  }
0x47: {  	_ =	shalt  }
0x48: {  	_ =	shalt  }
0x49: {  	_ =	shalt  }
0x4a: {  	_ =	shalt  }
0x4b: {  	_ =	shalt  }
0x4c: {  	_ =	shalt  }
0x4d: {  	_ =	shalt  }
0x4e: {  	_ =	shalt  }
0x4f: {  	_ =	shalt  }
0x50: {  	_ =	shalt  }
0x51: {  	_ =	shalt  }
0x52: {  	_ =	shalt  }
0x53: {  	_ =	shalt  }
0x54: {  	_ =	shalt  }
0x55: {  	_ =	shalt  }
0x56: {  	_ =	shalt  }
0x57: {  	_ =	shalt  }
0x58: {  	_ =	shalt  }
0x59: {  	_ =	shalt  }
0x5a: {  	_ =	shalt  }
0x5b: {  	_ =	shalt  }
0x5c: {  	_ =	shalt  }
0x5d: {  	_ =	shalt  }
0x5e: {  	_ =	shalt  }
0x5f: {  	_ =	shalt  }
0x60: {  	_ =	shalt  }
0x61: {  	_ =	shalt  }
0x62: {  	_ =	shalt  }
0x63: {  	_ =	shalt  }
0x64: {  	_ =	shalt  }
0x65: {  	_ =	shalt  }
0x66: {  	_ =	shalt  }
0x67: {  	_ =	shalt  }
0x68: {  	_ =	shalt  }
0x69: {  	_ =	shalt  }
0x6a: {  	_ =	shalt  }
0x6b: {  	_ =	shalt  }
0x6c: {  	_ =	shalt  }
0x6d: {  	_ =	shalt  }
0x6e: {  	_ =	shalt  }
0x6f: {  	_ =	shalt  }
0x70: {  	_ =	shalt  }
0x71: {  	_ =	shalt  }
0x72: {  	_ =	shalt  }
0x73: {  	_ =	shalt  }
0x74: {  	_ =	shalt  }
0x75: {  	_ =	shalt  }
0x76: {  	_ =	shalt  }
0x77: {  	_ =	shalt  }
0x78: {  	_ =	shalt  }
0x79: {  	_ =	shalt  }
0x7a: {  	_ =	shalt  }
0x7b: {  	_ =	shalt  }
0x7c: {  	_ =	shalt  }
0x7d: {  	_ =	shalt  }
0x7e: {  	_ =	shalt  }
0x7f: {  	_ =	shalt  }
0x80: {  	_ =	shalt  }
0x81: {  	_ =	shalt  }
0x82: {  	_ =	shalt  }
0x83: {  	_ =	shalt  }
0x84: {  	_ =	shalt  }
0x85: {  	_ =	shalt  }
0x86: {  	_ =	shalt  }
0x87: {  	_ =	shalt  }
.Lfunc_end0:
.L_simem_size_0:
called_computation_lowered:
.L_overlay_start_0:
0x88: {  	s2 =	sld [smem:$0x3FD9]  }
0x89: {  	s3 =	sld [smem:$0x3FFE];
	_ =	sdelay $0x1  }
0x8a: {  	s1 =	srdreg.scid  }
0x8b: {  	s0 =	sand.u32 $0x1, s1  }
0x8c: {  	s17 =	sshll.u32 s0, $0xA;
	s2 =	sadd.s32 s3, s2  }
0x8d: {  	s2 =	sadd.s32 s2, s17  }
0x8e: {  	[smem:$0x3FC6] =	sst s2  }
0x8f: {  	_ = 	snop  }
0x90: {  	s2 =	sld [smem:$0x3FD0];
	(tm) =	ssettm $0x1  }
0x91: {  	s18 =	sld [smem:$0x3FFB];
	_ =	sdelay $0x3  }
0x92: {  	_ =	strace s18  }
0x93: {  	s3 =	sld [smem:$0x3FFC];
	_ =	sdelay $0x3  }
0x94: {  	_ =	strace s3  }
0x95: {  	s3 =	sld [smem:$0x3FFD];
	_ =	sdelay $0x3  }
0x96: {  	_ =	strace s3  }
0x97: {  	_ =	strace $0x8FFFFFFF  }
0x98: {  	s19 =	sld [smem:$0x3FDB];
	_ =	sdelay $0x1  }
0x99: {  	s4 =	simm.s32 $_scs_section_size  }
0x9a: {  	s5 =	simm.s32 $_size__tile_overlayer_lowered;
	s6 =	simm.s32 $_tile_overlayer_lowered  }
0x9b: {  	s22 =	simm.s32 $0x1BFF;
	s21 =	sshll.u32 s6, $0x1;
	s3 =	sadd.s32 s4, s19  }
0x9c: {  	s7 =	simm.s32 $0x0;
	s20 =	sshll.u32 s5, $0x1;
	s5 =	sadd.s32 s21, s3  }
0x9d: {  	[timem:s7], [sflag:s22] =	dma.local [hbm:s5], s20  }
0x9e: {  	_ =	swait.ge [sflag:s22], s20  }
0x9f: {  	s4 =	ssub.s32 $0x0, s20;
	[sflag:s22] =	ssyncset.done $0x0  }
0xa0: {  	[sflag:s22] =	ssyncadd.s32 s4;
	_ =	sdelay $0x1  }
0xa1: {  	s23 =	simm.s32 $0x1B8B  }
0xa2: {  	_ =	swait.ge [sflag:s23], $0x1  }
0xa3: {  	[sflag:s23] =	ssyncset.done $0x0  }
0xa4: {  	s25 =	simm.s32 $0x1B8E;
	s24 =	sld [smem:$0x3FFE];
	[sflag:s23] =	ssyncadd.s32 $0xFFFFFFFF  }
0xa5: {  	s26 =	simm.s32 $execute0_lowered;
	[smem:$0x3FD2] =	sst s25  }
0xa6: {  	s5 =	sshll.u32 s26, $0x1;
	_ =	strace $0x80000046;
	[dreg:$0x1] =	wrdreg $0xFFFFFFFF  }
0xa7: {  	s28 =	simm.s32 $_size_execute0_lowered;
	s3 =	sadd.s32 s3, s5;
	[dreg:$0x0] =	wrdreg $0x0  }
0xa8: {  	s5 =	sshll.u32 s28, $0x1;
	[dreg:$0x2] =	wrdreg s3  }
0xa9: {  	[dreg:$0x3] =	wrdreg s5  }
0xaa: {  	[dreg:$0x4] =	wrdreg $0xC0  }
0xab: {  	_ =	task [dreg:s7], $0x5FFFF  }
0xac: {  	[dreg:$0x1] =	wrdreg $0xFFFFFFFF  }
0xad: {  	[dreg:$0x0] =	wrdreg $0x60  }
0xae: {  	[dreg:$0x2] =	wrdreg s24  }
0xaf: {  	[dreg:$0x3] =	wrdreg s2  }
0xb0: {  	[dreg:$0x4] =	wrdreg $0xB4000  }
0xb1: {  	[dreg:$0x5] =	wrdreg $0x9  }
0xb2: {  	_ =	task.clear_ibuf [dreg:s7], $0x6FFFF;
	_ =	strace $0x90000046  }
0xb3: {  	s29 =	simm.s32 $0x9;
	_ =	strace $0x80000048  }
0xb4: {  	_ =	swait.ge [sflag:s29], $0x1  }
0xb5: {  	[sflag:s29] =	ssyncadd.s32 $0xFFFFFFFF  }
0xb6: {  	_ =	strace $0x90000048  }
0xb7: {  	_ =	sfence  }
0xb8: {  	s30 =	sld [smem:$0x0];
	_ =	sdelay $0x2  }
0xb9: {  	s31 =	sshll.u32 s1, $0xD;
	s1 =	sshrl.u32 s1, $0x2  }
0xba: {  	s3 =	sand.u32 $0x4000, s31;
	s1 =	sadd.s32 s1, s30  }
0xbb: {  	s0 =	sor.u32 s3, s0;
	s1 =	sshll.u32 s1, $0x11  }
0xbc: {  	s0 =	sor.u32 s1, s0  }
0xbd: {  	s0 =	sadd.s32 $0x8F2B, s0  }
0xbe: {  	[sflag:s0] =	ssyncadd.remote.s32 $0x1  }
0xbf: {  	_ =	sfence.sel $0xFFFF  }
0xc0: {  	[dreg:$0x0] =	wrdreg $0xFFFFFFFF;
	(pc) =	sbr.abs _section_cstart, $3  }
0xc1: {  	[dreg:$0x1] =	wrdreg $0xFFFFFFFF  }
0xc2: {  	_ =	task.clear_ibuf [dreg:s7], $0x2FFFF;
	_ =	strace $0x9FFFFFFF  }
0xc3: {  	(tm) =	ssettm $0x7FFFFFFF  }
tec
execute0_lowered:
.L_overlay_start_1:
0x0: {  	(tag) =	ssettag $0x1  }
0x1: {  	s0 =	rddreg [dreg:$0x0];
	s1 =	srdreg.scid  }
0x2: {  	s2 =	rddreg [dreg:$0x1];
	s3 =	stileid.u32  }
0x3: {  	s15 =	rddreg [dreg:$0x2];
	s18 =	simm.s32 $0x0;
	s1 =	sand.u32 $0x1, s1  }
0x4: {  	s5 =	sshll.u32 s3, $0xE;
	s30 =	smul.u32 $0xA000, s3;
	s6 =	sshll.u32 s1, $0xD  }
0x5: {  	[smem:$0x7FF] =	sst s18;
	s3 =	sshll.u32 s3, $0x10;
	s4 =	sor.u32 s6, s5  }
0x6: {  	s8 =	sadd.s32 $0x2000, s30;
	s10 =	sadd.s32 s30, s15;
	[dreg:$0x4] =	wrdreg s4  }
0x7: {  	s12 =	sadd.s32 s8, s15;
	_ =	strace $0x80000047;
	[dreg:$0xc] =	wrdreg s10  }
0x8: {  	s22 =	sadd.s32 s3, s15;
	[dreg:$0xe] =	wrdreg s12  }
0x9: {  	s21 =	sor.u32 $0x2000, s3;
	[dreg:$0x16] =	wrdreg s22  }
0xa: {  	s23 =	sor.u32 $0x4000, s3;
	[dreg:$0x15] =	wrdreg s21  }
0xb: {  	s26 =	sadd.s32 $0x6A0C00, s0;
	s24 =	sor.u32 $0x6000, s3;
	[dreg:$0x18] =	wrdreg s23  }
0xc: {  	s25 =	sor.u32 $0x8000, s3;
	s13 =	sadd.s32 $0x6000, s30;
	[dreg:$0x1a] =	wrdreg s24  }
0xd: {  	s5 =	sshrl.u32 s4, $0x3;
	s16 =	sshrl.u32 s13, $0x3;
	[dreg:$0x1b] =	wrdreg s25  }
0xe: {  	s5 =	sadd.s32 s5, s0;
	s0 =	sadd.s32 $0xC00, s0;
	[dreg:$0x9] =	wrdreg s3  }
0xf: {  	s17 =	sadd.s32 s26, s16;
	[dreg:$0x5] =	wrdreg s0  }
0x10: {  	s29 =	sadd.s32 $0x6CE1200, s5;
	[dreg:$0x11] =	wrdreg s17  }
0x11: {  	s1 =	ssub.s32 $0x2, s1;
	s31 =	sadd.s32 $0x6CD9200, s5;
	[dreg:$0x6] =	wrdreg s29  }
0x12: {  	s28 =	sshrl.u32 s1, $0x1;
	s5 =	sadd.s32 $0x6CD1200, s5;
	[dreg:$0x7] =	wrdreg s31  }
0x13: {  	s0 =	ssub.s32 s1, s28;
	s28 =	sor.u32 $0xA000, s3;
	[dreg:$0x8] =	wrdreg s5  }
0x14: {  	s1 =	sadd.s32 $0x8000, s30;
	s0 =	smax.u32 s0, $0x1;
	[dreg:$0x1e] =	wrdreg s28  }
0x15: {  	s20 =	sadd.s32 s1, s15;
	[dreg:$0xa] =	wrdreg s0  }
0x16: {  	s7 =	sshrl.u32 s30, $0x3;
	s29 =	sor.u32 $0xC000, s3;
	[dreg:$0x14] =	wrdreg s20  }
0x17: {  	s9 =	sshrl.u32 s8, $0x3;
	s0 =	sadd.s32 s26, s7;
	[smem:$0x7FA] =	sst s29  }
0x18: {  	s7 =	sadd.s32 $0x4000, s30;
	s30 =	sor.u32 $0xE000, s3;
	[dreg:$0xb] =	wrdreg s0  }
0x19: {  	s0 =	sadd.s32 s26, s9;
	[smem:$0x7FC] =	sst s30  }
0x1a: {  	s14 =	sadd.s32 s7, s15;
	[dreg:$0xd] =	wrdreg s0  }
0x1b: {  	s11 =	sshrl.u32 s7, $0x3;
	s31 =	sadd.s32 s30, s15;
	[dreg:$0x10] =	wrdreg s14  }
0x1c: {  	s0 =	sadd.s32 s26, s11;
	[smem:$0x7FD] =	sst s31  }
0x1d: {  	s19 =	sshrl.u32 s1, $0x3;
	[dreg:$0xf] =	wrdreg s0;
	s0 =	sadd.s32 s13, s15  }
0x1e: {  	s22 =	simm.s32 $0x4;
	[dreg:$0x12] =	wrdreg s0;
	s0 =	sadd.s32 s26, s19  }
0x1f: {  	s1 =	simm.s32 $0x0;
	s26 =	sadd.s32 s25, s15;
	[dreg:$0x13] =	wrdreg s0  }
0x20: {  	s20 =	simm.s32 $0x6000;
	s0 =	sadd.s32 s21, s15;
	[dreg:$0x1d] =	wrdreg s26  }
0x21: {  	s19 =	simm.s32 $0x1000;
	[dreg:$0x17] =	wrdreg s0;
	s0 =	sadd.s32 s23, s15  }
0x22: {  	s25 =	simm.s32 $0xA000;
	[dreg:$0x19] =	wrdreg s0;
	s0 =	sadd.s32 s24, s15  }
0x23: {  	s21 =	simm.s32 $0x9000;
	[dreg:$0x1c] =	wrdreg s0;
	s0 =	sadd.s32 s28, s15  }
0x24: {  	s26 =	simm.s32 $0x1;
	[dreg:$0x1f] =	wrdreg s0;
	s0 =	sadd.s32 s29, s15  }
0x25: {  	s23 =	simm.s32 $0x7000;
	s24 =	simm.s32 $0x2;
	[smem:$0x7FB] =	sst s0  }
.LBB2_1:
0x26: {  	[smem:$0x7F9] =	sst s1  }
0x27: {  	s0 =	rddreg [dreg:$0x6];
	s5 =	simm.s32 $0x5  }
0x28: {  	[tilespmem:s18], [sflag:$0x5] =	stream.linear.gather [hbm4b:s0+s18], $0x2000, $0x38;
	[tilespmem:$0x1D400] =	vst v63  }
0x29: {  	_ =	swait.ge [sflag:s5], $0x2000  }
0x2a: {  	[sflag:s5] =	ssyncset.done $0x0  }
0x2b: {  	s3 =	simm.s32 $0x2000;
	s6 =	rddreg [dreg:$0x7];
	[sflag:s5] =	ssyncadd.s32 $0xFFFFE000  }
0x2c: {  	[tilespmem:s3], [sflag:$0x5] =	stream.linear.gather [hbm4b:s6+s18], $0x2000, $0x38;
	[tilespmem:$0x1D400] =	vst v63  }
0x2d: {  	_ =	swait.ge [sflag:s5], $0x2000  }
0x2e: {  	[sflag:s5] =	ssyncset.done $0x0  }
0x2f: {  	s8 =	simm.s32 $0x4000;
	s7 =	rddreg [dreg:$0x8];
	[sflag:s5] =	ssyncadd.s32 $0xFFFFE000  }
0x30: {  	[tilespmem:s8], [sflag:$0x5] =	stream.linear.gather [hbm4b:s7+s18], $0x2000, $0x38;
	[tilespmem:$0x1D400] =	vst v63  }
0x31: {  	_ =	swait.ge [sflag:s5], $0x2000  }
0x32: {  	[sflag:s5] =	ssyncset.done $0x0  }
0x33: {  	[sflag:s5] =	ssyncadd.s32 $0xFFFFE000  }
0x34: {  	[bflag:$0x0] =	sbarrier.arrive $0xFFFF  }
0x35: {  	s10 =	simm.s32 $0x1B400;
	s9 =	rddreg [dreg:$0xb]  }
0x36: {  	[tilespmem:s10], [sflag:$0x5] =	stream.linear.gather [hbm4b:s9+s18], $0x2000, $0x38;
	[tilespmem:$0x1D400] =	vst v63  }
0x37: {  	_ =	swait.ge [sflag:s5], $0x2000  }
0x38: {  	[sflag:s5] =	ssyncset.done $0x0  }
0x39: {  	s11 =	rddreg [dreg:$0xc];
	[sflag:s5] =	ssyncadd.s32 $0xFFFFE000  }
0x3a: {  	[spmem:s11] =	stream.linear.scatter [tilespmem:s10], [sflag:$0x5], $0x2000, $0x38;
	[tilespmem:$0x1D400] =	vst v63  }
0x3b: {  	_ =	swait.ge [sflag:s5], $0x2000  }
0x3c: {  	[sflag:s5] =	ssyncset.done $0x0  }
0x3d: {  	s12 =	rddreg [dreg:$0xd];
	[sflag:s5] =	ssyncadd.s32 $0xFFFFE000  }
0x3e: {  	[tilespmem:s10], [sflag:$0x5] =	stream.linear.gather [hbm4b:s12+s18], $0x2000, $0x38;
	[tilespmem:$0x1D400] =	vst v63  }
0x3f: {  	_ =	swait.ge [sflag:s5], $0x2000  }
0x40: {  	[sflag:s5] =	ssyncset.done $0x0  }
0x41: {  	s13 =	rddreg [dreg:$0xe];
	[sflag:s5] =	ssyncadd.s32 $0xFFFFE000  }
0x42: {  	[spmem:s13] =	stream.linear.scatter [tilespmem:s10], [sflag:$0x5], $0x2000, $0x38;
	[tilespmem:$0x1D400] =	vst v63  }
0x43: {  	_ =	swait.ge [sflag:s5], $0x2000  }
0x44: {  	[sflag:s5] =	ssyncset.done $0x0  }
0x45: {  	s14 =	rddreg [dreg:$0xf];
	[sflag:s5] =	ssyncadd.s32 $0xFFFFE000  }
0x46: {  	[tilespmem:s10], [sflag:$0x5] =	stream.linear.gather [hbm4b:s14+s18], $0x2000, $0x38;
	[tilespmem:$0x1D400] =	vst v63  }
0x47: {  	_ =	swait.ge [sflag:s5], $0x2000  }
0x48: {  	[sflag:s5] =	ssyncset.done $0x0  }
0x49: {  	s16 =	rddreg [dreg:$0x10];
	[sflag:s5] =	ssyncadd.s32 $0xFFFFE000  }
0x4a: {  	[spmem:s16] =	stream.linear.scatter [tilespmem:s10], [sflag:$0x5], $0x2000, $0x38;
	[tilespmem:$0x1D400] =	vst v63  }
0x4b: {  	_ =	swait.ge [sflag:s5], $0x2000  }
0x4c: {  	[sflag:s5] =	ssyncset.done $0x0  }
0x4d: {  	s17 =	rddreg [dreg:$0x11];
	[sflag:s5] =	ssyncadd.s32 $0xFFFFE000  }
0x4e: {  	[tilespmem:s10], [sflag:$0x5] =	stream.linear.gather [hbm4b:s17+s18], $0x2000, $0x38;
	[tilespmem:$0x1D400] =	vst v63  }
0x4f: {  	_ =	swait.ge [sflag:s5], $0x2000  }
0x50: {  	[sflag:s5] =	ssyncset.done $0x0  }
0x51: {  	s28 =	rddreg [dreg:$0x12];
	[sflag:s5] =	ssyncadd.s32 $0xFFFFE000  }
0x52: {  	[spmem:s28] =	stream.linear.scatter [tilespmem:s10], [sflag:$0x5], $0x2000, $0x38;
	[tilespmem:$0x1D400] =	vst v63  }
0x53: {  	_ =	swait.ge [sflag:s5], $0x2000  }
0x54: {  	[sflag:s5] =	ssyncset.done $0x0  }
0x55: {  	s29 =	rddreg [dreg:$0x13];
	[sflag:s5] =	ssyncadd.s32 $0xFFFFE000  }
0x56: {  	[tilespmem:s10], [sflag:$0x5] =	stream.linear.gather [hbm4b:s29+s18], $0x2000, $0x38;
	[tilespmem:$0x1D400] =	vst v63  }
0x57: {  	_ =	swait.ge [sflag:s5], $0x2000  }
0x58: {  	[sflag:s5] =	ssyncset.done $0x0  }
0x59: {  	s30 =	rddreg [dreg:$0x14];
	[sflag:s5] =	ssyncadd.s32 $0xFFFFE000  }
0x5a: {  	[spmem:s30] =	stream.linear.scatter [tilespmem:s10], [sflag:$0x5], $0x2000, $0x38;
	[tilespmem:$0x1D400] =	vst v63  }
0x5b: {  	_ =	swait.ge [sflag:s5], $0x2000  }
0x5c: {  	[sflag:s5] =	ssyncset.done $0x0  }
0x5d: {  	[sflag:s5] =	ssyncadd.s32 $0xFFFFE000  }
0x5e: {  	s31 =	simm.s32 $0x0;
	[bflag:$0x0] =	sbarrier.arrive $0xFFFF  }
.LBB2_2:
0x5f: {  	s0 =	simm.s32 $0x0  }
0x60: {  	s1 =	simm.s32 $0x2000;
	v0 =	vld [tilespmem:s0+$0x0]  }
0x61: {  	v1 =	vld [tilespmem:s1+$0x0]  }
0x62: {  	s5 =	simm.s32 $0x4000  }
0x63: {  	s3 =	simm.s32 $0x10;
	v2 =	vld [tilespmem:s5+$0x0]  }
0x64: {  	s6 =	sshll.u32 s3, s31  }
0x65: {  	s7 =	sadd.s32 $0xFFFFFFFF, s6;
	v0 =	vadd.f32 $1.000000000e+00, v0  }
0x66: {  	s7 =	scvt.s32.f32 s7;
	v1 =	vadd.f32 $1.000000000e+00, v1  }
0x67: {  	v3 =	vmul.f32 $5.000000000e-01, v0  }
0x68: {  	v2 =	vadd.f32 $1.000000000e+00, v2;
	v0 =	vmov s7;
	v1 =	vmul.f32 $5.000000000e-01, v1  }
0x69: {  	v3 =	vmul.f32 v3, v0  }
0x6a: {  	v2 =	vmul.f32 $5.000000000e-01, v2;
	v1 =	vmul.f32 v1, v0  }
0x6b: {  	v3 =	vadd.f32 $5.000000000e-01, v3  }
0x6c: {  	v4 =	vadd.f32 $5.000000000e-01, v1;
	v1 =	vmul.f32 v2, v0  }
0x6d: {  	v2 =	vtrunc.f32 v3  }
0x6e: {  	v6 =	vadd.f32 $5.000000000e-01, v1;
	v5 =	vcvt.f32.s32 v2;
	v2 =	vtrunc.f32 v4  }
0x6f: {  	v7 =	vcvt.f32.s32 v2  }
0x70: {  	s6 =	sor.u32 $0x1, s6;
	v1 =	vtrunc.f32 v6;
	v2 =	vcvt.s32.f32 v5  }
0x71: {  	s29 =	smul.u32 s6, s6;
	v9 =	vcvt.f32.s32 v1;
	v8 =	vcvt.s32.f32 v7  }
0x72: {  	p0 =	seq.s32 s31, $0x1;
	s8 =	simm.s32 $0x1331;
	v1 =	vmov s6;
	v10 =	vsub.f32 v3, v2  }
0x73: {  	p1 =	seq.s32 s31, $0x0;
	s8 =	simm.s32 @!p0 $0x9F92;
	v2 =	vmov s29;
	v53 =	vcvt.s32.f32 v9;
	v4 =	vsub.f32 v4, v8  }
0x74: {  	s8 =	simm.s32 @p1 $0x0;
	v7 =	vmul.u32 v7, v1;
	v9 =	vmul.u32 v9, v2;
	v11 =	vsub.f32 $1.000000000e+00, v10  }
0x75: {  	v3 =	vmov s8;
	v6 =	vsub.f32 v6, v53;
	v54 =	vsub.f32 $1.000000000e+00, v4  }
0x76: {  	v12 =	vadd.s32 v5, v7;
	v13 =	vadd.s32 v3, v9  }
0x77: {  	v14 =	vsub.f32 $1.000000000e+00, v6;
	v15 =	vadd.s32 v12, v13;
	v16 =	vmul.f32 v54, v11  }
0x78: {  	s30 =	simm.s32 $0x6400;
	v17 =	vadd.s32 $0x1, v5;
	v15 =	vshll.u32 v15, $0x1  }
0x79: {  	s9 =	sand.u32 $0xF0, s0;
	v18 =	vadd.s32 v17, v7;
	[tilespmem:s30+$0xFFFFFC00] =	vst v15;
	v15 =	vor.u32 $0x1, v15;
	v19 =	vmul.f32 v14, v16  }
0x7a: {  	s6 =	simm.s32 $0x8400;
	v20 =	vadd.s32 v18, v13;
	v8 =	vmul.f32 v54, v10;
	[tilespmem:s9+$0x6800] =	vst v15  }
0x7b: {  	v7 =	vadd.s32 v1, v7;
	v55 =	vshll.u32 v20, $0x1;
	[tilespmem:s6+$0xFFFFFC00] =	vst v19  }
0x7c: {  	v5 =	vadd.s32 v5, v7;
	v56 =	vmul.f32 v14, v8;
	v15 =	vor.u32 $0x1, v55;
	[tilespmem:s30+$0xFFFFFD00] =	vst v55  }
0x7d: {  	v57 =	vadd.s32 v5, v13;
	v11 =	vmul.f32 v4, v11;
	[tilespmem:s9+$0x6900] =	vst v15  }
0x7e: {  	v58 =	vshll.u32 v57, $0x1;
	[tilespmem:s6+$0xFFFFFD00] =	vst v56  }
0x7f: {  	v7 =	vadd.s32 v17, v7;
	v59 =	vmul.f32 v14, v11;
	v15 =	vor.u32 $0x1, v58;
	[tilespmem:s30+$0xFFFFFE00] =	vst v58  }
0x80: {  	v13 =	vadd.s32 v7, v13;
	v10 =	vmul.f32 v4, v10;
	[tilespmem:s9+$0x6A00] =	vst v15  }
0x81: {  	v4 =	vadd.s32 s8, v2;
	v13 =	vshll.u32 v13, $0x1;
	[tilespmem:s6+$0xFFFFFE00] =	vst v59  }
0x82: {  	v9 =	vadd.s32 v4, v9;
	v14 =	vmul.f32 v14, v10;
	[tilespmem:s30+$0xFFFFFF00] =	vst v13;
	v13 =	vor.u32 $0x1, v13  }
0x83: {  	v12 =	vadd.s32 v12, v9;
	[tilespmem:s9+$0x6B00] =	vst v13  }
0x84: {  	v12 =	vshll.u32 v12, $0x1;
	[tilespmem:s6+$0xFFFFFF00] =	vst v14  }
0x85: {  	v60 =	vmul.f32 v16, v6;
	[tilespmem:s30+$0x0] =	vst v12;
	v12 =	vor.u32 $0x1, v12  }
0x86: {  	v61 =	vadd.s32 v18, v9;
	[tilespmem:s9+$0x6C00] =	vst v12  }
0x87: {  	v62 =	vshll.u32 v61, $0x1;
	[tilespmem:s6+$0x0] =	vst v60  }
0x88: {  	v8 =	vmul.f32 v8, v6;
	v12 =	vor.u32 $0x1, v62;
	[tilespmem:s30+$0x100] =	vst v62  }
0x89: {  	v5 =	vadd.s32 v5, v9;
	[tilespmem:s9+$0x6D00] =	vst v12  }
0x8a: {  	v5 =	vshll.u32 v5, $0x1;
	[tilespmem:s6+$0x100] =	vst v8  }
0x8b: {  	v63 =	vmul.f32 v6, v11;
	[tilespmem:s30+$0x200] =	vst v5;
	v5 =	vor.u32 $0x1, v5  }
0x8c: {  	v7 =	vadd.s32 v7, v9;
	[tilespmem:s9+$0x6E00] =	vst v5  }
0x8d: {  	v5 =	vshll.u32 v7, $0x1;
	[tilespmem:s6+$0x200] =	vst v63  }
0x8e: {  	v7 =	vor.u32 $0x1, v5;
	[tilespmem:s30+$0x300] =	vst v5;
	v5 =	vmul.f32 v6, v10  }
0x8f: {  	s7 =	simm.s32 $0x10;
	s8 =	simm.s32 $0x6410;
	[tilespmem:s9+$0x6F00] =	vst v7;
	s9 =	simm.s32 $0x8410  }
.LBB2_3:
0x90: {  	[tilespmem:s6+$0x300] =	vst v5;
	s5 =	sadd.s32 $0x10, s5;
	s1 =	sadd.s32 $0x10, s1;
	s0 =	sadd.s32 $0x10, s0  }
0x91: {  	p0 =	sne.s32 s7, $0xF0;
	s10 =	smov.u32 s7;
	s7 =	sadd.s32 $0x10, s7;
	v5 =	vld [tilespmem:s0+$0x0]  }
0x92: {  	s6 =	smov.u32 s9;
	v6 =	vld [tilespmem:s1+$0x0];
	_ =	sdelay $0x1  }
0x93: {  	v7 =	vld [tilespmem:s5+$0x0];
	_ =	sdelay $0x1  }
0x94: {  	v5 =	vadd.f32 $1.000000000e+00, v5  }
0x95: {  	v6 =	vadd.f32 $1.000000000e+00, v6  }
0x96: {  	v5 =	vmul.f32 $5.000000000e-01, v5  }
0x97: {  	v6 =	vmul.f32 $5.000000000e-01, v6;
	v7 =	vadd.f32 $1.000000000e+00, v7  }
0x98: {  	v5 =	vmul.f32 v5, v0  }
0x99: {  	v6 =	vmul.f32 v6, v0;
	v7 =	vmul.f32 $5.000000000e-01, v7  }
0x9a: {  	v5 =	vadd.f32 $5.000000000e-01, v5  }
0x9b: {  	v6 =	vadd.f32 $5.000000000e-01, v6;
	v7 =	vmul.f32 v7, v0  }
0x9c: {  	v8 =	vtrunc.f32 v5  }
0x9d: {  	v8 =	vcvt.f32.s32 v8;
	v9 =	vtrunc.f32 v6;
	v7 =	vadd.f32 $5.000000000e-01, v7  }
0x9e: {  	v9 =	vcvt.f32.s32 v9  }
0x9f: {  	v10 =	vcvt.s32.f32 v8;
	v11 =	vtrunc.f32 v7  }
0xa0: {  	v12 =	vcvt.s32.f32 v9;
	v11 =	vcvt.f32.s32 v11;
	v9 =	vmul.u32 v9, v1  }
0xa1: {  	v5 =	vsub.f32 v5, v10;
	v10 =	vadd.s32 $0x1, v8  }
0xa2: {  	v6 =	vsub.f32 v6, v12;
	v12 =	vcvt.s32.f32 v11;
	v13 =	vadd.s32 v10, v9  }
0xa3: {  	v11 =	vmul.u32 v11, v2;
	v15 =	vadd.s32 v8, v9;
	v14 =	vsub.f32 $1.000000000e+00, v5  }
0xa4: {  	v9 =	vadd.s32 v1, v9;
	v7 =	vsub.f32 v7, v12;
	v12 =	vsub.f32 $1.000000000e+00, v6  }
0xa5: {  	v8 =	vadd.s32 v8, v9;
	v16 =	vadd.s32 v3, v11;
	v17 =	vmul.f32 v6, v14  }
0xa6: {  	v19 =	vadd.s32 v15, v16;
	v18 =	vsub.f32 $1.000000000e+00, v7;
	v14 =	vmul.f32 v12, v14  }
0xa7: {  	v20 =	vadd.s32 v13, v16;
	v19 =	vshll.u32 v19, $0x1;
	v12 =	vmul.f32 v12, v5  }
0xa8: {  	s10 =	sand.u32 $0xF0, s10;
	v22 =	vadd.s32 v8, v16;
	v21 =	vmul.f32 v18, v14;
	[tilespmem:s8+$0xFFFFFC00] =	vst v19;
	v19 =	vor.u32 $0x1, v19  }
0xa9: {  	v9 =	vadd.s32 v10, v9;
	v6 =	vmul.f32 v6, v5;
	[tilespmem:s10+$0x6800] =	vst v19;
	v19 =	vmul.f32 v18, v12  }
0xaa: {  	v11 =	vadd.s32 v4, v11;
	v10 =	vadd.s32 v9, v16;
	v5 =	vshll.u32 v20, $0x1;
	[tilespmem:s9+$0xFFFFFC00] =	vst v21  }
0xab: {  	v15 =	vadd.s32 v15, v11;
	v14 =	vmul.f32 v14, v7;
	[tilespmem:s8+$0xFFFFFD00] =	vst v5;
	v5 =	vor.u32 $0x1, v5  }
0xac: {  	v13 =	vadd.s32 v13, v11;
	v8 =	vadd.s32 v8, v11;
	v12 =	vmul.f32 v12, v7;
	[tilespmem:s10+$0x6900] =	vst v5  }
0xad: {  	v9 =	vadd.s32 v9, v11;
	v16 =	vshll.u32 v22, $0x1;
	v5 =	vmul.f32 v7, v6;
	[tilespmem:s9+$0xFFFFFD00] =	vst v19  }
0xae: {  	v11 =	vmul.f32 v18, v17;
	v7 =	vmul.f32 v7, v17;
	[tilespmem:s8+$0xFFFFFE00] =	vst v16;
	v16 =	vor.u32 $0x1, v16  }
0xaf: {  	[tilespmem:s10+$0x6A00] =	vst v16  }
0xb0: {  	v10 =	vshll.u32 v10, $0x1;
	[tilespmem:s9+$0xFFFFFE00] =	vst v11  }
0xb1: {  	v6 =	vmul.f32 v18, v6;
	[tilespmem:s8+$0xFFFFFF00] =	vst v10;
	v10 =	vor.u32 $0x1, v10  }
0xb2: {  	[tilespmem:s10+$0x6B00] =	vst v10  }
0xb3: {  	[tilespmem:s9+$0xFFFFFF00] =	vst v6;
	v6 =	vshll.u32 v15, $0x1  }
0xb4: {  	[tilespmem:s8+$0x0] =	vst v6;
	v6 =	vor.u32 $0x1, v6  }
0xb5: {  	[tilespmem:s10+$0x6C00] =	vst v6  }
0xb6: {  	v6 =	vshll.u32 v13, $0x1;
	[tilespmem:s9+$0x0] =	vst v14  }
0xb7: {  	[tilespmem:s8+$0x100] =	vst v6;
	v6 =	vor.u32 $0x1, v6  }
0xb8: {  	[tilespmem:s10+$0x6D00] =	vst v6  }
0xb9: {  	v6 =	vshll.u32 v8, $0x1;
	[tilespmem:s9+$0x100] =	vst v12  }
.Ltmp0:
0xba: {  	[tilespmem:s8+$0x200] =	vst v6;
	v6 =	vor.u32 $0x1, v6;
	(pc) =	sbr.rel @p0 .LBB2_3-.Ltmp0, $4  }
0xbb: {  	[tilespmem:s10+$0x6E00] =	vst v6  }
0xbc: {  	v6 =	vshll.u32 v9, $0x1;
	[tilespmem:s9+$0x200] =	vst v7  }
0xbd: {  	[tilespmem:s8+$0x300] =	vst v6;
	v6 =	vor.u32 $0x1, v6  }
0xbe: {  	s9 =	sadd.s32 $0x10, s9;
	s8 =	sadd.s32 $0x10, s8;
	[tilespmem:s10+$0x6F00] =	vst v6  }
0xbf: {  	s0 =	sshll.u32 s31, $0x13;
	s1 =	rddreg [dreg:$0x4]  }
0xc0: {  	s7 =	simm.s32 $0x100;
	s8 =	simm.s32 $0x2100;
	s9 =	simm.s32 $0x4100  }
0xc1: {  	[tilespmem:s6+$0x300] =	vst v5;
	s11 =	simm.s32 $0x200;
	s14 =	simm.s32 $0x2200;
	s28 =	simm.s32 $0x4200  }
0xc2: {  	[tilespmem:s21], [sflag:$0x1] =	stream.indirect.gather [spmem:s15], $0x1, s20, s19, $0xb8;
	[tilespmem:$0x1D400] =	vst v63  }
0xc3: {  	s29 =	simm.s32 $0x0;
	s0 =	sor.u32 s1, s0;
	s1 =	simm.s32 $0x0  }
.LBB2_5:
0xc4: {  	v5 =	vmov s7  }
0xc5: {  	v6 =	vmov s8;
	_ =	sdelay $0x1  }
0xc6: {  	v7 =	vmov s9  }
0xc7: {  	s6 =	simm.s32 $0x0  }
0xc8: {  	v8 =	vld.idx.msk [tilespmem:v5+s6+$0x0 ss:$0x1], $0xffff  }
0xc9: {  	v9 =	vld.idx.msk [tilespmem:v6+s6+$0x0 ss:$0x1], $0xffff;
	_ =	sdelay $0x1  }
0xca: {  	v10 =	vld.idx.msk [tilespmem:v7+s6+$0x0 ss:$0x1], $0xffff;
	_ =	sdelay $0x1  }
0xcb: {  	v8 =	vadd.f32 $1.000000000e+00, v8  }
0xcc: {  	v9 =	vadd.f32 $1.000000000e+00, v9  }
0xcd: {  	v8 =	vmul.f32 $5.000000000e-01, v8  }
0xce: {  	v10 =	vadd.f32 $1.000000000e+00, v10;
	v9 =	vmul.f32 $5.000000000e-01, v9  }
0xcf: {  	v8 =	vmul.f32 v8, v0  }
0xd0: {  	v10 =	vmul.f32 $5.000000000e-01, v10;
	v9 =	vmul.f32 v9, v0  }
0xd1: {  	v8 =	vadd.f32 $5.000000000e-01, v8  }
0xd2: {  	v10 =	vmul.f32 v10, v0;
	v9 =	vadd.f32 $5.000000000e-01, v9  }
0xd3: {  	v11 =	vtrunc.f32 v8  }
0xd4: {  	v10 =	vadd.f32 $5.000000000e-01, v10;
	v12 =	vtrunc.f32 v9;
	v11 =	vcvt.f32.s32 v11  }
0xd5: {  	v12 =	vcvt.f32.s32 v12  }
0xd6: {  	v14 =	vtrunc.f32 v10;
	v13 =	vcvt.s32.f32 v11  }
0xd7: {  	v14 =	vcvt.f32.s32 v14;
	v15 =	vcvt.s32.f32 v12  }
0xd8: {  	v12 =	vmul.u32 v12, v1;
	v8 =	vsub.f32 v8, v13  }
0xd9: {  	v9 =	vsub.f32 v9, v15;
	v13 =	vcvt.s32.f32 v14;
	v14 =	vmul.u32 v14, v2  }
0xda: {  	v15 =	vadd.s32 $0x1, v11;
	v17 =	vadd.s32 v11, v12;
	v16 =	vsub.f32 $1.000000000e+00, v8  }
0xdb: {  	v13 =	vsub.f32 v10, v13;
	v10 =	vsub.f32 $1.000000000e+00, v9;
	v18 =	vadd.s32 v3, v14  }
0xdc: {  	v19 =	vadd.s32 v15, v12;
	v20 =	vadd.s32 v17, v18  }
0xdd: {  	v21 =	vmul.f32 v10, v16;
	v22 =	vsub.f32 $1.000000000e+00, v13;
	v20 =	vshll.u32 v20, $0x1  }
0xde: {  	s13 =	sand.u32 $0xF0, s1;
	v23 =	vadd.s32 v19, v18;
	[tilespmem:s6+$0x7000] =	vst v20;
	v20 =	vor.u32 $0x1, v20  }
0xdf: {  	v24 =	vmul.f32 v10, v8;
	v58 =	vshll.u32 v23, $0x1;
	v10 =	vmul.f32 v22, v21;
	[tilespmem:s13+$0x7800] =	vst v20  }
0xe0: {  	v12 =	vadd.s32 v1, v12;
	[tilespmem:s6+$0x7100] =	vst v58  }
0xe1: {  	v11 =	vadd.s32 v11, v12;
	v59 =	vmul.f32 v22, v24;
	[tilespmem:s6+$0x8800] =	vst v10;
	v10 =	vor.u32 $0x1, v58  }
0xe2: {  	v60 =	vadd.s32 v11, v18;
	v16 =	vmul.f32 v9, v16;
	[tilespmem:s13+$0x7900] =	vst v10  }
0xe3: {  	v10 =	vshll.u32 v60, $0x1;
	[tilespmem:s6+$0x8900] =	vst v59  }
0xe4: {  	v15 =	vadd.s32 v15, v12;
	v12 =	vmul.f32 v22, v16;
	[tilespmem:s6+$0x7200] =	vst v10;
	v10 =	vor.u32 $0x1, v10  }
0xe5: {  	v18 =	vadd.s32 v15, v18;
	v8 =	vmul.f32 v9, v8;
	[tilespmem:s13+$0x7A00] =	vst v10  }
0xe6: {  	v9 =	vshll.u32 v18, $0x1;
	[tilespmem:s6+$0x8A00] =	vst v12  }
0xe7: {  	v14 =	vadd.s32 v4, v14;
	v10 =	vmul.f32 v22, v8;
	[tilespmem:s6+$0x7300] =	vst v9;
	v9 =	vor.u32 $0x1, v9  }
0xe8: {  	v12 =	vadd.s32 v17, v14;
	[tilespmem:s13+$0x7B00] =	vst v9  }
0xe9: {  	v9 =	vshll.u32 v12, $0x1;
	[tilespmem:s6+$0x8B00] =	vst v10  }
0xea: {  	v62 =	vadd.s32 v19, v14;
	v61 =	vmul.f32 v21, v13;
	[tilespmem:s6+$0x7400] =	vst v9;
	v63 =	vor.u32 $0x1, v9  }
0xeb: {  	s5 =	sshll.u32 s29, $0x9;
	v8 =	vmul.f32 v13, v8;
	v12 =	vmul.f32 v24, v13;
	v10 =	vadd.s32 v11, v14;
	[tilespmem:s13+$0x7C00] =	vst v63  }
0xec: {  	s10 =	simm.s32 $0x40;
	s12 =	simm.s32 $0x0;
	s30 =	sor.u32 $0x100, s5;
	v9 =	vadd.s32 v15, v14;
	v11 =	vmul.f32 v13, v16;
	v13 =	vshll.u32 v62, $0x1;
	[tilespmem:s6+$0x8C00] =	vst v61  }
.LBB2_6:
0xed: {  	p0 =	sne.s32 s10, $0x3C0  }
0xee: {  	[tilespmem:s6+$0x7500] =	vst v13;
	v13 =	vor.u32 $0x1, v13;
	s12 =	sadd.s32 $0x10, s12;
	s16 =	smov.u32 s10;
	s10 =	sadd.s32 $0x40, s10  }
0xef: {  	[tilespmem:s13+$0x7D00] =	vst v13  }
0xf0: {  	v10 =	vshll.u32 v10, $0x1;
	[tilespmem:s6+$0x8D00] =	vst v12  }
0xf1: {  	[tilespmem:s6+$0x7600] =	vst v10;
	v10 =	vor.u32 $0x1, v10  }
0xf2: {  	[tilespmem:s13+$0x7E00] =	vst v10  }
0xf3: {  	v9 =	vshll.u32 v9, $0x1;
	[tilespmem:s6+$0x8E00] =	vst v11  }
0xf4: {  	[tilespmem:s6+$0x7700] =	vst v9;
	v9 =	vor.u32 $0x1, v9  }
0xf5: {  	[tilespmem:s13+$0x7F00] =	vst v9  }
0xf6: {  	[tilespmem:s6+$0x8F00] =	vst v8;
	s6 =	sshra.s32 s16, $0x2  }
0xf7: {  	v8 =	vld.idx.msk [tilespmem:v5+s6+$0x0 ss:$0x1], $0xffff  }
0xf8: {  	v9 =	vld.idx.msk [tilespmem:v6+s6+$0x0 ss:$0x1], $0xffff;
	_ =	sdelay $0x1  }
0xf9: {  	v10 =	vld.idx.msk [tilespmem:v7+s6+$0x0 ss:$0x1], $0xffff;
	_ =	sdelay $0x2  }
0xfa: {  	v8 =	vadd.f32 $1.000000000e+00, v8  }
0xfb: {  	v9 =	vadd.f32 $1.000000000e+00, v9  }
0xfc: {  	v8 =	vmul.f32 $5.000000000e-01, v8  }
0xfd: {  	v9 =	vmul.f32 $5.000000000e-01, v9;
	v10 =	vadd.f32 $1.000000000e+00, v10  }
0xfe: {  	v8 =	vmul.f32 v8, v0  }
0xff: {  	v9 =	vmul.f32 v9, v0;
	v10 =	vmul.f32 $5.000000000e-01, v10  }
0x100: {  	v8 =	vadd.f32 $5.000000000e-01, v8  }
0x101: {  	v9 =	vadd.f32 $5.000000000e-01, v9;
	v10 =	vmul.f32 v10, v0  }
0x102: {  	v11 =	vtrunc.f32 v8  }
0x103: {  	v11 =	vcvt.f32.s32 v11;
	v12 =	vtrunc.f32 v9;
	v10 =	vadd.f32 $5.000000000e-01, v10  }
0x104: {  	v12 =	vcvt.f32.s32 v12  }
0x105: {  	v13 =	vcvt.s32.f32 v11;
	v14 =	vtrunc.f32 v10  }
0x106: {  	v15 =	vcvt.s32.f32 v12;
	v14 =	vcvt.f32.s32 v14;
	v12 =	vmul.u32 v12, v1  }
0x107: {  	v8 =	vsub.f32 v8, v13;
	v13 =	vadd.s32 $0x1, v11  }
0x108: {  	v9 =	vsub.f32 v9, v15;
	v15 =	vcvt.s32.f32 v14;
	v16 =	vadd.s32 v13, v12  }
0x109: {  	v14 =	vmul.u32 v14, v2;
	v18 =	vadd.s32 v11, v12;
	v17 =	vsub.f32 $1.000000000e+00, v8  }
0x10a: {  	v15 =	vsub.f32 v10, v15;
	v10 =	vadd.s32 v1, v12;
	v12 =	vsub.f32 $1.000000000e+00, v9  }
0x10b: {  	v19 =	vadd.s32 v3, v14;
	v11 =	vadd.s32 v11, v10;
	v13 =	vadd.s32 v13, v10  }
0x10c: {  	v10 =	vadd.s32 v18, v19;
	v20 =	vmul.f32 v12, v17;
	v12 =	vmul.f32 v12, v8  }
0x10d: {  	v21 =	vsub.f32 $1.000000000e+00, v15;
	v10 =	vshll.u32 v10, $0x1;
	v17 =	vmul.f32 v9, v17  }
0x10e: {  	s13 =	sand.u32 $0xF0, s12;
	v22 =	vadd.s32 v16, v19;
	v23 =	vadd.s32 v11, v19;
	[tilespmem:s6+$0x7000] =	vst v10;
	v10 =	vor.u32 $0x1, v10  }
0x10f: {  	v24 =	vmul.f32 v21, v20;
	[tilespmem:s13+$0x7800] =	vst v10;
	v10 =	vshll.u32 v22, $0x1;
	v22 =	vmul.f32 v21, v12  }
0x110: {  	v26 =	vmul.f32 v9, v8;
	v19 =	vadd.s32 v13, v19;
	v25 =	vmul.f32 v21, v17;
	[tilespmem:s6+$0x7100] =	vst v10  }
0x111: {  	v9 =	vadd.s32 v4, v14;
	v14 =	vmul.f32 v20, v15;
	v8 =	vor.u32 $0x1, v10;
	[tilespmem:s6+$0x8800] =	vst v24  }
0x112: {  	v18 =	vadd.s32 v18, v9;
	v16 =	vadd.s32 v16, v9;
	v10 =	vadd.s32 v11, v9;
	[tilespmem:s13+$0x7900] =	vst v8  }
0x113: {  	v12 =	vmul.f32 v12, v15;
	v9 =	vadd.s32 v13, v9;
	v8 =	vshll.u32 v23, $0x1;
	[tilespmem:s6+$0x8900] =	vst v22  }
0x114: {  	v11 =	vmul.f32 v15, v17;
	v13 =	vor.u32 $0x1, v8;
	[tilespmem:s6+$0x7200] =	vst v8;
	v8 =	vmul.f32 v15, v26  }
0x115: {  	[tilespmem:s13+$0x7A00] =	vst v13  }
0x116: {  	v13 =	vshll.u32 v19, $0x1;
	[tilespmem:s6+$0x8A00] =	vst v25  }
0x117: {  	v15 =	vmul.f32 v21, v26;
	[tilespmem:s6+$0x7300] =	vst v13;
	v13 =	vor.u32 $0x1, v13  }
.Ltmp1:
0x118: {  	[tilespmem:s13+$0x7B00] =	vst v13;
	(pc) =	sbr.rel @p0 .LBB2_6-.Ltmp1, $4  }
0x119: {  	v13 =	vshll.u32 v18, $0x1;
	[tilespmem:s6+$0x8B00] =	vst v15  }
0x11a: {  	[tilespmem:s6+$0x7400] =	vst v13;
	v13 =	vor.u32 $0x1, v13  }
0x11b: {  	[tilespmem:s13+$0x7C00] =	vst v13  }
0x11c: {  	v13 =	vshll.u32 v16, $0x1;
	[tilespmem:s6+$0x8C00] =	vst v14  }
0x11d: {  	[tilespmem:s6+$0x7500] =	vst v13;
	v5 =	vor.u32 $0x1, v13  }
0x11e: {  	[tilespmem:s13+$0x7D00] =	vst v5  }
0x11f: {  	v5 =	vshll.u32 v10, $0x1;
	[tilespmem:s6+$0x8D00] =	vst v12  }
0x120: {  	[tilespmem:s6+$0x7600] =	vst v5;
	v5 =	vor.u32 $0x1, v5  }
0x121: {  	[tilespmem:s13+$0x7E00] =	vst v5  }
0x122: {  	v5 =	vshll.u32 v9, $0x1;
	[tilespmem:s6+$0x8E00] =	vst v11  }
0x123: {  	[tilespmem:s6+$0x7700] =	vst v5;
	v5 =	vor.u32 $0x1, v5  }
0x124: {  	[tilespmem:s13+$0x7F00] =	vst v5  }
0x125: {  	[tilespmem:s6+$0x8F00] =	vst v8  }
0x126: {  	[tilespmem:s25], [sflag:$0x2] =	stream.indirect.gather [spmem:s15], $0x1, s23, s19, $0xb8;
	[tilespmem:$0x1D400] =	vst v63  }
0x127: {  	_ =	swait.ge [sflag:s26], $0x1000  }
0x128: {  	p0 =	seq.s32 s29, $0x0;
	[sflag:s26] =	ssyncset.done $0x0  }
0x129: {  	s6 =	simm.s32 @!p0 $0x3;
	[sflag:s26] =	ssyncadd.s32 $0xFFFFF000  }
0x12a: {  	_ =	swait.ge @!p0 [sflag:s6], $0x100  }
0x12b: {  	[sflag:s6] =	ssyncset.done @!p0 $0x0  }
0x12c: {  	[sflag:s6] =	ssyncadd.s32 @!p0 $0xFFFFFF00  }
0x12d: {  	_ =	swait.ge @!p0 [sflag:s6], $0x100  }
0x12e: {  	[sflag:s6] =	ssyncset.done @!p0 $0x0  }
0x12f: {  	s16 =	simm.s32 $0x9400;
	[sflag:s6] =	ssyncadd.s32 @!p0 $0xFFFFFF00  }
0x130: {  	v5 =	vld [tilespmem:s16+$0x300]  }
0x131: {  	v6 =	vld [tilespmem:s16+$0x200]  }
0x132: {  	v7 =	vld [tilespmem:s16+$0x100]  }
0x133: {  	v8 =	vld [tilespmem:s16+$0x0]  }
0x134: {  	v9 =	vld [tilespmem:s16+$0xFFFFFF00]  }
0x135: {  	v10 =	vld [tilespmem:s16+$0xFFFFFE00]  }
0x136: {  	v11 =	vld [tilespmem:s16+$0xFFFFFD00]  }
0x137: {  	s10 =	simm.s32 $0x0;
	s12 =	simm.s32 $0x8400;
	v12 =	vld [tilespmem:s16+$0xFFFFFC00]  }
0x138: {  	s17 =	sand.u32 $0xF0, s10;
	v13 =	vld [tilespmem:s12+$0xFFFFFC00]  }
0x139: {  	v14 =	vld [tilespmem:s17+$0x9800]  }
0x13a: {  	v15 =	vld [tilespmem:s12+$0xFFFFFD00]  }
0x13b: {  	v16 =	vld [tilespmem:s17+$0x9900]  }
0x13c: {  	v17 =	vld [tilespmem:s12+$0xFFFFFE00]  }
0x13d: {  	v18 =	vld [tilespmem:s17+$0x9A00];
	v12 =	vmul.f32 v12, v13  }
0x13e: {  	v13 =	vmul.f32 v14, v13;
	v14 =	vld [tilespmem:s12+$0xFFFFFF00]  }
0x13f: {  	v19 =	vld [tilespmem:s17+$0x9B00];
	v11 =	vmul.f32 v11, v15;
	v12 =	vadd.f32 $0.0e+00, v12  }
0x140: {  	v62 =	vld [tilespmem:s12+$0x0];
	v15 =	vmul.f32 v16, v15;
	v13 =	vadd.f32 $0.0e+00, v13  }
0x141: {  	v10 =	vmul.f32 v10, v17;
	v11 =	vadd.f32 v11, v12;
	v12 =	vld [tilespmem:s17+$0x9C00]  }
0x142: {  	v63 =	vld [tilespmem:s12+$0x100];
	v13 =	vadd.f32 v15, v13;
	v15 =	vmul.f32 v18, v17  }
0x143: {  	v9 =	vmul.f32 v9, v14;
	v10 =	vadd.f32 v10, v11;
	v11 =	vld [tilespmem:s17+$0x9D00]  }
0x144: {  	v14 =	vmul.f32 v19, v14;
	v13 =	vadd.f32 v15, v13;
	v15 =	vld [tilespmem:s12+$0x200]  }
0x145: {  	v8 =	vmul.f32 v8, v62;
	v9 =	vadd.f32 v9, v10;
	v10 =	vld [tilespmem:s17+$0x9E00]  }
0x146: {  	v13 =	vadd.f32 v14, v13;
	v14 =	vld [tilespmem:s12+$0x300];
	v12 =	vmul.f32 v12, v62  }
0x147: {  	v7 =	vmul.f32 v7, v63;
	v8 =	vadd.f32 v8, v9;
	v9 =	vld [tilespmem:s17+$0x9F00]  }
0x148: {  	v12 =	vadd.f32 v12, v13;
	v11 =	vmul.f32 v11, v63  }
0x149: {  	v6 =	vmul.f32 v6, v15;
	v7 =	vadd.f32 v7, v8  }
0x14a: {  	v8 =	vadd.f32 v11, v12;
	v10 =	vmul.f32 v10, v15  }
0x14b: {  	v5 =	vmul.f32 v5, v14;
	v6 =	vadd.f32 v6, v7  }
0x14c: {  	v7 =	vadd.f32 v10, v8;
	v8 =	vmul.f32 v9, v14  }
0x14d: {  	v5 =	vadd.f32 v5, v6  }
0x14e: {  	s10 =	simm.s32 $0xB000;
	v6 =	vadd.f32 v8, v7  }
0x14f: {  	s6 =	simm.s32 $0xB100;
	[tilespmem:s10+$0x0] =	vst v5  }
0x150: {  	s13 =	simm.s32 $0x9410;
	[tilespmem:s6+$0x0] =	vst v6  }
0x151: {  	v5 =	vld [tilespmem:s13+$0x300]  }
0x152: {  	v6 =	vld [tilespmem:s13+$0x200]  }
0x153: {  	v7 =	vld [tilespmem:s13+$0x100]  }
0x154: {  	v8 =	vld [tilespmem:s13+$0x0]  }
0x155: {  	v9 =	vld [tilespmem:s13+$0xFFFFFF00]  }
0x156: {  	v10 =	vld [tilespmem:s13+$0xFFFFFE00]  }
0x157: {  	v11 =	vld [tilespmem:s13+$0xFFFFFD00]  }
0x158: {  	s16 =	simm.s32 $0x10;
	s12 =	simm.s32 $0x8410;
	v13 =	vld [tilespmem:s13+$0xFFFFFC00]  }
0x159: {  	s17 =	sand.u32 $0xF0, s16;
	s16 =	simm.s32 $0x20;
	v12 =	vld [tilespmem:s12+$0xFFFFFC00]  }
.LBB2_8:
0x15a: {  	p1 =	sne.s32 s16, $0xF0;
	v14 =	vld [tilespmem:s17+$0x9800]  }
0x15b: {  	v15 =	vld [tilespmem:s12+$0xFFFFFD00]  }
0x15c: {  	v16 =	vld [tilespmem:s17+$0x9900]  }
0x15d: {  	v17 =	vld [tilespmem:s12+$0xFFFFFE00]  }
0x15e: {  	v13 =	vmul.f32 v13, v12;
	v18 =	vld [tilespmem:s17+$0x9A00]  }
0x15f: {  	v12 =	vmul.f32 v14, v12;
	v14 =	vld [tilespmem:s12+$0xFFFFFF00]  }
0x160: {  	v13 =	vadd.f32 $0.0e+00, v13;
	v11 =	vmul.f32 v11, v15;
	v19 =	vld [tilespmem:s17+$0x9B00]  }
0x161: {  	v12 =	vadd.f32 $0.0e+00, v12;
	v15 =	vmul.f32 v16, v15;
	v16 =	vld [tilespmem:s12+$0x0]  }
0x162: {  	v11 =	vadd.f32 v11, v13;
	v10 =	vmul.f32 v10, v17;
	v13 =	vld [tilespmem:s17+$0x9C00]  }
0x163: {  	v12 =	vadd.f32 v15, v12;
	v15 =	vmul.f32 v18, v17;
	v17 =	vld [tilespmem:s12+$0x100]  }
0x164: {  	v10 =	vadd.f32 v10, v11;
	v9 =	vmul.f32 v9, v14;
	v11 =	vld [tilespmem:s17+$0x9D00]  }
0x165: {  	v12 =	vadd.f32 v15, v12;
	v14 =	vmul.f32 v19, v14;
	v15 =	vld [tilespmem:s12+$0x200]  }
0x166: {  	v9 =	vadd.f32 v9, v10;
	v8 =	vmul.f32 v8, v16;
	v10 =	vld [tilespmem:s17+$0x9E00]  }
0x167: {  	v12 =	vadd.f32 v14, v12;
	v13 =	vmul.f32 v13, v16;
	v14 =	vld [tilespmem:s12+$0x300]  }
0x168: {  	v8 =	vadd.f32 v8, v9;
	v7 =	vmul.f32 v7, v17;
	v9 =	vld [tilespmem:s17+$0x9F00]  }
0x169: {  	v12 =	vadd.f32 v13, v12;
	v11 =	vmul.f32 v11, v17  }
0x16a: {  	v7 =	vadd.f32 v7, v8;
	v6 =	vmul.f32 v6, v15  }
0x16b: {  	v8 =	vadd.f32 v11, v12;
	v10 =	vmul.f32 v10, v15  }
0x16c: {  	v6 =	vadd.f32 v6, v7;
	v5 =	vmul.f32 v5, v14  }
0x16d: {  	v7 =	vadd.f32 v10, v8;
	v8 =	vmul.f32 v9, v14  }
0x16e: {  	v5 =	vadd.f32 v5, v6  }
0x16f: {  	s10 =	sadd.s32 $0x10, s10;
	v6 =	vadd.f32 v8, v7  }
0x170: {  	s6 =	sadd.s32 $0x10, s6;
	[tilespmem:s10+$0x0] =	vst v5  }
0x171: {  	s13 =	sadd.s32 $0x10, s13;
	[tilespmem:s6+$0x0] =	vst v6  }
0x172: {  	v5 =	vld [tilespmem:s13+$0x300]  }
0x173: {  	v6 =	vld [tilespmem:s13+$0x200]  }
0x174: {  	v7 =	vld [tilespmem:s13+$0x100]  }
0x175: {  	v8 =	vld [tilespmem:s13+$0x0]  }
.Ltmp2:
0x176: {  	v9 =	vld [tilespmem:s13+$0xFFFFFF00];
	(pc) =	sbr.rel @p1 .LBB2_8-.Ltmp2, $4  }
0x177: {  	v10 =	vld [tilespmem:s13+$0xFFFFFE00]  }
0x178: {  	v11 =	vld [tilespmem:s13+$0xFFFFFD00]  }
0x179: {  	s12 =	sadd.s32 $0x10, s12;
	v13 =	vld [tilespmem:s13+$0xFFFFFC00]  }
0x17a: {  	s17 =	sand.u32 $0xF0, s16;
	s16 =	sadd.s32 $0x10, s16;
	v12 =	vld [tilespmem:s12+$0xFFFFFC00]  }
0x17b: {  	v14 =	vld [tilespmem:s17+$0x9800]  }
0x17c: {  	v15 =	vld [tilespmem:s12+$0xFFFFFD00]  }
0x17d: {  	v16 =	vld [tilespmem:s17+$0x9900]  }
0x17e: {  	v17 =	vld [tilespmem:s12+$0xFFFFFE00]  }
0x17f: {  	v18 =	vld [tilespmem:s17+$0x9A00];
	v13 =	vmul.f32 v13, v12  }
0x180: {  	v52 =	vld [tilespmem:s12+$0xFFFFFF00];
	v51 =	vmul.f32 v14, v12  }
0x181: {  	v19 =	vld [tilespmem:s17+$0x9B00];
	v11 =	vmul.f32 v11, v15;
	v13 =	vadd.f32 $0.0e+00, v13  }
0x182: {  	v53 =	vld [tilespmem:s12+$0x0];
	v15 =	vmul.f32 v16, v15;
	v12 =	vadd.f32 $0.0e+00, v51  }
0x183: {  	v54 =	vld [tilespmem:s17+$0x9C00];
	v10 =	vmul.f32 v10, v17;
	v11 =	vadd.f32 v11, v13  }
0x184: {  	v56 =	vld [tilespmem:s12+$0x100];
	v55 =	vmul.f32 v18, v17;
	v12 =	vadd.f32 v15, v12  }
0x185: {  	v57 =	vld [tilespmem:s17+$0x9D00];
	v9 =	vmul.f32 v9, v52;
	v10 =	vadd.f32 v10, v11  }
0x186: {  	v58 =	vld [tilespmem:s12+$0x200];
	v14 =	vmul.f32 v19, v52;
	v12 =	vadd.f32 v55, v12  }
0x187: {  	v59 =	vld [tilespmem:s17+$0x9E00];
	v8 =	vmul.f32 v8, v53;
	v9 =	vadd.f32 v9, v10  }
0x188: {  	v60 =	vld [tilespmem:s12+$0x300];
	v13 =	vmul.f32 v54, v53;
	v12 =	vadd.f32 v14, v12  }
0x189: {  	v61 =	vld [tilespmem:s17+$0x9F00];
	v7 =	vmul.f32 v7, v56;
	v8 =	vadd.f32 v8, v9  }
0x18a: {  	v11 =	vmul.f32 v57, v56;
	v12 =	vadd.f32 v13, v12  }
0x18b: {  	v6 =	vmul.f32 v6, v58;
	v7 =	vadd.f32 v7, v8  }
0x18c: {  	v10 =	vmul.f32 v59, v58;
	v62 =	vadd.f32 v11, v12  }
0x18d: {  	v5 =	vmul.f32 v5, v60;
	v6 =	vadd.f32 v6, v7  }
0x18e: {  	v63 =	vmul.f32 v61, v60;
	v7 =	vadd.f32 v10, v62  }
0x18f: {  	s10 =	sadd.s32 $0x10, s10;
	v5 =	vadd.f32 v5, v6  }
0x190: {  	s5 =	sor.u32 s0, s5;
	s6 =	sadd.s32 $0x10, s6;
	p1 =	sne.s32 s29, $0xF;
	v6 =	vadd.f32 v63, v7  }
.Ltmp3:
0x191: {  	s3 =	simm.s32 $0xB000;
	s12 =	sshrl.u32 s5, $0x3;
	[tilespmem:s10+$0x0] =	vst v5;
	(pc) =	sbr.rel @p1 .LBB2_11-.Ltmp3, $4  }
0x192: {  	s5 =	simm.s32 $0x0;
	s13 =	sadd.s32 s2, s12;
	s16 =	sor.u32 $0x8000, s12;
	[tilespmem:s6+$0x0] =	vst v6  }
0x193: {  	[hbm4b:s13+s5] =	stream.linear.scatter [tilespmem:s3], [sflag:$0x3], $0x100, $0x38;
	[tilespmem:$0x1D400] =	vst v63  }
0x194: {  	s17 =	simm.s32 $0xB100;
	s6 =	sadd.s32 s2, s16  }
0x195: {  	[hbm4b:s6+s5] =	stream.linear.scatter [tilespmem:s17], [sflag:$0x3], $0x100, $0x38;
	[tilespmem:$0x1D400] =	vst v63  }
.Ltmp4:
0x196: {  	(pc) =	sbr.rel .LBB2_14-.Ltmp4, $4  }
0x197: {  	_ = 	snop  }
0x198: {  	_ =	swait.ge [sflag:s24], $0x1000  }
0x199: {  	[sflag:s24] =	ssyncset.done $0x0  }
0x19a: {  	[sflag:s24] =	ssyncadd.s32 $0xFFFFF000  }
.LBB2_11:
0x19b: {  	s6 =	sadd.s32 $0x0, s11  }
0x19c: {  	s10 =	sadd.s32 $0x0, s14;
	v5 =	vld [tilespmem:s6+$0x0]  }
0x19d: {  	v6 =	vld [tilespmem:s10+$0x0]  }
0x19e: {  	s17 =	sadd.s32 $0x0, s28  }
0x19f: {  	v7 =	vld [tilespmem:s17+$0x0];
	_ =	sdelay $0x1  }
0x1a0: {  	v5 =	vadd.f32 $1.000000000e+00, v5  }
0x1a1: {  	v6 =	vadd.f32 $1.000000000e+00, v6  }
0x1a2: {  	v5 =	vmul.f32 $5.000000000e-01, v5  }
0x1a3: {  	v7 =	vadd.f32 $1.000000000e+00, v7;
	v6 =	vmul.f32 $5.000000000e-01, v6  }
0x1a4: {  	v5 =	vmul.f32 v5, v0  }
0x1a5: {  	v7 =	vmul.f32 $5.000000000e-01, v7;
	v6 =	vmul.f32 v6, v0  }
0x1a6: {  	v5 =	vadd.f32 $5.000000000e-01, v5  }
0x1a7: {  	v7 =	vmul.f32 v7, v0;
	v6 =	vadd.f32 $5.000000000e-01, v6  }
0x1a8: {  	v8 =	vtrunc.f32 v5  }
0x1a9: {  	v7 =	vadd.f32 $5.000000000e-01, v7;
	v9 =	vtrunc.f32 v6;
	v8 =	vcvt.f32.s32 v8  }
0x1aa: {  	v9 =	vcvt.f32.s32 v9  }
0x1ab: {  	v11 =	vtrunc.f32 v7;
	v10 =	vcvt.s32.f32 v8  }
0x1ac: {  	v11 =	vcvt.f32.s32 v11;
	v12 =	vcvt.s32.f32 v9  }
0x1ad: {  	v9 =	vmul.u32 v9, v1;
	v5 =	vsub.f32 v5, v10  }
0x1ae: {  	v6 =	vsub.f32 v6, v12;
	v10 =	vcvt.s32.f32 v11;
	v11 =	vmul.u32 v11, v2  }
0x1af: {  	v57 =	vadd.s32 $0x1, v8;
	v14 =	vadd.s32 v8, v9;
	v13 =	vsub.f32 $1.000000000e+00, v5  }
0x1b0: {  	v10 =	vsub.f32 v7, v10;
	v7 =	vsub.f32 $1.000000000e+00, v6;
	v15 =	vadd.s32 v3, v11  }
0x1b1: {  	v16 =	vadd.s32 v57, v9;
	v17 =	vadd.s32 v14, v15  }
0x1b2: {  	s6 =	simm.s32 $0x0;
	v18 =	vmul.f32 v7, v13;
	v19 =	vsub.f32 $1.000000000e+00, v10;
	v17 =	vshll.u32 v17, $0x1  }
0x1b3: {  	s12 =	sand.u32 $0xF0, s5;
	v20 =	vadd.s32 v16, v15;
	[tilespmem:s6+$0x6000] =	vst v17;
	v17 =	vor.u32 $0x1, v17  }
0x1b4: {  	v21 =	vmul.f32 v7, v5;
	v58 =	vshll.u32 v20, $0x1;
	v7 =	vmul.f32 v19, v18;
	[tilespmem:s12+$0x6800] =	vst v17  }
0x1b5: {  	v9 =	vadd.s32 v1, v9;
	[tilespmem:s6+$0x6100] =	vst v58  }
0x1b6: {  	v8 =	vadd.s32 v8, v9;
	v59 =	vmul.f32 v19, v21;
	[tilespmem:s6+$0x8000] =	vst v7;
	v7 =	vor.u32 $0x1, v58  }
0x1b7: {  	v60 =	vadd.s32 v8, v15;
	v13 =	vmul.f32 v6, v13;
	[tilespmem:s12+$0x6900] =	vst v7  }
0x1b8: {  	v7 =	vshll.u32 v60, $0x1;
	[tilespmem:s6+$0x8100] =	vst v59  }
0x1b9: {  	v12 =	vadd.s32 v57, v9;
	v9 =	vmul.f32 v19, v13;
	[tilespmem:s6+$0x6200] =	vst v7;
	v7 =	vor.u32 $0x1, v7  }
0x1ba: {  	v15 =	vadd.s32 v12, v15;
	v5 =	vmul.f32 v6, v5;
	[tilespmem:s12+$0x6A00] =	vst v7  }
0x1bb: {  	v6 =	vshll.u32 v15, $0x1;
	[tilespmem:s6+$0x8200] =	vst v9  }
0x1bc: {  	v11 =	vadd.s32 v4, v11;
	v7 =	vmul.f32 v19, v5;
	[tilespmem:s6+$0x6300] =	vst v6;
	v6 =	vor.u32 $0x1, v6  }
0x1bd: {  	v9 =	vadd.s32 v14, v11;
	[tilespmem:s12+$0x6B00] =	vst v6  }
0x1be: {  	v6 =	vshll.u32 v9, $0x1;
	[tilespmem:s6+$0x8300] =	vst v7  }
0x1bf: {  	v62 =	vadd.s32 v16, v11;
	v61 =	vmul.f32 v18, v10;
	[tilespmem:s6+$0x6400] =	vst v6;
	v63 =	vor.u32 $0x1, v6  }
0x1c0: {  	v5 =	vmul.f32 v10, v5;
	v9 =	vmul.f32 v21, v10;
	v7 =	vadd.s32 v8, v11;
	[tilespmem:s12+$0x6C00] =	vst v63  }
0x1c1: {  	s10 =	simm.s32 $0x40;
	v6 =	vadd.s32 v12, v11;
	v8 =	vmul.f32 v10, v13;
	v10 =	vshll.u32 v62, $0x1;
	[tilespmem:s6+$0x8400] =	vst v61  }
.LBB2_12:
0x1c2: {  	p1 =	sne.s32 s10, $0x3C0  }
0x1c3: {  	[tilespmem:s6+$0x6500] =	vst v10;
	v10 =	vor.u32 $0x1, v10;
	s5 =	sadd.s32 $0x10, s5;
	s13 =	smov.u32 s10;
	s10 =	sadd.s32 $0x40, s10  }
0x1c4: {  	[tilespmem:s12+$0x6D00] =	vst v10  }
0x1c5: {  	v7 =	vshll.u32 v7, $0x1;
	[tilespmem:s6+$0x8500] =	vst v9  }
0x1c6: {  	[tilespmem:s6+$0x6600] =	vst v7;
	v7 =	vor.u32 $0x1, v7  }
0x1c7: {  	[tilespmem:s12+$0x6E00] =	vst v7  }
0x1c8: {  	v6 =	vshll.u32 v6, $0x1;
	[tilespmem:s6+$0x8600] =	vst v8  }
0x1c9: {  	[tilespmem:s6+$0x6700] =	vst v6;
	v6 =	vor.u32 $0x1, v6  }
0x1ca: {  	s13 =	sshra.s32 s13, $0x2;
	[tilespmem:s12+$0x6F00] =	vst v6  }
0x1cb: {  	s16 =	sadd.s32 s13, s14;
	s17 =	sadd.s32 s13, s28;
	s12 =	sadd.s32 s13, s11;
	[tilespmem:s6+$0x8700] =	vst v5  }
0x1cc: {  	s6 =	smov.u32 s13;
	v5 =	vld [tilespmem:s12+$0x0]  }
0x1cd: {  	v6 =	vld [tilespmem:s16+$0x0];
	_ =	sdelay $0x1  }
0x1ce: {  	v7 =	vld [tilespmem:s17+$0x0];
	_ =	sdelay $0x1  }
0x1cf: {  	v5 =	vadd.f32 $1.000000000e+00, v5  }
0x1d0: {  	v6 =	vadd.f32 $1.000000000e+00, v6  }
0x1d1: {  	v5 =	vmul.f32 $5.000000000e-01, v5  }
0x1d2: {  	v6 =	vmul.f32 $5.000000000e-01, v6;
	v7 =	vadd.f32 $1.000000000e+00, v7  }
0x1d3: {  	v5 =	vmul.f32 v5, v0  }
0x1d4: {  	v6 =	vmul.f32 v6, v0;
	v7 =	vmul.f32 $5.000000000e-01, v7  }
0x1d5: {  	v5 =	vadd.f32 $5.000000000e-01, v5  }
0x1d6: {  	v6 =	vadd.f32 $5.000000000e-01, v6;
	v7 =	vmul.f32 v7, v0  }
0x1d7: {  	v8 =	vtrunc.f32 v5  }
0x1d8: {  	v8 =	vcvt.f32.s32 v8;
	v9 =	vtrunc.f32 v6;
	v7 =	vadd.f32 $5.000000000e-01, v7  }
0x1d9: {  	v9 =	vcvt.f32.s32 v9  }
0x1da: {  	v10 =	vcvt.s32.f32 v8;
	v11 =	vtrunc.f32 v7  }
0x1db: {  	v12 =	vcvt.s32.f32 v9;
	v11 =	vcvt.f32.s32 v11;
	v9 =	vmul.u32 v9, v1  }
0x1dc: {  	v5 =	vsub.f32 v5, v10;
	v10 =	vadd.s32 $0x1, v8  }
0x1dd: {  	v6 =	vsub.f32 v6, v12;
	v12 =	vcvt.s32.f32 v11;
	v13 =	vadd.s32 v10, v9  }
0x1de: {  	v11 =	vmul.u32 v11, v2;
	v15 =	vadd.s32 v8, v9;
	v14 =	vsub.f32 $1.000000000e+00, v5  }
0x1df: {  	v12 =	vsub.f32 v7, v12;
	v7 =	vadd.s32 v1, v9;
	v9 =	vsub.f32 $1.000000000e+00, v6  }
0x1e0: {  	v16 =	vadd.s32 v3, v11;
	v8 =	vadd.s32 v8, v7;
	v10 =	vadd.s32 v10, v7  }
0x1e1: {  	v7 =	vadd.s32 v15, v16;
	v17 =	vmul.f32 v9, v14;
	v9 =	vmul.f32 v9, v5  }
0x1e2: {  	v18 =	vsub.f32 $1.000000000e+00, v12;
	v7 =	vshll.u32 v7, $0x1;
	v14 =	vmul.f32 v6, v14  }
0x1e3: {  	s12 =	sand.u32 $0xF0, s5;
	v19 =	vadd.s32 v13, v16;
	v20 =	vadd.s32 v8, v16;
	[tilespmem:s6+$0x6000] =	vst v7;
	v7 =	vor.u32 $0x1, v7  }
0x1e4: {  	v21 =	vmul.f32 v18, v17;
	[tilespmem:s12+$0x6800] =	vst v7;
	v7 =	vshll.u32 v19, $0x1;
	v19 =	vmul.f32 v18, v9  }
0x1e5: {  	v23 =	vmul.f32 v6, v5;
	v16 =	vadd.s32 v10, v16;
	v22 =	vmul.f32 v18, v14;
	[tilespmem:s6+$0x6100] =	vst v7  }
0x1e6: {  	v6 =	vadd.s32 v4, v11;
	v11 =	vmul.f32 v17, v12;
	v5 =	vor.u32 $0x1, v7;
	[tilespmem:s6+$0x8000] =	vst v21  }
0x1e7: {  	v15 =	vadd.s32 v15, v6;
	v13 =	vadd.s32 v13, v6;
	v7 =	vadd.s32 v8, v6;
	[tilespmem:s12+$0x6900] =	vst v5  }
0x1e8: {  	v9 =	vmul.f32 v9, v12;
	v6 =	vadd.s32 v10, v6;
	v5 =	vshll.u32 v20, $0x1;
	[tilespmem:s6+$0x8100] =	vst v19  }
0x1e9: {  	v8 =	vmul.f32 v12, v14;
	v10 =	vor.u32 $0x1, v5;
	[tilespmem:s6+$0x6200] =	vst v5;
	v5 =	vmul.f32 v12, v23  }
0x1ea: {  	[tilespmem:s12+$0x6A00] =	vst v10  }
0x1eb: {  	v10 =	vshll.u32 v16, $0x1;
	[tilespmem:s6+$0x8200] =	vst v22  }
0x1ec: {  	v12 =	vmul.f32 v18, v23;
	[tilespmem:s6+$0x6300] =	vst v10;
	v10 =	vor.u32 $0x1, v10  }
.Ltmp5:
0x1ed: {  	[tilespmem:s12+$0x6B00] =	vst v10;
	(pc) =	sbr.rel @p1 .LBB2_12-.Ltmp5, $4  }
0x1ee: {  	v10 =	vshll.u32 v15, $0x1;
	[tilespmem:s6+$0x8300] =	vst v12  }
0x1ef: {  	[tilespmem:s6+$0x6400] =	vst v10;
	v10 =	vor.u32 $0x1, v10  }
0x1f0: {  	[tilespmem:s12+$0x6C00] =	vst v10  }
0x1f1: {  	v10 =	vshll.u32 v13, $0x1;
	[tilespmem:s6+$0x8400] =	vst v11  }
0x1f2: {  	[tilespmem:s6+$0x6500] =	vst v10;
	v63 =	vor.u32 $0x1, v10  }
0x1f3: {  	[tilespmem:s12+$0x6D00] =	vst v63  }
0x1f4: {  	v7 =	vshll.u32 v7, $0x1;
	[tilespmem:s6+$0x8500] =	vst v9  }
0x1f5: {  	[tilespmem:s6+$0x6600] =	vst v7;
	v7 =	vor.u32 $0x1, v7  }
0x1f6: {  	[tilespmem:s12+$0x6E00] =	vst v7  }
0x1f7: {  	v6 =	vshll.u32 v6, $0x1;
	[tilespmem:s6+$0x8600] =	vst v8  }
0x1f8: {  	[tilespmem:s6+$0x6700] =	vst v6;
	v6 =	vor.u32 $0x1, v6  }
0x1f9: {  	[tilespmem:s12+$0x6F00] =	vst v6  }
.Ltmp6:
0x1fa: {  	[tilespmem:s6+$0x8700] =	vst v5;
	(pc) =	sbr.rel @p0 .LBB2_15-.Ltmp6, $4  }
0x1fb: {  	[tilespmem:s21], [sflag:$0x1] =	stream.indirect.gather [spmem:s15], $0x1, s20, s19, $0xb8;
	[tilespmem:$0x1D400] =	vst v63  }
0x1fc: {  	_ =	swait.ge [sflag:s24], $0x1000  }
0x1fd: {  	[sflag:s24] =	ssyncset.done $0x0  }
0x1fe: {  	[sflag:s24] =	ssyncadd.s32 $0xFFFFF000  }
.LBB2_14:
0x1ff: {  	_ =	swait.ge [sflag:s22], $0x100  }
0x200: {  	[sflag:s22] =	ssyncset.done $0x0  }
0x201: {  	[sflag:s22] =	ssyncadd.s32 $0xFFFFFF00  }
0x202: {  	_ =	swait.ge [sflag:s22], $0x100  }
0x203: {  	[sflag:s22] =	ssyncset.done $0x0  }
0x204: {  	[sflag:s22] =	ssyncadd.s32 $0xFFFFFF00  }
.LBB2_15:
0x205: {  	s5 =	simm.s32 $0xA400  }
0x206: {  	v5 =	vld [tilespmem:s5+$0x300]  }
0x207: {  	v6 =	vld [tilespmem:s5+$0x200]  }
0x208: {  	v7 =	vld [tilespmem:s5+$0x100]  }
0x209: {  	v8 =	vld [tilespmem:s5+$0x0]  }
0x20a: {  	v9 =	vld [tilespmem:s5+$0xFFFFFF00]  }
0x20b: {  	v10 =	vld [tilespmem:s5+$0xFFFFFE00]  }
0x20c: {  	v11 =	vld [tilespmem:s5+$0xFFFFFD00]  }
0x20d: {  	s6 =	simm.s32 $0x0;
	s10 =	simm.s32 $0x8C00;
	v12 =	vld [tilespmem:s5+$0xFFFFFC00]  }
0x20e: {  	v13 =	vld [tilespmem:s10+$0xFFFFFC00];
	s17 =	sand.u32 $0xF0, s6  }
0x20f: {  	v14 =	vld [tilespmem:s17+$0xA800]  }
0x210: {  	v15 =	vld [tilespmem:s10+$0xFFFFFD00]  }
0x211: {  	v16 =	vld [tilespmem:s17+$0xA900]  }
0x212: {  	v17 =	vld [tilespmem:s10+$0xFFFFFE00]  }
0x213: {  	v18 =	vld [tilespmem:s17+$0xAA00];
	v12 =	vmul.f32 v12, v13  }
0x214: {  	v13 =	vmul.f32 v14, v13;
	v14 =	vld [tilespmem:s10+$0xFFFFFF00]  }
0x215: {  	v19 =	vld [tilespmem:s17+$0xAB00];
	v11 =	vmul.f32 v11, v15;
	v12 =	vadd.f32 $0.0e+00, v12  }
0x216: {  	v62 =	vld [tilespmem:s10+$0x0];
	v15 =	vmul.f32 v16, v15;
	v13 =	vadd.f32 $0.0e+00, v13  }
0x217: {  	v10 =	vmul.f32 v10, v17;
	v11 =	vadd.f32 v11, v12;
	v12 =	vld [tilespmem:s17+$0xAC00]  }
0x218: {  	v63 =	vld [tilespmem:s10+$0x100];
	v13 =	vadd.f32 v15, v13;
	v15 =	vmul.f32 v18, v17  }
0x219: {  	v10 =	vadd.f32 v10, v11;
	v9 =	vmul.f32 v9, v14;
	v11 =	vld [tilespmem:s17+$0xAD00]  }
0x21a: {  	v14 =	vmul.f32 v19, v14;
	v13 =	vadd.f32 v15, v13;
	v15 =	vld [tilespmem:s10+$0x200]  }
0x21b: {  	v8 =	vmul.f32 v8, v62;
	v9 =	vadd.f32 v9, v10;
	v10 =	vld [tilespmem:s17+$0xAE00]  }
0x21c: {  	v13 =	vadd.f32 v14, v13;
	v12 =	vmul.f32 v12, v62;
	v14 =	vld [tilespmem:s10+$0x300]  }
0x21d: {  	v7 =	vmul.f32 v7, v63;
	v8 =	vadd.f32 v8, v9;
	v9 =	vld [tilespmem:s17+$0xAF00]  }
0x21e: {  	v12 =	vadd.f32 v12, v13;
	v11 =	vmul.f32 v11, v63  }
0x21f: {  	v7 =	vadd.f32 v7, v8;
	v6 =	vmul.f32 v6, v15  }
0x220: {  	v8 =	vadd.f32 v11, v12;
	v10 =	vmul.f32 v10, v15  }
0x221: {  	v6 =	vadd.f32 v6, v7;
	v5 =	vmul.f32 v5, v14  }
0x222: {  	v7 =	vadd.f32 v10, v8;
	v8 =	vmul.f32 v9, v14  }
0x223: {  	v5 =	vadd.f32 v5, v6  }
0x224: {  	s6 =	simm.s32 $0xB200;
	v6 =	vadd.f32 v8, v7  }
0x225: {  	s5 =	simm.s32 $0xB300;
	[tilespmem:s6+$0x0] =	vst v5  }
0x226: {  	s12 =	simm.s32 $0xA410;
	[tilespmem:s5+$0x0] =	vst v6  }
0x227: {  	v5 =	vld [tilespmem:s12+$0x300]  }
0x228: {  	v6 =	vld [tilespmem:s12+$0x200]  }
0x229: {  	v7 =	vld [tilespmem:s12+$0x100]  }
0x22a: {  	v8 =	vld [tilespmem:s12+$0x0]  }
0x22b: {  	v9 =	vld [tilespmem:s12+$0xFFFFFF00]  }
0x22c: {  	v10 =	vld [tilespmem:s12+$0xFFFFFE00]  }
0x22d: {  	v11 =	vld [tilespmem:s12+$0xFFFFFD00]  }
0x22e: {  	s13 =	simm.s32 $0x10;
	s10 =	simm.s32 $0x8C10;
	v13 =	vld [tilespmem:s12+$0xFFFFFC00]  }
0x22f: {  	s16 =	sand.u32 $0xF0, s13;
	s13 =	simm.s32 $0x20;
	v12 =	vld [tilespmem:s10+$0xFFFFFC00]  }
.LBB2_16:
0x230: {  	p0 =	sne.s32 s13, $0xF0;
	v14 =	vld [tilespmem:s16+$0xA800]  }
0x231: {  	v15 =	vld [tilespmem:s10+$0xFFFFFD00]  }
0x232: {  	v16 =	vld [tilespmem:s16+$0xA900]  }
0x233: {  	v17 =	vld [tilespmem:s10+$0xFFFFFE00]  }
0x234: {  	v13 =	vmul.f32 v13, v12;
	v18 =	vld [tilespmem:s16+$0xAA00]  }
0x235: {  	v12 =	vmul.f32 v14, v12;
	v14 =	vld [tilespmem:s10+$0xFFFFFF00]  }
0x236: {  	v13 =	vadd.f32 $0.0e+00, v13;
	v11 =	vmul.f32 v11, v15;
	v19 =	vld [tilespmem:s16+$0xAB00]  }
0x237: {  	v12 =	vadd.f32 $0.0e+00, v12;
	v15 =	vmul.f32 v16, v15;
	v16 =	vld [tilespmem:s10+$0x0]  }
0x238: {  	v11 =	vadd.f32 v11, v13;
	v10 =	vmul.f32 v10, v17;
	v13 =	vld [tilespmem:s16+$0xAC00]  }
0x239: {  	v12 =	vadd.f32 v15, v12;
	v15 =	vmul.f32 v18, v17;
	v17 =	vld [tilespmem:s10+$0x100]  }
0x23a: {  	v10 =	vadd.f32 v10, v11;
	v9 =	vmul.f32 v9, v14;
	v11 =	vld [tilespmem:s16+$0xAD00]  }
0x23b: {  	v12 =	vadd.f32 v15, v12;
	v14 =	vmul.f32 v19, v14;
	v15 =	vld [tilespmem:s10+$0x200]  }
0x23c: {  	v9 =	vadd.f32 v9, v10;
	v8 =	vmul.f32 v8, v16;
	v10 =	vld [tilespmem:s16+$0xAE00]  }
0x23d: {  	v12 =	vadd.f32 v14, v12;
	v13 =	vmul.f32 v13, v16;
	v14 =	vld [tilespmem:s10+$0x300]  }
0x23e: {  	v8 =	vadd.f32 v8, v9;
	v7 =	vmul.f32 v7, v17;
	v9 =	vld [tilespmem:s16+$0xAF00]  }
0x23f: {  	v12 =	vadd.f32 v13, v12;
	v11 =	vmul.f32 v11, v17  }
0x240: {  	v7 =	vadd.f32 v7, v8;
	v6 =	vmul.f32 v6, v15  }
0x241: {  	v8 =	vadd.f32 v11, v12;
	v10 =	vmul.f32 v10, v15  }
0x242: {  	v6 =	vadd.f32 v6, v7;
	v5 =	vmul.f32 v5, v14  }
0x243: {  	v7 =	vadd.f32 v10, v8;
	v8 =	vmul.f32 v9, v14  }
0x244: {  	v5 =	vadd.f32 v5, v6  }
0x245: {  	s6 =	sadd.s32 $0x10, s6;
	v6 =	vadd.f32 v8, v7  }
0x246: {  	s5 =	sadd.s32 $0x10, s5;
	[tilespmem:s6+$0x0] =	vst v5  }
0x247: {  	s12 =	sadd.s32 $0x10, s12;
	[tilespmem:s5+$0x0] =	vst v6  }
0x248: {  	v5 =	vld [tilespmem:s12+$0x300]  }
0x249: {  	v6 =	vld [tilespmem:s12+$0x200]  }
0x24a: {  	v7 =	vld [tilespmem:s12+$0x100]  }
0x24b: {  	v8 =	vld [tilespmem:s12+$0x0]  }
.Ltmp7:
0x24c: {  	v9 =	vld [tilespmem:s12+$0xFFFFFF00];
	(pc) =	sbr.rel @p0 .LBB2_16-.Ltmp7, $4  }
0x24d: {  	v10 =	vld [tilespmem:s12+$0xFFFFFE00]  }
0x24e: {  	v11 =	vld [tilespmem:s12+$0xFFFFFD00]  }
0x24f: {  	s10 =	sadd.s32 $0x10, s10;
	v13 =	vld [tilespmem:s12+$0xFFFFFC00]  }
0x250: {  	s16 =	sand.u32 $0xF0, s13;
	s13 =	sadd.s32 $0x10, s13;
	v12 =	vld [tilespmem:s10+$0xFFFFFC00]  }
0x251: {  	v14 =	vld [tilespmem:s16+$0xA800]  }
0x252: {  	v15 =	vld [tilespmem:s10+$0xFFFFFD00]  }
0x253: {  	v16 =	vld [tilespmem:s16+$0xA900]  }
0x254: {  	v17 =	vld [tilespmem:s10+$0xFFFFFE00]  }
0x255: {  	v18 =	vld [tilespmem:s16+$0xAA00];
	v13 =	vmul.f32 v13, v12  }
0x256: {  	v52 =	vld [tilespmem:s10+$0xFFFFFF00];
	v51 =	vmul.f32 v14, v12  }
0x257: {  	v19 =	vld [tilespmem:s16+$0xAB00];
	v11 =	vmul.f32 v11, v15;
	v13 =	vadd.f32 $0.0e+00, v13  }
0x258: {  	v53 =	vld [tilespmem:s10+$0x0];
	v15 =	vmul.f32 v16, v15;
	v12 =	vadd.f32 $0.0e+00, v51  }
0x259: {  	v54 =	vld [tilespmem:s16+$0xAC00];
	v10 =	vmul.f32 v10, v17;
	v11 =	vadd.f32 v11, v13  }
0x25a: {  	v56 =	vld [tilespmem:s10+$0x100];
	v55 =	vmul.f32 v18, v17;
	v12 =	vadd.f32 v15, v12  }
0x25b: {  	v57 =	vld [tilespmem:s16+$0xAD00];
	v9 =	vmul.f32 v9, v52;
	v10 =	vadd.f32 v10, v11  }
0x25c: {  	v58 =	vld [tilespmem:s10+$0x200];
	v14 =	vmul.f32 v19, v52;
	v12 =	vadd.f32 v55, v12  }
0x25d: {  	v59 =	vld [tilespmem:s16+$0xAE00];
	v8 =	vmul.f32 v8, v53;
	v9 =	vadd.f32 v9, v10  }
0x25e: {  	v60 =	vld [tilespmem:s10+$0x300];
	v13 =	vmul.f32 v54, v53;
	v12 =	vadd.f32 v14, v12  }
0x25f: {  	v61 =	vld [tilespmem:s16+$0xAF00];
	v7 =	vmul.f32 v7, v56;
	v8 =	vadd.f32 v8, v9  }
0x260: {  	v11 =	vmul.f32 v57, v56;
	v12 =	vadd.f32 v13, v12  }
0x261: {  	v6 =	vmul.f32 v6, v58;
	v7 =	vadd.f32 v7, v8  }
0x262: {  	v10 =	vmul.f32 v59, v58;
	v62 =	vadd.f32 v11, v12  }
0x263: {  	v5 =	vmul.f32 v5, v60;
	v6 =	vadd.f32 v6, v7  }
0x264: {  	s6 =	sadd.s32 $0x10, s6;
	s12 =	sor.u32 s0, s30;
	s5 =	sadd.s32 $0x10, s5;
	v63 =	vmul.f32 v61, v60;
	v7 =	vadd.f32 v10, v62  }
0x265: {  	s3 =	simm.s32 $0xB200;
	s30 =	simm.s32 $0xB300;
	s29 =	sadd.s32 $0x1, s29;
	v5 =	vadd.f32 v5, v6  }
0x266: {  	s7 =	sadd.s32 $0x200, s7;
	s8 =	sadd.s32 $0x200, s8;
	p0 =	sne.s32 s29, $0x10;
	v6 =	vadd.f32 v63, v7  }
.Ltmp8:
0x267: {  	s9 =	sadd.s32 $0x200, s9;
	s13 =	sshrl.u32 s12, $0x3;
	[tilespmem:s6+$0x0] =	vst v5;
	(pc) =	sbr.rel @p0 .LBB2_5-.Ltmp8, $4  }
0x268: {  	s11 =	sadd.s32 $0x200, s11;
	s16 =	sadd.s32 s2, s13;
	s17 =	sor.u32 $0x8000, s13;
	[tilespmem:s5+$0x0] =	vst v6  }
0x269: {  	[hbm4b:s16+s18] =	stream.linear.scatter [tilespmem:s3], [sflag:$0x4], $0x100, $0x38;
	[tilespmem:$0x1D400] =	vst v63  }
0x26a: {  	s14 =	sadd.s32 $0x200, s14;
	s28 =	sadd.s32 $0x200, s28;
	s5 =	sadd.s32 s2, s17  }
0x26b: {  	[hbm4b:s5+s18] =	stream.linear.scatter [tilespmem:s30], [sflag:$0x4], $0x100, $0x38;
	[tilespmem:$0x1D400] =	vst v63  }
0x26c: {  	s10 =	simm.s32 $0x3  }
0x26d: {  	_ =	swait.ge [sflag:s10], $0x100  }
0x26e: {  	[sflag:s10] =	ssyncset.done $0x0  }
0x26f: {  	[sflag:s10] =	ssyncadd.s32 $0xFFFFFF00  }
0x270: {  	_ =	swait.ge [sflag:s10], $0x100  }
0x271: {  	[sflag:s10] =	ssyncset.done $0x0  }
0x272: {  	s31 =	sadd.s32 $0x1, s31;
	[sflag:s10] =	ssyncadd.s32 $0xFFFFFF00  }
0x273: {  	p0 =	sne.s32 s31, $0x3;
	_ =	swait.ge [sflag:s22], $0x100  }
.Ltmp9:
0x274: {  	[sflag:s22] =	ssyncset.done $0x0;
	(pc) =	sbr.rel @p0 .LBB2_2-.Ltmp9, $4  }
0x275: {  	[sflag:s22] =	ssyncadd.s32 $0xFFFFFF00  }
0x276: {  	_ =	swait.ge [sflag:s22], $0x100  }
0x277: {  	[sflag:s22] =	ssyncset.done $0x0  }
0x278: {  	[sflag:s22] =	ssyncadd.s32 $0xFFFFFF00  }
.LBB2_19:
0x279: {  	s0 =	sshll.u32 s10, $0x14  }
0x27a: {  	s7 =	rddreg [dreg:$0x9];
	s1 =	sadd.s32 $0xFFD00000, s0  }
0x27b: {  	[bflag:$0x0] =	sbarrier.arrive $0xFFFF;
	s0 =	sor.u32 s1, s7  }
0x27c: {  	s6 =	simm.s32 $0x5;
	s3 =	rddreg [dreg:$0x5];
	s0 =	sshrl.u32 s0, $0x3  }
0x27d: {  	s7 =	simm.s32 $0x1B400;
	s5 =	sadd.s32 s3, s0;
	s0 =	simm.s32 $0x0  }
0x27e: {  	[tilespmem:s7], [sflag:$0x5] =	stream.linear.gather [hbm4b:s5+s0], $0x2000, $0x38;
	[tilespmem:$0x1D400] =	vst v63  }
0x27f: {  	_ =	swait.ge [sflag:s6], $0x2000  }
0x280: {  	[sflag:s6] =	ssyncset.done $0x0  }
0x281: {  	s4 =	rddreg [dreg:$0x16];
	[sflag:s6] =	ssyncadd.s32 $0xFFFFE000  }
0x282: {  	[spmem:s4] =	stream.linear.scatter [tilespmem:s7], [sflag:$0x5], $0x2000, $0x38;
	[tilespmem:$0x1D400] =	vst v63  }
0x283: {  	_ =	swait.ge [sflag:s6], $0x2000  }
0x284: {  	s8 =	rddreg [dreg:$0x15]  }
0x285: {  	s9 =	sor.u32 s1, s8  }
0x286: {  	[sflag:s6] =	ssyncset.done $0x0;
	s5 =	sshrl.u32 s9, $0x3  }
0x287: {  	[sflag:s6] =	ssyncadd.s32 $0xFFFFE000;
	s5 =	sadd.s32 s3, s5  }
0x288: {  	[tilespmem:s7], [sflag:$0x5] =	stream.linear.gather [hbm4b:s5+s0], $0x2000, $0x38;
	[tilespmem:$0x1D400] =	vst v63  }
0x289: {  	_ =	swait.ge [sflag:s6], $0x2000  }
0x28a: {  	[sflag:s6] =	ssyncset.done $0x0  }
0x28b: {  	s11 =	rddreg [dreg:$0x17];
	[sflag:s6] =	ssyncadd.s32 $0xFFFFE000  }
0x28c: {  	[spmem:s11] =	stream.linear.scatter [tilespmem:s7], [sflag:$0x5], $0x2000, $0x38;
	[tilespmem:$0x1D400] =	vst v63  }
0x28d: {  	_ =	swait.ge [sflag:s6], $0x2000  }
0x28e: {  	s12 =	rddreg [dreg:$0x18]  }
0x28f: {  	s13 =	sor.u32 s1, s12  }
0x290: {  	[sflag:s6] =	ssyncset.done $0x0;
	s5 =	sshrl.u32 s13, $0x3  }
0x291: {  	[sflag:s6] =	ssyncadd.s32 $0xFFFFE000;
	s5 =	sadd.s32 s3, s5  }
0x292: {  	[tilespmem:s7], [sflag:$0x5] =	stream.linear.gather [hbm4b:s5+s0], $0x2000, $0x38;
	[tilespmem:$0x1D400] =	vst v63  }
0x293: {  	_ =	swait.ge [sflag:s6], $0x2000  }
0x294: {  	[sflag:s6] =	ssyncset.done $0x0  }
0x295: {  	s14 =	rddreg [dreg:$0x19];
	[sflag:s6] =	ssyncadd.s32 $0xFFFFE000  }
0x296: {  	[spmem:s14] =	stream.linear.scatter [tilespmem:s7], [sflag:$0x5], $0x2000, $0x38;
	[tilespmem:$0x1D400] =	vst v63  }
0x297: {  	_ =	swait.ge [sflag:s6], $0x2000  }
0x298: {  	s16 =	rddreg [dreg:$0x1a]  }
0x299: {  	s17 =	sor.u32 s1, s16  }
0x29a: {  	[sflag:s6] =	ssyncset.done $0x0;
	s5 =	sshrl.u32 s17, $0x3  }
0x29b: {  	[sflag:s6] =	ssyncadd.s32 $0xFFFFE000;
	s5 =	sadd.s32 s3, s5  }
0x29c: {  	[tilespmem:s7], [sflag:$0x5] =	stream.linear.gather [hbm4b:s5+s0], $0x2000, $0x38;
	[tilespmem:$0x1D400] =	vst v63  }
0x29d: {  	_ =	swait.ge [sflag:s6], $0x2000  }
0x29e: {  	[sflag:s6] =	ssyncset.done $0x0  }
0x29f: {  	s28 =	rddreg [dreg:$0x1c];
	[sflag:s6] =	ssyncadd.s32 $0xFFFFE000  }
0x2a0: {  	[spmem:s28] =	stream.linear.scatter [tilespmem:s7], [sflag:$0x5], $0x2000, $0x38;
	[tilespmem:$0x1D400] =	vst v63  }
0x2a1: {  	_ =	swait.ge [sflag:s6], $0x2000  }
0x2a2: {  	s29 =	rddreg [dreg:$0x1b]  }
0x2a3: {  	s30 =	sor.u32 s1, s29  }
0x2a4: {  	[sflag:s6] =	ssyncset.done $0x0;
	s5 =	sshrl.u32 s30, $0x3  }
0x2a5: {  	[sflag:s6] =	ssyncadd.s32 $0xFFFFE000;
	s5 =	sadd.s32 s3, s5  }
0x2a6: {  	[tilespmem:s7], [sflag:$0x5] =	stream.linear.gather [hbm4b:s5+s0], $0x2000, $0x38;
	[tilespmem:$0x1D400] =	vst v63  }
0x2a7: {  	_ =	swait.ge [sflag:s6], $0x2000  }
0x2a8: {  	[sflag:s6] =	ssyncset.done $0x0  }
0x2a9: {  	s31 =	rddreg [dreg:$0x1d];
	[sflag:s6] =	ssyncadd.s32 $0xFFFFE000  }
0x2aa: {  	[spmem:s31] =	stream.linear.scatter [tilespmem:s7], [sflag:$0x5], $0x2000, $0x38;
	[tilespmem:$0x1D400] =	vst v63  }
0x2ab: {  	_ =	swait.ge [sflag:s6], $0x2000  }
0x2ac: {  	s5 =	rddreg [dreg:$0x1e]  }
0x2ad: {  	s8 =	sor.u32 s1, s5  }
0x2ae: {  	[sflag:s6] =	ssyncset.done $0x0;
	s5 =	sshrl.u32 s8, $0x3  }
0x2af: {  	[sflag:s6] =	ssyncadd.s32 $0xFFFFE000;
	s5 =	sadd.s32 s3, s5  }
0x2b0: {  	[tilespmem:s7], [sflag:$0x5] =	stream.linear.gather [hbm4b:s5+s0], $0x2000, $0x38;
	[tilespmem:$0x1D400] =	vst v63  }
0x2b1: {  	_ =	swait.ge [sflag:s6], $0x2000  }
0x2b2: {  	[sflag:s6] =	ssyncset.done $0x0  }
0x2b3: {  	s9 =	rddreg [dreg:$0x1f];
	[sflag:s6] =	ssyncadd.s32 $0xFFFFE000  }
0x2b4: {  	[spmem:s9] =	stream.linear.scatter [tilespmem:s7], [sflag:$0x5], $0x2000, $0x38;
	[tilespmem:$0x1D400] =	vst v63  }
0x2b5: {  	_ =	swait.ge [sflag:s6], $0x2000  }
0x2b6: {  	s11 =	sld [smem:$0x7FA];
	_ =	sdelay $0x2  }
0x2b7: {  	s12 =	sor.u32 s1, s11  }
0x2b8: {  	[sflag:s6] =	ssyncset.done $0x0;
	s5 =	sshrl.u32 s12, $0x3  }
0x2b9: {  	[sflag:s6] =	ssyncadd.s32 $0xFFFFE000;
	s5 =	sadd.s32 s3, s5  }
0x2ba: {  	[tilespmem:s7], [sflag:$0x5] =	stream.linear.gather [hbm4b:s5+s0], $0x2000, $0x38;
	[tilespmem:$0x1D400] =	vst v63  }
0x2bb: {  	_ =	swait.ge [sflag:s6], $0x2000  }
0x2bc: {  	s13 =	sld [smem:$0x7FB]  }
0x2bd: {  	[sflag:s6] =	ssyncset.done $0x0  }
0x2be: {  	[sflag:s6] =	ssyncadd.s32 $0xFFFFE000  }
0x2bf: {  	[spmem:s13] =	stream.linear.scatter [tilespmem:s7], [sflag:$0x5], $0x2000, $0x38;
	[tilespmem:$0x1D400] =	vst v63  }
0x2c0: {  	_ =	swait.ge [sflag:s6], $0x2000  }
0x2c1: {  	s14 =	sld [smem:$0x7FC];
	_ =	sdelay $0x2  }
0x2c2: {  	s1 =	sor.u32 s1, s14  }
0x2c3: {  	[sflag:s6] =	ssyncset.done $0x0;
	s1 =	sshrl.u32 s1, $0x3  }
0x2c4: {  	[sflag:s6] =	ssyncadd.s32 $0xFFFFE000;
	s1 =	sadd.s32 s3, s1  }
0x2c5: {  	[tilespmem:s7], [sflag:$0x5] =	stream.linear.gather [hbm4b:s1+s0], $0x2000, $0x38;
	[tilespmem:$0x1D400] =	vst v63  }
0x2c6: {  	_ =	swait.ge [sflag:s6], $0x2000  }
0x2c7: {  	s16 =	sld [smem:$0x7FD]  }
0x2c8: {  	[sflag:s6] =	ssyncset.done $0x0  }
0x2c9: {  	[sflag:s6] =	ssyncadd.s32 $0xFFFFE000  }
0x2ca: {  	[spmem:s16] =	stream.linear.scatter [tilespmem:s7], [sflag:$0x5], $0x2000, $0x38;
	[tilespmem:$0x1D400] =	vst v63  }
0x2cb: {  	_ =	swait.ge [sflag:s6], $0x2000  }
0x2cc: {  	[sflag:s6] =	ssyncset.done $0x0  }
0x2cd: {  	[sflag:s6] =	ssyncadd.s32 $0xFFFFE000  }
0x2ce: {  	s17 =	simm.s32 $0x2000;
	[bflag:$0x0] =	sbarrier.arrive $0xFFFF  }
0x2cf: {  	v0 =	vld [tilespmem:s17+$0x0]  }
0x2d0: {  	s1 =	simm.s32 $0x4000;
	v1 =	vld [tilespmem:s0+$0x0]  }
0x2d1: {  	v2 =	vld [tilespmem:s1+$0x0];
	_ =	sdelay $0x1  }
0x2d2: {  	s28 =	simm.s32 $0x10  }
0x2d3: {  	s29 =	sshll.u32 s28, s10  }
0x2d4: {  	s5 =	sadd.s32 $0xFFFFFFFF, s29;
	v0 =	vadd.f32 $1.000000000e+00, v0  }
0x2d5: {  	s5 =	scvt.s32.f32 s5;
	v1 =	vadd.f32 $1.000000000e+00, v1;
	v2 =	vadd.f32 $1.000000000e+00, v2  }
0x2d6: {  	v3 =	vmul.f32 $5.000000000e-01, v0  }
0x2d7: {  	v0 =	vmov s5;
	v1 =	vmul.f32 $5.000000000e-01, v1;
	v2 =	vmul.f32 $5.000000000e-01, v2  }
0x2d8: {  	v3 =	vmul.f32 v3, v0  }
0x2d9: {  	v1 =	vmul.f32 v1, v0;
	v2 =	vmul.f32 v2, v0  }
0x2da: {  	v3 =	vadd.f32 $5.000000000e-01, v3  }
0x2db: {  	v1 =	vadd.f32 $5.000000000e-01, v1;
	v2 =	vadd.f32 $5.000000000e-01, v2  }
0x2dc: {  	v4 =	vtrunc.f32 v3  }
0x2dd: {  	v5 =	vtrunc.f32 v1;
	v6 =	vtrunc.f32 v2  }
0x2de: {  	v4 =	vcvt.f32.s32 v4;
	v5 =	vcvt.f32.s32 v5  }
0x2df: {  	v6 =	vcvt.f32.s32 v6  }
0x2e0: {  	v7 =	vcvt.s32.f32 v4;
	v8 =	vcvt.s32.f32 v5  }
0x2e1: {  	v9 =	vcvt.s32.f32 v6  }
0x2e2: {  	v4 =	vmul.u32 $0x9E3779B1, v4;
	v3 =	vsub.f32 v3, v7;
	v1 =	vsub.f32 v1, v8  }
0x2e3: {  	v6 =	vmul.u32 $0x30025795, v6;
	v2 =	vsub.f32 v2, v9  }
0x2e4: {  	v51 =	vxor.u32 v5, v4;
	v8 =	vsub.f32 $1.000000000e+00, v1;
	v52 =	vsub.f32 $1.000000000e+00, v3  }
0x2e5: {  	v10 =	vadd.s32 $0x1, v5;
	v11 =	vxor.u32 v6, v51  }
0x2e6: {  	v11 =	vshll.u32 v11, $0x1;
	v12 =	vsub.f32 $1.000000000e+00, v2;
	v13 =	vmul.f32 v52, v8  }
0x2e7: {  	s5 =	simm.s32 $0x6400;
	v14 =	vxor.u32 v10, v4;
	v11 =	vand.u32 $0xFFFFE, v11  }
0x2e8: {  	s30 =	sand.u32 $0xF0, s0;
	v15 =	vxor.u32 v6, v14;
	v16 =	vor.u32 $0x1, v11;
	[tilespmem:s5+$0xFFFFFC00] =	vst v11;
	v17 =	vmul.f32 v12, v13  }
0x2e9: {  	s31 =	simm.s32 $0x8400;
	v4 =	vadd.s32 $0x9E3779B1, v4;
	v53 =	vshll.u32 v15, $0x1;
	v9 =	vmul.f32 v52, v1;
	[tilespmem:s30+$0x6800] =	vst v16  }
0x2ea: {  	v5 =	vxor.u32 v5, v4;
	v11 =	vand.u32 $0xFFFFE, v53;
	[tilespmem:s31+$0xFFFFFC00] =	vst v17  }
0x2eb: {  	v54 =	vxor.u32 v6, v5;
	v55 =	vmul.f32 v12, v9;
	[tilespmem:s5+$0xFFFFFD00] =	vst v11;
	v11 =	vor.u32 $0x1, v11  }
0x2ec: {  	v15 =	vshll.u32 v54, $0x1;
	v8 =	vmul.f32 v3, v8;
	[tilespmem:s30+$0x6900] =	vst v11  }
0x2ed: {  	v4 =	vxor.u32 v10, v4;
	v56 =	vand.u32 $0xFFFFE, v15;
	[tilespmem:s31+$0xFFFFFD00] =	vst v55  }
0x2ee: {  	v58 =	vxor.u32 v6, v4;
	v10 =	vor.u32 $0x1, v56;
	v57 =	vmul.f32 v12, v8;
	[tilespmem:s5+$0xFFFFFE00] =	vst v56  }
0x2ef: {  	v1 =	vmul.f32 v3, v1;
	v3 =	vshll.u32 v58, $0x1;
	[tilespmem:s30+$0x6A00] =	vst v10  }
0x2f0: {  	v6 =	vadd.s32 $0x30025795, v6;
	v3 =	vand.u32 $0xFFFFE, v3;
	[tilespmem:s31+$0xFFFFFE00] =	vst v57  }
0x2f1: {  	v7 =	vxor.u32 v51, v6;
	v59 =	vmul.f32 v12, v1;
	[tilespmem:s5+$0xFFFFFF00] =	vst v3;
	v3 =	vor.u32 $0x1, v3  }
0x2f2: {  	v7 =	vshll.u32 v7, $0x1;
	[tilespmem:s30+$0x6B00] =	vst v3  }
0x2f3: {  	v3 =	vand.u32 $0xFFFFE, v7;
	[tilespmem:s31+$0xFFFFFF00] =	vst v59  }
0x2f4: {  	v61 =	vxor.u32 v14, v6;
	v60 =	vmul.f32 v13, v2;
	[tilespmem:s5+$0x0] =	vst v3;
	v3 =	vor.u32 $0x1, v3  }
0x2f5: {  	v10 =	vshll.u32 v61, $0x1;
	[tilespmem:s30+$0x6C00] =	vst v3  }
0x2f6: {  	v3 =	vand.u32 $0xFFFFE, v10;
	[tilespmem:s31+$0x0] =	vst v60  }
0x2f7: {  	v5 =	vxor.u32 v6, v5;
	v62 =	vmul.f32 v9, v2;
	[tilespmem:s5+$0x100] =	vst v3;
	v3 =	vor.u32 $0x1, v3  }
0x2f8: {  	v5 =	vshll.u32 v5, $0x1;
	[tilespmem:s30+$0x6D00] =	vst v3  }
0x2f9: {  	v3 =	vand.u32 $0xFFFFE, v5;
	[tilespmem:s31+$0x100] =	vst v62  }
0x2fa: {  	v4 =	vxor.u32 v6, v4;
	v63 =	vmul.f32 v2, v8;
	[tilespmem:s5+$0x200] =	vst v3;
	v3 =	vor.u32 $0x1, v3  }
0x2fb: {  	[tilespmem:s30+$0x6E00] =	vst v3;
	v3 =	vshll.u32 v4, $0x1  }
0x2fc: {  	[tilespmem:s31+$0x200] =	vst v63;
	v3 =	vand.u32 $0xFFFFE, v3  }
0x2fd: {  	v1 =	vmul.f32 v2, v1;
	[tilespmem:s5+$0x300] =	vst v3;
	v2 =	vor.u32 $0x1, v3  }
0x2fe: {  	[tilespmem:s30+$0x6F00] =	vst v2  }
0x2ff: {  	s8 =	simm.s32 $0x8410;
	s7 =	simm.s32 $0x2010;
	s6 =	simm.s32 $0x10;
	[tilespmem:s31+$0x300] =	vst v1  }
.LBB2_20:
0x300: {  	v1 =	vld [tilespmem:s7+$0x0];
	s1 =	sadd.s32 $0x10, s1;
	s0 =	sadd.s32 $0x10, s0;
	s5 =	sadd.s32 $0x10, s5  }
0x301: {  	p0 =	sne.s32 s6, $0xF0;
	s9 =	smov.u32 s6;
	s6 =	sadd.s32 $0x10, s6;
	v2 =	vld [tilespmem:s0+$0x0]  }
0x302: {  	v3 =	vld [tilespmem:s1+$0x0];
	_ =	sdelay $0x2  }
0x303: {  	v1 =	vadd.f32 $1.000000000e+00, v1  }
0x304: {  	v2 =	vadd.f32 $1.000000000e+00, v2  }
0x305: {  	v1 =	vmul.f32 $5.000000000e-01, v1;
	v3 =	vadd.f32 $1.000000000e+00, v3  }
0x306: {  	v2 =	vmul.f32 $5.000000000e-01, v2  }
0x307: {  	v1 =	vmul.f32 v1, v0;
	v3 =	vmul.f32 $5.000000000e-01, v3  }
0x308: {  	v2 =	vmul.f32 v2, v0  }
0x309: {  	v1 =	vadd.f32 $5.000000000e-01, v1;
	v3 =	vmul.f32 v3, v0  }
0x30a: {  	v2 =	vadd.f32 $5.000000000e-01, v2  }
0x30b: {  	v4 =	vtrunc.f32 v1;
	v3 =	vadd.f32 $5.000000000e-01, v3  }
0x30c: {  	v5 =	vtrunc.f32 v2;
	v4 =	vcvt.f32.s32 v4  }
0x30d: {  	v5 =	vcvt.f32.s32 v5;
	v6 =	vtrunc.f32 v3  }
0x30e: {  	v7 =	vcvt.s32.f32 v4;
	v6 =	vcvt.f32.s32 v6;
	v4 =	vmul.u32 $0x9E3779B1, v4  }
0x30f: {  	v8 =	vcvt.s32.f32 v5;
	v9 =	vadd.s32 $0x1, v5  }
0x310: {  	v1 =	vsub.f32 v1, v7;
	v7 =	vcvt.s32.f32 v6;
	v6 =	vmul.u32 $0x30025795, v6  }
0x311: {  	v10 =	vxor.u32 v9, v4;
	v2 =	vsub.f32 v2, v8;
	v8 =	vxor.u32 v5, v4  }
0x312: {  	v3 =	vsub.f32 v3, v7;
	v7 =	vxor.u32 v6, v8;
	v11 =	vxor.u32 v6, v10  }
0x313: {  	v13 =	vsub.f32 $1.000000000e+00, v1;
	v12 =	vsub.f32 $1.000000000e+00, v2;
	v7 =	vshll.u32 v7, $0x1  }
0x314: {  	v4 =	vadd.s32 $0x9E3779B1, v4;
	v11 =	vshll.u32 v11, $0x1;
	v7 =	vand.u32 $0xFFFFE, v7  }
0x315: {  	v14 =	vsub.f32 $1.000000000e+00, v3;
	v15 =	vmul.f32 v13, v12;
	v16 =	vor.u32 $0x1, v7  }
0x316: {  	v5 =	vxor.u32 v5, v4;
	v13 =	vmul.f32 v13, v2;
	v12 =	vmul.f32 v1, v12  }
0x317: {  	s9 =	sand.u32 $0xF0, s9;
	v4 =	vxor.u32 v9, v4;
	v17 =	vmul.f32 v14, v15;
	[tilespmem:s5+$0xFFFFFC00] =	vst v7;
	v7 =	vxor.u32 v6, v5  }
0x318: {  	v9 =	vmul.f32 v14, v13;
	[tilespmem:s9+$0x6800] =	vst v16;
	v7 =	vshll.u32 v7, $0x1;
	v16 =	vmul.f32 v14, v12  }
0x319: {  	v11 =	vand.u32 $0xFFFFE, v11;
	v1 =	vmul.f32 v1, v2;
	[tilespmem:s8+$0xFFFFFC00] =	vst v17;
	v17 =	vxor.u32 v6, v4  }
0x31a: {  	v2 =	vor.u32 $0x1, v11;
	v15 =	vmul.f32 v15, v3;
	[tilespmem:s5+$0xFFFFFD00] =	vst v11;
	v11 =	vshll.u32 v17, $0x1  }
0x31b: {  	v12 =	vmul.f32 v3, v12;
	v6 =	vadd.s32 $0x30025795, v6;
	[tilespmem:s9+$0x6900] =	vst v2;
	v2 =	vmul.f32 v13, v3  }
0x31c: {  	v7 =	vand.u32 $0xFFFFE, v7;
	v8 =	vxor.u32 v8, v6;
	v5 =	vxor.u32 v6, v5;
	[tilespmem:s8+$0xFFFFFD00] =	vst v9  }
0x31d: {  	v8 =	vshll.u32 v8, $0x1;
	v5 =	vshll.u32 v5, $0x1;
	[tilespmem:s5+$0xFFFFFE00] =	vst v7;
	v7 =	vor.u32 $0x1, v7  }
0x31e: {  	v4 =	vxor.u32 v6, v4;
	v3 =	vmul.f32 v3, v1;
	[tilespmem:s9+$0x6A00] =	vst v7;
	v7 =	vxor.u32 v10, v6  }
0x31f: {  	v6 =	vand.u32 $0xFFFFE, v11;
	[tilespmem:s8+$0xFFFFFE00] =	vst v16;
	v7 =	vshll.u32 v7, $0x1  }
0x320: {  	v1 =	vmul.f32 v14, v1;
	[tilespmem:s5+$0xFFFFFF00] =	vst v6;
	v6 =	vor.u32 $0x1, v6  }
0x321: {  	[tilespmem:s9+$0x6B00] =	vst v6  }
0x322: {  	[tilespmem:s8+$0xFFFFFF00] =	vst v1;
	v1 =	vand.u32 $0xFFFFE, v8  }
0x323: {  	[tilespmem:s5+$0x0] =	vst v1;
	v1 =	vor.u32 $0x1, v1  }
0x324: {  	[tilespmem:s9+$0x6C00] =	vst v1  }
0x325: {  	v1 =	vand.u32 $0xFFFFE, v7;
	[tilespmem:s8+$0x0] =	vst v15  }
0x326: {  	[tilespmem:s5+$0x100] =	vst v1;
	v1 =	vor.u32 $0x1, v1  }
0x327: {  	[tilespmem:s9+$0x6D00] =	vst v1  }
0x328: {  	v1 =	vand.u32 $0xFFFFE, v5;
	[tilespmem:s8+$0x100] =	vst v2  }
0x329: {  	[tilespmem:s5+$0x200] =	vst v1;
	v1 =	vor.u32 $0x1, v1  }
.Ltmp10:
0x32a: {  	[tilespmem:s9+$0x6E00] =	vst v1;
	v1 =	vshll.u32 v4, $0x1;
	(pc) =	sbr.rel @p0 .LBB2_20-.Ltmp10, $4  }
0x32b: {  	[tilespmem:s8+$0x200] =	vst v12;
	v1 =	vand.u32 $0xFFFFE, v1  }
0x32c: {  	[tilespmem:s5+$0x300] =	vst v1;
	v1 =	vor.u32 $0x1, v1  }
0x32d: {  	[tilespmem:s9+$0x6F00] =	vst v1  }
0x32e: {  	s7 =	sadd.s32 $0x10, s7;
	[tilespmem:s8+$0x300] =	vst v3;
	s8 =	sadd.s32 $0x10, s8  }
0x32f: {  	[smem:$0x7F8] =	sst s10  }
0x330: {  	[tilespmem:s21], [sflag:$0x1] =	stream.indirect.gather [spmem:s15], $0x1, s20, s19, $0xb8;
	[tilespmem:$0x1D400] =	vst v63  }
0x331: {  	s0 =	sshll.u32 s10, $0x13;
	s1 =	rddreg [dreg:$0x4]  }
0x332: {  	s28 =	simm.s32 $0x0;
	s29 =	simm.s32 $0x100;
	s9 =	simm.s32 $0x200  }
0x333: {  	s11 =	simm.s32 $0x2200;
	s7 =	simm.s32 $0x4200;
	s8 =	simm.s32 $0x0  }
0x334: {  	s31 =	sor.u32 s1, s0;
	s0 =	simm.s32 $0x2100;
	s1 =	simm.s32 $0x4100  }
.LBB2_22:
0x335: {  	v1 =	vmov s29  }
0x336: {  	v2 =	vmov s0;
	_ =	sdelay $0x1  }
0x337: {  	v3 =	vmov s1  }
0x338: {  	s6 =	simm.s32 $0x0  }
0x339: {  	v4 =	vld.idx.msk [tilespmem:v1+s6+$0x0 ss:$0x1], $0xffff  }
0x33a: {  	v5 =	vld.idx.msk [tilespmem:v2+s6+$0x0 ss:$0x1], $0xffff;
	_ =	sdelay $0x1  }
0x33b: {  	v6 =	vld.idx.msk [tilespmem:v3+s6+$0x0 ss:$0x1], $0xffff;
	_ =	sdelay $0x1  }
0x33c: {  	v4 =	vadd.f32 $1.000000000e+00, v4  }
0x33d: {  	v5 =	vadd.f32 $1.000000000e+00, v5  }
0x33e: {  	v4 =	vmul.f32 $5.000000000e-01, v4  }
0x33f: {  	v6 =	vadd.f32 $1.000000000e+00, v6;
	v5 =	vmul.f32 $5.000000000e-01, v5  }
0x340: {  	v4 =	vmul.f32 v4, v0  }
0x341: {  	v6 =	vmul.f32 $5.000000000e-01, v6;
	v5 =	vmul.f32 v5, v0  }
0x342: {  	v4 =	vadd.f32 $5.000000000e-01, v4  }
0x343: {  	v6 =	vmul.f32 v6, v0;
	v5 =	vadd.f32 $5.000000000e-01, v5  }
0x344: {  	v7 =	vtrunc.f32 v4  }
0x345: {  	v6 =	vadd.f32 $5.000000000e-01, v6;
	v8 =	vtrunc.f32 v5;
	v7 =	vcvt.f32.s32 v7  }
0x346: {  	v8 =	vcvt.f32.s32 v8  }
0x347: {  	v9 =	vtrunc.f32 v6;
	v10 =	vcvt.s32.f32 v7  }
0x348: {  	v9 =	vcvt.f32.s32 v9;
	v11 =	vcvt.s32.f32 v8  }
0x349: {  	v12 =	vadd.s32 $0x1, v7;
	v8 =	vmul.u32 $0x9E3779B1, v8;
	v4 =	vsub.f32 v4, v10  }
0x34a: {  	v10 =	vcvt.s32.f32 v9;
	v9 =	vmul.u32 $0x30025795, v9;
	v5 =	vsub.f32 v5, v11  }
0x34b: {  	v11 =	vxor.u32 v7, v8;
	v13 =	vxor.u32 v12, v8;
	v14 =	vsub.f32 $1.000000000e+00, v4  }
0x34c: {  	v15 =	vxor.u32 v9, v11;
	v16 =	vsub.f32 v6, v10;
	v6 =	vsub.f32 $1.000000000e+00, v5  }
0x34d: {  	v10 =	vxor.u32 v9, v13;
	v15 =	vshll.u32 v15, $0x1  }
0x34e: {  	v15 =	vand.u32 $0xFFFFE, v15;
	v17 =	vmul.f32 v6, v14;
	v18 =	vsub.f32 $1.000000000e+00, v16  }
0x34f: {  	s13 =	sand.u32 $0xF0, s28;
	v8 =	vadd.s32 $0x9E3779B1, v8;
	v10 =	vshll.u32 v10, $0x1;
	v19 =	vor.u32 $0x1, v15;
	[tilespmem:s6+$0x7000] =	vst v15  }
0x350: {  	v6 =	vmul.f32 v6, v4;
	v10 =	vand.u32 $0xFFFFE, v10;
	[tilespmem:s13+$0x7800] =	vst v19;
	v59 =	vmul.f32 v18, v17  }
0x351: {  	v60 =	vxor.u32 v7, v8;
	[tilespmem:s6+$0x7100] =	vst v10  }
0x352: {  	v7 =	vxor.u32 v9, v60;
	v20 =	vmul.f32 v18, v6;
	v10 =	vor.u32 $0x1, v10;
	[tilespmem:s6+$0x8800] =	vst v59  }
0x353: {  	v7 =	vshll.u32 v7, $0x1;
	v14 =	vmul.f32 v5, v14;
	[tilespmem:s13+$0x7900] =	vst v10  }
0x354: {  	v8 =	vxor.u32 v12, v8;
	v7 =	vand.u32 $0xFFFFE, v7;
	[tilespmem:s6+$0x8900] =	vst v20  }
0x355: {  	v61 =	vor.u32 $0x1, v7;
	v62 =	vmul.f32 v18, v14;
	v10 =	vxor.u32 v9, v8;
	[tilespmem:s6+$0x7200] =	vst v7  }
0x356: {  	v63 =	vmul.f32 v5, v4;
	v7 =	vshll.u32 v10, $0x1;
	[tilespmem:s13+$0x7A00] =	vst v61  }
0x357: {  	v5 =	vadd.s32 $0x30025795, v9;
	v4 =	vand.u32 $0xFFFFE, v7;
	[tilespmem:s6+$0x8A00] =	vst v62  }
0x358: {  	v9 =	vmul.f32 v18, v63;
	v7 =	vxor.u32 v11, v5;
	[tilespmem:s6+$0x7300] =	vst v4;
	v4 =	vor.u32 $0x1, v4  }
0x359: {  	v8 =	vxor.u32 v5, v8;
	v10 =	vxor.u32 v13, v5;
	v7 =	vshll.u32 v7, $0x1;
	[tilespmem:s13+$0x7B00] =	vst v4  }
0x35a: {  	v4 =	vmul.f32 v6, v16;
	v6 =	vshll.u32 v10, $0x1;
	[tilespmem:s6+$0x8B00] =	vst v9;
	v9 =	vand.u32 $0xFFFFE, v7  }
0x35b: {  	v11 =	vmul.f32 v17, v16;
	v7 =	vand.u32 $0xFFFFE, v6;
	[tilespmem:s6+$0x7400] =	vst v9;
	v6 =	vor.u32 $0x1, v9  }
0x35c: {  	s5 =	sshll.u32 s8, $0x9;
	v10 =	vxor.u32 v5, v60;
	v5 =	vshll.u32 v8, $0x1;
	v8 =	vmul.f32 v16, v14;
	[tilespmem:s13+$0x7C00] =	vst v6  }
0x35d: {  	s10 =	simm.s32 $0x40;
	s12 =	simm.s32 $0x0;
	s14 =	sor.u32 $0x100, s5;
	v10 =	vshll.u32 v10, $0x1;
	v9 =	vor.u32 $0x1, v7;
	v6 =	vmul.f32 v16, v63;
	[tilespmem:s6+$0x8C00] =	vst v11  }
.LBB2_23:
0x35e: {  	p0 =	sne.s32 s10, $0x3C0  }
0x35f: {  	[tilespmem:s6+$0x7500] =	vst v7;
	s12 =	sadd.s32 $0x10, s12;
	s16 =	smov.u32 s10;
	s10 =	sadd.s32 $0x40, s10  }
0x360: {  	[tilespmem:s13+$0x7D00] =	vst v9  }
0x361: {  	[tilespmem:s6+$0x8D00] =	vst v4;
	v4 =	vand.u32 $0xFFFFE, v10  }
0x362: {  	[tilespmem:s6+$0x7600] =	vst v4;
	v4 =	vor.u32 $0x1, v4  }
0x363: {  	[tilespmem:s13+$0x7E00] =	vst v4;
	v4 =	vand.u32 $0xFFFFE, v5  }
0x364: {  	[tilespmem:s6+$0x8E00] =	vst v8;
	v5 =	vor.u32 $0x1, v4  }
0x365: {  	[tilespmem:s6+$0x7700] =	vst v4  }
0x366: {  	[tilespmem:s13+$0x7F00] =	vst v5  }
0x367: {  	[tilespmem:s6+$0x8F00] =	vst v6;
	s6 =	sshra.s32 s16, $0x2  }
0x368: {  	v4 =	vld.idx.msk [tilespmem:v1+s6+$0x0 ss:$0x1], $0xffff  }
0x369: {  	v5 =	vld.idx.msk [tilespmem:v2+s6+$0x0 ss:$0x1], $0xffff  }
0x36a: {  	v6 =	vld.idx.msk [tilespmem:v3+s6+$0x0 ss:$0x1], $0xffff;
	_ =	sdelay $0x3  }
0x36b: {  	v4 =	vadd.f32 $1.000000000e+00, v4  }
0x36c: {  	v5 =	vadd.f32 $1.000000000e+00, v5  }
0x36d: {  	v4 =	vmul.f32 $5.000000000e-01, v4;
	v6 =	vadd.f32 $1.000000000e+00, v6  }
0x36e: {  	v5 =	vmul.f32 $5.000000000e-01, v5  }
0x36f: {  	v4 =	vmul.f32 v4, v0;
	v6 =	vmul.f32 $5.000000000e-01, v6  }
0x370: {  	v5 =	vmul.f32 v5, v0  }
0x371: {  	v4 =	vadd.f32 $5.000000000e-01, v4;
	v6 =	vmul.f32 v6, v0  }
0x372: {  	v5 =	vadd.f32 $5.000000000e-01, v5  }
0x373: {  	v7 =	vtrunc.f32 v4;
	v6 =	vadd.f32 $5.000000000e-01, v6  }
0x374: {  	v7 =	vcvt.f32.s32 v7;
	v8 =	vtrunc.f32 v5  }
0x375: {  	v8 =	vcvt.f32.s32 v8;
	v9 =	vtrunc.f32 v6  }
0x376: {  	v10 =	vcvt.s32.f32 v7;
	v9 =	vcvt.f32.s32 v9  }
0x377: {  	v12 =	vadd.s32 $0x1, v7;
	v11 =	vcvt.s32.f32 v8;
	v8 =	vmul.u32 $0x9E3779B1, v8  }
0x378: {  	v4 =	vsub.f32 v4, v10;
	v10 =	vcvt.s32.f32 v9;
	v9 =	vmul.u32 $0x30025795, v9  }
0x379: {  	v5 =	vsub.f32 v5, v11;
	v11 =	vxor.u32 v7, v8;
	v13 =	vxor.u32 v12, v8  }
0x37a: {  	v14 =	vsub.f32 $1.000000000e+00, v4;
	v15 =	vxor.u32 v9, v11;
	v16 =	vxor.u32 v9, v13  }
0x37b: {  	v17 =	vsub.f32 v6, v10;
	v6 =	vsub.f32 $1.000000000e+00, v5;
	v10 =	vshll.u32 v15, $0x1  }
0x37c: {  	v8 =	vadd.s32 $0x9E3779B1, v8;
	v15 =	vshll.u32 v16, $0x1;
	v10 =	vand.u32 $0xFFFFE, v10  }
0x37d: {  	v16 =	vmul.f32 v6, v14;
	v18 =	vor.u32 $0x1, v10;
	v6 =	vmul.f32 v6, v4  }
0x37e: {  	s13 =	sand.u32 $0xF0, s12;
	v19 =	vsub.f32 $1.000000000e+00, v17;
	v14 =	vmul.f32 v5, v14;
	[tilespmem:s6+$0x7000] =	vst v10;
	v10 =	vxor.u32 v7, v8  }
0x37f: {  	v7 =	vand.u32 $0xFFFFE, v15;
	v8 =	vxor.u32 v12, v8;
	[tilespmem:s13+$0x7800] =	vst v18;
	v15 =	vxor.u32 v9, v10  }
0x380: {  	v12 =	vmul.f32 v19, v16;
	[tilespmem:s6+$0x7100] =	vst v7;
	v7 =	vor.u32 $0x1, v7;
	v15 =	vshll.u32 v15, $0x1  }
0x381: {  	v18 =	vmul.f32 v19, v6;
	v20 =	vxor.u32 v9, v8;
	v15 =	vand.u32 $0xFFFFE, v15  }
0x382: {  	v21 =	vmul.f32 v5, v4;
	v20 =	vshll.u32 v20, $0x1;
	[tilespmem:s6+$0x8800] =	vst v12;
	v12 =	vor.u32 $0x1, v15  }
0x383: {  	v5 =	vadd.s32 $0x30025795, v9;
	v16 =	vmul.f32 v16, v17;
	v4 =	vmul.f32 v6, v17;
	[tilespmem:s13+$0x7900] =	vst v7  }
0x384: {  	v6 =	vxor.u32 v11, v5;
	v8 =	vxor.u32 v5, v8;
	v7 =	vxor.u32 v13, v5;
	[tilespmem:s6+$0x8900] =	vst v18  }
0x385: {  	v9 =	vmul.f32 v19, v14;
	v11 =	vshll.u32 v6, $0x1;
	v6 =	vshll.u32 v7, $0x1;
	[tilespmem:s6+$0x7200] =	vst v15  }
0x386: {  	v7 =	vand.u32 $0xFFFFE, v6;
	v6 =	vxor.u32 v5, v10;
	v5 =	vshll.u32 v8, $0x1;
	[tilespmem:s13+$0x7A00] =	vst v12  }
0x387: {  	v8 =	vand.u32 $0xFFFFE, v20;
	v10 =	vshll.u32 v6, $0x1;
	[tilespmem:s6+$0x8A00] =	vst v9;
	v9 =	vor.u32 $0x1, v7  }
0x388: {  	v12 =	vmul.f32 v19, v21;
	v6 =	vmul.f32 v17, v21;
	[tilespmem:s6+$0x7300] =	vst v8;
	v8 =	vor.u32 $0x1, v8  }
.Ltmp11:
0x389: {  	[tilespmem:s13+$0x7B00] =	vst v8;
	v8 =	vmul.f32 v17, v14;
	(pc) =	sbr.rel @p0 .LBB2_23-.Ltmp11, $4  }
0x38a: {  	v11 =	vand.u32 $0xFFFFE, v11;
	[tilespmem:s6+$0x8B00] =	vst v12  }
0x38b: {  	[tilespmem:s6+$0x7400] =	vst v11;
	v11 =	vor.u32 $0x1, v11  }
0x38c: {  	[tilespmem:s13+$0x7C00] =	vst v11  }
0x38d: {  	[tilespmem:s6+$0x8C00] =	vst v16  }
0x38e: {  	[tilespmem:s6+$0x7500] =	vst v7  }
0x38f: {  	[tilespmem:s13+$0x7D00] =	vst v9  }
0x390: {  	v1 =	vand.u32 $0xFFFFE, v10;
	[tilespmem:s6+$0x8D00] =	vst v4  }
0x391: {  	[tilespmem:s6+$0x7600] =	vst v1;
	v1 =	vor.u32 $0x1, v1  }
0x392: {  	[tilespmem:s13+$0x7E00] =	vst v1  }
0x393: {  	v1 =	vand.u32 $0xFFFFE, v5;
	[tilespmem:s6+$0x8E00] =	vst v8  }
0x394: {  	v2 =	vor.u32 $0x1, v1;
	[tilespmem:s6+$0x7700] =	vst v1  }
0x395: {  	[tilespmem:s13+$0x7F00] =	vst v2  }
0x396: {  	[tilespmem:s6+$0x8F00] =	vst v6  }
0x397: {  	[tilespmem:s25], [sflag:$0x2] =	stream.indirect.gather [spmem:s15], $0x1, s23, s19, $0xb8;
	[tilespmem:$0x1D400] =	vst v63  }
0x398: {  	_ =	swait.ge [sflag:s26], $0x1000  }
0x399: {  	p0 =	seq.s32 s8, $0x0;
	[sflag:s26] =	ssyncset.done $0x0  }
0x39a: {  	s6 =	simm.s32 @!p0 $0x3;
	[sflag:s26] =	ssyncadd.s32 $0xFFFFF000  }
0x39b: {  	_ =	swait.ge @!p0 [sflag:s6], $0x100  }
0x39c: {  	[sflag:s6] =	ssyncset.done @!p0 $0x0  }
0x39d: {  	[sflag:s6] =	ssyncadd.s32 @!p0 $0xFFFFFF00  }
0x39e: {  	_ =	swait.ge @!p0 [sflag:s6], $0x100  }
0x39f: {  	[sflag:s6] =	ssyncset.done @!p0 $0x0  }
0x3a0: {  	s17 =	simm.s32 $0x9400;
	[sflag:s6] =	ssyncadd.s32 @!p0 $0xFFFFFF00  }
0x3a1: {  	v1 =	vld [tilespmem:s17+$0x300]  }
0x3a2: {  	v2 =	vld [tilespmem:s17+$0x200]  }
0x3a3: {  	v3 =	vld [tilespmem:s17+$0x100]  }
0x3a4: {  	v4 =	vld [tilespmem:s17+$0x0]  }
0x3a5: {  	v5 =	vld [tilespmem:s17+$0xFFFFFF00]  }
0x3a6: {  	v6 =	vld [tilespmem:s17+$0xFFFFFE00]  }
0x3a7: {  	v7 =	vld [tilespmem:s17+$0xFFFFFD00]  }
0x3a8: {  	s10 =	simm.s32 $0x0;
	s12 =	simm.s32 $0x8400;
	v8 =	vld [tilespmem:s17+$0xFFFFFC00]  }
0x3a9: {  	s30 =	sand.u32 $0xF0, s10;
	v9 =	vld [tilespmem:s12+$0xFFFFFC00]  }
0x3aa: {  	v10 =	vld [tilespmem:s30+$0x9800]  }
0x3ab: {  	v11 =	vld [tilespmem:s12+$0xFFFFFD00]  }
0x3ac: {  	v12 =	vld [tilespmem:s30+$0x9900]  }
0x3ad: {  	v13 =	vld [tilespmem:s12+$0xFFFFFE00]  }
0x3ae: {  	v14 =	vld [tilespmem:s30+$0x9A00];
	v8 =	vmul.f32 v8, v9  }
0x3af: {  	v9 =	vmul.f32 v10, v9;
	v10 =	vld [tilespmem:s12+$0xFFFFFF00]  }
0x3b0: {  	v15 =	vld [tilespmem:s30+$0x9B00];
	v7 =	vmul.f32 v7, v11;
	v8 =	vadd.f32 $0.0e+00, v8  }
0x3b1: {  	v62 =	vld [tilespmem:s12+$0x0];
	v11 =	vmul.f32 v12, v11;
	v9 =	vadd.f32 $0.0e+00, v9  }
0x3b2: {  	v6 =	vmul.f32 v6, v13;
	v7 =	vadd.f32 v7, v8;
	v8 =	vld [tilespmem:s30+$0x9C00]  }
0x3b3: {  	v63 =	vld [tilespmem:s12+$0x100];
	v9 =	vadd.f32 v11, v9;
	v11 =	vmul.f32 v14, v13  }
0x3b4: {  	v5 =	vmul.f32 v5, v10;
	v6 =	vadd.f32 v6, v7;
	v7 =	vld [tilespmem:s30+$0x9D00]  }
0x3b5: {  	v10 =	vmul.f32 v15, v10;
	v9 =	vadd.f32 v11, v9;
	v11 =	vld [tilespmem:s12+$0x200]  }
0x3b6: {  	v4 =	vmul.f32 v4, v62;
	v5 =	vadd.f32 v5, v6;
	v6 =	vld [tilespmem:s30+$0x9E00]  }
0x3b7: {  	v9 =	vadd.f32 v10, v9;
	v10 =	vld [tilespmem:s12+$0x300];
	v8 =	vmul.f32 v8, v62  }
0x3b8: {  	v3 =	vmul.f32 v3, v63;
	v4 =	vadd.f32 v4, v5;
	v5 =	vld [tilespmem:s30+$0x9F00]  }
0x3b9: {  	v8 =	vadd.f32 v8, v9;
	v7 =	vmul.f32 v7, v63  }
0x3ba: {  	v2 =	vmul.f32 v2, v11;
	v3 =	vadd.f32 v3, v4  }
0x3bb: {  	v4 =	vadd.f32 v7, v8;
	v6 =	vmul.f32 v6, v11  }
0x3bc: {  	v1 =	vmul.f32 v1, v10;
	v2 =	vadd.f32 v2, v3  }
0x3bd: {  	v3 =	vadd.f32 v6, v4;
	v4 =	vmul.f32 v5, v10  }
0x3be: {  	v1 =	vadd.f32 v1, v2  }
0x3bf: {  	s10 =	simm.s32 $0xB000;
	v2 =	vadd.f32 v4, v3  }
0x3c0: {  	s6 =	simm.s32 $0xB100;
	[tilespmem:s10+$0x0] =	vst v1  }
0x3c1: {  	s13 =	simm.s32 $0x9410;
	[tilespmem:s6+$0x0] =	vst v2  }
0x3c2: {  	v1 =	vld [tilespmem:s13+$0x300]  }
0x3c3: {  	v2 =	vld [tilespmem:s13+$0x200]  }
0x3c4: {  	v3 =	vld [tilespmem:s13+$0x100]  }
0x3c5: {  	v4 =	vld [tilespmem:s13+$0x0]  }
0x3c6: {  	v5 =	vld [tilespmem:s13+$0xFFFFFF00]  }
0x3c7: {  	v6 =	vld [tilespmem:s13+$0xFFFFFE00]  }
0x3c8: {  	v7 =	vld [tilespmem:s13+$0xFFFFFD00]  }
0x3c9: {  	s16 =	simm.s32 $0x10;
	s12 =	simm.s32 $0x8410;
	v9 =	vld [tilespmem:s13+$0xFFFFFC00]  }
0x3ca: {  	s17 =	sand.u32 $0xF0, s16;
	s16 =	simm.s32 $0x20;
	v8 =	vld [tilespmem:s12+$0xFFFFFC00]  }
.LBB2_25:
0x3cb: {  	p1 =	sne.s32 s16, $0xF0;
	v10 =	vld [tilespmem:s17+$0x9800]  }
0x3cc: {  	v11 =	vld [tilespmem:s12+$0xFFFFFD00]  }
0x3cd: {  	v12 =	vld [tilespmem:s17+$0x9900]  }
0x3ce: {  	v13 =	vld [tilespmem:s12+$0xFFFFFE00]  }
0x3cf: {  	v9 =	vmul.f32 v9, v8;
	v14 =	vld [tilespmem:s17+$0x9A00]  }
0x3d0: {  	v8 =	vmul.f32 v10, v8;
	v10 =	vld [tilespmem:s12+$0xFFFFFF00]  }
0x3d1: {  	v9 =	vadd.f32 $0.0e+00, v9;
	v7 =	vmul.f32 v7, v11;
	v15 =	vld [tilespmem:s17+$0x9B00]  }
0x3d2: {  	v8 =	vadd.f32 $0.0e+00, v8;
	v11 =	vmul.f32 v12, v11;
	v12 =	vld [tilespmem:s12+$0x0]  }
0x3d3: {  	v7 =	vadd.f32 v7, v9;
	v6 =	vmul.f32 v6, v13;
	v9 =	vld [tilespmem:s17+$0x9C00]  }
0x3d4: {  	v8 =	vadd.f32 v11, v8;
	v11 =	vmul.f32 v14, v13;
	v13 =	vld [tilespmem:s12+$0x100]  }
0x3d5: {  	v6 =	vadd.f32 v6, v7;
	v5 =	vmul.f32 v5, v10;
	v7 =	vld [tilespmem:s17+$0x9D00]  }
0x3d6: {  	v8 =	vadd.f32 v11, v8;
	v10 =	vmul.f32 v15, v10;
	v11 =	vld [tilespmem:s12+$0x200]  }
0x3d7: {  	v5 =	vadd.f32 v5, v6;
	v4 =	vmul.f32 v4, v12;
	v6 =	vld [tilespmem:s17+$0x9E00]  }
0x3d8: {  	v8 =	vadd.f32 v10, v8;
	v9 =	vmul.f32 v9, v12;
	v10 =	vld [tilespmem:s12+$0x300]  }
0x3d9: {  	v4 =	vadd.f32 v4, v5;
	v3 =	vmul.f32 v3, v13;
	v5 =	vld [tilespmem:s17+$0x9F00]  }
0x3da: {  	v8 =	vadd.f32 v9, v8;
	v7 =	vmul.f32 v7, v13  }
0x3db: {  	v3 =	vadd.f32 v3, v4;
	v2 =	vmul.f32 v2, v11  }
0x3dc: {  	v4 =	vadd.f32 v7, v8;
	v6 =	vmul.f32 v6, v11  }
0x3dd: {  	v2 =	vadd.f32 v2, v3;
	v1 =	vmul.f32 v1, v10  }
0x3de: {  	v3 =	vadd.f32 v6, v4;
	v4 =	vmul.f32 v5, v10  }
0x3df: {  	v1 =	vadd.f32 v1, v2  }
0x3e0: {  	s10 =	sadd.s32 $0x10, s10;
	v2 =	vadd.f32 v4, v3  }
0x3e1: {  	s6 =	sadd.s32 $0x10, s6;
	[tilespmem:s10+$0x0] =	vst v1  }
0x3e2: {  	s13 =	sadd.s32 $0x10, s13;
	[tilespmem:s6+$0x0] =	vst v2  }
0x3e3: {  	v1 =	vld [tilespmem:s13+$0x300]  }
0x3e4: {  	v2 =	vld [tilespmem:s13+$0x200]  }
0x3e5: {  	v3 =	vld [tilespmem:s13+$0x100]  }
0x3e6: {  	v4 =	vld [tilespmem:s13+$0x0]  }
.Ltmp12:
0x3e7: {  	v5 =	vld [tilespmem:s13+$0xFFFFFF00];
	(pc) =	sbr.rel @p1 .LBB2_25-.Ltmp12, $4  }
0x3e8: {  	v6 =	vld [tilespmem:s13+$0xFFFFFE00]  }
0x3e9: {  	v7 =	vld [tilespmem:s13+$0xFFFFFD00]  }
0x3ea: {  	s12 =	sadd.s32 $0x10, s12;
	v9 =	vld [tilespmem:s13+$0xFFFFFC00]  }
0x3eb: {  	s17 =	sand.u32 $0xF0, s16;
	s16 =	sadd.s32 $0x10, s16;
	v8 =	vld [tilespmem:s12+$0xFFFFFC00]  }
0x3ec: {  	v10 =	vld [tilespmem:s17+$0x9800]  }
0x3ed: {  	v11 =	vld [tilespmem:s12+$0xFFFFFD00]  }
0x3ee: {  	v12 =	vld [tilespmem:s17+$0x9900]  }
0x3ef: {  	v13 =	vld [tilespmem:s12+$0xFFFFFE00]  }
0x3f0: {  	v14 =	vld [tilespmem:s17+$0x9A00];
	v9 =	vmul.f32 v9, v8  }
0x3f1: {  	v52 =	vld [tilespmem:s12+$0xFFFFFF00];
	v51 =	vmul.f32 v10, v8  }
0x3f2: {  	v15 =	vld [tilespmem:s17+$0x9B00];
	v7 =	vmul.f32 v7, v11;
	v9 =	vadd.f32 $0.0e+00, v9  }
0x3f3: {  	v53 =	vld [tilespmem:s12+$0x0];
	v11 =	vmul.f32 v12, v11;
	v8 =	vadd.f32 $0.0e+00, v51  }
0x3f4: {  	v54 =	vld [tilespmem:s17+$0x9C00];
	v6 =	vmul.f32 v6, v13;
	v7 =	vadd.f32 v7, v9  }
0x3f5: {  	v56 =	vld [tilespmem:s12+$0x100];
	v55 =	vmul.f32 v14, v13;
	v8 =	vadd.f32 v11, v8  }
0x3f6: {  	v57 =	vld [tilespmem:s17+$0x9D00];
	v5 =	vmul.f32 v5, v52;
	v6 =	vadd.f32 v6, v7  }
0x3f7: {  	v58 =	vld [tilespmem:s12+$0x200];
	v10 =	vmul.f32 v15, v52;
	v8 =	vadd.f32 v55, v8  }
0x3f8: {  	v59 =	vld [tilespmem:s17+$0x9E00];
	v4 =	vmul.f32 v4, v53;
	v5 =	vadd.f32 v5, v6  }
0x3f9: {  	v60 =	vld [tilespmem:s12+$0x300];
	v9 =	vmul.f32 v54, v53;
	v8 =	vadd.f32 v10, v8  }
0x3fa: {  	v61 =	vld [tilespmem:s17+$0x9F00];
	v3 =	vmul.f32 v3, v56;
	v4 =	vadd.f32 v4, v5  }
0x3fb: {  	v7 =	vmul.f32 v57, v56;
	v8 =	vadd.f32 v9, v8  }
0x3fc: {  	v2 =	vmul.f32 v2, v58;
	v3 =	vadd.f32 v3, v4  }
0x3fd: {  	v6 =	vmul.f32 v59, v58;
	v62 =	vadd.f32 v7, v8  }
0x3fe: {  	v1 =	vmul.f32 v1, v60;
	v2 =	vadd.f32 v2, v3  }
0x3ff: {  	v63 =	vmul.f32 v61, v60;
	v3 =	vadd.f32 v6, v62  }
0x400: {  	s10 =	sadd.s32 $0x10, s10;
	v1 =	vadd.f32 v1, v2  }
0x401: {  	s5 =	sor.u32 s31, s5;
	s6 =	sadd.s32 $0x10, s6;
	p1 =	sne.s32 s8, $0xF;
	v2 =	vadd.f32 v63, v3  }
.Ltmp13:
0x402: {  	s16 =	simm.s32 $0x0;
	s5 =	sshrl.u32 s5, $0x3;
	[tilespmem:s10+$0x0] =	vst v1;
	(pc) =	sbr.rel @p1 .LBB2_28-.Ltmp13, $4  }
0x403: {  	s3 =	simm.s32 $0xB000;
	s17 =	sadd.s32 s2, s5;
	s5 =	sor.u32 $0x8000, s5;
	[tilespmem:s6+$0x0] =	vst v2  }
0x404: {  	[hbm4b:s17+s16] =	stream.linear.scatter [tilespmem:s3], [sflag:$0x3], $0x100, $0x38;
	[tilespmem:$0x1D400] =	vst v63  }
0x405: {  	s30 =	simm.s32 $0xB100;
	s5 =	sadd.s32 s2, s5  }
0x406: {  	[hbm4b:s5+s16] =	stream.linear.scatter [tilespmem:s30], [sflag:$0x3], $0x100, $0x38;
	[tilespmem:$0x1D400] =	vst v63  }
.Ltmp14:
0x407: {  	(pc) =	sbr.rel .LBB2_31-.Ltmp14, $4  }
0x408: {  	_ = 	snop  }
0x409: {  	_ =	swait.ge [sflag:s24], $0x1000  }
0x40a: {  	[sflag:s24] =	ssyncset.done $0x0  }
0x40b: {  	[sflag:s24] =	ssyncadd.s32 $0xFFFFF000  }
.LBB2_28:
0x40c: {  	s5 =	sadd.s32 $0x0, s9  }
0x40d: {  	s6 =	sadd.s32 $0x0, s11;
	v1 =	vld [tilespmem:s5+$0x0]  }
0x40e: {  	s28 =	sadd.s32 $0x0, s7;
	v2 =	vld [tilespmem:s6+$0x0]  }
0x40f: {  	v3 =	vld [tilespmem:s28+$0x0];
	_ =	sdelay $0x2  }
0x410: {  	v1 =	vadd.f32 $1.000000000e+00, v1  }
0x411: {  	v2 =	vadd.f32 $1.000000000e+00, v2  }
0x412: {  	v3 =	vadd.f32 $1.000000000e+00, v3;
	v1 =	vmul.f32 $5.000000000e-01, v1  }
0x413: {  	v2 =	vmul.f32 $5.000000000e-01, v2  }
0x414: {  	v3 =	vmul.f32 $5.000000000e-01, v3;
	v1 =	vmul.f32 v1, v0  }
0x415: {  	v2 =	vmul.f32 v2, v0  }
0x416: {  	v3 =	vmul.f32 v3, v0;
	v1 =	vadd.f32 $5.000000000e-01, v1  }
0x417: {  	v2 =	vadd.f32 $5.000000000e-01, v2  }
0x418: {  	v3 =	vadd.f32 $5.000000000e-01, v3;
	v4 =	vtrunc.f32 v1  }
0x419: {  	v9 =	vcvt.f32.s32 v4;
	v4 =	vtrunc.f32 v2  }
0x41a: {  	v5 =	vtrunc.f32 v3;
	v4 =	vcvt.f32.s32 v4  }
0x41b: {  	v5 =	vcvt.f32.s32 v5  }
0x41c: {  	v6 =	vcvt.s32.f32 v9;
	v8 =	vcvt.s32.f32 v4;
	v10 =	vmul.u32 $0x9E3779B1, v4  }
0x41d: {  	v12 =	vcvt.s32.f32 v5;
	v11 =	vadd.s32 $0x1, v9;
	v7 =	vmul.u32 $0x30025795, v5  }
0x41e: {  	v4 =	vsub.f32 v1, v6;
	v5 =	vsub.f32 v2, v8;
	v6 =	vxor.u32 v9, v10  }
0x41f: {  	v1 =	vsub.f32 v3, v12;
	v3 =	vxor.u32 v11, v10;
	v2 =	vxor.u32 v7, v6  }
0x420: {  	s20 =	smov.u32 s15;
	s18 =	simm.s32 $0x0;
	s12 =	simm.s32 $0x10;
	v12 =	vsub.f32 $1.000000000e+00, v4;
	v8 =	vxor.u32 v7, v3;
	v15 =	vsub.f32 $1.000000000e+00, v5  }
0x421: {  	s19 =	sadd.s32 $0x10, s9;
	s21 =	sadd.s32 $0x10, s11;
	s23 =	sadd.s32 $0x10, s7;
	v13 =	vadd.s32 $0x9E3779B1, v10;
	v2 =	vshll.u32 v2, $0x1;
	v14 =	vshll.u32 v8, $0x1  }
0x422: {  	s26 =	simm.s32 $0xC0;
	s10 =	simm.s32 $0x20;
	s13 =	sadd.s32 $0x20, s9;
	v8 =	vsub.f32 $1.000000000e+00, v1;
	v2 =	vand.u32 $0xFFFFE, v2;
	v10 =	vmul.f32 v15, v12  }
0x423: {  	s30 =	sand.u32 $0xF0, s16;
	s16 =	sadd.s32 $0x20, s11;
	s17 =	sadd.s32 $0x20, s7;
	v9 =	vxor.u32 v9, v13;
	[tilespmem:s18+$0x6000] =	vst v2;
	v16 =	vor.u32 $0x1, v2;
	v2 =	vmul.f32 v15, v4  }
0x424: {  	s25 =	simm.s32 $0x20;
	s6 =	simm.s32 $0x10;
	s5 =	simm.s32 $0x20;
	v14 =	vand.u32 $0xFFFFE, v14;
	v12 =	vmul.f32 v5, v12;
	[tilespmem:s30+$0x6800] =	vst v16;
	v15 =	vmul.f32 v8, v10  }
.LBB2_29:
0x425: {  	p1 =	sne.s32 s26, $0x3C0  }
0x426: {  	s10 =	sadd.s32 $0x10, s10;
	v16 =	vadd.s32 $0x30025795, v7;
	[tilespmem:s18+$0x6100] =	vst v14;
	v17 =	vxor.u32 v7, v9;
	v11 =	vxor.u32 v11, v13;
	s28 =	smov.u32 s26;
	s26 =	sadd.s32 $0x40, s26  }
0x427: {  	v13 =	vmul.f32 v8, v2;
	v14 =	vor.u32 $0x1, v14;
	[tilespmem:s18+$0x8000] =	vst v15;
	v15 =	vxor.u32 v16, v11  }
0x428: {  	v7 =	vxor.u32 v7, v11;
	[tilespmem:s30+$0x6900] =	vst v14;
	v14 =	vshll.u32 v17, $0x1;
	v17 =	vmul.f32 v8, v12  }
0x429: {  	v6 =	vxor.u32 v6, v16;
	v7 =	vshll.u32 v7, $0x1;
	[tilespmem:s18+$0x8100] =	vst v13;
	v11 =	vand.u32 $0xFFFFE, v14  }
0x42a: {  	v4 =	vmul.f32 v5, v4;
	v5 =	vshll.u32 v6, $0x1;
	[tilespmem:s18+$0x6200] =	vst v11;
	v11 =	vor.u32 $0x1, v11  }
0x42b: {  	v3 =	vxor.u32 v3, v16;
	v6 =	vmul.f32 v10, v1;
	v10 =	vmul.f32 v1, v12;
	[tilespmem:s30+$0x6A00] =	vst v11  }
0x42c: {  	s28 =	sshra.s32 s28, $0x2;
	v3 =	vshll.u32 v3, $0x1;
	v7 =	vand.u32 $0xFFFFE, v7;
	v11 =	vmul.f32 v1, v4;
	[tilespmem:s18+$0x8200] =	vst v17  }
0x42d: {  	s3 =	sadd.s32 s28, s9;
	s15 =	sadd.s32 s28, s11;
	v4 =	vmul.f32 v8, v4;
	[tilespmem:s18+$0x6300] =	vst v7;
	v7 =	vor.u32 $0x1, v7  }
0x42e: {  	[tilespmem:s30+$0x6B00] =	vst v7  }
0x42f: {  	s4 =	sadd.s32 s28, s7;
	v7 =	vshll.u32 v15, $0x1;
	[tilespmem:s18+$0x8300] =	vst v4;
	v4 =	vand.u32 $0xFFFFE, v5;
	v5 =	vxor.u32 v16, v9  }
0x430: {  	v7 =	vand.u32 $0xFFFFE, v7;
	[tilespmem:s18+$0x6400] =	vst v4;
	v4 =	vor.u32 $0x1, v4;
	v5 =	vshll.u32 v5, $0x1  }
0x431: {  	[tilespmem:s30+$0x6C00] =	vst v4;
	v4 =	vand.u32 $0xFFFFE, v5;
	v5 =	vor.u32 $0x1, v7  }
0x432: {  	v3 =	vand.u32 $0xFFFFE, v3;
	[tilespmem:s18+$0x8400] =	vst v6;
	v6 =	vor.u32 $0x1, v4  }
0x433: {  	v1 =	vmul.f32 v2, v1;
	v2 =	vor.u32 $0x1, v3;
	[tilespmem:s18+$0x6500] =	vst v3  }
0x434: {  	[tilespmem:s30+$0x6D00] =	vst v2  }
0x435: {  	[tilespmem:s18+$0x8500] =	vst v1  }
0x436: {  	[tilespmem:s18+$0x6600] =	vst v4  }
0x437: {  	[tilespmem:s30+$0x6E00] =	vst v6  }
0x438: {  	[tilespmem:s18+$0x8600] =	vst v10  }
0x439: {  	[tilespmem:s18+$0x6700] =	vst v7  }
0x43a: {  	[tilespmem:s30+$0x6F00] =	vst v5  }
0x43b: {  	[tilespmem:s18+$0x8700] =	vst v11;
	s18 =	smov.u32 s6;
	s6 =	smov.u32 s5;
	s5 =	smov.u32 s28  }
0x43c: {  	v1 =	vld [tilespmem:s19+$0x0];
	s19 =	smov.u32 s13;
	s13 =	smov.u32 s3  }
0x43d: {  	v2 =	vld [tilespmem:s21+$0x0];
	s21 =	smov.u32 s16;
	s16 =	smov.u32 s15  }
0x43e: {  	v3 =	vld [tilespmem:s23+$0x0];
	s23 =	smov.u32 s17;
	s17 =	smov.u32 s4;
	_ =	sdelay $0x2  }
0x43f: {  	v1 =	vadd.f32 $1.000000000e+00, v1  }
0x440: {  	v2 =	vadd.f32 $1.000000000e+00, v2  }
0x441: {  	v1 =	vmul.f32 $5.000000000e-01, v1;
	v3 =	vadd.f32 $1.000000000e+00, v3  }
0x442: {  	v2 =	vmul.f32 $5.000000000e-01, v2  }
0x443: {  	v1 =	vmul.f32 v1, v0;
	v3 =	vmul.f32 $5.000000000e-01, v3  }
0x444: {  	v2 =	vmul.f32 v2, v0  }
0x445: {  	v1 =	vadd.f32 $5.000000000e-01, v1;
	v3 =	vmul.f32 v3, v0  }
0x446: {  	v2 =	vadd.f32 $5.000000000e-01, v2  }
0x447: {  	v4 =	vtrunc.f32 v1;
	v3 =	vadd.f32 $5.000000000e-01, v3  }
0x448: {  	v9 =	vcvt.f32.s32 v4;
	v4 =	vtrunc.f32 v2  }
0x449: {  	v4 =	vcvt.f32.s32 v4;
	v5 =	vtrunc.f32 v3  }
0x44a: {  	v6 =	vcvt.s32.f32 v9;
	v5 =	vcvt.f32.s32 v5  }
0x44b: {  	v8 =	vcvt.s32.f32 v4;
	v10 =	vmul.u32 $0x9E3779B1, v4  }
0x44c: {  	v11 =	vadd.s32 $0x1, v9;
	v12 =	vcvt.s32.f32 v5;
	v7 =	vmul.u32 $0x30025795, v5  }
0x44d: {  	v4 =	vsub.f32 v1, v6;
	v5 =	vsub.f32 v2, v8;
	v6 =	vxor.u32 v9, v10  }
0x44e: {  	v1 =	vsub.f32 v3, v12;
	v2 =	vxor.u32 v7, v6;
	v3 =	vxor.u32 v11, v10  }
.Ltmp15:
0x44f: {  	v12 =	vsub.f32 $1.000000000e+00, v4;
	v15 =	vsub.f32 $1.000000000e+00, v5;
	v8 =	vxor.u32 v7, v3;
	(pc) =	sbr.rel @p1 .LBB2_29-.Ltmp15, $4  }
0x450: {  	v13 =	vadd.s32 $0x9E3779B1, v10;
	v2 =	vshll.u32 v2, $0x1;
	v14 =	vshll.u32 v8, $0x1  }
0x451: {  	v8 =	vsub.f32 $1.000000000e+00, v1;
	v2 =	vand.u32 $0xFFFFE, v2;
	v10 =	vmul.f32 v15, v12  }
0x452: {  	s30 =	sand.u32 $0xF0, s12;
	s12 =	smov.u32 s25;
	s25 =	smov.u32 s10;
	v16 =	vor.u32 $0x1, v2;
	v14 =	vand.u32 $0xFFFFE, v14;
	[tilespmem:s18+$0x6000] =	vst v2;
	v2 =	vmul.f32 v15, v4  }
0x453: {  	v9 =	vxor.u32 v9, v13;
	v12 =	vmul.f32 v5, v12;
	v15 =	vmul.f32 v8, v10;
	[tilespmem:s30+$0x6800] =	vst v16  }
0x454: {  	[tilespmem:s18+$0x6100] =	vst v14  }
0x455: {  	v16 =	vxor.u32 v7, v9;
	v36 =	vmul.f32 v8, v2;
	v37 =	vor.u32 $0x1, v14;
	[tilespmem:s18+$0x8000] =	vst v15  }
0x456: {  	v38 =	vshll.u32 v16, $0x1;
	[tilespmem:s30+$0x6900] =	vst v37  }
0x457: {  	v11 =	vxor.u32 v11, v13;
	v39 =	vand.u32 $0xFFFFE, v38;
	[tilespmem:s18+$0x8100] =	vst v36  }
0x458: {  	v40 =	vmul.f32 v8, v12;
	v41 =	vxor.u32 v7, v11;
	[tilespmem:s18+$0x6200] =	vst v39;
	v13 =	vor.u32 $0x1, v39  }
0x459: {  	v4 =	vmul.f32 v5, v4;
	v15 =	vshll.u32 v41, $0x1;
	[tilespmem:s30+$0x6A00] =	vst v13  }
0x45a: {  	v42 =	vadd.s32 $0x30025795, v7;
	v43 =	vand.u32 $0xFFFFE, v15;
	[tilespmem:s18+$0x8200] =	vst v40  }
0x45b: {  	v6 =	vxor.u32 v6, v42;
	v44 =	vmul.f32 v8, v4;
	v7 =	vor.u32 $0x1, v43;
	[tilespmem:s18+$0x6300] =	vst v43  }
0x45c: {  	v6 =	vshll.u32 v6, $0x1;
	[tilespmem:s30+$0x6B00] =	vst v7  }
0x45d: {  	v6 =	vand.u32 $0xFFFFE, v6;
	[tilespmem:s18+$0x8300] =	vst v44  }
0x45e: {  	v45 =	vmul.f32 v10, v1;
	v3 =	vxor.u32 v3, v42;
	[tilespmem:s18+$0x6400] =	vst v6;
	v6 =	vor.u32 $0x1, v6  }
0x45f: {  	v3 =	vshll.u32 v3, $0x1;
	[tilespmem:s30+$0x6C00] =	vst v6  }
0x460: {  	v3 =	vand.u32 $0xFFFFE, v3;
	[tilespmem:s18+$0x8400] =	vst v45  }
0x461: {  	v2 =	vmul.f32 v2, v1;
	v46 =	vxor.u32 v42, v9;
	[tilespmem:s18+$0x6500] =	vst v3;
	v3 =	vor.u32 $0x1, v3  }
0x462: {  	v6 =	vshll.u32 v46, $0x1;
	[tilespmem:s30+$0x6D00] =	vst v3  }
0x463: {  	v3 =	vand.u32 $0xFFFFE, v6;
	[tilespmem:s18+$0x8500] =	vst v2  }
0x464: {  	v47 =	vmul.f32 v1, v12;
	v2 =	vxor.u32 v42, v11;
	v6 =	vor.u32 $0x1, v3;
	[tilespmem:s18+$0x6600] =	vst v3  }
0x465: {  	v2 =	vshll.u32 v2, $0x1;
	[tilespmem:s30+$0x6E00] =	vst v6  }
0x466: {  	v2 =	vand.u32 $0xFFFFE, v2;
	[tilespmem:s18+$0x8600] =	vst v47  }
0x467: {  	v1 =	vmul.f32 v1, v4;
	v3 =	vor.u32 $0x1, v2;
	[tilespmem:s18+$0x6700] =	vst v2  }
0x468: {  	[tilespmem:s30+$0x6F00] =	vst v3  }
0x469: {  	[tilespmem:s18+$0x8700] =	vst v1  }
0x46a: {  	v1 =	vld [tilespmem:s19+$0x0]  }
0x46b: {  	v2 =	vld [tilespmem:s21+$0x0]  }
0x46c: {  	v3 =	vld [tilespmem:s23+$0x0];
	_ =	sdelay $0x3  }
0x46d: {  	v1 =	vadd.f32 $1.000000000e+00, v1  }
0x46e: {  	v2 =	vadd.f32 $1.000000000e+00, v2;
	v3 =	vadd.f32 $1.000000000e+00, v3  }
0x46f: {  	v1 =	vmul.f32 $5.000000000e-01, v1  }
0x470: {  	v2 =	vmul.f32 $5.000000000e-01, v2;
	v3 =	vmul.f32 $5.000000000e-01, v3  }
0x471: {  	v1 =	vmul.f32 v1, v0  }
0x472: {  	v2 =	vmul.f32 v2, v0;
	v3 =	vmul.f32 v3, v0  }
0x473: {  	v1 =	vadd.f32 $5.000000000e-01, v1  }
0x474: {  	v2 =	vadd.f32 $5.000000000e-01, v2;
	v3 =	vadd.f32 $5.000000000e-01, v3  }
0x475: {  	v48 =	vtrunc.f32 v1  }
0x476: {  	v49 =	vtrunc.f32 v2;
	v50 =	vtrunc.f32 v3  }
0x477: {  	v4 =	vcvt.f32.s32 v48;
	v5 =	vcvt.f32.s32 v49  }
0x478: {  	v6 =	vcvt.f32.s32 v50  }
0x479: {  	v51 =	vcvt.s32.f32 v4;
	v52 =	vcvt.s32.f32 v5  }
0x47a: {  	v5 =	vmul.u32 $0x9E3779B1, v5;
	v53 =	vcvt.s32.f32 v6;
	v6 =	vmul.u32 $0x30025795, v6  }
0x47b: {  	v55 =	vadd.s32 $0x1, v4;
	v1 =	vsub.f32 v1, v51;
	v2 =	vsub.f32 v2, v52  }
0x47c: {  	v54 =	vxor.u32 v4, v5;
	v3 =	vsub.f32 v3, v53;
	v57 =	vxor.u32 v55, v5  }
0x47d: {  	v56 =	vxor.u32 v6, v54;
	v58 =	vsub.f32 $1.000000000e+00, v1;
	v59 =	vsub.f32 $1.000000000e+00, v2  }
0x47e: {  	v60 =	vxor.u32 v6, v57;
	v9 =	vshll.u32 v56, $0x1  }
0x47f: {  	v61 =	vsub.f32 $1.000000000e+00, v3;
	v9 =	vand.u32 $0xFFFFE, v9;
	v62 =	vmul.f32 v59, v58  }
0x480: {  	s3 =	sand.u32 $0xF0, s12;
	v5 =	vadd.s32 $0x9E3779B1, v5;
	v13 =	vshll.u32 v60, $0x1;
	[tilespmem:s6+$0x6000] =	vst v9;
	v9 =	vor.u32 $0x1, v9  }
0x481: {  	v13 =	vand.u32 $0xFFFFE, v13;
	v12 =	vmul.f32 v59, v1;
	[tilespmem:s3+$0x6800] =	vst v9;
	v63 =	vmul.f32 v61, v62  }
0x482: {  	v4 =	vxor.u32 v4, v5;
	[tilespmem:s6+$0x6100] =	vst v13  }
0x483: {  	v20 =	vxor.u32 v6, v4;
	v21 =	vmul.f32 v61, v12;
	v13 =	vor.u32 $0x1, v13;
	[tilespmem:s6+$0x8000] =	vst v63  }
0x484: {  	v11 =	vmul.f32 v2, v58;
	v9 =	vshll.u32 v20, $0x1;
	[tilespmem:s3+$0x6900] =	vst v13  }
0x485: {  	v5 =	vxor.u32 v55, v5;
	v22 =	vand.u32 $0xFFFFE, v9;
	[tilespmem:s6+$0x8100] =	vst v21  }
0x486: {  	v24 =	vxor.u32 v6, v5;
	v23 =	vmul.f32 v61, v11;
	v8 =	vor.u32 $0x1, v22;
	[tilespmem:s6+$0x6200] =	vst v22  }
0x487: {  	v1 =	vmul.f32 v2, v1;
	v13 =	vshll.u32 v24, $0x1;
	[tilespmem:s3+$0x6A00] =	vst v8  }
0x488: {  	v2 =	vadd.s32 $0x30025795, v6;
	v25 =	vand.u32 $0xFFFFE, v13;
	[tilespmem:s6+$0x8200] =	vst v23  }
0x489: {  	v7 =	vxor.u32 v54, v2;
	v26 =	vmul.f32 v61, v1;
	v6 =	vor.u32 $0x1, v25;
	[tilespmem:s6+$0x6300] =	vst v25  }
0x48a: {  	v7 =	vshll.u32 v7, $0x1;
	[tilespmem:s3+$0x6B00] =	vst v6  }
0x48b: {  	v27 =	vand.u32 $0xFFFFE, v7;
	[tilespmem:s6+$0x8300] =	vst v26  }
0x48c: {  	v29 =	vxor.u32 v57, v2;
	v28 =	vmul.f32 v62, v3;
	v6 =	vor.u32 $0x1, v27;
	[tilespmem:s6+$0x6400] =	vst v27  }
0x48d: {  	v8 =	vshll.u32 v29, $0x1;
	[tilespmem:s3+$0x6C00] =	vst v6  }
0x48e: {  	v30 =	vand.u32 $0xFFFFE, v8;
	[tilespmem:s6+$0x8400] =	vst v28  }
0x48f: {  	v4 =	vxor.u32 v2, v4;
	v31 =	vmul.f32 v12, v3;
	v6 =	vor.u32 $0x1, v30;
	[tilespmem:s6+$0x6500] =	vst v30  }
0x490: {  	v4 =	vshll.u32 v4, $0x1;
	[tilespmem:s3+$0x6D00] =	vst v6  }
0x491: {  	v4 =	vand.u32 $0xFFFFE, v4;
	[tilespmem:s6+$0x8500] =	vst v31  }
0x492: {  	v2 =	vxor.u32 v2, v5;
	v32 =	vmul.f32 v3, v11;
	v33 =	vor.u32 $0x1, v4;
	[tilespmem:s6+$0x6600] =	vst v4  }
0x493: {  	v2 =	vshll.u32 v2, $0x1;
	[tilespmem:s3+$0x6E00] =	vst v33  }
0x494: {  	v2 =	vand.u32 $0xFFFFE, v2;
	[tilespmem:s6+$0x8600] =	vst v32  }
0x495: {  	v1 =	vmul.f32 v3, v1;
	v3 =	vor.u32 $0x1, v2;
	[tilespmem:s6+$0x6700] =	vst v2  }
0x496: {  	[tilespmem:s3+$0x6F00] =	vst v3  }
0x497: {  	[tilespmem:s6+$0x8700] =	vst v1  }
0x498: {  	v1 =	vld [tilespmem:s13+$0x0]  }
0x499: {  	v2 =	vld [tilespmem:s16+$0x0]  }
0x49a: {  	v3 =	vld [tilespmem:s17+$0x0];
	_ =	sdelay $0x3  }
0x49b: {  	v1 =	vadd.f32 $1.000000000e+00, v1  }
0x49c: {  	v2 =	vadd.f32 $1.000000000e+00, v2;
	v3 =	vadd.f32 $1.000000000e+00, v3  }
0x49d: {  	v1 =	vmul.f32 $5.000000000e-01, v1  }
0x49e: {  	v2 =	vmul.f32 $5.000000000e-01, v2;
	v3 =	vmul.f32 $5.000000000e-01, v3  }
0x49f: {  	v1 =	vmul.f32 v1, v0  }
0x4a0: {  	v2 =	vmul.f32 v2, v0;
	v3 =	vmul.f32 v3, v0  }
0x4a1: {  	v1 =	vadd.f32 $5.000000000e-01, v1  }
0x4a2: {  	v2 =	vadd.f32 $5.000000000e-01, v2;
	v3 =	vadd.f32 $5.000000000e-01, v3  }
0x4a3: {  	v34 =	vtrunc.f32 v1  }
0x4a4: {  	v35 =	vtrunc.f32 v2;
	v36 =	vtrunc.f32 v3  }
0x4a5: {  	v4 =	vcvt.f32.s32 v34;
	v5 =	vcvt.f32.s32 v35  }
0x4a6: {  	v6 =	vcvt.f32.s32 v36  }
0x4a7: {  	v37 =	vcvt.s32.f32 v4;
	v38 =	vcvt.s32.f32 v5  }
0x4a8: {  	v5 =	vmul.u32 $0x9E3779B1, v5;
	v39 =	vcvt.s32.f32 v6;
	v6 =	vmul.u32 $0x30025795, v6  }
0x4a9: {  	v41 =	vadd.s32 $0x1, v4;
	v1 =	vsub.f32 v1, v37;
	v2 =	vsub.f32 v2, v38  }
0x4aa: {  	v40 =	vxor.u32 v4, v5;
	v3 =	vsub.f32 v3, v39;
	v43 =	vxor.u32 v41, v5  }
0x4ab: {  	v42 =	vxor.u32 v6, v40;
	v44 =	vsub.f32 $1.000000000e+00, v1;
	v45 =	vsub.f32 $1.000000000e+00, v2  }
0x4ac: {  	v46 =	vxor.u32 v6, v43;
	v9 =	vshll.u32 v42, $0x1  }
0x4ad: {  	v47 =	vsub.f32 $1.000000000e+00, v3;
	v9 =	vand.u32 $0xFFFFE, v9;
	v48 =	vmul.f32 v45, v44  }
0x4ae: {  	s30 =	sand.u32 $0xF0, s25;
	v5 =	vadd.s32 $0x9E3779B1, v5;
	v13 =	vshll.u32 v46, $0x1;
	[tilespmem:s5+$0x6000] =	vst v9;
	v9 =	vor.u32 $0x1, v9  }
0x4af: {  	v13 =	vand.u32 $0xFFFFE, v13;
	v12 =	vmul.f32 v45, v1;
	[tilespmem:s30+$0x6800] =	vst v9;
	v49 =	vmul.f32 v47, v48  }
0x4b0: {  	v4 =	vxor.u32 v4, v5;
	[tilespmem:s5+$0x6100] =	vst v13  }
0x4b1: {  	v50 =	vxor.u32 v6, v4;
	v51 =	vmul.f32 v47, v12;
	v13 =	vor.u32 $0x1, v13;
	[tilespmem:s5+$0x8000] =	vst v49  }
0x4b2: {  	v11 =	vmul.f32 v2, v44;
	v9 =	vshll.u32 v50, $0x1;
	[tilespmem:s30+$0x6900] =	vst v13  }
0x4b3: {  	v5 =	vxor.u32 v41, v5;
	v52 =	vand.u32 $0xFFFFE, v9;
	[tilespmem:s5+$0x8100] =	vst v51  }
0x4b4: {  	v54 =	vxor.u32 v6, v5;
	v53 =	vmul.f32 v47, v11;
	v8 =	vor.u32 $0x1, v52;
	[tilespmem:s5+$0x6200] =	vst v52  }
0x4b5: {  	v1 =	vmul.f32 v2, v1;
	v13 =	vshll.u32 v54, $0x1;
	[tilespmem:s30+$0x6A00] =	vst v8  }
0x4b6: {  	v2 =	vadd.s32 $0x30025795, v6;
	v55 =	vand.u32 $0xFFFFE, v13;
	[tilespmem:s5+$0x8200] =	vst v53  }
0x4b7: {  	v7 =	vxor.u32 v40, v2;
	v56 =	vmul.f32 v47, v1;
	v6 =	vor.u32 $0x1, v55;
	[tilespmem:s5+$0x6300] =	vst v55  }
0x4b8: {  	v7 =	vshll.u32 v7, $0x1;
	[tilespmem:s30+$0x6B00] =	vst v6  }
0x4b9: {  	v57 =	vand.u32 $0xFFFFE, v7;
	[tilespmem:s5+$0x8300] =	vst v56  }
0x4ba: {  	v59 =	vxor.u32 v43, v2;
	v58 =	vmul.f32 v48, v3;
	v6 =	vor.u32 $0x1, v57;
	[tilespmem:s5+$0x6400] =	vst v57  }
0x4bb: {  	v8 =	vshll.u32 v59, $0x1;
	[tilespmem:s30+$0x6C00] =	vst v6  }
0x4bc: {  	v60 =	vand.u32 $0xFFFFE, v8;
	[tilespmem:s5+$0x8400] =	vst v58  }
0x4bd: {  	v4 =	vxor.u32 v2, v4;
	v61 =	vmul.f32 v12, v3;
	v6 =	vor.u32 $0x1, v60;
	[tilespmem:s5+$0x6500] =	vst v60  }
0x4be: {  	v4 =	vshll.u32 v4, $0x1;
	[tilespmem:s30+$0x6D00] =	vst v6  }
0x4bf: {  	v4 =	vand.u32 $0xFFFFE, v4;
	[tilespmem:s5+$0x8500] =	vst v61  }
0x4c0: {  	v2 =	vxor.u32 v2, v5;
	v62 =	vmul.f32 v3, v11;
	v63 =	vor.u32 $0x1, v4;
	[tilespmem:s5+$0x6600] =	vst v4  }
0x4c1: {  	v2 =	vshll.u32 v2, $0x1;
	[tilespmem:s30+$0x6E00] =	vst v63  }
0x4c2: {  	v2 =	vand.u32 $0xFFFFE, v2;
	[tilespmem:s5+$0x8600] =	vst v62  }
0x4c3: {  	v1 =	vmul.f32 v3, v1;
	v3 =	vor.u32 $0x1, v2;
	[tilespmem:s5+$0x6700] =	vst v2  }
0x4c4: {  	s15 =	smov.u32 s20;
	s20 =	simm.s32 $0x6000;
	[tilespmem:s30+$0x6F00] =	vst v3  }
.Ltmp16:
0x4c5: {  	s19 =	simm.s32 $0x1000;
	s21 =	simm.s32 $0x9000;
	[tilespmem:s5+$0x8700] =	vst v1;
	(pc) =	sbr.rel @p0 .LBB2_32-.Ltmp16, $4  }
0x4c6: {  	[tilespmem:s21], [sflag:$0x1] =	stream.indirect.gather [spmem:s15], $0x1, s20, s19, $0xb8;
	[tilespmem:$0x1D400] =	vst v63  }
0x4c7: {  	s26 =	simm.s32 $0x1;
	_ =	swait.ge [sflag:s24], $0x1000  }
0x4c8: {  	s28 =	simm.s32 $0x0;
	s25 =	simm.s32 $0xA000;
	[sflag:s24] =	ssyncset.done $0x0  }
0x4c9: {  	s18 =	simm.s32 $0x0;
	s23 =	simm.s32 $0x7000;
	[sflag:s24] =	ssyncadd.s32 $0xFFFFF000  }
.LBB2_31:
0x4ca: {  	_ =	swait.ge [sflag:s22], $0x100  }
0x4cb: {  	[sflag:s22] =	ssyncset.done $0x0  }
0x4cc: {  	[sflag:s22] =	ssyncadd.s32 $0xFFFFFF00  }
0x4cd: {  	_ =	swait.ge [sflag:s22], $0x100  }
0x4ce: {  	[sflag:s22] =	ssyncset.done $0x0  }
0x4cf: {  	[sflag:s22] =	ssyncadd.s32 $0xFFFFFF00  }
.LBB2_32:
0x4d0: {  	s3 =	simm.s32 $0xA400  }
0x4d1: {  	v1 =	vld [tilespmem:s3+$0x300]  }
0x4d2: {  	v2 =	vld [tilespmem:s3+$0x200]  }
0x4d3: {  	v3 =	vld [tilespmem:s3+$0x100]  }
0x4d4: {  	v4 =	vld [tilespmem:s3+$0x0]  }
0x4d5: {  	v5 =	vld [tilespmem:s3+$0xFFFFFF00]  }
0x4d6: {  	v6 =	vld [tilespmem:s3+$0xFFFFFE00]  }
0x4d7: {  	v7 =	vld [tilespmem:s3+$0xFFFFFD00]  }
0x4d8: {  	s4 =	simm.s32 $0x0;
	s5 =	simm.s32 $0x8C00;
	v8 =	vld [tilespmem:s3+$0xFFFFFC00]  }
0x4d9: {  	v9 =	vld [tilespmem:s5+$0xFFFFFC00];
	s17 =	sand.u32 $0xF0, s4  }
0x4da: {  	v10 =	vld [tilespmem:s17+$0xA800]  }
0x4db: {  	v11 =	vld [tilespmem:s5+$0xFFFFFD00]  }
0x4dc: {  	v12 =	vld [tilespmem:s17+$0xA900]  }
0x4dd: {  	v13 =	vld [tilespmem:s5+$0xFFFFFE00]  }
0x4de: {  	v14 =	vld [tilespmem:s17+$0xAA00];
	v8 =	vmul.f32 v8, v9  }
0x4df: {  	v9 =	vmul.f32 v10, v9;
	v10 =	vld [tilespmem:s5+$0xFFFFFF00]  }
0x4e0: {  	v15 =	vld [tilespmem:s17+$0xAB00];
	v7 =	vmul.f32 v7, v11;
	v8 =	vadd.f32 $0.0e+00, v8  }
0x4e1: {  	v62 =	vld [tilespmem:s5+$0x0];
	v11 =	vmul.f32 v12, v11;
	v9 =	vadd.f32 $0.0e+00, v9  }
0x4e2: {  	v6 =	vmul.f32 v6, v13;
	v7 =	vadd.f32 v7, v8;
	v8 =	vld [tilespmem:s17+$0xAC00]  }
0x4e3: {  	v63 =	vld [tilespmem:s5+$0x100];
	v9 =	vadd.f32 v11, v9;
	v11 =	vmul.f32 v14, v13  }
0x4e4: {  	v6 =	vadd.f32 v6, v7;
	v5 =	vmul.f32 v5, v10;
	v7 =	vld [tilespmem:s17+$0xAD00]  }
0x4e5: {  	v10 =	vmul.f32 v15, v10;
	v9 =	vadd.f32 v11, v9;
	v11 =	vld [tilespmem:s5+$0x200]  }
0x4e6: {  	v4 =	vmul.f32 v4, v62;
	v5 =	vadd.f32 v5, v6;
	v6 =	vld [tilespmem:s17+$0xAE00]  }
0x4e7: {  	v9 =	vadd.f32 v10, v9;
	v8 =	vmul.f32 v8, v62;
	v10 =	vld [tilespmem:s5+$0x300]  }
0x4e8: {  	v3 =	vmul.f32 v3, v63;
	v4 =	vadd.f32 v4, v5;
	v5 =	vld [tilespmem:s17+$0xAF00]  }
0x4e9: {  	v8 =	vadd.f32 v8, v9;
	v7 =	vmul.f32 v7, v63  }
0x4ea: {  	v3 =	vadd.f32 v3, v4;
	v2 =	vmul.f32 v2, v11  }
0x4eb: {  	v4 =	vadd.f32 v7, v8;
	v6 =	vmul.f32 v6, v11  }
0x4ec: {  	v2 =	vadd.f32 v2, v3;
	v1 =	vmul.f32 v1, v10  }
0x4ed: {  	v3 =	vadd.f32 v6, v4;
	v4 =	vmul.f32 v5, v10  }
0x4ee: {  	v1 =	vadd.f32 v1, v2  }
0x4ef: {  	s6 =	simm.s32 $0xB200;
	v2 =	vadd.f32 v4, v3  }
0x4f0: {  	s5 =	simm.s32 $0xB300;
	[tilespmem:s6+$0x0] =	vst v1  }
0x4f1: {  	s12 =	simm.s32 $0xA410;
	[tilespmem:s5+$0x0] =	vst v2  }
0x4f2: {  	v1 =	vld [tilespmem:s12+$0x300]  }
0x4f3: {  	v2 =	vld [tilespmem:s12+$0x200]  }
0x4f4: {  	v3 =	vld [tilespmem:s12+$0x100]  }
0x4f5: {  	v4 =	vld [tilespmem:s12+$0x0]  }
0x4f6: {  	v5 =	vld [tilespmem:s12+$0xFFFFFF00]  }
0x4f7: {  	v6 =	vld [tilespmem:s12+$0xFFFFFE00]  }
0x4f8: {  	v7 =	vld [tilespmem:s12+$0xFFFFFD00]  }
0x4f9: {  	s30 =	simm.s32 $0x10;
	s10 =	simm.s32 $0x8C10;
	v9 =	vld [tilespmem:s12+$0xFFFFFC00]  }
0x4fa: {  	s13 =	simm.s32 $0x20;
	s16 =	sand.u32 $0xF0, s30;
	v8 =	vld [tilespmem:s10+$0xFFFFFC00]  }
.LBB2_33:
0x4fb: {  	p0 =	sne.s32 s13, $0xF0;
	v10 =	vld [tilespmem:s16+$0xA800]  }
0x4fc: {  	v11 =	vld [tilespmem:s10+$0xFFFFFD00]  }
0x4fd: {  	v12 =	vld [tilespmem:s16+$0xA900]  }
0x4fe: {  	v13 =	vld [tilespmem:s10+$0xFFFFFE00]  }
0x4ff: {  	v9 =	vmul.f32 v9, v8;
	v14 =	vld [tilespmem:s16+$0xAA00]  }
0x500: {  	v8 =	vmul.f32 v10, v8;
	v10 =	vld [tilespmem:s10+$0xFFFFFF00]  }
0x501: {  	v9 =	vadd.f32 $0.0e+00, v9;
	v7 =	vmul.f32 v7, v11;
	v15 =	vld [tilespmem:s16+$0xAB00]  }
0x502: {  	v8 =	vadd.f32 $0.0e+00, v8;
	v11 =	vmul.f32 v12, v11;
	v12 =	vld [tilespmem:s10+$0x0]  }
0x503: {  	v7 =	vadd.f32 v7, v9;
	v6 =	vmul.f32 v6, v13;
	v9 =	vld [tilespmem:s16+$0xAC00]  }
0x504: {  	v8 =	vadd.f32 v11, v8;
	v11 =	vmul.f32 v14, v13;
	v13 =	vld [tilespmem:s10+$0x100]  }
0x505: {  	v6 =	vadd.f32 v6, v7;
	v5 =	vmul.f32 v5, v10;
	v7 =	vld [tilespmem:s16+$0xAD00]  }
0x506: {  	v8 =	vadd.f32 v11, v8;
	v10 =	vmul.f32 v15, v10;
	v11 =	vld [tilespmem:s10+$0x200]  }
0x507: {  	v5 =	vadd.f32 v5, v6;
	v4 =	vmul.f32 v4, v12;
	v6 =	vld [tilespmem:s16+$0xAE00]  }
0x508: {  	v8 =	vadd.f32 v10, v8;
	v9 =	vmul.f32 v9, v12;
	v10 =	vld [tilespmem:s10+$0x300]  }
0x509: {  	v4 =	vadd.f32 v4, v5;
	v3 =	vmul.f32 v3, v13;
	v5 =	vld [tilespmem:s16+$0xAF00]  }
0x50a: {  	v8 =	vadd.f32 v9, v8;
	v7 =	vmul.f32 v7, v13  }
0x50b: {  	v3 =	vadd.f32 v3, v4;
	v2 =	vmul.f32 v2, v11  }
0x50c: {  	v4 =	vadd.f32 v7, v8;
	v6 =	vmul.f32 v6, v11  }
0x50d: {  	v2 =	vadd.f32 v2, v3;
	v1 =	vmul.f32 v1, v10  }
0x50e: {  	v3 =	vadd.f32 v6, v4;
	v4 =	vmul.f32 v5, v10  }
0x50f: {  	v1 =	vadd.f32 v1, v2  }
0x510: {  	s6 =	sadd.s32 $0x10, s6;
	v2 =	vadd.f32 v4, v3  }
0x511: {  	s5 =	sadd.s32 $0x10, s5;
	[tilespmem:s6+$0x0] =	vst v1  }
0x512: {  	s12 =	sadd.s32 $0x10, s12;
	[tilespmem:s5+$0x0] =	vst v2  }
0x513: {  	v1 =	vld [tilespmem:s12+$0x300]  }
0x514: {  	v2 =	vld [tilespmem:s12+$0x200]  }
0x515: {  	v3 =	vld [tilespmem:s12+$0x100]  }
0x516: {  	v4 =	vld [tilespmem:s12+$0x0]  }
.Ltmp17:
0x517: {  	v5 =	vld [tilespmem:s12+$0xFFFFFF00];
	(pc) =	sbr.rel @p0 .LBB2_33-.Ltmp17, $4  }
0x518: {  	v6 =	vld [tilespmem:s12+$0xFFFFFE00]  }
0x519: {  	v7 =	vld [tilespmem:s12+$0xFFFFFD00]  }
0x51a: {  	s10 =	sadd.s32 $0x10, s10;
	v9 =	vld [tilespmem:s12+$0xFFFFFC00]  }
0x51b: {  	s16 =	sand.u32 $0xF0, s13;
	s13 =	sadd.s32 $0x10, s13;
	v8 =	vld [tilespmem:s10+$0xFFFFFC00]  }
0x51c: {  	v10 =	vld [tilespmem:s16+$0xA800]  }
0x51d: {  	v11 =	vld [tilespmem:s10+$0xFFFFFD00]  }
0x51e: {  	v12 =	vld [tilespmem:s16+$0xA900]  }
0x51f: {  	v13 =	vld [tilespmem:s10+$0xFFFFFE00]  }
0x520: {  	v14 =	vld [tilespmem:s16+$0xAA00];
	v9 =	vmul.f32 v9, v8  }
0x521: {  	v52 =	vld [tilespmem:s10+$0xFFFFFF00];
	v51 =	vmul.f32 v10, v8  }
0x522: {  	v15 =	vld [tilespmem:s16+$0xAB00];
	v7 =	vmul.f32 v7, v11;
	v9 =	vadd.f32 $0.0e+00, v9  }
0x523: {  	v53 =	vld [tilespmem:s10+$0x0];
	v11 =	vmul.f32 v12, v11;
	v8 =	vadd.f32 $0.0e+00, v51  }
0x524: {  	v54 =	vld [tilespmem:s16+$0xAC00];
	v6 =	vmul.f32 v6, v13;
	v7 =	vadd.f32 v7, v9  }
0x525: {  	v56 =	vld [tilespmem:s10+$0x100];
	v55 =	vmul.f32 v14, v13;
	v8 =	vadd.f32 v11, v8  }
0x526: {  	v57 =	vld [tilespmem:s16+$0xAD00];
	v5 =	vmul.f32 v5, v52;
	v6 =	vadd.f32 v6, v7  }
0x527: {  	v58 =	vld [tilespmem:s10+$0x200];
	v10 =	vmul.f32 v15, v52;
	v8 =	vadd.f32 v55, v8  }
0x528: {  	v59 =	vld [tilespmem:s16+$0xAE00];
	v4 =	vmul.f32 v4, v53;
	v5 =	vadd.f32 v5, v6  }
0x529: {  	v60 =	vld [tilespmem:s10+$0x300];
	v9 =	vmul.f32 v54, v53;
	v8 =	vadd.f32 v10, v8  }
0x52a: {  	v61 =	vld [tilespmem:s16+$0xAF00];
	v3 =	vmul.f32 v3, v56;
	v4 =	vadd.f32 v4, v5  }
0x52b: {  	v7 =	vmul.f32 v57, v56;
	v8 =	vadd.f32 v9, v8  }
0x52c: {  	v2 =	vmul.f32 v2, v58;
	v3 =	vadd.f32 v3, v4  }
0x52d: {  	v6 =	vmul.f32 v59, v58;
	v62 =	vadd.f32 v7, v8  }
0x52e: {  	v1 =	vmul.f32 v1, v60;
	v2 =	vadd.f32 v2, v3  }
0x52f: {  	s3 =	sadd.s32 $0x10, s6;
	s4 =	sor.u32 s31, s14;
	s13 =	sadd.s32 $0x10, s5;
	v63 =	vmul.f32 v61, v60;
	v3 =	vadd.f32 v6, v62  }
0x530: {  	s16 =	simm.s32 $0xB200;
	s30 =	simm.s32 $0xB300;
	s8 =	sadd.s32 $0x1, s8;
	v1 =	vadd.f32 v1, v2  }
0x531: {  	s29 =	sadd.s32 $0x200, s29;
	s0 =	sadd.s32 $0x200, s0;
	p0 =	sne.s32 s8, $0x10;
	v2 =	vadd.f32 v63, v3  }
.Ltmp18:
0x532: {  	s1 =	sadd.s32 $0x200, s1;
	s4 =	sshrl.u32 s4, $0x3;
	[tilespmem:s3+$0x0] =	vst v1;
	(pc) =	sbr.rel @p0 .LBB2_22-.Ltmp18, $4  }
0x533: {  	s9 =	sadd.s32 $0x200, s9;
	s14 =	sadd.s32 s2, s4;
	s17 =	sor.u32 $0x8000, s4;
	[tilespmem:s13+$0x0] =	vst v2  }
0x534: {  	[hbm4b:s14+s18] =	stream.linear.scatter [tilespmem:s16], [sflag:$0x4], $0x100, $0x38;
	[tilespmem:$0x1D400] =	vst v63  }
0x535: {  	s11 =	sadd.s32 $0x200, s11;
	s7 =	sadd.s32 $0x200, s7;
	s3 =	sadd.s32 s2, s17  }
0x536: {  	[hbm4b:s3+s18] =	stream.linear.scatter [tilespmem:s30], [sflag:$0x4], $0x100, $0x38;
	[tilespmem:$0x1D400] =	vst v63  }
0x537: {  	s0 =	simm.s32 $0x3  }
0x538: {  	_ =	swait.ge [sflag:s0], $0x100  }
0x539: {  	[sflag:s0] =	ssyncset.done $0x0  }
0x53a: {  	[sflag:s0] =	ssyncadd.s32 $0xFFFFFF00  }
0x53b: {  	_ =	swait.ge [sflag:s0], $0x100  }
0x53c: {  	[sflag:s0] =	ssyncset.done $0x0  }
0x53d: {  	[sflag:s0] =	ssyncadd.s32 $0xFFFFFF00  }
0x53e: {  	_ =	swait.ge [sflag:s22], $0x100  }
0x53f: {  	[sflag:s22] =	ssyncset.done $0x0  }
0x540: {  	[sflag:s22] =	ssyncadd.s32 $0xFFFFFF00  }
0x541: {  	_ =	swait.ge [sflag:s22], $0x100  }
0x542: {  	s10 =	sld [smem:$0x7F8];
	_ =	sdelay $0x2  }
0x543: {  	s10 =	sadd.s32 $0x1, s10  }
0x544: {  	p0 =	sne.s32 s10, $0x10  }
.Ltmp19:
0x545: {  	_ = 	snop;
	(pc) =	sbr.rel @p0 .LBB2_19-.Ltmp19, $3  }
0x546: {  	_ =	sdelay $0x1  }
0x547: {  	[sflag:s22] =	ssyncset.done $0x0  }
0x548: {  	[sflag:s22] =	ssyncadd.s32 $0xFFFFFF00  }
0x549: {  	s1 =	sld [smem:$0x7F9];
	_ =	sdelay $0x2  }
0x54a: {  	s0 =	rddreg [dreg:$0xa];
	s1 =	sadd.s32 $0x1, s1  }
0x54b: {  	p0 =	sne.s32 s1, s0  }
.Ltmp20:
0x54c: {  	_ = 	snop;
	(pc) =	sbr.rel @p0 .LBB2_1-.Ltmp20, $1  }
0x54d: {  	_ =	sdelay $0x3  }
0x54e: {  	_ =	sfence.sel $0x180000  }
0x54f: {  	[bflag:$0x0] =	sbarrier.arrive $0xFFFF  }
0x550: {  	_ =	strace $0x90000047  }
0x551: {  	s0 =	stileid.u32;
	[bflag:$0x2] =	sbarrier.arrive $0xFFFF  }
0x552: {  	p0 =	sne.s32 s0, $0x0;
	s0 =	rddreg [dreg:$0x3]  }
0x553: {  	s0 =	sadd.s32 @!p0 $0x100000, s0  }
0x554: {  	[sflag:s0] =	ssyncadd.tile.s32 @!p0 $0x1;
	_ =	shalt  }
.Lfunc_end2:
_tile_overlayer_lowered:
.L_overlay_start_2:
0x555: {  	(tag) =	ssettag $0x2  }
0x556: {  	s0 =	rddreg [dreg:$0x0];
	s2 =	stileid.u32  }
0x557: {  	s1 =	rddreg [dreg:$0x1];
	p0 =	sne.s32 s2, $0x0  }
0x558: {  	s3 =	rddreg [dreg:$0x2];
	[bflag:$0x3] =	sbarrier.arrive $0xFFFF;
	s2 =	simm.s32 @!p0 $0x1C05  }
0x559: {  	[timem:s3], [sflag:s2] =	dma.local @!p0 [hbm:s0], s1  }
0x55a: {  	s0 =	simm.s32 @!p0 $0x5  }
0x55b: {  	_ =	swait.ge @!p0 [sflag:s0], s1  }
0x55c: {  	s1 =	ssub.s32 @!p0 $0x0, s1;
	[sflag:s0] =	ssyncset.done @!p0 $0x0  }
0x55d: {  	[sflag:s0] =	ssyncadd.s32 @!p0 s1  }
0x55e: {  	[bflag:$0x3] =	sbarrier.arrive $0xFFFF  }
0x55f: {  	_ =	shalt  }

</sc_bundles>
